<compile_context>
chip_gen: v7x
topology: tpu7x:2x2x1
jax: 0.10.2.dev20260603
libtpu: 0.0.44.dev20260713+nightly
codegen_flags: <defaults>
</compile_context>

<pallas_src>
import functools

import jax
import jax.numpy as jnp
from jax import lax
from jax.experimental import pallas as pl
from jax.experimental.pallas import tpu as pltpu
from jax.experimental.pallas import tpu_sc as plsc

N, E, D, H, L, C = 10000, 320000, 128, 128, 3, 40

NC, NS = 2, 16
NW = NC * NS
CHUNK = 128
NBUF = 2
IBUF = 8
EDGES_PER_TILE = -(-E // NW)
NCHUNK = 80
EPT_PAD = NCHUNK * CHUNK
E_PAD = EPT_PAD * NW
ROWS_PER_TILE = 632
AGG_ROWS = NS * ROWS_PER_TILE
DUMMY_ROW = N


def _sc_scatter_partials(h, idx4, zeros):
    mesh = plsc.VectorSubcoreMesh(core_axis_name="c", subcore_axis_name="s")

    @functools.partial(
        pl.kernel,
        out_type=jax.ShapeDtypeStruct((NC, AGG_ROWS, D), jnp.float32),
        mesh=mesh,
        scratch_types=[
            pltpu.VMEM((IBUF, 2, CHUNK), jnp.int32),
            pltpu.VMEM((NBUF, CHUNK, D), jnp.float32),
            pltpu.VMEM_SHARED((AGG_ROWS, D), jnp.float32),
            [pltpu.SemaphoreType.DMA] * NBUF,
            [pltpu.SemaphoreType.DMA] * IBUF,
        ],
    )
    def k(h_hbm, idx_hbm, z_hbm, out_hbm, idx_v, rows_v, agg_sh, gsems,
          isems):
        c = lax.axis_index("c")
        s = lax.axis_index("s")
        wid = c * NS + s
        pltpu.sync_copy(z_hbm,
                        agg_sh.at[pl.ds(s * ROWS_PER_TILE, ROWS_PER_TILE)])
        plsc.subcore_barrier()

        for r in range(IBUF):
            pltpu.async_copy(idx_hbm.at[wid, r], idx_v.at[r], isems[r])
        for b in range(NBUF):
            pltpu.make_async_copy(idx_hbm.at[wid, b], idx_v.at[b],
                                  isems[b]).wait()
            pltpu.async_copy(h_hbm.at[idx_v.at[b, 0]], rows_v.at[b], gsems[b])

        @pl.loop(0, NCHUNK, step=IBUF)
        def _(j):
            for t in range(IBUF):
                cj = j + t
                b = t % NBUF
                pltpu.make_async_copy(h_hbm.at[idx_v.at[t, 0]], rows_v.at[b],
                                      gsems[b]).wait()
                pltpu.sync_copy(rows_v.at[b], agg_sh.at[idx_v.at[t, 1]],
                                add=True)

                @pl.when(cj + IBUF < NCHUNK)
                def _():
                    pltpu.async_copy(idx_hbm.at[wid, cj + IBUF], idx_v.at[t],
                                     isems[t])

                @pl.when(cj + NBUF < NCHUNK)
                def _():
                    tn = (t + NBUF) % IBUF
                    pltpu.make_async_copy(idx_hbm.at[wid, cj + NBUF],
                                          idx_v.at[tn], isems[tn]).wait()
                    pltpu.async_copy(h_hbm.at[idx_v.at[tn, 0]], rows_v.at[b],
                                     gsems[b])

        plsc.subcore_barrier()
        pltpu.sync_copy(
            agg_sh.at[pl.ds(s * ROWS_PER_TILE, ROWS_PER_TILE)],
            out_hbm.at[c, pl.ds(s * ROWS_PER_TILE, ROWS_PER_TILE)])

    return k(h, idx4, zeros)


_BR = 2000


def _mlp_layer(h, parts, w1, b1, w2, b2):
    def body(h_ref, p_ref, w1_ref, b1_ref, w2_ref, b2_ref, o_ref):
        m = h_ref[...] + p_ref[0] + p_ref[1]
        a = jnp.maximum(
            jnp.dot(m, w1_ref[...], preferred_element_type=jnp.float32)
            + b1_ref[...], 0.0)
        o_ref[...] = (
            jnp.dot(a, w2_ref[...], preferred_element_type=jnp.float32)
            + b2_ref[...])

    return pl.pallas_call(
        body,
        grid=(N // _BR,),
        in_specs=[
            pl.BlockSpec((_BR, D), lambda i: (i, 0)),
            pl.BlockSpec((NC, _BR, D), lambda i: (0, i, 0)),
            pl.BlockSpec((D, H), lambda i: (0, 0)),
            pl.BlockSpec((1, H), lambda i: (0, 0)),
            pl.BlockSpec((H, H), lambda i: (0, 0)),
            pl.BlockSpec((1, H), lambda i: (0, 0)),
        ],
        out_specs=pl.BlockSpec((_BR, H), lambda i: (i, 0)),
        out_shape=jax.ShapeDtypeStruct((N, H), jnp.float32),
    )(h, parts, w1, b1.reshape(1, H), w2, b2.reshape(1, H))


def _readout(x, h1, h2, h3, lin_w, lin_b):
    cat_dim = D + L * H

    def body(x_ref, h1_ref, h2_ref, h3_ref, w_ref, b_ref, pred_ref, cat_ref):
        hc = jnp.concatenate(
            [x_ref[...], h1_ref[...], h2_ref[...], h3_ref[...]], axis=-1)
        cat_ref[...] = hc
        pred_ref[...] = (
            jnp.dot(hc, w_ref[...], preferred_element_type=jnp.float32)
            + b_ref[...])

    return pl.pallas_call(
        body,
        grid=(N // _BR,),
        in_specs=[
            pl.BlockSpec((_BR, D), lambda i: (i, 0)),
            pl.BlockSpec((_BR, H), lambda i: (i, 0)),
            pl.BlockSpec((_BR, H), lambda i: (i, 0)),
            pl.BlockSpec((_BR, H), lambda i: (i, 0)),
            pl.BlockSpec((cat_dim, C), lambda i: (0, 0)),
            pl.BlockSpec((1, C), lambda i: (0, 0)),
        ],
        out_specs=[
            pl.BlockSpec((_BR, C), lambda i: (i, 0)),
            pl.BlockSpec((_BR, cat_dim), lambda i: (i, 0)),
        ],
        out_shape=[
            jax.ShapeDtypeStruct((N, C), jnp.float32),
            jax.ShapeDtypeStruct((N, cat_dim), jnp.float32),
        ],
    )(x, h1, h2, h3, lin_w, lin_b.reshape(1, C))


def kernel(x, edge_index, w1_0, b1_0, w2_0, b2_0, w1_1, b1_1, w2_1, b2_1,
           w1_2, b1_2, w2_2, b2_2, lin_w, lin_b):
    src = edge_index[0]
    dst = edge_index[1]
    pad = E_PAD - E
    pad_src = (jnp.arange(pad, dtype=jnp.int32) * 97) % N
    pad_dst = DUMMY_ROW + jnp.arange(pad, dtype=jnp.int32) % (AGG_ROWS - N)
    src3 = jnp.concatenate([src, pad_src]).reshape(NW, NCHUNK, CHUNK)
    dst3 = jnp.concatenate([dst, pad_dst]).reshape(NW, NCHUNK, CHUNK)
    idx4 = jnp.stack([src3, dst3], axis=2)
    zeros = jnp.zeros((ROWS_PER_TILE, D), jnp.float32)

    hs = [x]
    for (w1, b1, w2, b2) in ((w1_0, b1_0, w2_0, b2_0),
                             (w1_1, b1_1, w2_1, b2_1),
                             (w1_2, b1_2, w2_2, b2_2)):
        parts = _sc_scatter_partials(hs[-1], idx4, zeros)
        hs.append(_mlp_layer(hs[-1], parts, w1, b1, w2, b2))

    pred, hcat = _readout(hs[0], hs[1], hs[2], hs[3], lin_w, lin_b)
    return (pred, hcat)

# --- scband reference (transcript-rebuilt; emitter-appended) ---
"""Pipeline reference for scband-multigin-16810501996621 (READ-ONLY COPY).

The authoritative reference and input builder live on the scoring server;
editing this copy changes nothing except your own understanding.
"""

import jax, jax.numpy as jnp
import numpy as np

N, E, D, H, L, C = 10000, 320000, 128, 128, 3, 40


def _xavier(key, shape):
    fan_in, fan_out = shape[0], shape[1]
    lim = float(np.sqrt(6.0 / (fan_in + fan_out)))
    return jax.random.uniform(key, shape, jnp.float32, -lim, lim)


def setup_inputs(seed: int = 0) -> dict:
    key = jax.random.key(seed)
    ks = jax.random.split(key, 20)
    inp = {}
    inp['x'] = jax.random.normal(ks[0], (N, D), jnp.float32)
    inp['edge_index'] = jax.random.randint(ks[1], (2, E), 0, N, dtype=jnp.int32)
    kidx = 2
    in_dim = D
    for l in range(L):
        inp[f'w1_{l}'] = _xavier(ks[kidx], (in_dim, H)); kidx += 1
        inp[f'b1_{l}'] = jnp.zeros((H,), jnp.float32)
        inp[f'w2_{l}'] = _xavier(ks[kidx], (H, H)); kidx += 1
        inp[f'b2_{l}'] = jnp.zeros((H,), jnp.float32)
        in_dim = H
    cat_dim = D + H * L
    inp['lin_w'] = _xavier(ks[kidx], (cat_dim, C))
    inp['lin_b'] = jnp.zeros((C,), jnp.float32)
    return inp


def reference(x, edge_index, w1_0, b1_0, w2_0, b2_0, w1_1, b1_1, w2_1, b2_1, w1_2, b1_2, w2_2, b2_2, lin_w, lin_b):
    src = edge_index[0]
    dst = edge_index[1]

    def gin(h, w1, b1, w2, b2):
        # GINConv with eps=0: nn((1+eps)*x + sum_{j in N(i)} x_j)
        agg = jnp.zeros_like(h).at[dst].add(h[src])
        m = h + agg
        m = jnp.maximum(m @ w1 + b1, 0.0)
        return m @ w2 + b2

    layers = [(w1_0, b1_0, w2_0, b2_0), (w1_1, b1_1, w2_1, b2_1), (w1_2, b1_2, w2_2, b2_2)]
    xs = [x]
    for (w1, b1, w2, b2) in layers:
        xs.append(gin(xs[-1], w1, b1, w2, b2))
    h_unmasked = jnp.concatenate(xs, axis=-1)
    predicted_labels = h_unmasked @ lin_w + lin_b
    return (predicted_labels, h_unmasked)

if __name__ == "__main__":
    import jax
    _d = setup_inputs()
    print(jax.jit(kernel)(*tuple(_d.values())))

</pallas_src>

<mosaic_0001>
#map = affine_map<(d0, d1) -> (0, 0)>
#map1 = affine_map<(d0, d1) -> (0, 0, 0, 0)>
#map2 = affine_map<(d0, d1) -> (0, 0, 0)>
module attributes {stable_mosaic.version = 14 : i64} {
  func.func @k(%arg0: i32, %arg1: i32, %arg2: memref<10000x128xf32, #tpu.memory_space<hbm>>, %arg3: memref<32x80x2x128xi32, #tpu.memory_space<hbm>>, %arg4: memref<632x128xf32, #tpu.memory_space<hbm>>, %arg5: memref<2x10112x128xf32, #tpu.memory_space<hbm>>, %arg6: memref<8x2x128xi32, #tpu.memory_space<vmem>>, %arg7: memref<2x128x128xf32, #tpu.memory_space<vmem>>, %arg8: memref<10112x128xf32, #tpu.memory_space<vmem_shared>>, %arg9: memref<!tpu.dma_semaphore, #tpu.memory_space<semaphore_mem>>, %arg10: memref<!tpu.dma_semaphore, #tpu.memory_space<semaphore_mem>>, %arg11: memref<!tpu.dma_semaphore, #tpu.memory_space<semaphore_mem>>, %arg12: memref<!tpu.dma_semaphore, #tpu.memory_space<semaphore_mem>>, %arg13: memref<!tpu.dma_semaphore, #tpu.memory_space<semaphore_mem>>, %arg14: memref<!tpu.dma_semaphore, #tpu.memory_space<semaphore_mem>>, %arg15: memref<!tpu.dma_semaphore, #tpu.memory_space<semaphore_mem>>, %arg16: memref<!tpu.dma_semaphore, #tpu.memory_space<semaphore_mem>>, %arg17: memref<!tpu.dma_semaphore, #tpu.memory_space<semaphore_mem>>, %arg18: memref<!tpu.dma_semaphore, #tpu.memory_space<semaphore_mem>>) attributes {dimension_semantics = [#tpu.dimension_semantics<core_parallel>, #tpu.dimension_semantics<subcore_parallel>], iteration_bounds = array<i64: 2, 16>, scalar_prefetch = 0 : i64, scratch_operands = 13 : i64, tpu.core_type = #tpu.core_type<sc_vector_subcore>, window_params = [{transform_indices = #map}, {transform_indices = #map1}, {transform_indices = #map}, {transform_indices = #map2}]} {
    %mul3A = arith.constant 16 : i32
    %mul3A_0 = arith.muli %arg0, %mul3A : i32
    %add3A = arith.addi %mul3A_0, %arg1 : i32
    %mul3A_1 = arith.constant 632 : i32
    %mul3A_2 = arith.muli %arg1, %mul3A_1 : i32
    "tpu.region"() ({
      %run_scoped3A = tpu.sem_alloc : memref<!tpu.dma_semaphore, #tpu.memory_space<semaphore_mem>>
      %dma_start3A_216 = arith.constant 0 : i32
      %dma_start3A_217 = tpu.memref_slice %arg8[%mul3A_2, %dma_start3A_216] : memref<10112x128xf32, #tpu.memory_space<vmem_shared>> -> memref<632x128xf32, #tpu.memory_space<vmem_shared>>
      tpu.enqueue_dma source(%arg4 : memref<632x128xf32, #tpu.memory_space<hbm>>) target(%dma_start3A_217 : memref<632x128xf32, #tpu.memory_space<vmem_shared>>) target_semaphore(%run_scoped3A : memref<!tpu.dma_semaphore, #tpu.memory_space<semaphore_mem>>)
      %dma_wait3A_218 = arith.constant 0 : i32
      %dma_wait3A_219 = tpu.memref_slice %arg8[%mul3A_2, %dma_wait3A_218] : memref<10112x128xf32, #tpu.memory_space<vmem_shared>> -> memref<632x128xf32, #tpu.memory_space<vmem_shared>>
      tpu.wait_dma2 semaphore(%run_scoped3A : memref<!tpu.dma_semaphore, #tpu.memory_space<semaphore_mem>>) src(%arg4 : memref<632x128xf32, #tpu.memory_space<hbm>>) dst(%dma_wait3A_219 : memref<632x128xf32, #tpu.memory_space<vmem_shared>>)
      tpu.yield
    }) : () -> ()
    %barrier3A = arith.constant 0 : index
    tpu.barrier barrier_id(%barrier3A)
    %dma_start3A = arith.constant 0 : i32
    %dma_start3A_3 = arith.constant 0 : i32
    %dma_start3A_4 = arith.constant 0 : i32
    %dma_start3A_5 = arith.constant 0 : i32
    %dma_start3A_6 = tpu.memref_slice %arg6[%dma_start3A_3, %dma_start3A_4, %dma_start3A_5] : memref<8x2x128xi32, #tpu.memory_space<vmem>> -> memref<1x2x128xi32, #tpu.memory_space<vmem>>
    %dma_start3A_7 = tpu.memref_squeeze %dma_start3A_6 : memref<1x2x128xi32, #tpu.memory_space<vmem>> -> memref<2x128xi32, #tpu.memory_space<vmem>>
    %dma_start3A_8 = arith.constant 0 : i32
    %dma_start3A_9 = arith.constant 0 : i32
    %dma_start3A_10 = tpu.memref_slice %arg3[%add3A, %dma_start3A, %dma_start3A_8, %dma_start3A_9] : memref<32x80x2x128xi32, #tpu.memory_space<hbm>> -> memref<1x1x2x128xi32, #tpu.memory_space<hbm>>
    %dma_start3A_11 = tpu.memref_squeeze %dma_start3A_10 : memref<1x1x2x128xi32, #tpu.memory_space<hbm>> -> memref<2x128xi32, #tpu.memory_space<hbm>>
    %dma_start3A_12 = arith.constant 0 : i32
    %dma_start3A_13 = arith.constant 0 : i32
    %dma_start3A_14 = tpu.memref_slice %arg6[%dma_start3A_3, %dma_start3A_12, %dma_start3A_13] : memref<8x2x128xi32, #tpu.memory_space<vmem>> -> memref<1x2x128xi32, #tpu.memory_space<vmem>>
    %dma_start3A_15 = tpu.memref_squeeze %dma_start3A_14 : memref<1x2x128xi32, #tpu.memory_space<vmem>> -> memref<2x128xi32, #tpu.memory_space<vmem>>
    %dma_start3A_16 = arith.constant 0 : i32
    %dma_start3A_17 = arith.constant 0 : i32
    %dma_start3A_18 = tpu.memref_slice %arg3[%add3A, %dma_start3A, %dma_start3A_16, %dma_start3A_17] : memref<32x80x2x128xi32, #tpu.memory_space<hbm>> -> memref<1x1x2x128xi32, #tpu.memory_space<hbm>>
    %dma_start3A_19 = tpu.memref_squeeze %dma_start3A_18 : memref<1x1x2x128xi32, #tpu.memory_space<hbm>> -> memref<2x128xi32, #tpu.memory_space<hbm>>
    tpu.enqueue_dma source(%dma_start3A_19 : memref<2x128xi32, #tpu.memory_space<hbm>>) target(%dma_start3A_15 : memref<2x128xi32, #tpu.memory_space<vmem>>) target_semaphore(%arg11 : memref<!tpu.dma_semaphore, #tpu.memory_space<semaphore_mem>>)
    %dma_start3A_20 = arith.constant 1 : i32
    %dma_start3A_21 = arith.constant 1 : i32
    %dma_start3A_22 = arith.constant 0 : i32
    %dma_start3A_23 = arith.constant 0 : i32
    %dma_start3A_24 = tpu.memref_slice %arg6[%dma_start3A_21, %dma_start3A_22, %dma_start3A_23] : memref<8x2x128xi32, #tpu.memory_space<vmem>> -> memref<1x2x128xi32, #tpu.memory_space<vmem>>
    %dma_start3A_25 = tpu.memref_squeeze %dma_start3A_24 : memref<1x2x128xi32, #tpu.memory_space<vmem>> -> memref<2x128xi32, #tpu.memory_space<vmem>>
    %dma_start3A_26 = arith.constant 0 : i32
    %dma_start3A_27 = arith.constant 0 : i32
    %dma_start3A_28 = tpu.memref_slice %arg3[%add3A, %dma_start3A_20, %dma_start3A_26, %dma_start3A_27] : memref<32x80x2x128xi32, #tpu.memory_space<hbm>> -> memref<1x1x2x128xi32, #tpu.memory_space<hbm>>
    %dma_start3A_29 = tpu.memref_squeeze %dma_start3A_28 : memref<1x1x2x128xi32, #tpu.memory_space<hbm>> -> memref<2x128xi32, #tpu.memory_space<hbm>>
    %dma_start3A_30 = arith.constant 0 : i32
    %dma_start3A_31 = arith.constant 0 : i32
    %dma_start3A_32 = tpu.memref_slice %arg6[%dma_start3A_21, %dma_start3A_30, %dma_start3A_31] : memref<8x2x128xi32, #tpu.memory_space<vmem>> -> memref<1x2x128xi32, #tpu.memory_space<vmem>>
    %dma_start3A_33 = tpu.memref_squeeze %dma_start3A_32 : memref<1x2x128xi32, #tpu.memory_space<vmem>> -> memref<2x128xi32, #tpu.memory_space<vmem>>
    %dma_start3A_34 = arith.constant 0 : i32
    %dma_start3A_35 = arith.constant 0 : i32
    %dma_start3A_36 = tpu.memref_slice %arg3[%add3A, %dma_start3A_20, %dma_start3A_34, %dma_start3A_35] : memref<32x80x2x128xi32, #tpu.memory_space<hbm>> -> memref<1x1x2x128xi32, #tpu.memory_space<hbm>>
    %dma_start3A_37 = tpu.memref_squeeze %dma_start3A_36 : memref<1x1x2x128xi32, #tpu.memory_space<hbm>> -> memref<2x128xi32, #tpu.memory_space<hbm>>
    tpu.enqueue_dma source(%dma_start3A_37 : memref<2x128xi32, #tpu.memory_space<hbm>>) target(%dma_start3A_33 : memref<2x128xi32, #tpu.memory_space<vmem>>) target_semaphore(%arg12 : memref<!tpu.dma_semaphore, #tpu.memory_space<semaphore_mem>>)
    %dma_start3A_38 = arith.constant 2 : i32
    %dma_start3A_39 = arith.constant 2 : i32
    %dma_start3A_40 = arith.constant 0 : i32
    %dma_start3A_41 = arith.constant 0 : i32
    %dma_start3A_42 = tpu.memref_slice %arg6[%dma_start3A_39, %dma_start3A_40, %dma_start3A_41] : memref<8x2x128xi32, #tpu.memory_space<vmem>> -> memref<1x2x128xi32, #tpu.memory_space<vmem>>
    %dma_start3A_43 = tpu.memref_squeeze %dma_start3A_42 : memref<1x2x128xi32, #tpu.memory_space<vmem>> -> memref<2x128xi32, #tpu.memory_space<vmem>>
    %dma_start3A_44 = arith.constant 0 : i32
    %dma_start3A_45 = arith.constant 0 : i32
    %dma_start3A_46 = tpu.memref_slice %arg3[%add3A, %dma_start3A_38, %dma_start3A_44, %dma_start3A_45] : memref<32x80x2x128xi32, #tpu.memory_space<hbm>> -> memref<1x1x2x128xi32, #tpu.memory_space<hbm>>
    %dma_start3A_47 = tpu.memref_squeeze %dma_start3A_46 : memref<1x1x2x128xi32, #tpu.memory_space<hbm>> -> memref<2x128xi32, #tpu.memory_space<hbm>>
    %dma_start3A_48 = arith.constant 0 : i32
    %dma_start3A_49 = arith.constant 0 : i32
    %dma_start3A_50 = tpu.memref_slice %arg6[%dma_start3A_39, %dma_start3A_48, %dma_start3A_49] : memref<8x2x128xi32, #tpu.memory_space<vmem>> -> memref<1x2x128xi32, #tpu.memory_space<vmem>>
    %dma_start3A_51 = tpu.memref_squeeze %dma_start3A_50 : memref<1x2x128xi32, #tpu.memory_space<vmem>> -> memref<2x128xi32, #tpu.memory_space<vmem>>
    %dma_start3A_52 = arith.constant 0 : i32
    %dma_start3A_53 = arith.constant 0 : i32
    %dma_start3A_54 = tpu.memref_slice %arg3[%add3A, %dma_start3A_38, %dma_start3A_52, %dma_start3A_53] : memref<32x80x2x128xi32, #tpu.memory_space<hbm>> -> memref<1x1x2x128xi32, #tpu.memory_space<hbm>>
    %dma_start3A_55 = tpu.memref_squeeze %dma_start3A_54 : memref<1x1x2x128xi32, #tpu.memory_space<hbm>> -> memref<2x128xi32, #tpu.memory_space<hbm>>
    tpu.enqueue_dma source(%dma_start3A_55 : memref<2x128xi32, #tpu.memory_space<hbm>>) target(%dma_start3A_51 : memref<2x128xi32, #tpu.memory_space<vmem>>) target_semaphore(%arg13 : memref<!tpu.dma_semaphore, #tpu.memory_space<semaphore_mem>>)
    %dma_start3A_56 = arith.constant 3 : i32
    %dma_start3A_57 = arith.constant 3 : i32
    %dma_start3A_58 = arith.constant 0 : i32
    %dma_start3A_59 = arith.constant 0 : i32
    %dma_start3A_60 = tpu.memref_slice %arg6[%dma_start3A_57, %dma_start3A_58, %dma_start3A_59] : memref<8x2x128xi32, #tpu.memory_space<vmem>> -> memref<1x2x128xi32, #tpu.memory_space<vmem>>
    %dma_start3A_61 = tpu.memref_squeeze %dma_start3A_60 : memref<1x2x128xi32, #tpu.memory_space<vmem>> -> memref<2x128xi32, #tpu.memory_space<vmem>>
    %dma_start3A_62 = arith.constant 0 : i32
    %dma_start3A_63 = arith.constant 0 : i32
    %dma_start3A_64 = tpu.memref_slice %arg3[%add3A, %dma_start3A_56, %dma_start3A_62, %dma_start3A_63] : memref<32x80x2x128xi32, #tpu.memory_space<hbm>> -> memref<1x1x2x128xi32, #tpu.memory_space<hbm>>
    %dma_start3A_65 = tpu.memref_squeeze %dma_start3A_64 : memref<1x1x2x128xi32, #tpu.memory_space<hbm>> -> memref<2x128xi32, #tpu.memory_space<hbm>>
    %dma_start3A_66 = arith.constant 0 : i32
    %dma_start3A_67 = arith.constant 0 : i32
    %dma_start3A_68 = tpu.memref_slice %arg6[%dma_start3A_57, %dma_start3A_66, %dma_start3A_67] : memref<8x2x128xi32, #tpu.memory_space<vmem>> -> memref<1x2x128xi32, #tpu.memory_space<vmem>>
    %dma_start3A_69 = tpu.memref_squeeze %dma_start3A_68 : memref<1x2x128xi32, #tpu.memory_space<vmem>> -> memref<2x128xi32, #tpu.memory_space<vmem>>
    %dma_start3A_70 = arith.constant 0 : i32
    %dma_start3A_71 = arith.constant 0 : i32
    %dma_start3A_72 = tpu.memref_slice %arg3[%add3A, %dma_start3A_56, %dma_start3A_70, %dma_start3A_71] : memref<32x80x2x128xi32, #tpu.memory_space<hbm>> -> memref<1x1x2x128xi32, #tpu.memory_space<hbm>>
    %dma_start3A_73 = tpu.memref_squeeze %dma_start3A_72 : memref<1x1x2x128xi32, #tpu.memory_space<hbm>> -> memref<2x128xi32, #tpu.memory_space<hbm>>
    tpu.enqueue_dma source(%dma_start3A_73 : memref<2x128xi32, #tpu.memory_space<hbm>>) target(%dma_start3A_69 : memref<2x128xi32, #tpu.memory_space<vmem>>) target_semaphore(%arg14 : memref<!tpu.dma_semaphore, #tpu.memory_space<semaphore_mem>>)
    %dma_start3A_74 = arith.constant 4 : i32
    %dma_start3A_75 = arith.constant 4 : i32
    %dma_start3A_76 = arith.constant 0 : i32
    %dma_start3A_77 = arith.constant 0 : i32
    %dma_start3A_78 = tpu.memref_slice %arg6[%dma_start3A_75, %dma_start3A_76, %dma_start3A_77] : memref<8x2x128xi32, #tpu.memory_space<vmem>> -> memref<1x2x128xi32, #tpu.memory_space<vmem>>
    %dma_start3A_79 = tpu.memref_squeeze %dma_start3A_78 : memref<1x2x128xi32, #tpu.memory_space<vmem>> -> memref<2x128xi32, #tpu.memory_space<vmem>>
    %dma_start3A_80 = arith.constant 0 : i32
    %dma_start3A_81 = arith.constant 0 : i32
    %dma_start3A_82 = tpu.memref_slice %arg3[%add3A, %dma_start3A_74, %dma_start3A_80, %dma_start3A_81] : memref<32x80x2x128xi32, #tpu.memory_space<hbm>> -> memref<1x1x2x128xi32, #tpu.memory_space<hbm>>
    %dma_start3A_83 = tpu.memref_squeeze %dma_start3A_82 : memref<1x1x2x128xi32, #tpu.memory_space<hbm>> -> memref<2x128xi32, #tpu.memory_space<hbm>>
    %dma_start3A_84 = arith.constant 0 : i32
    %dma_start3A_85 = arith.constant 0 : i32
    %dma_start3A_86 = tpu.memref_slice %arg6[%dma_start3A_75, %dma_start3A_84, %dma_start3A_85] : memref<8x2x128xi32, #tpu.memory_space<vmem>> -> memref<1x2x128xi32, #tpu.memory_space<vmem>>
    %dma_start3A_87 = tpu.memref_squeeze %dma_start3A_86 : memref<1x2x128xi32, #tpu.memory_space<vmem>> -> memref<2x128xi32, #tpu.memory_space<vmem>>
    %dma_start3A_88 = arith.constant 0 : i32
    %dma_start3A_89 = arith.constant 0 : i32
    %dma_start3A_90 = tpu.memref_slice %arg3[%add3A, %dma_start3A_74, %dma_start3A_88, %dma_start3A_89] : memref<32x80x2x128xi32, #tpu.memory_space<hbm>> -> memref<1x1x2x128xi32, #tpu.memory_space<hbm>>
    %dma_start3A_91 = tpu.memref_squeeze %dma_start3A_90 : memref<1x1x2x128xi32, #tpu.memory_space<hbm>> -> memref<2x128xi32, #tpu.memory_space<hbm>>
    tpu.enqueue_dma source(%dma_start3A_91 : memref<2x128xi32, #tpu.memory_space<hbm>>) target(%dma_start3A_87 : memref<2x128xi32, #tpu.memory_space<vmem>>) target_semaphore(%arg15 : memref<!tpu.dma_semaphore, #tpu.memory_space<semaphore_mem>>)
    %dma_start3A_92 = arith.constant 5 : i32
    %dma_start3A_93 = arith.constant 5 : i32
    %dma_start3A_94 = arith.constant 0 : i32
    %dma_start3A_95 = arith.constant 0 : i32
    %dma_start3A_96 = tpu.memref_slice %arg6[%dma_start3A_93, %dma_start3A_94, %dma_start3A_95] : memref<8x2x128xi32, #tpu.memory_space<vmem>> -> memref<1x2x128xi32, #tpu.memory_space<vmem>>
    %dma_start3A_97 = tpu.memref_squeeze %dma_start3A_96 : memref<1x2x128xi32, #tpu.memory_space<vmem>> -> memref<2x128xi32, #tpu.memory_space<vmem>>
    %dma_start3A_98 = arith.constant 0 : i32
    %dma_start3A_99 = arith.constant 0 : i32
    %dma_start3A_100 = tpu.memref_slice %arg3[%add3A, %dma_start3A_92, %dma_start3A_98, %dma_start3A_99] : memref<32x80x2x128xi32, #tpu.memory_space<hbm>> -> memref<1x1x2x128xi32, #tpu.memory_space<hbm>>
    %dma_start3A_101 = tpu.memref_squeeze %dma_start3A_100 : memref<1x1x2x128xi32, #tpu.memory_space<hbm>> -> memref<2x128xi32, #tpu.memory_space<hbm>>
    %dma_start3A_102 = arith.constant 0 : i32
    %dma_start3A_103 = arith.constant 0 : i32
    %dma_start3A_104 = tpu.memref_slice %arg6[%dma_start3A_93, %dma_start3A_102, %dma_start3A_103] : memref<8x2x128xi32, #tpu.memory_space<vmem>> -> memref<1x2x128xi32, #tpu.memory_space<vmem>>
    %dma_start3A_105 = tpu.memref_squeeze %dma_start3A_104 : memref<1x2x128xi32, #tpu.memory_space<vmem>> -> memref<2x128xi32, #tpu.memory_space<vmem>>
    %dma_start3A_106 = arith.constant 0 : i32
    %dma_start3A_107 = arith.constant 0 : i32
    %dma_start3A_108 = tpu.memref_slice %arg3[%add3A, %dma_start3A_92, %dma_start3A_106, %dma_start3A_107] : memref<32x80x2x128xi32, #tpu.memory_space<hbm>> -> memref<1x1x2x128xi32, #tpu.memory_space<hbm>>
    %dma_start3A_109 = tpu.memref_squeeze %dma_start3A_108 : memref<1x1x2x128xi32, #tpu.memory_space<hbm>> -> memref<2x128xi32, #tpu.memory_space<hbm>>
    tpu.enqueue_dma source(%dma_start3A_109 : memref<2x128xi32, #tpu.memory_space<hbm>>) target(%dma_start3A_105 : memref<2x128xi32, #tpu.memory_space<vmem>>) target_semaphore(%arg16 : memref<!tpu.dma_semaphore, #tpu.memory_space<semaphore_mem>>)
    %dma_start3A_110 = arith.constant 6 : i32
    %dma_start3A_111 = arith.constant 6 : i32
    %dma_start3A_112 = arith.constant 0 : i32
    %dma_start3A_113 = arith.constant 0 : i32
    %dma_start3A_114 = tpu.memref_slice %arg6[%dma_start3A_111, %dma_start3A_112, %dma_start3A_113] : memref<8x2x128xi32, #tpu.memory_space<vmem>> -> memref<1x2x128xi32, #tpu.memory_space<vmem>>
    %dma_start3A_115 = tpu.memref_squeeze %dma_start3A_114 : memref<1x2x128xi32, #tpu.memory_space<vmem>> -> memref<2x128xi32, #tpu.memory_space<vmem>>
    %dma_start3A_116 = arith.constant 0 : i32
    %dma_start3A_117 = arith.constant 0 : i32
    %dma_start3A_118 = tpu.memref_slice %arg3[%add3A, %dma_start3A_110, %dma_start3A_116, %dma_start3A_117] : memref<32x80x2x128xi32, #tpu.memory_space<hbm>> -> memref<1x1x2x128xi32, #tpu.memory_space<hbm>>
    %dma_start3A_119 = tpu.memref_squeeze %dma_start3A_118 : memref<1x1x2x128xi32, #tpu.memory_space<hbm>> -> memref<2x128xi32, #tpu.memory_space<hbm>>
    %dma_start3A_120 = arith.constant 0 : i32
    %dma_start3A_121 = arith.constant 0 : i32
    %dma_start3A_122 = tpu.memref_slice %arg6[%dma_start3A_111, %dma_start3A_120, %dma_start3A_121] : memref<8x2x128xi32, #tpu.memory_space<vmem>> -> memref<1x2x128xi32, #tpu.memory_space<vmem>>
    %dma_start3A_123 = tpu.memref_squeeze %dma_start3A_122 : memref<1x2x128xi32, #tpu.memory_space<vmem>> -> memref<2x128xi32, #tpu.memory_space<vmem>>
    %dma_start3A_124 = arith.constant 0 : i32
    %dma_start3A_125 = arith.constant 0 : i32
    %dma_start3A_126 = tpu.memref_slice %arg3[%add3A, %dma_start3A_110, %dma_start3A_124, %dma_start3A_125] : memref<32x80x2x128xi32, #tpu.memory_space<hbm>> -> memref<1x1x2x128xi32, #tpu.memory_space<hbm>>
    %dma_start3A_127 = tpu.memref_squeeze %dma_start3A_126 : memref<1x1x2x128xi32, #tpu.memory_space<hbm>> -> memref<2x128xi32, #tpu.memory_space<hbm>>
    tpu.enqueue_dma source(%dma_start3A_127 : memref<2x128xi32, #tpu.memory_space<hbm>>) target(%dma_start3A_123 : memref<2x128xi32, #tpu.memory_space<vmem>>) target_semaphore(%arg17 : memref<!tpu.dma_semaphore, #tpu.memory_space<semaphore_mem>>)
    %dma_start3A_128 = arith.constant 7 : i32
    %dma_start3A_129 = arith.constant 7 : i32
    %dma_start3A_130 = arith.constant 0 : i32
    %dma_start3A_131 = arith.constant 0 : i32
    %dma_start3A_132 = tpu.memref_slice %arg6[%dma_start3A_129, %dma_start3A_130, %dma_start3A_131] : memref<8x2x128xi32, #tpu.memory_space<vmem>> -> memref<1x2x128xi32, #tpu.memory_space<vmem>>
    %dma_start3A_133 = tpu.memref_squeeze %dma_start3A_132 : memref<1x2x128xi32, #tpu.memory_space<vmem>> -> memref<2x128xi32, #tpu.memory_space<vmem>>
    %dma_start3A_134 = arith.constant 0 : i32
    %dma_start3A_135 = arith.constant 0 : i32
    %dma_start3A_136 = tpu.memref_slice %arg3[%add3A, %dma_start3A_128, %dma_start3A_134, %dma_start3A_135] : memref<32x80x2x128xi32, #tpu.memory_space<hbm>> -> memref<1x1x2x128xi32, #tpu.memory_space<hbm>>
    %dma_start3A_137 = tpu.memref_squeeze %dma_start3A_136 : memref<1x1x2x128xi32, #tpu.memory_space<hbm>> -> memref<2x128xi32, #tpu.memory_space<hbm>>
    %dma_start3A_138 = arith.constant 0 : i32
    %dma_start3A_139 = arith.constant 0 : i32
    %dma_start3A_140 = tpu.memref_slice %arg6[%dma_start3A_129, %dma_start3A_138, %dma_start3A_139] : memref<8x2x128xi32, #tpu.memory_space<vmem>> -> memref<1x2x128xi32, #tpu.memory_space<vmem>>
    %dma_start3A_141 = tpu.memref_squeeze %dma_start3A_140 : memref<1x2x128xi32, #tpu.memory_space<vmem>> -> memref<2x128xi32, #tpu.memory_space<vmem>>
    %dma_start3A_142 = arith.constant 0 : i32
    %dma_start3A_143 = arith.constant 0 : i32
    %dma_start3A_144 = tpu.memref_slice %arg3[%add3A, %dma_start3A_128, %dma_start3A_142, %dma_start3A_143] : memref<32x80x2x128xi32, #tpu.memory_space<hbm>> -> memref<1x1x2x128xi32, #tpu.memory_space<hbm>>
    %dma_start3A_145 = tpu.memref_squeeze %dma_start3A_144 : memref<1x1x2x128xi32, #tpu.memory_space<hbm>> -> memref<2x128xi32, #tpu.memory_space<hbm>>
    tpu.enqueue_dma source(%dma_start3A_145 : memref<2x128xi32, #tpu.memory_space<hbm>>) target(%dma_start3A_141 : memref<2x128xi32, #tpu.memory_space<vmem>>) target_semaphore(%arg18 : memref<!tpu.dma_semaphore, #tpu.memory_space<semaphore_mem>>)
    %dma_wait3A = arith.constant 0 : i32
    %dma_wait3A_146 = arith.constant 0 : i32
    %dma_wait3A_147 = arith.constant 0 : i32
    %dma_wait3A_148 = arith.constant 0 : i32
    %dma_wait3A_149 = tpu.memref_slice %arg6[%dma_wait3A_146, %dma_wait3A_147, %dma_wait3A_148] : memref<8x2x128xi32, #tpu.memory_space<vmem>> -> memref<1x2x128xi32, #tpu.memory_space<vmem>>
    %dma_wait3A_150 = tpu.memref_squeeze %dma_wait3A_149 : memref<1x2x128xi32, #tpu.memory_space<vmem>> -> memref<2x128xi32, #tpu.memory_space<vmem>>
    %dma_wait3A_151 = arith.constant 0 : i32
    %dma_wait3A_152 = arith.constant 0 : i32
    %dma_wait3A_153 = tpu.memref_slice %arg3[%add3A, %dma_wait3A, %dma_wait3A_151, %dma_wait3A_152] : memref<32x80x2x128xi32, #tpu.memory_space<hbm>> -> memref<1x1x2x128xi32, #tpu.memory_space<hbm>>
    %dma_wait3A_154 = tpu.memref_squeeze %dma_wait3A_153 : memref<1x1x2x128xi32, #tpu.memory_space<hbm>> -> memref<2x128xi32, #tpu.memory_space<hbm>>
    %dma_wait3A_155 = arith.constant 0 : i32
    %dma_wait3A_156 = arith.constant 0 : i32
    %dma_wait3A_157 = tpu.memref_slice %arg6[%dma_wait3A_146, %dma_wait3A_155, %dma_wait3A_156] : memref<8x2x128xi32, #tpu.memory_space<vmem>> -> memref<1x2x128xi32, #tpu.memory_space<vmem>>
    %dma_wait3A_158 = tpu.memref_squeeze %dma_wait3A_157 : memref<1x2x128xi32, #tpu.memory_space<vmem>> -> memref<2x128xi32, #tpu.memory_space<vmem>>
    %dma_wait3A_159 = arith.constant 0 : i32
    %dma_wait3A_160 = arith.constant 0 : i32
    %dma_wait3A_161 = tpu.memref_slice %arg3[%add3A, %dma_wait3A, %dma_wait3A_159, %dma_wait3A_160] : memref<32x80x2x128xi32, #tpu.memory_space<hbm>> -> memref<1x1x2x128xi32, #tpu.memory_space<hbm>>
    %dma_wait3A_162 = tpu.memref_squeeze %dma_wait3A_161 : memref<1x1x2x128xi32, #tpu.memory_space<hbm>> -> memref<2x128xi32, #tpu.memory_space<hbm>>
    tpu.wait_dma2 semaphore(%arg11 : memref<!tpu.dma_semaphore, #tpu.memory_space<semaphore_mem>>) src(%dma_wait3A_162 : memref<2x128xi32, #tpu.memory_space<hbm>>) dst(%dma_wait3A_158 : memref<2x128xi32, #tpu.memory_space<vmem>>)
    %dma_start3A_163 = arith.constant 0 : i32
    %dma_start3A_164 = arith.constant 0 : i32
    %dma_start3A_165 = arith.constant 0 : i32
    %dma_start3A_166 = arith.constant 0 : i32
    %dma_start3A_167 = arith.constant 0 : i32
    %dma_start3A_168 = tpu.memref_slice %arg7[%dma_start3A_165, %dma_start3A_166, %dma_start3A_167] : memref<2x128x128xf32, #tpu.memory_space<vmem>> -> memref<1x128x128xf32, #tpu.memory_space<vmem>>
    %dma_start3A_169 = tpu.memref_squeeze %dma_start3A_168 : memref<1x128x128xf32, #tpu.memory_space<vmem>> -> memref<128x128xf32, #tpu.memory_space<vmem>>
    %dma_start3A_170 = arith.constant 0 : i32
    %dma_start3A_171 = tpu.memref_slice %arg6[%dma_start3A_163, %dma_start3A_164, %dma_start3A_170] : memref<8x2x128xi32, #tpu.memory_space<vmem>> -> memref<1x1x128xi32, #tpu.memory_space<vmem>>
    %dma_start3A_172 = tpu.memref_squeeze %dma_start3A_171 : memref<1x1x128xi32, #tpu.memory_space<vmem>> -> memref<128xi32, #tpu.memory_space<vmem>>
    %dma_start3A_173 = arith.constant 0 : i32
    %dma_start3A_174 = arith.constant 0 : i32
    %dma_start3A_175 = tpu.memref_slice %arg2[%dma_start3A_173, %dma_start3A_174] : memref<10000x128xf32, #tpu.memory_space<hbm>> -> memref<10000x128xf32, #tpu.memory_space<hbm>>
    tpu.enqueue_indirect_dma source(%dma_start3A_175 : memref<10000x128xf32, #tpu.memory_space<hbm>>) target(%dma_start3A_169 : memref<128x128xf32, #tpu.memory_space<vmem>>) offsets(%dma_start3A_172 : memref<128xi32, #tpu.memory_space<vmem>>) semaphore(%arg9 : memref<!tpu.dma_semaphore, #tpu.memory_space<semaphore_mem>>)
    %dma_wait3A_176 = arith.constant 1 : i32
    %dma_wait3A_177 = arith.constant 1 : i32
    %dma_wait3A_178 = arith.constant 0 : i32
    %dma_wait3A_179 = arith.constant 0 : i32
    %dma_wait3A_180 = tpu.memref_slice %arg6[%dma_wait3A_177, %dma_wait3A_178, %dma_wait3A_179] : memref<8x2x128xi32, #tpu.memory_space<vmem>> -> memref<1x2x128xi32, #tpu.memory_space<vmem>>
    %dma_wait3A_181 = tpu.memref_squeeze %dma_wait3A_180 : memref<1x2x128xi32, #tpu.memory_space<vmem>> -> memref<2x128xi32, #tpu.memory_space<vmem>>
    %dma_wait3A_182 = arith.constant 0 : i32
    %dma_wait3A_183 = arith.constant 0 : i32
    %dma_wait3A_184 = tpu.memref_slice %arg3[%add3A, %dma_wait3A_176, %dma_wait3A_182, %dma_wait3A_183] : memref<32x80x2x128xi32, #tpu.memory_space<hbm>> -> memref<1x1x2x128xi32, #tpu.memory_space<hbm>>
    %dma_wait3A_185 = tpu.memref_squeeze %dma_wait3A_184 : memref<1x1x2x128xi32, #tpu.memory_space<hbm>> -> memref<2x128xi32, #tpu.memory_space<hbm>>
    %dma_wait3A_186 = arith.constant 0 : i32
    %dma_wait3A_187 = arith.constant 0 : i32
    %dma_wait3A_188 = tpu.memref_slice %arg6[%dma_wait3A_177, %dma_wait3A_186, %dma_wait3A_187] : memref<8x2x128xi32, #tpu.memory_space<vmem>> -> memref<1x2x128xi32, #tpu.memory_space<vmem>>
    %dma_wait3A_189 = tpu.memref_squeeze %dma_wait3A_188 : memref<1x2x128xi32, #tpu.memory_space<vmem>> -> memref<2x128xi32, #tpu.memory_space<vmem>>
    %dma_wait3A_190 = arith.constant 0 : i32
    %dma_wait3A_191 = arith.constant 0 : i32
    %dma_wait3A_192 = tpu.memref_slice %arg3[%add3A, %dma_wait3A_176, %dma_wait3A_190, %dma_wait3A_191] : memref<32x80x2x128xi32, #tpu.memory_space<hbm>> -> memref<1x1x2x128xi32, #tpu.memory_space<hbm>>
    %dma_wait3A_193 = tpu.memref_squeeze %dma_wait3A_192 : memref<1x1x2x128xi32, #tpu.memory_space<hbm>> -> memref<2x128xi32, #tpu.memory_space<hbm>>
    tpu.wait_dma2 semaphore(%arg12 : memref<!tpu.dma_semaphore, #tpu.memory_space<semaphore_mem>>) src(%dma_wait3A_193 : memref<2x128xi32, #tpu.memory_space<hbm>>) dst(%dma_wait3A_189 : memref<2x128xi32, #tpu.memory_space<vmem>>)
    %dma_start3A_194 = arith.constant 1 : i32
    %dma_start3A_195 = arith.constant 0 : i32
    %dma_start3A_196 = arith.constant 1 : i32
    %dma_start3A_197 = arith.constant 0 : i32
    %dma_start3A_198 = arith.constant 0 : i32
    %dma_start3A_199 = tpu.memref_slice %arg7[%dma_start3A_196, %dma_start3A_197, %dma_start3A_198] : memref<2x128x128xf32, #tpu.memory_space<vmem>> -> memref<1x128x128xf32, #tpu.memory_space<vmem>>
    %dma_start3A_200 = tpu.memref_squeeze %dma_start3A_199 : memref<1x128x128xf32, #tpu.memory_space<vmem>> -> memref<128x128xf32, #tpu.memory_space<vmem>>
    %dma_start3A_201 = arith.constant 0 : i32
    %dma_start3A_202 = tpu.memref_slice %arg6[%dma_start3A_194, %dma_start3A_195, %dma_start3A_201] : memref<8x2x128xi32, #tpu.memory_space<vmem>> -> memref<1x1x128xi32, #tpu.memory_space<vmem>>
    %dma_start3A_203 = tpu.memref_squeeze %dma_start3A_202 : memref<1x1x128xi32, #tpu.memory_space<vmem>> -> memref<128xi32, #tpu.memory_space<vmem>>
    %dma_start3A_204 = arith.constant 0 : i32
    %dma_start3A_205 = arith.constant 0 : i32
    %dma_start3A_206 = tpu.memref_slice %arg2[%dma_start3A_204, %dma_start3A_205] : memref<10000x128xf32, #tpu.memory_space<hbm>> -> memref<10000x128xf32, #tpu.memory_space<hbm>>
    tpu.enqueue_indirect_dma source(%dma_start3A_206 : memref<10000x128xf32, #tpu.memory_space<hbm>>) target(%dma_start3A_200 : memref<128x128xf32, #tpu.memory_space<vmem>>) offsets(%dma_start3A_203 : memref<128xi32, #tpu.memory_space<vmem>>) semaphore(%arg10 : memref<!tpu.dma_semaphore, #tpu.memory_space<semaphore_mem>>)
    %scan3A = arith.constant 0 : i32
    %scan3A_207 = arith.constant 10 : i32
    %scan3A_208 = arith.addi %scan3A, %scan3A_207 : i32
    %scan3A_209 = arith.constant 1 : i32
    scf.for %scan3A_216 = %scan3A to %scan3A_208 step %scan3A_209  : i32 {
      %mul3A_217 = arith.constant 8 : i32
      %mul3A_218 = arith.muli %scan3A_216, %mul3A_217 : i32
      %add3A_219 = arith.constant 0 : i32
      %add3A_220 = arith.addi %add3A_219, %mul3A_218 : i32
      %add3A_221 = arith.constant 0 : i32
      %add3A_222 = arith.addi %add3A_220, %add3A_221 : i32
      %dma_wait3A_223 = arith.constant 0 : i32
      %dma_wait3A_224 = arith.constant 0 : i32
      %dma_wait3A_225 = arith.constant 0 : i32
      %dma_wait3A_226 = arith.constant 0 : i32
      %dma_wait3A_227 = arith.constant 0 : i32
      %dma_wait3A_228 = tpu.memref_slice %arg7[%dma_wait3A_225, %dma_wait3A_226, %dma_wait3A_227] : memref<2x128x128xf32, #tpu.memory_space<vmem>> -> memref<1x128x128xf32, #tpu.memory_space<vmem>>
      %dma_wait3A_229 = tpu.memref_squeeze %dma_wait3A_228 : memref<1x128x128xf32, #tpu.memory_space<vmem>> -> memref<128x128xf32, #tpu.memory_space<vmem>>
      %dma_wait3A_230 = arith.constant 0 : i32
      %dma_wait3A_231 = tpu.memref_slice %arg6[%dma_wait3A_223, %dma_wait3A_224, %dma_wait3A_230] : memref<8x2x128xi32, #tpu.memory_space<vmem>> -> memref<1x1x128xi32, #tpu.memory_space<vmem>>
      %dma_wait3A_232 = tpu.memref_squeeze %dma_wait3A_231 : memref<1x1x128xi32, #tpu.memory_space<vmem>> -> memref<128xi32, #tpu.memory_space<vmem>>
      %dma_wait3A_233 = arith.constant 0 : i32
      %dma_wait3A_234 = arith.constant 0 : i32
      %dma_wait3A_235 = tpu.memref_slice %arg2[%dma_wait3A_233, %dma_wait3A_234] : memref<10000x128xf32, #tpu.memory_space<hbm>> -> memref<10000x128xf32, #tpu.memory_space<hbm>>
      tpu.wait_indirect_dma semaphore(%arg9 : memref<!tpu.dma_semaphore, #tpu.memory_space<semaphore_mem>>) src(%dma_wait3A_235 : memref<10000x128xf32, #tpu.memory_space<hbm>>) dst(%dma_wait3A_229 : memref<128x128xf32, #tpu.memory_space<vmem>>)
      %run_scoped3A = arith.constant 0 : i32
      %run_scoped3A_236 = arith.constant 0 : i32
      %run_scoped3A_237 = arith.constant 1 : i32
      "tpu.region"() ({
        %run_scoped3A_473 = tpu.sem_alloc : memref<!tpu.dma_semaphore, #tpu.memory_space<semaphore_mem>>
        %dma_start3A_474 = arith.constant 0 : i32
        %dma_start3A_475 = arith.constant 0 : i32
        %dma_start3A_476 = tpu.memref_slice %arg7[%run_scoped3A, %dma_start3A_474, %dma_start3A_475] : memref<2x128x128xf32, #tpu.memory_space<vmem>> -> memref<1x128x128xf32, #tpu.memory_space<vmem>>
        %dma_start3A_477 = tpu.memref_squeeze %dma_start3A_476 : memref<1x128x128xf32, #tpu.memory_space<vmem>> -> memref<128x128xf32, #tpu.memory_space<vmem>>
        %dma_start3A_478 = arith.constant 0 : i32
        %dma_start3A_479 = tpu.memref_slice %arg6[%run_scoped3A_236, %run_scoped3A_237, %dma_start3A_478] : memref<8x2x128xi32, #tpu.memory_space<vmem>> -> memref<1x1x128xi32, #tpu.memory_space<vmem>>
        %dma_start3A_480 = tpu.memref_squeeze %dma_start3A_479 : memref<1x1x128xi32, #tpu.memory_space<vmem>> -> memref<128xi32, #tpu.memory_space<vmem>>
        %dma_start3A_481 = arith.constant 0 : i32
        %dma_start3A_482 = arith.constant 0 : i32
        %dma_start3A_483 = tpu.memref_slice %arg8[%dma_start3A_481, %dma_start3A_482] : memref<10112x128xf32, #tpu.memory_space<vmem_shared>> -> memref<10112x128xf32, #tpu.memory_space<vmem_shared>>
        tpu.enqueue_indirect_dma source(%dma_start3A_477 : memref<128x128xf32, #tpu.memory_space<vmem>>) target(%dma_start3A_483 : memref<10112x128xf32, #tpu.memory_space<vmem_shared>>) offsets(%dma_start3A_480 : memref<128xi32, #tpu.memory_space<vmem>>) semaphore(%run_scoped3A_473 : memref<!tpu.dma_semaphore, #tpu.memory_space<semaphore_mem>>) {add = true}
        %dma_wait3A_484 = arith.constant 0 : i32
        %dma_wait3A_485 = arith.constant 0 : i32
        %dma_wait3A_486 = tpu.memref_slice %arg7[%run_scoped3A, %dma_wait3A_484, %dma_wait3A_485] : memref<2x128x128xf32, #tpu.memory_space<vmem>> -> memref<1x128x128xf32, #tpu.memory_space<vmem>>
        %dma_wait3A_487 = tpu.memref_squeeze %dma_wait3A_486 : memref<1x128x128xf32, #tpu.memory_space<vmem>> -> memref<128x128xf32, #tpu.memory_space<vmem>>
        %dma_wait3A_488 = arith.constant 0 : i32
        %dma_wait3A_489 = tpu.memref_slice %arg6[%run_scoped3A_236, %run_scoped3A_237, %dma_wait3A_488] : memref<8x2x128xi32, #tpu.memory_space<vmem>> -> memref<1x1x128xi32, #tpu.memory_space<vmem>>
        %dma_wait3A_490 = tpu.memref_squeeze %dma_wait3A_489 : memref<1x1x128xi32, #tpu.memory_space<vmem>> -> memref<128xi32, #tpu.memory_space<vmem>>
        %dma_wait3A_491 = arith.constant 0 : i32
        %dma_wait3A_492 = arith.constant 0 : i32
        %dma_wait3A_493 = tpu.memref_slice %arg8[%dma_wait3A_491, %dma_wait3A_492] : memref<10112x128xf32, #tpu.memory_space<vmem_shared>> -> memref<10112x128xf32, #tpu.memory_space<vmem_shared>>
        tpu.wait_indirect_dma semaphore(%run_scoped3A_473 : memref<!tpu.dma_semaphore, #tpu.memory_space<semaphore_mem>>) src(%dma_wait3A_487 : memref<128x128xf32, #tpu.memory_space<vmem>>) dst(%dma_wait3A_493 : memref<10112x128xf32, #tpu.memory_space<vmem_shared>>)
        tpu.yield
      }) : () -> ()
      %add3A_238 = arith.constant 8 : i32
      %add3A_239 = arith.addi %add3A_222, %add3A_238 : i32
      %lt3A = arith.constant 80 : i32
      %lt3A_240 = arith.cmpi slt, %add3A_239, %lt3A : i32
      %convert_element_type3A = arith.extui %lt3A_240 : i1 to i32
      %cond3A = arith.constant 0 : i32
      %cond3A_241 = arith.cmpi ne, %convert_element_type3A, %cond3A : i32
      scf.if %cond3A_241 {
        %add3A_473 = arith.constant 8 : i32
        %add3A_474 = arith.addi %add3A_222, %add3A_473 : i32
        %dma_start3A_475 = arith.constant 0 : i32
        %dma_start3A_476 = arith.constant 0 : i32
        %dma_start3A_477 = arith.constant 0 : i32
        %dma_start3A_478 = tpu.memref_slice %arg6[%dma_start3A_475, %dma_start3A_476, %dma_start3A_477] : memref<8x2x128xi32, #tpu.memory_space<vmem>> -> memref<1x2x128xi32, #tpu.memory_space<vmem>>
        %dma_start3A_479 = tpu.memref_squeeze %dma_start3A_478 : memref<1x2x128xi32, #tpu.memory_space<vmem>> -> memref<2x128xi32, #tpu.memory_space<vmem>>
        %dma_start3A_480 = arith.constant 0 : i32
        %dma_start3A_481 = arith.constant 0 : i32
        %dma_start3A_482 = tpu.memref_slice %arg3[%add3A, %add3A_474, %dma_start3A_480, %dma_start3A_481] : memref<32x80x2x128xi32, #tpu.memory_space<hbm>> -> memref<1x1x2x128xi32, #tpu.memory_space<hbm>>
        %dma_start3A_483 = tpu.memref_squeeze %dma_start3A_482 : memref<1x1x2x128xi32, #tpu.memory_space<hbm>> -> memref<2x128xi32, #tpu.memory_space<hbm>>
        %dma_start3A_484 = arith.constant 0 : i32
        %dma_start3A_485 = arith.constant 0 : i32
        %dma_start3A_486 = tpu.memref_slice %arg6[%dma_start3A_475, %dma_start3A_484, %dma_start3A_485] : memref<8x2x128xi32, #tpu.memory_space<vmem>> -> memref<1x2x128xi32, #tpu.memory_space<vmem>>
        %dma_start3A_487 = tpu.memref_squeeze %dma_start3A_486 : memref<1x2x128xi32, #tpu.memory_space<vmem>> -> memref<2x128xi32, #tpu.memory_space<vmem>>
        %dma_start3A_488 = arith.constant 0 : i32
        %dma_start3A_489 = arith.constant 0 : i32
        %dma_start3A_490 = tpu.memref_slice %arg3[%add3A, %add3A_474, %dma_start3A_488, %dma_start3A_489] : memref<32x80x2x128xi32, #tpu.memory_space<hbm>> -> memref<1x1x2x128xi32, #tpu.memory_space<hbm>>
        %dma_start3A_491 = tpu.memref_squeeze %dma_start3A_490 : memref<1x1x2x128xi32, #tpu.memory_space<hbm>> -> memref<2x128xi32, #tpu.memory_space<hbm>>
        tpu.enqueue_dma source(%dma_start3A_491 : memref<2x128xi32, #tpu.memory_space<hbm>>) target(%dma_start3A_487 : memref<2x128xi32, #tpu.memory_space<vmem>>) target_semaphore(%arg11 : memref<!tpu.dma_semaphore, #tpu.memory_space<semaphore_mem>>)
      } else {
      }
      %add3A_242 = arith.constant 2 : i32
      %add3A_243 = arith.addi %add3A_222, %add3A_242 : i32
      %lt3A_244 = arith.constant 80 : i32
      %lt3A_245 = arith.cmpi slt, %add3A_243, %lt3A_244 : i32
      %convert_element_type3A_246 = arith.extui %lt3A_245 : i1 to i32
      %cond3A_247 = arith.constant 0 : i32
      %cond3A_248 = arith.cmpi ne, %convert_element_type3A_246, %cond3A_247 : i32
      scf.if %cond3A_248 {
        %add3A_473 = arith.constant 2 : i32
        %add3A_474 = arith.addi %add3A_222, %add3A_473 : i32
        %dma_wait3A_475 = arith.constant 2 : i32
        %dma_wait3A_476 = arith.constant 0 : i32
        %dma_wait3A_477 = arith.constant 0 : i32
        %dma_wait3A_478 = tpu.memref_slice %arg6[%dma_wait3A_475, %dma_wait3A_476, %dma_wait3A_477] : memref<8x2x128xi32, #tpu.memory_space<vmem>> -> memref<1x2x128xi32, #tpu.memory_space<vmem>>
        %dma_wait3A_479 = tpu.memref_squeeze %dma_wait3A_478 : memref<1x2x128xi32, #tpu.memory_space<vmem>> -> memref<2x128xi32, #tpu.memory_space<vmem>>
        %dma_wait3A_480 = arith.constant 0 : i32
        %dma_wait3A_481 = arith.constant 0 : i32
        %dma_wait3A_482 = tpu.memref_slice %arg3[%add3A, %add3A_474, %dma_wait3A_480, %dma_wait3A_481] : memref<32x80x2x128xi32, #tpu.memory_space<hbm>> -> memref<1x1x2x128xi32, #tpu.memory_space<hbm>>
        %dma_wait3A_483 = tpu.memref_squeeze %dma_wait3A_482 : memref<1x1x2x128xi32, #tpu.memory_space<hbm>> -> memref<2x128xi32, #tpu.memory_space<hbm>>
        %dma_wait3A_484 = arith.constant 0 : i32
        %dma_wait3A_485 = arith.constant 0 : i32
        %dma_wait3A_486 = tpu.memref_slice %arg6[%dma_wait3A_475, %dma_wait3A_484, %dma_wait3A_485] : memref<8x2x128xi32, #tpu.memory_space<vmem>> -> memref<1x2x128xi32, #tpu.memory_space<vmem>>
        %dma_wait3A_487 = tpu.memref_squeeze %dma_wait3A_486 : memref<1x2x128xi32, #tpu.memory_space<vmem>> -> memref<2x128xi32, #tpu.memory_space<vmem>>
        %dma_wait3A_488 = arith.constant 0 : i32
        %dma_wait3A_489 = arith.constant 0 : i32
        %dma_wait3A_490 = tpu.memref_slice %arg3[%add3A, %add3A_474, %dma_wait3A_488, %dma_wait3A_489] : memref<32x80x2x128xi32, #tpu.memory_space<hbm>> -> memref<1x1x2x128xi32, #tpu.memory_space<hbm>>
        %dma_wait3A_491 = tpu.memref_squeeze %dma_wait3A_490 : memref<1x1x2x128xi32, #tpu.memory_space<hbm>> -> memref<2x128xi32, #tpu.memory_space<hbm>>
        tpu.wait_dma2 semaphore(%arg13 : memref<!tpu.dma_semaphore, #tpu.memory_space<semaphore_mem>>) src(%dma_wait3A_491 : memref<2x128xi32, #tpu.memory_space<hbm>>) dst(%dma_wait3A_487 : memref<2x128xi32, #tpu.memory_space<vmem>>)
        %dma_start3A_492 = arith.constant 2 : i32
        %dma_start3A_493 = arith.constant 0 : i32
        %dma_start3A_494 = arith.constant 0 : i32
        %dma_start3A_495 = arith.constant 0 : i32
        %dma_start3A_496 = arith.constant 0 : i32
        %dma_start3A_497 = tpu.memref_slice %arg7[%dma_start3A_494, %dma_start3A_495, %dma_start3A_496] : memref<2x128x128xf32, #tpu.memory_space<vmem>> -> memref<1x128x128xf32, #tpu.memory_space<vmem>>
        %dma_start3A_498 = tpu.memref_squeeze %dma_start3A_497 : memref<1x128x128xf32, #tpu.memory_space<vmem>> -> memref<128x128xf32, #tpu.memory_space<vmem>>
        %dma_start3A_499 = arith.constant 0 : i32
        %dma_start3A_500 = tpu.memref_slice %arg6[%dma_start3A_492, %dma_start3A_493, %dma_start3A_499] : memref<8x2x128xi32, #tpu.memory_space<vmem>> -> memref<1x1x128xi32, #tpu.memory_space<vmem>>
        %dma_start3A_501 = tpu.memref_squeeze %dma_start3A_500 : memref<1x1x128xi32, #tpu.memory_space<vmem>> -> memref<128xi32, #tpu.memory_space<vmem>>
        %dma_start3A_502 = arith.constant 0 : i32
        %dma_start3A_503 = arith.constant 0 : i32
        %dma_start3A_504 = tpu.memref_slice %arg2[%dma_start3A_502, %dma_start3A_503] : memref<10000x128xf32, #tpu.memory_space<hbm>> -> memref<10000x128xf32, #tpu.memory_space<hbm>>
        tpu.enqueue_indirect_dma source(%dma_start3A_504 : memref<10000x128xf32, #tpu.memory_space<hbm>>) target(%dma_start3A_498 : memref<128x128xf32, #tpu.memory_space<vmem>>) offsets(%dma_start3A_501 : memref<128xi32, #tpu.memory_space<vmem>>) semaphore(%arg9 : memref<!tpu.dma_semaphore, #tpu.memory_space<semaphore_mem>>)
      } else {
      }
      %add3A_249 = arith.constant 1 : i32
      %add3A_250 = arith.addi %add3A_220, %add3A_249 : i32
      %dma_wait3A_251 = arith.constant 1 : i32
      %dma_wait3A_252 = arith.constant 0 : i32
      %dma_wait3A_253 = arith.constant 1 : i32
      %dma_wait3A_254 = arith.constant 0 : i32
      %dma_wait3A_255 = arith.constant 0 : i32
      %dma_wait3A_256 = tpu.memref_slice %arg7[%dma_wait3A_253, %dma_wait3A_254, %dma_wait3A_255] : memref<2x128x128xf32, #tpu.memory_space<vmem>> -> memref<1x128x128xf32, #tpu.memory_space<vmem>>
      %dma_wait3A_257 = tpu.memref_squeeze %dma_wait3A_256 : memref<1x128x128xf32, #tpu.memory_space<vmem>> -> memref<128x128xf32, #tpu.memory_space<vmem>>
      %dma_wait3A_258 = arith.constant 0 : i32
      %dma_wait3A_259 = tpu.memref_slice %arg6[%dma_wait3A_251, %dma_wait3A_252, %dma_wait3A_258] : memref<8x2x128xi32, #tpu.memory_space<vmem>> -> memref<1x1x128xi32, #tpu.memory_space<vmem>>
      %dma_wait3A_260 = tpu.memref_squeeze %dma_wait3A_259 : memref<1x1x128xi32, #tpu.memory_space<vmem>> -> memref<128xi32, #tpu.memory_space<vmem>>
      %dma_wait3A_261 = arith.constant 0 : i32
      %dma_wait3A_262 = arith.constant 0 : i32
      %dma_wait3A_263 = tpu.memref_slice %arg2[%dma_wait3A_261, %dma_wait3A_262] : memref<10000x128xf32, #tpu.memory_space<hbm>> -> memref<10000x128xf32, #tpu.memory_space<hbm>>
      tpu.wait_indirect_dma semaphore(%arg10 : memref<!tpu.dma_semaphore, #tpu.memory_space<semaphore_mem>>) src(%dma_wait3A_263 : memref<10000x128xf32, #tpu.memory_space<hbm>>) dst(%dma_wait3A_257 : memref<128x128xf32, #tpu.memory_space<vmem>>)
      %run_scoped3A_264 = arith.constant 1 : i32
      %run_scoped3A_265 = arith.constant 1 : i32
      %run_scoped3A_266 = arith.constant 1 : i32
      "tpu.region"() ({
        %run_scoped3A_473 = tpu.sem_alloc : memref<!tpu.dma_semaphore, #tpu.memory_space<semaphore_mem>>
        %dma_start3A_474 = arith.constant 0 : i32
        %dma_start3A_475 = arith.constant 0 : i32
        %dma_start3A_476 = tpu.memref_slice %arg7[%run_scoped3A_264, %dma_start3A_474, %dma_start3A_475] : memref<2x128x128xf32, #tpu.memory_space<vmem>> -> memref<1x128x128xf32, #tpu.memory_space<vmem>>
        %dma_start3A_477 = tpu.memref_squeeze %dma_start3A_476 : memref<1x128x128xf32, #tpu.memory_space<vmem>> -> memref<128x128xf32, #tpu.memory_space<vmem>>
        %dma_start3A_478 = arith.constant 0 : i32
        %dma_start3A_479 = tpu.memref_slice %arg6[%run_scoped3A_265, %run_scoped3A_266, %dma_start3A_478] : memref<8x2x128xi32, #tpu.memory_space<vmem>> -> memref<1x1x128xi32, #tpu.memory_space<vmem>>
        %dma_start3A_480 = tpu.memref_squeeze %dma_start3A_479 : memref<1x1x128xi32, #tpu.memory_space<vmem>> -> memref<128xi32, #tpu.memory_space<vmem>>
        %dma_start3A_481 = arith.constant 0 : i32
        %dma_start3A_482 = arith.constant 0 : i32
        %dma_start3A_483 = tpu.memref_slice %arg8[%dma_start3A_481, %dma_start3A_482] : memref<10112x128xf32, #tpu.memory_space<vmem_shared>> -> memref<10112x128xf32, #tpu.memory_space<vmem_shared>>
        tpu.enqueue_indirect_dma source(%dma_start3A_477 : memref<128x128xf32, #tpu.memory_space<vmem>>) target(%dma_start3A_483 : memref<10112x128xf32, #tpu.memory_space<vmem_shared>>) offsets(%dma_start3A_480 : memref<128xi32, #tpu.memory_space<vmem>>) semaphore(%run_scoped3A_473 : memref<!tpu.dma_semaphore, #tpu.memory_space<semaphore_mem>>) {add = true}
        %dma_wait3A_484 = arith.constant 0 : i32
        %dma_wait3A_485 = arith.constant 0 : i32
        %dma_wait3A_486 = tpu.memref_slice %arg7[%run_scoped3A_264, %dma_wait3A_484, %dma_wait3A_485] : memref<2x128x128xf32, #tpu.memory_space<vmem>> -> memref<1x128x128xf32, #tpu.memory_space<vmem>>
        %dma_wait3A_487 = tpu.memref_squeeze %dma_wait3A_486 : memref<1x128x128xf32, #tpu.memory_space<vmem>> -> memref<128x128xf32, #tpu.memory_space<vmem>>
        %dma_wait3A_488 = arith.constant 0 : i32
        %dma_wait3A_489 = tpu.memref_slice %arg6[%run_scoped3A_265, %run_scoped3A_266, %dma_wait3A_488] : memref<8x2x128xi32, #tpu.memory_space<vmem>> -> memref<1x1x128xi32, #tpu.memory_space<vmem>>
        %dma_wait3A_490 = tpu.memref_squeeze %dma_wait3A_489 : memref<1x1x128xi32, #tpu.memory_space<vmem>> -> memref<128xi32, #tpu.memory_space<vmem>>
        %dma_wait3A_491 = arith.constant 0 : i32
        %dma_wait3A_492 = arith.constant 0 : i32
        %dma_wait3A_493 = tpu.memref_slice %arg8[%dma_wait3A_491, %dma_wait3A_492] : memref<10112x128xf32, #tpu.memory_space<vmem_shared>> -> memref<10112x128xf32, #tpu.memory_space<vmem_shared>>
        tpu.wait_indirect_dma semaphore(%run_scoped3A_473 : memref<!tpu.dma_semaphore, #tpu.memory_space<semaphore_mem>>) src(%dma_wait3A_487 : memref<128x128xf32, #tpu.memory_space<vmem>>) dst(%dma_wait3A_493 : memref<10112x128xf32, #tpu.memory_space<vmem_shared>>)
        tpu.yield
      }) : () -> ()
      %add3A_267 = arith.constant 8 : i32
      %add3A_268 = arith.addi %add3A_250, %add3A_267 : i32
      %lt3A_269 = arith.constant 80 : i32
      %lt3A_270 = arith.cmpi slt, %add3A_268, %lt3A_269 : i32
      %convert_element_type3A_271 = arith.extui %lt3A_270 : i1 to i32
      %cond3A_272 = arith.constant 0 : i32
      %cond3A_273 = arith.cmpi ne, %convert_element_type3A_271, %cond3A_272 : i32
      scf.if %cond3A_273 {
        %add3A_473 = arith.constant 8 : i32
        %add3A_474 = arith.addi %add3A_250, %add3A_473 : i32
        %dma_start3A_475 = arith.constant 1 : i32
        %dma_start3A_476 = arith.constant 0 : i32
        %dma_start3A_477 = arith.constant 0 : i32
        %dma_start3A_478 = tpu.memref_slice %arg6[%dma_start3A_475, %dma_start3A_476, %dma_start3A_477] : memref<8x2x128xi32, #tpu.memory_space<vmem>> -> memref<1x2x128xi32, #tpu.memory_space<vmem>>
        %dma_start3A_479 = tpu.memref_squeeze %dma_start3A_478 : memref<1x2x128xi32, #tpu.memory_space<vmem>> -> memref<2x128xi32, #tpu.memory_space<vmem>>
        %dma_start3A_480 = arith.constant 0 : i32
        %dma_start3A_481 = arith.constant 0 : i32
        %dma_start3A_482 = tpu.memref_slice %arg3[%add3A, %add3A_474, %dma_start3A_480, %dma_start3A_481] : memref<32x80x2x128xi32, #tpu.memory_space<hbm>> -> memref<1x1x2x128xi32, #tpu.memory_space<hbm>>
        %dma_start3A_483 = tpu.memref_squeeze %dma_start3A_482 : memref<1x1x2x128xi32, #tpu.memory_space<hbm>> -> memref<2x128xi32, #tpu.memory_space<hbm>>
        %dma_start3A_484 = arith.constant 0 : i32
        %dma_start3A_485 = arith.constant 0 : i32
        %dma_start3A_486 = tpu.memref_slice %arg6[%dma_start3A_475, %dma_start3A_484, %dma_start3A_485] : memref<8x2x128xi32, #tpu.memory_space<vmem>> -> memref<1x2x128xi32, #tpu.memory_space<vmem>>
        %dma_start3A_487 = tpu.memref_squeeze %dma_start3A_486 : memref<1x2x128xi32, #tpu.memory_space<vmem>> -> memref<2x128xi32, #tpu.memory_space<vmem>>
        %dma_start3A_488 = arith.constant 0 : i32
        %dma_start3A_489 = arith.constant 0 : i32
        %dma_start3A_490 = tpu.memref_slice %arg3[%add3A, %add3A_474, %dma_start3A_488, %dma_start3A_489] : memref<32x80x2x128xi32, #tpu.memory_space<hbm>> -> memref<1x1x2x128xi32, #tpu.memory_space<hbm>>
        %dma_start3A_491 = tpu.memref_squeeze %dma_start3A_490 : memref<1x1x2x128xi32, #tpu.memory_space<hbm>> -> memref<2x128xi32, #tpu.memory_space<hbm>>
        tpu.enqueue_dma source(%dma_start3A_491 : memref<2x128xi32, #tpu.memory_space<hbm>>) target(%dma_start3A_487 : memref<2x128xi32, #tpu.memory_space<vmem>>) target_semaphore(%arg12 : memref<!tpu.dma_semaphore, #tpu.memory_space<semaphore_mem>>)
      } else {
      }
      %add3A_274 = arith.constant 2 : i32
      %add3A_275 = arith.addi %add3A_250, %add3A_274 : i32
      %lt3A_276 = arith.constant 80 : i32
      %lt3A_277 = arith.cmpi slt, %add3A_275, %lt3A_276 : i32
      %convert_element_type3A_278 = arith.extui %lt3A_277 : i1 to i32
      %cond3A_279 = arith.constant 0 : i32
      %cond3A_280 = arith.cmpi ne, %convert_element_type3A_278, %cond3A_279 : i32
      scf.if %cond3A_280 {
        %add3A_473 = arith.constant 2 : i32
        %add3A_474 = arith.addi %add3A_250, %add3A_473 : i32
        %dma_wait3A_475 = arith.constant 3 : i32
        %dma_wait3A_476 = arith.constant 0 : i32
        %dma_wait3A_477 = arith.constant 0 : i32
        %dma_wait3A_478 = tpu.memref_slice %arg6[%dma_wait3A_475, %dma_wait3A_476, %dma_wait3A_477] : memref<8x2x128xi32, #tpu.memory_space<vmem>> -> memref<1x2x128xi32, #tpu.memory_space<vmem>>
        %dma_wait3A_479 = tpu.memref_squeeze %dma_wait3A_478 : memref<1x2x128xi32, #tpu.memory_space<vmem>> -> memref<2x128xi32, #tpu.memory_space<vmem>>
        %dma_wait3A_480 = arith.constant 0 : i32
        %dma_wait3A_481 = arith.constant 0 : i32
        %dma_wait3A_482 = tpu.memref_slice %arg3[%add3A, %add3A_474, %dma_wait3A_480, %dma_wait3A_481] : memref<32x80x2x128xi32, #tpu.memory_space<hbm>> -> memref<1x1x2x128xi32, #tpu.memory_space<hbm>>
        %dma_wait3A_483 = tpu.memref_squeeze %dma_wait3A_482 : memref<1x1x2x128xi32, #tpu.memory_space<hbm>> -> memref<2x128xi32, #tpu.memory_space<hbm>>
        %dma_wait3A_484 = arith.constant 0 : i32
        %dma_wait3A_485 = arith.constant 0 : i32
        %dma_wait3A_486 = tpu.memref_slice %arg6[%dma_wait3A_475, %dma_wait3A_484, %dma_wait3A_485] : memref<8x2x128xi32, #tpu.memory_space<vmem>> -> memref<1x2x128xi32, #tpu.memory_space<vmem>>
        %dma_wait3A_487 = tpu.memref_squeeze %dma_wait3A_486 : memref<1x2x128xi32, #tpu.memory_space<vmem>> -> memref<2x128xi32, #tpu.memory_space<vmem>>
        %dma_wait3A_488 = arith.constant 0 : i32
        %dma_wait3A_489 = arith.constant 0 : i32
        %dma_wait3A_490 = tpu.memref_slice %arg3[%add3A, %add3A_474, %dma_wait3A_488, %dma_wait3A_489] : memref<32x80x2x128xi32, #tpu.memory_space<hbm>> -> memref<1x1x2x128xi32, #tpu.memory_space<hbm>>
        %dma_wait3A_491 = tpu.memref_squeeze %dma_wait3A_490 : memref<1x1x2x128xi32, #tpu.memory_space<hbm>> -> memref<2x128xi32, #tpu.memory_space<hbm>>
        tpu.wait_dma2 semaphore(%arg14 : memref<!tpu.dma_semaphore, #tpu.memory_space<semaphore_mem>>) src(%dma_wait3A_491 : memref<2x128xi32, #tpu.memory_space<hbm>>) dst(%dma_wait3A_487 : memref<2x128xi32, #tpu.memory_space<vmem>>)
        %dma_start3A_492 = arith.constant 3 : i32
        %dma_start3A_493 = arith.constant 0 : i32
        %dma_start3A_494 = arith.constant 1 : i32
        %dma_start3A_495 = arith.constant 0 : i32
        %dma_start3A_496 = arith.constant 0 : i32
        %dma_start3A_497 = tpu.memref_slice %arg7[%dma_start3A_494, %dma_start3A_495, %dma_start3A_496] : memref<2x128x128xf32, #tpu.memory_space<vmem>> -> memref<1x128x128xf32, #tpu.memory_space<vmem>>
        %dma_start3A_498 = tpu.memref_squeeze %dma_start3A_497 : memref<1x128x128xf32, #tpu.memory_space<vmem>> -> memref<128x128xf32, #tpu.memory_space<vmem>>
        %dma_start3A_499 = arith.constant 0 : i32
        %dma_start3A_500 = tpu.memref_slice %arg6[%dma_start3A_492, %dma_start3A_493, %dma_start3A_499] : memref<8x2x128xi32, #tpu.memory_space<vmem>> -> memref<1x1x128xi32, #tpu.memory_space<vmem>>
        %dma_start3A_501 = tpu.memref_squeeze %dma_start3A_500 : memref<1x1x128xi32, #tpu.memory_space<vmem>> -> memref<128xi32, #tpu.memory_space<vmem>>
        %dma_start3A_502 = arith.constant 0 : i32
        %dma_start3A_503 = arith.constant 0 : i32
        %dma_start3A_504 = tpu.memref_slice %arg2[%dma_start3A_502, %dma_start3A_503] : memref<10000x128xf32, #tpu.memory_space<hbm>> -> memref<10000x128xf32, #tpu.memory_space<hbm>>
        tpu.enqueue_indirect_dma source(%dma_start3A_504 : memref<10000x128xf32, #tpu.memory_space<hbm>>) target(%dma_start3A_498 : memref<128x128xf32, #tpu.memory_space<vmem>>) offsets(%dma_start3A_501 : memref<128xi32, #tpu.memory_space<vmem>>) semaphore(%arg10 : memref<!tpu.dma_semaphore, #tpu.memory_space<semaphore_mem>>)
      } else {
      }
      %add3A_281 = arith.constant 2 : i32
      %add3A_282 = arith.addi %add3A_220, %add3A_281 : i32
      %dma_wait3A_283 = arith.constant 2 : i32
      %dma_wait3A_284 = arith.constant 0 : i32
      %dma_wait3A_285 = arith.constant 0 : i32
      %dma_wait3A_286 = arith.constant 0 : i32
      %dma_wait3A_287 = arith.constant 0 : i32
      %dma_wait3A_288 = tpu.memref_slice %arg7[%dma_wait3A_285, %dma_wait3A_286, %dma_wait3A_287] : memref<2x128x128xf32, #tpu.memory_space<vmem>> -> memref<1x128x128xf32, #tpu.memory_space<vmem>>
      %dma_wait3A_289 = tpu.memref_squeeze %dma_wait3A_288 : memref<1x128x128xf32, #tpu.memory_space<vmem>> -> memref<128x128xf32, #tpu.memory_space<vmem>>
      %dma_wait3A_290 = arith.constant 0 : i32
      %dma_wait3A_291 = tpu.memref_slice %arg6[%dma_wait3A_283, %dma_wait3A_284, %dma_wait3A_290] : memref<8x2x128xi32, #tpu.memory_space<vmem>> -> memref<1x1x128xi32, #tpu.memory_space<vmem>>
      %dma_wait3A_292 = tpu.memref_squeeze %dma_wait3A_291 : memref<1x1x128xi32, #tpu.memory_space<vmem>> -> memref<128xi32, #tpu.memory_space<vmem>>
      %dma_wait3A_293 = arith.constant 0 : i32
      %dma_wait3A_294 = arith.constant 0 : i32
      %dma_wait3A_295 = tpu.memref_slice %arg2[%dma_wait3A_293, %dma_wait3A_294] : memref<10000x128xf32, #tpu.memory_space<hbm>> -> memref<10000x128xf32, #tpu.memory_space<hbm>>
      tpu.wait_indirect_dma semaphore(%arg9 : memref<!tpu.dma_semaphore, #tpu.memory_space<semaphore_mem>>) src(%dma_wait3A_295 : memref<10000x128xf32, #tpu.memory_space<hbm>>) dst(%dma_wait3A_289 : memref<128x128xf32, #tpu.memory_space<vmem>>)
      %run_scoped3A_296 = arith.constant 0 : i32
      %run_scoped3A_297 = arith.constant 2 : i32
      %run_scoped3A_298 = arith.constant 1 : i32
      "tpu.region"() ({
        %run_scoped3A_473 = tpu.sem_alloc : memref<!tpu.dma_semaphore, #tpu.memory_space<semaphore_mem>>
        %dma_start3A_474 = arith.constant 0 : i32
        %dma_start3A_475 = arith.constant 0 : i32
        %dma_start3A_476 = tpu.memref_slice %arg7[%run_scoped3A_296, %dma_start3A_474, %dma_start3A_475] : memref<2x128x128xf32, #tpu.memory_space<vmem>> -> memref<1x128x128xf32, #tpu.memory_space<vmem>>
        %dma_start3A_477 = tpu.memref_squeeze %dma_start3A_476 : memref<1x128x128xf32, #tpu.memory_space<vmem>> -> memref<128x128xf32, #tpu.memory_space<vmem>>
        %dma_start3A_478 = arith.constant 0 : i32
        %dma_start3A_479 = tpu.memref_slice %arg6[%run_scoped3A_297, %run_scoped3A_298, %dma_start3A_478] : memref<8x2x128xi32, #tpu.memory_space<vmem>> -> memref<1x1x128xi32, #tpu.memory_space<vmem>>
        %dma_start3A_480 = tpu.memref_squeeze %dma_start3A_479 : memref<1x1x128xi32, #tpu.memory_space<vmem>> -> memref<128xi32, #tpu.memory_space<vmem>>
        %dma_start3A_481 = arith.constant 0 : i32
        %dma_start3A_482 = arith.constant 0 : i32
        %dma_start3A_483 = tpu.memref_slice %arg8[%dma_start3A_481, %dma_start3A_482] : memref<10112x128xf32, #tpu.memory_space<vmem_shared>> -> memref<10112x128xf32, #tpu.memory_space<vmem_shared>>
        tpu.enqueue_indirect_dma source(%dma_start3A_477 : memref<128x128xf32, #tpu.memory_space<vmem>>) target(%dma_start3A_483 : memref<10112x128xf32, #tpu.memory_space<vmem_shared>>) offsets(%dma_start3A_480 : memref<128xi32, #tpu.memory_space<vmem>>) semaphore(%run_scoped3A_473 : memref<!tpu.dma_semaphore, #tpu.memory_space<semaphore_mem>>) {add = true}
        %dma_wait3A_484 = arith.constant 0 : i32
        %dma_wait3A_485 = arith.constant 0 : i32
        %dma_wait3A_486 = tpu.memref_slice %arg7[%run_scoped3A_296, %dma_wait3A_484, %dma_wait3A_485] : memref<2x128x128xf32, #tpu.memory_space<vmem>> -> memref<1x128x128xf32, #tpu.memory_space<vmem>>
        %dma_wait3A_487 = tpu.memref_squeeze %dma_wait3A_486 : memref<1x128x128xf32, #tpu.memory_space<vmem>> -> memref<128x128xf32, #tpu.memory_space<vmem>>
        %dma_wait3A_488 = arith.constant 0 : i32
        %dma_wait3A_489 = tpu.memref_slice %arg6[%run_scoped3A_297, %run_scoped3A_298, %dma_wait3A_488] : memref<8x2x128xi32, #tpu.memory_space<vmem>> -> memref<1x1x128xi32, #tpu.memory_space<vmem>>
        %dma_wait3A_490 = tpu.memref_squeeze %dma_wait3A_489 : memref<1x1x128xi32, #tpu.memory_space<vmem>> -> memref<128xi32, #tpu.memory_space<vmem>>
        %dma_wait3A_491 = arith.constant 0 : i32
        %dma_wait3A_492 = arith.constant 0 : i32
        %dma_wait3A_493 = tpu.memref_slice %arg8[%dma_wait3A_491, %dma_wait3A_492] : memref<10112x128xf32, #tpu.memory_space<vmem_shared>> -> memref<10112x128xf32, #tpu.memory_space<vmem_shared>>
        tpu.wait_indirect_dma semaphore(%run_scoped3A_473 : memref<!tpu.dma_semaphore, #tpu.memory_space<semaphore_mem>>) src(%dma_wait3A_487 : memref<128x128xf32, #tpu.memory_space<vmem>>) dst(%dma_wait3A_493 : memref<10112x128xf32, #tpu.memory_space<vmem_shared>>)
        tpu.yield
      }) : () -> ()
      %add3A_299 = arith.constant 8 : i32
      %add3A_300 = arith.addi %add3A_282, %add3A_299 : i32
      %lt3A_301 = arith.constant 80 : i32
      %lt3A_302 = arith.cmpi slt, %add3A_300, %lt3A_301 : i32
      %convert_element_type3A_303 = arith.extui %lt3A_302 : i1 to i32
      %cond3A_304 = arith.constant 0 : i32
      %cond3A_305 = arith.cmpi ne, %convert_element_type3A_303, %cond3A_304 : i32
      scf.if %cond3A_305 {
        %add3A_473 = arith.constant 8 : i32
        %add3A_474 = arith.addi %add3A_282, %add3A_473 : i32
        %dma_start3A_475 = arith.constant 2 : i32
        %dma_start3A_476 = arith.constant 0 : i32
        %dma_start3A_477 = arith.constant 0 : i32
        %dma_start3A_478 = tpu.memref_slice %arg6[%dma_start3A_475, %dma_start3A_476, %dma_start3A_477] : memref<8x2x128xi32, #tpu.memory_space<vmem>> -> memref<1x2x128xi32, #tpu.memory_space<vmem>>
        %dma_start3A_479 = tpu.memref_squeeze %dma_start3A_478 : memref<1x2x128xi32, #tpu.memory_space<vmem>> -> memref<2x128xi32, #tpu.memory_space<vmem>>
        %dma_start3A_480 = arith.constant 0 : i32
        %dma_start3A_481 = arith.constant 0 : i32
        %dma_start3A_482 = tpu.memref_slice %arg3[%add3A, %add3A_474, %dma_start3A_480, %dma_start3A_481] : memref<32x80x2x128xi32, #tpu.memory_space<hbm>> -> memref<1x1x2x128xi32, #tpu.memory_space<hbm>>
        %dma_start3A_483 = tpu.memref_squeeze %dma_start3A_482 : memref<1x1x2x128xi32, #tpu.memory_space<hbm>> -> memref<2x128xi32, #tpu.memory_space<hbm>>
        %dma_start3A_484 = arith.constant 0 : i32
        %dma_start3A_485 = arith.constant 0 : i32
        %dma_start3A_486 = tpu.memref_slice %arg6[%dma_start3A_475, %dma_start3A_484, %dma_start3A_485] : memref<8x2x128xi32, #tpu.memory_space<vmem>> -> memref<1x2x128xi32, #tpu.memory_space<vmem>>
        %dma_start3A_487 = tpu.memref_squeeze %dma_start3A_486 : memref<1x2x128xi32, #tpu.memory_space<vmem>> -> memref<2x128xi32, #tpu.memory_space<vmem>>
        %dma_start3A_488 = arith.constant 0 : i32
        %dma_start3A_489 = arith.constant 0 : i32
        %dma_start3A_490 = tpu.memref_slice %arg3[%add3A, %add3A_474, %dma_start3A_488, %dma_start3A_489] : memref<32x80x2x128xi32, #tpu.memory_space<hbm>> -> memref<1x1x2x128xi32, #tpu.memory_space<hbm>>
        %dma_start3A_491 = tpu.memref_squeeze %dma_start3A_490 : memref<1x1x2x128xi32, #tpu.memory_space<hbm>> -> memref<2x128xi32, #tpu.memory_space<hbm>>
        tpu.enqueue_dma source(%dma_start3A_491 : memref<2x128xi32, #tpu.memory_space<hbm>>) target(%dma_start3A_487 : memref<2x128xi32, #tpu.memory_space<vmem>>) target_semaphore(%arg13 : memref<!tpu.dma_semaphore, #tpu.memory_space<semaphore_mem>>)
      } else {
      }
      %add3A_306 = arith.constant 2 : i32
      %add3A_307 = arith.addi %add3A_282, %add3A_306 : i32
      %lt3A_308 = arith.constant 80 : i32
      %lt3A_309 = arith.cmpi slt, %add3A_307, %lt3A_308 : i32
      %convert_element_type3A_310 = arith.extui %lt3A_309 : i1 to i32
      %cond3A_311 = arith.constant 0 : i32
      %cond3A_312 = arith.cmpi ne, %convert_element_type3A_310, %cond3A_311 : i32
      scf.if %cond3A_312 {
        %add3A_473 = arith.constant 2 : i32
        %add3A_474 = arith.addi %add3A_282, %add3A_473 : i32
        %dma_wait3A_475 = arith.constant 4 : i32
        %dma_wait3A_476 = arith.constant 0 : i32
        %dma_wait3A_477 = arith.constant 0 : i32
        %dma_wait3A_478 = tpu.memref_slice %arg6[%dma_wait3A_475, %dma_wait3A_476, %dma_wait3A_477] : memref<8x2x128xi32, #tpu.memory_space<vmem>> -> memref<1x2x128xi32, #tpu.memory_space<vmem>>
        %dma_wait3A_479 = tpu.memref_squeeze %dma_wait3A_478 : memref<1x2x128xi32, #tpu.memory_space<vmem>> -> memref<2x128xi32, #tpu.memory_space<vmem>>
        %dma_wait3A_480 = arith.constant 0 : i32
        %dma_wait3A_481 = arith.constant 0 : i32
        %dma_wait3A_482 = tpu.memref_slice %arg3[%add3A, %add3A_474, %dma_wait3A_480, %dma_wait3A_481] : memref<32x80x2x128xi32, #tpu.memory_space<hbm>> -> memref<1x1x2x128xi32, #tpu.memory_space<hbm>>
        %dma_wait3A_483 = tpu.memref_squeeze %dma_wait3A_482 : memref<1x1x2x128xi32, #tpu.memory_space<hbm>> -> memref<2x128xi32, #tpu.memory_space<hbm>>
        %dma_wait3A_484 = arith.constant 0 : i32
        %dma_wait3A_485 = arith.constant 0 : i32
        %dma_wait3A_486 = tpu.memref_slice %arg6[%dma_wait3A_475, %dma_wait3A_484, %dma_wait3A_485] : memref<8x2x128xi32, #tpu.memory_space<vmem>> -> memref<1x2x128xi32, #tpu.memory_space<vmem>>
        %dma_wait3A_487 = tpu.memref_squeeze %dma_wait3A_486 : memref<1x2x128xi32, #tpu.memory_space<vmem>> -> memref<2x128xi32, #tpu.memory_space<vmem>>
        %dma_wait3A_488 = arith.constant 0 : i32
        %dma_wait3A_489 = arith.constant 0 : i32
        %dma_wait3A_490 = tpu.memref_slice %arg3[%add3A, %add3A_474, %dma_wait3A_488, %dma_wait3A_489] : memref<32x80x2x128xi32, #tpu.memory_space<hbm>> -> memref<1x1x2x128xi32, #tpu.memory_space<hbm>>
        %dma_wait3A_491 = tpu.memref_squeeze %dma_wait3A_490 : memref<1x1x2x128xi32, #tpu.memory_space<hbm>> -> memref<2x128xi32, #tpu.memory_space<hbm>>
        tpu.wait_dma2 semaphore(%arg15 : memref<!tpu.dma_semaphore, #tpu.memory_space<semaphore_mem>>) src(%dma_wait3A_491 : memref<2x128xi32, #tpu.memory_space<hbm>>) dst(%dma_wait3A_487 : memref<2x128xi32, #tpu.memory_space<vmem>>)
        %dma_start3A_492 = arith.constant 4 : i32
        %dma_start3A_493 = arith.constant 0 : i32
        %dma_start3A_494 = arith.constant 0 : i32
        %dma_start3A_495 = arith.constant 0 : i32
        %dma_start3A_496 = arith.constant 0 : i32
        %dma_start3A_497 = tpu.memref_slice %arg7[%dma_start3A_494, %dma_start3A_495, %dma_start3A_496] : memref<2x128x128xf32, #tpu.memory_space<vmem>> -> memref<1x128x128xf32, #tpu.memory_space<vmem>>
        %dma_start3A_498 = tpu.memref_squeeze %dma_start3A_497 : memref<1x128x128xf32, #tpu.memory_space<vmem>> -> memref<128x128xf32, #tpu.memory_space<vmem>>
        %dma_start3A_499 = arith.constant 0 : i32
        %dma_start3A_500 = tpu.memref_slice %arg6[%dma_start3A_492, %dma_start3A_493, %dma_start3A_499] : memref<8x2x128xi32, #tpu.memory_space<vmem>> -> memref<1x1x128xi32, #tpu.memory_space<vmem>>
        %dma_start3A_501 = tpu.memref_squeeze %dma_start3A_500 : memref<1x1x128xi32, #tpu.memory_space<vmem>> -> memref<128xi32, #tpu.memory_space<vmem>>
        %dma_start3A_502 = arith.constant 0 : i32
        %dma_start3A_503 = arith.constant 0 : i32
        %dma_start3A_504 = tpu.memref_slice %arg2[%dma_start3A_502, %dma_start3A_503] : memref<10000x128xf32, #tpu.memory_space<hbm>> -> memref<10000x128xf32, #tpu.memory_space<hbm>>
        tpu.enqueue_indirect_dma source(%dma_start3A_504 : memref<10000x128xf32, #tpu.memory_space<hbm>>) target(%dma_start3A_498 : memref<128x128xf32, #tpu.memory_space<vmem>>) offsets(%dma_start3A_501 : memref<128xi32, #tpu.memory_space<vmem>>) semaphore(%arg9 : memref<!tpu.dma_semaphore, #tpu.memory_space<semaphore_mem>>)
      } else {
      }
      %add3A_313 = arith.constant 3 : i32
      %add3A_314 = arith.addi %add3A_220, %add3A_313 : i32
      %dma_wait3A_315 = arith.constant 3 : i32
      %dma_wait3A_316 = arith.constant 0 : i32
      %dma_wait3A_317 = arith.constant 1 : i32
      %dma_wait3A_318 = arith.constant 0 : i32
      %dma_wait3A_319 = arith.constant 0 : i32
      %dma_wait3A_320 = tpu.memref_slice %arg7[%dma_wait3A_317, %dma_wait3A_318, %dma_wait3A_319] : memref<2x128x128xf32, #tpu.memory_space<vmem>> -> memref<1x128x128xf32, #tpu.memory_space<vmem>>
      %dma_wait3A_321 = tpu.memref_squeeze %dma_wait3A_320 : memref<1x128x128xf32, #tpu.memory_space<vmem>> -> memref<128x128xf32, #tpu.memory_space<vmem>>
      %dma_wait3A_322 = arith.constant 0 : i32
      %dma_wait3A_323 = tpu.memref_slice %arg6[%dma_wait3A_315, %dma_wait3A_316, %dma_wait3A_322] : memref<8x2x128xi32, #tpu.memory_space<vmem>> -> memref<1x1x128xi32, #tpu.memory_space<vmem>>
      %dma_wait3A_324 = tpu.memref_squeeze %dma_wait3A_323 : memref<1x1x128xi32, #tpu.memory_space<vmem>> -> memref<128xi32, #tpu.memory_space<vmem>>
      %dma_wait3A_325 = arith.constant 0 : i32
      %dma_wait3A_326 = arith.constant 0 : i32
      %dma_wait3A_327 = tpu.memref_slice %arg2[%dma_wait3A_325, %dma_wait3A_326] : memref<10000x128xf32, #tpu.memory_space<hbm>> -> memref<10000x128xf32, #tpu.memory_space<hbm>>
      tpu.wait_indirect_dma semaphore(%arg10 : memref<!tpu.dma_semaphore, #tpu.memory_space<semaphore_mem>>) src(%dma_wait3A_327 : memref<10000x128xf32, #tpu.memory_space<hbm>>) dst(%dma_wait3A_321 : memref<128x128xf32, #tpu.memory_space<vmem>>)
      %run_scoped3A_328 = arith.constant 1 : i32
      %run_scoped3A_329 = arith.constant 3 : i32
      %run_scoped3A_330 = arith.constant 1 : i32
      "tpu.region"() ({
        %run_scoped3A_473 = tpu.sem_alloc : memref<!tpu.dma_semaphore, #tpu.memory_space<semaphore_mem>>
        %dma_start3A_474 = arith.constant 0 : i32
        %dma_start3A_475 = arith.constant 0 : i32
        %dma_start3A_476 = tpu.memref_slice %arg7[%run_scoped3A_328, %dma_start3A_474, %dma_start3A_475] : memref<2x128x128xf32, #tpu.memory_space<vmem>> -> memref<1x128x128xf32, #tpu.memory_space<vmem>>
        %dma_start3A_477 = tpu.memref_squeeze %dma_start3A_476 : memref<1x128x128xf32, #tpu.memory_space<vmem>> -> memref<128x128xf32, #tpu.memory_space<vmem>>
        %dma_start3A_478 = arith.constant 0 : i32
        %dma_start3A_479 = tpu.memref_slice %arg6[%run_scoped3A_329, %run_scoped3A_330, %dma_start3A_478] : memref<8x2x128xi32, #tpu.memory_space<vmem>> -> memref<1x1x128xi32, #tpu.memory_space<vmem>>
        %dma_start3A_480 = tpu.memref_squeeze %dma_start3A_479 : memref<1x1x128xi32, #tpu.memory_space<vmem>> -> memref<128xi32, #tpu.memory_space<vmem>>
        %dma_start3A_481 = arith.constant 0 : i32
        %dma_start3A_482 = arith.constant 0 : i32
        %dma_start3A_483 = tpu.memref_slice %arg8[%dma_start3A_481, %dma_start3A_482] : memref<10112x128xf32, #tpu.memory_space<vmem_shared>> -> memref<10112x128xf32, #tpu.memory_space<vmem_shared>>
        tpu.enqueue_indirect_dma source(%dma_start3A_477 : memref<128x128xf32, #tpu.memory_space<vmem>>) target(%dma_start3A_483 : memref<10112x128xf32, #tpu.memory_space<vmem_shared>>) offsets(%dma_start3A_480 : memref<128xi32, #tpu.memory_space<vmem>>) semaphore(%run_scoped3A_473 : memref<!tpu.dma_semaphore, #tpu.memory_space<semaphore_mem>>) {add = true}
        %dma_wait3A_484 = arith.constant 0 : i32
        %dma_wait3A_485 = arith.constant 0 : i32
        %dma_wait3A_486 = tpu.memref_slice %arg7[%run_scoped3A_328, %dma_wait3A_484, %dma_wait3A_485] : memref<2x128x128xf32, #tpu.memory_space<vmem>> -> memref<1x128x128xf32, #tpu.memory_space<vmem>>
        %dma_wait3A_487 = tpu.memref_squeeze %dma_wait3A_486 : memref<1x128x128xf32, #tpu.memory_space<vmem>> -> memref<128x128xf32, #tpu.memory_space<vmem>>
        %dma_wait3A_488 = arith.constant 0 : i32
        %dma_wait3A_489 = tpu.memref_slice %arg6[%run_scoped3A_329, %run_scoped3A_330, %dma_wait3A_488] : memref<8x2x128xi32, #tpu.memory_space<vmem>> -> memref<1x1x128xi32, #tpu.memory_space<vmem>>
        %dma_wait3A_490 = tpu.memref_squeeze %dma_wait3A_489 : memref<1x1x128xi32, #tpu.memory_space<vmem>> -> memref<128xi32, #tpu.memory_space<vmem>>
        %dma_wait3A_491 = arith.constant 0 : i32
        %dma_wait3A_492 = arith.constant 0 : i32
        %dma_wait3A_493 = tpu.memref_slice %arg8[%dma_wait3A_491, %dma_wait3A_492] : memref<10112x128xf32, #tpu.memory_space<vmem_shared>> -> memref<10112x128xf32, #tpu.memory_space<vmem_shared>>
        tpu.wait_indirect_dma semaphore(%run_scoped3A_473 : memref<!tpu.dma_semaphore, #tpu.memory_space<semaphore_mem>>) src(%dma_wait3A_487 : memref<128x128xf32, #tpu.memory_space<vmem>>) dst(%dma_wait3A_493 : memref<10112x128xf32, #tpu.memory_space<vmem_shared>>)
        tpu.yield
      }) : () -> ()
      %add3A_331 = arith.constant 8 : i32
      %add3A_332 = arith.addi %add3A_314, %add3A_331 : i32
      %lt3A_333 = arith.constant 80 : i32
      %lt3A_334 = arith.cmpi slt, %add3A_332, %lt3A_333 : i32
      %convert_element_type3A_335 = arith.extui %lt3A_334 : i1 to i32
      %cond3A_336 = arith.constant 0 : i32
      %cond3A_337 = arith.cmpi ne, %convert_element_type3A_335, %cond3A_336 : i32
      scf.if %cond3A_337 {
        %add3A_473 = arith.constant 8 : i32
        %add3A_474 = arith.addi %add3A_314, %add3A_473 : i32
        %dma_start3A_475 = arith.constant 3 : i32
        %dma_start3A_476 = arith.constant 0 : i32
        %dma_start3A_477 = arith.constant 0 : i32
        %dma_start3A_478 = tpu.memref_slice %arg6[%dma_start3A_475, %dma_start3A_476, %dma_start3A_477] : memref<8x2x128xi32, #tpu.memory_space<vmem>> -> memref<1x2x128xi32, #tpu.memory_space<vmem>>
        %dma_start3A_479 = tpu.memref_squeeze %dma_start3A_478 : memref<1x2x128xi32, #tpu.memory_space<vmem>> -> memref<2x128xi32, #tpu.memory_space<vmem>>
        %dma_start3A_480 = arith.constant 0 : i32
        %dma_start3A_481 = arith.constant 0 : i32
        %dma_start3A_482 = tpu.memref_slice %arg3[%add3A, %add3A_474, %dma_start3A_480, %dma_start3A_481] : memref<32x80x2x128xi32, #tpu.memory_space<hbm>> -> memref<1x1x2x128xi32, #tpu.memory_space<hbm>>
        %dma_start3A_483 = tpu.memref_squeeze %dma_start3A_482 : memref<1x1x2x128xi32, #tpu.memory_space<hbm>> -> memref<2x128xi32, #tpu.memory_space<hbm>>
        %dma_start3A_484 = arith.constant 0 : i32
        %dma_start3A_485 = arith.constant 0 : i32
        %dma_start3A_486 = tpu.memref_slice %arg6[%dma_start3A_475, %dma_start3A_484, %dma_start3A_485] : memref<8x2x128xi32, #tpu.memory_space<vmem>> -> memref<1x2x128xi32, #tpu.memory_space<vmem>>
        %dma_start3A_487 = tpu.memref_squeeze %dma_start3A_486 : memref<1x2x128xi32, #tpu.memory_space<vmem>> -> memref<2x128xi32, #tpu.memory_space<vmem>>
        %dma_start3A_488 = arith.constant 0 : i32
        %dma_start3A_489 = arith.constant 0 : i32
        %dma_start3A_490 = tpu.memref_slice %arg3[%add3A, %add3A_474, %dma_start3A_488, %dma_start3A_489] : memref<32x80x2x128xi32, #tpu.memory_space<hbm>> -> memref<1x1x2x128xi32, #tpu.memory_space<hbm>>
        %dma_start3A_491 = tpu.memref_squeeze %dma_start3A_490 : memref<1x1x2x128xi32, #tpu.memory_space<hbm>> -> memref<2x128xi32, #tpu.memory_space<hbm>>
        tpu.enqueue_dma source(%dma_start3A_491 : memref<2x128xi32, #tpu.memory_space<hbm>>) target(%dma_start3A_487 : memref<2x128xi32, #tpu.memory_space<vmem>>) target_semaphore(%arg14 : memref<!tpu.dma_semaphore, #tpu.memory_space<semaphore_mem>>)
      } else {
      }
      %add3A_338 = arith.constant 2 : i32
      %add3A_339 = arith.addi %add3A_314, %add3A_338 : i32
      %lt3A_340 = arith.constant 80 : i32
      %lt3A_341 = arith.cmpi slt, %add3A_339, %lt3A_340 : i32
      %convert_element_type3A_342 = arith.extui %lt3A_341 : i1 to i32
      %cond3A_343 = arith.constant 0 : i32
      %cond3A_344 = arith.cmpi ne, %convert_element_type3A_342, %cond3A_343 : i32
      scf.if %cond3A_344 {
        %add3A_473 = arith.constant 2 : i32
        %add3A_474 = arith.addi %add3A_314, %add3A_473 : i32
        %dma_wait3A_475 = arith.constant 5 : i32
        %dma_wait3A_476 = arith.constant 0 : i32
        %dma_wait3A_477 = arith.constant 0 : i32
        %dma_wait3A_478 = tpu.memref_slice %arg6[%dma_wait3A_475, %dma_wait3A_476, %dma_wait3A_477] : memref<8x2x128xi32, #tpu.memory_space<vmem>> -> memref<1x2x128xi32, #tpu.memory_space<vmem>>
        %dma_wait3A_479 = tpu.memref_squeeze %dma_wait3A_478 : memref<1x2x128xi32, #tpu.memory_space<vmem>> -> memref<2x128xi32, #tpu.memory_space<vmem>>
        %dma_wait3A_480 = arith.constant 0 : i32
        %dma_wait3A_481 = arith.constant 0 : i32
        %dma_wait3A_482 = tpu.memref_slice %arg3[%add3A, %add3A_474, %dma_wait3A_480, %dma_wait3A_481] : memref<32x80x2x128xi32, #tpu.memory_space<hbm>> -> memref<1x1x2x128xi32, #tpu.memory_space<hbm>>
        %dma_wait3A_483 = tpu.memref_squeeze %dma_wait3A_482 : memref<1x1x2x128xi32, #tpu.memory_space<hbm>> -> memref<2x128xi32, #tpu.memory_space<hbm>>
        %dma_wait3A_484 = arith.constant 0 : i32
        %dma_wait3A_485 = arith.constant 0 : i32
        %dma_wait3A_486 = tpu.memref_slice %arg6[%dma_wait3A_475, %dma_wait3A_484, %dma_wait3A_485] : memref<8x2x128xi32, #tpu.memory_space<vmem>> -> memref<1x2x128xi32, #tpu.memory_space<vmem>>
        %dma_wait3A_487 = tpu.memref_squeeze %dma_wait3A_486 : memref<1x2x128xi32, #tpu.memory_space<vmem>> -> memref<2x128xi32, #tpu.memory_space<vmem>>
        %dma_wait3A_488 = arith.constant 0 : i32
        %dma_wait3A_489 = arith.constant 0 : i32
        %dma_wait3A_490 = tpu.memref_slice %arg3[%add3A, %add3A_474, %dma_wait3A_488, %dma_wait3A_489] : memref<32x80x2x128xi32, #tpu.memory_space<hbm>> -> memref<1x1x2x128xi32, #tpu.memory_space<hbm>>
        %dma_wait3A_491 = tpu.memref_squeeze %dma_wait3A_490 : memref<1x1x2x128xi32, #tpu.memory_space<hbm>> -> memref<2x128xi32, #tpu.memory_space<hbm>>
        tpu.wait_dma2 semaphore(%arg16 : memref<!tpu.dma_semaphore, #tpu.memory_space<semaphore_mem>>) src(%dma_wait3A_491 : memref<2x128xi32, #tpu.memory_space<hbm>>) dst(%dma_wait3A_487 : memref<2x128xi32, #tpu.memory_space<vmem>>)
        %dma_start3A_492 = arith.constant 5 : i32
        %dma_start3A_493 = arith.constant 0 : i32
        %dma_start3A_494 = arith.constant 1 : i32
        %dma_start3A_495 = arith.constant 0 : i32
        %dma_start3A_496 = arith.constant 0 : i32
        %dma_start3A_497 = tpu.memref_slice %arg7[%dma_start3A_494, %dma_start3A_495, %dma_start3A_496] : memref<2x128x128xf32, #tpu.memory_space<vmem>> -> memref<1x128x128xf32, #tpu.memory_space<vmem>>
        %dma_start3A_498 = tpu.memref_squeeze %dma_start3A_497 : memref<1x128x128xf32, #tpu.memory_space<vmem>> -> memref<128x128xf32, #tpu.memory_space<vmem>>
        %dma_start3A_499 = arith.constant 0 : i32
        %dma_start3A_500 = tpu.memref_slice %arg6[%dma_start3A_492, %dma_start3A_493, %dma_start3A_499] : memref<8x2x128xi32, #tpu.memory_space<vmem>> -> memref<1x1x128xi32, #tpu.memory_space<vmem>>
        %dma_start3A_501 = tpu.memref_squeeze %dma_start3A_500 : memref<1x1x128xi32, #tpu.memory_space<vmem>> -> memref<128xi32, #tpu.memory_space<vmem>>
        %dma_start3A_502 = arith.constant 0 : i32
        %dma_start3A_503 = arith.constant 0 : i32
        %dma_start3A_504 = tpu.memref_slice %arg2[%dma_start3A_502, %dma_start3A_503] : memref<10000x128xf32, #tpu.memory_space<hbm>> -> memref<10000x128xf32, #tpu.memory_space<hbm>>
        tpu.enqueue_indirect_dma source(%dma_start3A_504 : memref<10000x128xf32, #tpu.memory_space<hbm>>) target(%dma_start3A_498 : memref<128x128xf32, #tpu.memory_space<vmem>>) offsets(%dma_start3A_501 : memref<128xi32, #tpu.memory_space<vmem>>) semaphore(%arg10 : memref<!tpu.dma_semaphore, #tpu.memory_space<semaphore_mem>>)
      } else {
      }
      %add3A_345 = arith.constant 4 : i32
      %add3A_346 = arith.addi %add3A_220, %add3A_345 : i32
      %dma_wait3A_347 = arith.constant 4 : i32
      %dma_wait3A_348 = arith.constant 0 : i32
      %dma_wait3A_349 = arith.constant 0 : i32
      %dma_wait3A_350 = arith.constant 0 : i32
      %dma_wait3A_351 = arith.constant 0 : i32
      %dma_wait3A_352 = tpu.memref_slice %arg7[%dma_wait3A_349, %dma_wait3A_350, %dma_wait3A_351] : memref<2x128x128xf32, #tpu.memory_space<vmem>> -> memref<1x128x128xf32, #tpu.memory_space<vmem>>
      %dma_wait3A_353 = tpu.memref_squeeze %dma_wait3A_352 : memref<1x128x128xf32, #tpu.memory_space<vmem>> -> memref<128x128xf32, #tpu.memory_space<vmem>>
      %dma_wait3A_354 = arith.constant 0 : i32
      %dma_wait3A_355 = tpu.memref_slice %arg6[%dma_wait3A_347, %dma_wait3A_348, %dma_wait3A_354] : memref<8x2x128xi32, #tpu.memory_space<vmem>> -> memref<1x1x128xi32, #tpu.memory_space<vmem>>
      %dma_wait3A_356 = tpu.memref_squeeze %dma_wait3A_355 : memref<1x1x128xi32, #tpu.memory_space<vmem>> -> memref<128xi32, #tpu.memory_space<vmem>>
      %dma_wait3A_357 = arith.constant 0 : i32
      %dma_wait3A_358 = arith.constant 0 : i32
      %dma_wait3A_359 = tpu.memref_slice %arg2[%dma_wait3A_357, %dma_wait3A_358] : memref<10000x128xf32, #tpu.memory_space<hbm>> -> memref<10000x128xf32, #tpu.memory_space<hbm>>
      tpu.wait_indirect_dma semaphore(%arg9 : memref<!tpu.dma_semaphore, #tpu.memory_space<semaphore_mem>>) src(%dma_wait3A_359 : memref<10000x128xf32, #tpu.memory_space<hbm>>) dst(%dma_wait3A_353 : memref<128x128xf32, #tpu.memory_space<vmem>>)
      %run_scoped3A_360 = arith.constant 0 : i32
      %run_scoped3A_361 = arith.constant 4 : i32
      %run_scoped3A_362 = arith.constant 1 : i32
      "tpu.region"() ({
        %run_scoped3A_473 = tpu.sem_alloc : memref<!tpu.dma_semaphore, #tpu.memory_space<semaphore_mem>>
        %dma_start3A_474 = arith.constant 0 : i32
        %dma_start3A_475 = arith.constant 0 : i32
        %dma_start3A_476 = tpu.memref_slice %arg7[%run_scoped3A_360, %dma_start3A_474, %dma_start3A_475] : memref<2x128x128xf32, #tpu.memory_space<vmem>> -> memref<1x128x128xf32, #tpu.memory_space<vmem>>
        %dma_start3A_477 = tpu.memref_squeeze %dma_start3A_476 : memref<1x128x128xf32, #tpu.memory_space<vmem>> -> memref<128x128xf32, #tpu.memory_space<vmem>>
        %dma_start3A_478 = arith.constant 0 : i32
        %dma_start3A_479 = tpu.memref_slice %arg6[%run_scoped3A_361, %run_scoped3A_362, %dma_start3A_478] : memref<8x2x128xi32, #tpu.memory_space<vmem>> -> memref<1x1x128xi32, #tpu.memory_space<vmem>>
        %dma_start3A_480 = tpu.memref_squeeze %dma_start3A_479 : memref<1x1x128xi32, #tpu.memory_space<vmem>> -> memref<128xi32, #tpu.memory_space<vmem>>
        %dma_start3A_481 = arith.constant 0 : i32
        %dma_start3A_482 = arith.constant 0 : i32
        %dma_start3A_483 = tpu.memref_slice %arg8[%dma_start3A_481, %dma_start3A_482] : memref<10112x128xf32, #tpu.memory_space<vmem_shared>> -> memref<10112x128xf32, #tpu.memory_space<vmem_shared>>
        tpu.enqueue_indirect_dma source(%dma_start3A_477 : memref<128x128xf32, #tpu.memory_space<vmem>>) target(%dma_start3A_483 : memref<10112x128xf32, #tpu.memory_space<vmem_shared>>) offsets(%dma_start3A_480 : memref<128xi32, #tpu.memory_space<vmem>>) semaphore(%run_scoped3A_473 : memref<!tpu.dma_semaphore, #tpu.memory_space<semaphore_mem>>) {add = true}
        %dma_wait3A_484 = arith.constant 0 : i32
        %dma_wait3A_485 = arith.constant 0 : i32
        %dma_wait3A_486 = tpu.memref_slice %arg7[%run_scoped3A_360, %dma_wait3A_484, %dma_wait3A_485] : memref<2x128x128xf32, #tpu.memory_space<vmem>> -> memref<1x128x128xf32, #tpu.memory_space<vmem>>
        %dma_wait3A_487 = tpu.memref_squeeze %dma_wait3A_486 : memref<1x128x128xf32, #tpu.memory_space<vmem>> -> memref<128x128xf32, #tpu.memory_space<vmem>>
        %dma_wait3A_488 = arith.constant 0 : i32
        %dma_wait3A_489 = tpu.memref_slice %arg6[%run_scoped3A_361, %run_scoped3A_362, %dma_wait3A_488] : memref<8x2x128xi32, #tpu.memory_space<vmem>> -> memref<1x1x128xi32, #tpu.memory_space<vmem>>
        %dma_wait3A_490 = tpu.memref_squeeze %dma_wait3A_489 : memref<1x1x128xi32, #tpu.memory_space<vmem>> -> memref<128xi32, #tpu.memory_space<vmem>>
        %dma_wait3A_491 = arith.constant 0 : i32
        %dma_wait3A_492 = arith.constant 0 : i32
        %dma_wait3A_493 = tpu.memref_slice %arg8[%dma_wait3A_491, %dma_wait3A_492] : memref<10112x128xf32, #tpu.memory_space<vmem_shared>> -> memref<10112x128xf32, #tpu.memory_space<vmem_shared>>
        tpu.wait_indirect_dma semaphore(%run_scoped3A_473 : memref<!tpu.dma_semaphore, #tpu.memory_space<semaphore_mem>>) src(%dma_wait3A_487 : memref<128x128xf32, #tpu.memory_space<vmem>>) dst(%dma_wait3A_493 : memref<10112x128xf32, #tpu.memory_space<vmem_shared>>)
        tpu.yield
      }) : () -> ()
      %add3A_363 = arith.constant 8 : i32
      %add3A_364 = arith.addi %add3A_346, %add3A_363 : i32
      %lt3A_365 = arith.constant 80 : i32
      %lt3A_366 = arith.cmpi slt, %add3A_364, %lt3A_365 : i32
      %convert_element_type3A_367 = arith.extui %lt3A_366 : i1 to i32
      %cond3A_368 = arith.constant 0 : i32
      %cond3A_369 = arith.cmpi ne, %convert_element_type3A_367, %cond3A_368 : i32
      scf.if %cond3A_369 {
        %add3A_473 = arith.constant 8 : i32
        %add3A_474 = arith.addi %add3A_346, %add3A_473 : i32
        %dma_start3A_475 = arith.constant 4 : i32
        %dma_start3A_476 = arith.constant 0 : i32
        %dma_start3A_477 = arith.constant 0 : i32
        %dma_start3A_478 = tpu.memref_slice %arg6[%dma_start3A_475, %dma_start3A_476, %dma_start3A_477] : memref<8x2x128xi32, #tpu.memory_space<vmem>> -> memref<1x2x128xi32, #tpu.memory_space<vmem>>
        %dma_start3A_479 = tpu.memref_squeeze %dma_start3A_478 : memref<1x2x128xi32, #tpu.memory_space<vmem>> -> memref<2x128xi32, #tpu.memory_space<vmem>>
        %dma_start3A_480 = arith.constant 0 : i32
        %dma_start3A_481 = arith.constant 0 : i32
        %dma_start3A_482 = tpu.memref_slice %arg3[%add3A, %add3A_474, %dma_start3A_480, %dma_start3A_481] : memref<32x80x2x128xi32, #tpu.memory_space<hbm>> -> memref<1x1x2x128xi32, #tpu.memory_space<hbm>>
        %dma_start3A_483 = tpu.memref_squeeze %dma_start3A_482 : memref<1x1x2x128xi32, #tpu.memory_space<hbm>> -> memref<2x128xi32, #tpu.memory_space<hbm>>
        %dma_start3A_484 = arith.constant 0 : i32
        %dma_start3A_485 = arith.constant 0 : i32
        %dma_start3A_486 = tpu.memref_slice %arg6[%dma_start3A_475, %dma_start3A_484, %dma_start3A_485] : memref<8x2x128xi32, #tpu.memory_space<vmem>> -> memref<1x2x128xi32, #tpu.memory_space<vmem>>
        %dma_start3A_487 = tpu.memref_squeeze %dma_start3A_486 : memref<1x2x128xi32, #tpu.memory_space<vmem>> -> memref<2x128xi32, #tpu.memory_space<vmem>>
        %dma_start3A_488 = arith.constant 0 : i32
        %dma_start3A_489 = arith.constant 0 : i32
        %dma_start3A_490 = tpu.memref_slice %arg3[%add3A, %add3A_474, %dma_start3A_488, %dma_start3A_489] : memref<32x80x2x128xi32, #tpu.memory_space<hbm>> -> memref<1x1x2x128xi32, #tpu.memory_space<hbm>>
        %dma_start3A_491 = tpu.memref_squeeze %dma_start3A_490 : memref<1x1x2x128xi32, #tpu.memory_space<hbm>> -> memref<2x128xi32, #tpu.memory_space<hbm>>
        tpu.enqueue_dma source(%dma_start3A_491 : memref<2x128xi32, #tpu.memory_space<hbm>>) target(%dma_start3A_487 : memref<2x128xi32, #tpu.memory_space<vmem>>) target_semaphore(%arg15 : memref<!tpu.dma_semaphore, #tpu.memory_space<semaphore_mem>>)
      } else {
      }
      %add3A_370 = arith.constant 2 : i32
      %add3A_371 = arith.addi %add3A_346, %add3A_370 : i32
      %lt3A_372 = arith.constant 80 : i32
      %lt3A_373 = arith.cmpi slt, %add3A_371, %lt3A_372 : i32
      %convert_element_type3A_374 = arith.extui %lt3A_373 : i1 to i32
      %cond3A_375 = arith.constant 0 : i32
      %cond3A_376 = arith.cmpi ne, %convert_element_type3A_374, %cond3A_375 : i32
      scf.if %cond3A_376 {
        %add3A_473 = arith.constant 2 : i32
        %add3A_474 = arith.addi %add3A_346, %add3A_473 : i32
        %dma_wait3A_475 = arith.constant 6 : i32
        %dma_wait3A_476 = arith.constant 0 : i32
        %dma_wait3A_477 = arith.constant 0 : i32
        %dma_wait3A_478 = tpu.memref_slice %arg6[%dma_wait3A_475, %dma_wait3A_476, %dma_wait3A_477] : memref<8x2x128xi32, #tpu.memory_space<vmem>> -> memref<1x2x128xi32, #tpu.memory_space<vmem>>
        %dma_wait3A_479 = tpu.memref_squeeze %dma_wait3A_478 : memref<1x2x128xi32, #tpu.memory_space<vmem>> -> memref<2x128xi32, #tpu.memory_space<vmem>>
        %dma_wait3A_480 = arith.constant 0 : i32
        %dma_wait3A_481 = arith.constant 0 : i32
        %dma_wait3A_482 = tpu.memref_slice %arg3[%add3A, %add3A_474, %dma_wait3A_480, %dma_wait3A_481] : memref<32x80x2x128xi32, #tpu.memory_space<hbm>> -> memref<1x1x2x128xi32, #tpu.memory_space<hbm>>
        %dma_wait3A_483 = tpu.memref_squeeze %dma_wait3A_482 : memref<1x1x2x128xi32, #tpu.memory_space<hbm>> -> memref<2x128xi32, #tpu.memory_space<hbm>>
        %dma_wait3A_484 = arith.constant 0 : i32
        %dma_wait3A_485 = arith.constant 0 : i32
        %dma_wait3A_486 = tpu.memref_slice %arg6[%dma_wait3A_475, %dma_wait3A_484, %dma_wait3A_485] : memref<8x2x128xi32, #tpu.memory_space<vmem>> -> memref<1x2x128xi32, #tpu.memory_space<vmem>>
        %dma_wait3A_487 = tpu.memref_squeeze %dma_wait3A_486 : memref<1x2x128xi32, #tpu.memory_space<vmem>> -> memref<2x128xi32, #tpu.memory_space<vmem>>
        %dma_wait3A_488 = arith.constant 0 : i32
        %dma_wait3A_489 = arith.constant 0 : i32
        %dma_wait3A_490 = tpu.memref_slice %arg3[%add3A, %add3A_474, %dma_wait3A_488, %dma_wait3A_489] : memref<32x80x2x128xi32, #tpu.memory_space<hbm>> -> memref<1x1x2x128xi32, #tpu.memory_space<hbm>>
        %dma_wait3A_491 = tpu.memref_squeeze %dma_wait3A_490 : memref<1x1x2x128xi32, #tpu.memory_space<hbm>> -> memref<2x128xi32, #tpu.memory_space<hbm>>
        tpu.wait_dma2 semaphore(%arg17 : memref<!tpu.dma_semaphore, #tpu.memory_space<semaphore_mem>>) src(%dma_wait3A_491 : memref<2x128xi32, #tpu.memory_space<hbm>>) dst(%dma_wait3A_487 : memref<2x128xi32, #tpu.memory_space<vmem>>)
        %dma_start3A_492 = arith.constant 6 : i32
        %dma_start3A_493 = arith.constant 0 : i32
        %dma_start3A_494 = arith.constant 0 : i32
        %dma_start3A_495 = arith.constant 0 : i32
        %dma_start3A_496 = arith.constant 0 : i32
        %dma_start3A_497 = tpu.memref_slice %arg7[%dma_start3A_494, %dma_start3A_495, %dma_start3A_496] : memref<2x128x128xf32, #tpu.memory_space<vmem>> -> memref<1x128x128xf32, #tpu.memory_space<vmem>>
        %dma_start3A_498 = tpu.memref_squeeze %dma_start3A_497 : memref<1x128x128xf32, #tpu.memory_space<vmem>> -> memref<128x128xf32, #tpu.memory_space<vmem>>
        %dma_start3A_499 = arith.constant 0 : i32
        %dma_start3A_500 = tpu.memref_slice %arg6[%dma_start3A_492, %dma_start3A_493, %dma_start3A_499] : memref<8x2x128xi32, #tpu.memory_space<vmem>> -> memref<1x1x128xi32, #tpu.memory_space<vmem>>
        %dma_start3A_501 = tpu.memref_squeeze %dma_start3A_500 : memref<1x1x128xi32, #tpu.memory_space<vmem>> -> memref<128xi32, #tpu.memory_space<vmem>>
        %dma_start3A_502 = arith.constant 0 : i32
        %dma_start3A_503 = arith.constant 0 : i32
        %dma_start3A_504 = tpu.memref_slice %arg2[%dma_start3A_502, %dma_start3A_503] : memref<10000x128xf32, #tpu.memory_space<hbm>> -> memref<10000x128xf32, #tpu.memory_space<hbm>>
        tpu.enqueue_indirect_dma source(%dma_start3A_504 : memref<10000x128xf32, #tpu.memory_space<hbm>>) target(%dma_start3A_498 : memref<128x128xf32, #tpu.memory_space<vmem>>) offsets(%dma_start3A_501 : memref<128xi32, #tpu.memory_space<vmem>>) semaphore(%arg9 : memref<!tpu.dma_semaphore, #tpu.memory_space<semaphore_mem>>)
      } else {
      }
      %add3A_377 = arith.constant 5 : i32
      %add3A_378 = arith.addi %add3A_220, %add3A_377 : i32
      %dma_wait3A_379 = arith.constant 5 : i32
      %dma_wait3A_380 = arith.constant 0 : i32
      %dma_wait3A_381 = arith.constant 1 : i32
      %dma_wait3A_382 = arith.constant 0 : i32
      %dma_wait3A_383 = arith.constant 0 : i32
      %dma_wait3A_384 = tpu.memref_slice %arg7[%dma_wait3A_381, %dma_wait3A_382, %dma_wait3A_383] : memref<2x128x128xf32, #tpu.memory_space<vmem>> -> memref<1x128x128xf32, #tpu.memory_space<vmem>>
      %dma_wait3A_385 = tpu.memref_squeeze %dma_wait3A_384 : memref<1x128x128xf32, #tpu.memory_space<vmem>> -> memref<128x128xf32, #tpu.memory_space<vmem>>
      %dma_wait3A_386 = arith.constant 0 : i32
      %dma_wait3A_387 = tpu.memref_slice %arg6[%dma_wait3A_379, %dma_wait3A_380, %dma_wait3A_386] : memref<8x2x128xi32, #tpu.memory_space<vmem>> -> memref<1x1x128xi32, #tpu.memory_space<vmem>>
      %dma_wait3A_388 = tpu.memref_squeeze %dma_wait3A_387 : memref<1x1x128xi32, #tpu.memory_space<vmem>> -> memref<128xi32, #tpu.memory_space<vmem>>
      %dma_wait3A_389 = arith.constant 0 : i32
      %dma_wait3A_390 = arith.constant 0 : i32
      %dma_wait3A_391 = tpu.memref_slice %arg2[%dma_wait3A_389, %dma_wait3A_390] : memref<10000x128xf32, #tpu.memory_space<hbm>> -> memref<10000x128xf32, #tpu.memory_space<hbm>>
      tpu.wait_indirect_dma semaphore(%arg10 : memref<!tpu.dma_semaphore, #tpu.memory_space<semaphore_mem>>) src(%dma_wait3A_391 : memref<10000x128xf32, #tpu.memory_space<hbm>>) dst(%dma_wait3A_385 : memref<128x128xf32, #tpu.memory_space<vmem>>)
      %run_scoped3A_392 = arith.constant 1 : i32
      %run_scoped3A_393 = arith.constant 5 : i32
      %run_scoped3A_394 = arith.constant 1 : i32
      "tpu.region"() ({
        %run_scoped3A_473 = tpu.sem_alloc : memref<!tpu.dma_semaphore, #tpu.memory_space<semaphore_mem>>
        %dma_start3A_474 = arith.constant 0 : i32
        %dma_start3A_475 = arith.constant 0 : i32
        %dma_start3A_476 = tpu.memref_slice %arg7[%run_scoped3A_392, %dma_start3A_474, %dma_start3A_475] : memref<2x128x128xf32, #tpu.memory_space<vmem>> -> memref<1x128x128xf32, #tpu.memory_space<vmem>>
        %dma_start3A_477 = tpu.memref_squeeze %dma_start3A_476 : memref<1x128x128xf32, #tpu.memory_space<vmem>> -> memref<128x128xf32, #tpu.memory_space<vmem>>
        %dma_start3A_478 = arith.constant 0 : i32
        %dma_start3A_479 = tpu.memref_slice %arg6[%run_scoped3A_393, %run_scoped3A_394, %dma_start3A_478] : memref<8x2x128xi32, #tpu.memory_space<vmem>> -> memref<1x1x128xi32, #tpu.memory_space<vmem>>
        %dma_start3A_480 = tpu.memref_squeeze %dma_start3A_479 : memref<1x1x128xi32, #tpu.memory_space<vmem>> -> memref<128xi32, #tpu.memory_space<vmem>>
        %dma_start3A_481 = arith.constant 0 : i32
        %dma_start3A_482 = arith.constant 0 : i32
        %dma_start3A_483 = tpu.memref_slice %arg8[%dma_start3A_481, %dma_start3A_482] : memref<10112x128xf32, #tpu.memory_space<vmem_shared>> -> memref<10112x128xf32, #tpu.memory_space<vmem_shared>>
        tpu.enqueue_indirect_dma source(%dma_start3A_477 : memref<128x128xf32, #tpu.memory_space<vmem>>) target(%dma_start3A_483 : memref<10112x128xf32, #tpu.memory_space<vmem_shared>>) offsets(%dma_start3A_480 : memref<128xi32, #tpu.memory_space<vmem>>) semaphore(%run_scoped3A_473 : memref<!tpu.dma_semaphore, #tpu.memory_space<semaphore_mem>>) {add = true}
        %dma_wait3A_484 = arith.constant 0 : i32
        %dma_wait3A_485 = arith.constant 0 : i32
        %dma_wait3A_486 = tpu.memref_slice %arg7[%run_scoped3A_392, %dma_wait3A_484, %dma_wait3A_485] : memref<2x128x128xf32, #tpu.memory_space<vmem>> -> memref<1x128x128xf32, #tpu.memory_space<vmem>>
        %dma_wait3A_487 = tpu.memref_squeeze %dma_wait3A_486 : memref<1x128x128xf32, #tpu.memory_space<vmem>> -> memref<128x128xf32, #tpu.memory_space<vmem>>
        %dma_wait3A_488 = arith.constant 0 : i32
        %dma_wait3A_489 = tpu.memref_slice %arg6[%run_scoped3A_393, %run_scoped3A_394, %dma_wait3A_488] : memref<8x2x128xi32, #tpu.memory_space<vmem>> -> memref<1x1x128xi32, #tpu.memory_space<vmem>>
        %dma_wait3A_490 = tpu.memref_squeeze %dma_wait3A_489 : memref<1x1x128xi32, #tpu.memory_space<vmem>> -> memref<128xi32, #tpu.memory_space<vmem>>
        %dma_wait3A_491 = arith.constant 0 : i32
        %dma_wait3A_492 = arith.constant 0 : i32
        %dma_wait3A_493 = tpu.memref_slice %arg8[%dma_wait3A_491, %dma_wait3A_492] : memref<10112x128xf32, #tpu.memory_space<vmem_shared>> -> memref<10112x128xf32, #tpu.memory_space<vmem_shared>>
        tpu.wait_indirect_dma semaphore(%run_scoped3A_473 : memref<!tpu.dma_semaphore, #tpu.memory_space<semaphore_mem>>) src(%dma_wait3A_487 : memref<128x128xf32, #tpu.memory_space<vmem>>) dst(%dma_wait3A_493 : memref<10112x128xf32, #tpu.memory_space<vmem_shared>>)
        tpu.yield
      }) : () -> ()
      %add3A_395 = arith.constant 8 : i32
      %add3A_396 = arith.addi %add3A_378, %add3A_395 : i32
      %lt3A_397 = arith.constant 80 : i32
      %lt3A_398 = arith.cmpi slt, %add3A_396, %lt3A_397 : i32
      %convert_element_type3A_399 = arith.extui %lt3A_398 : i1 to i32
      %cond3A_400 = arith.constant 0 : i32
      %cond3A_401 = arith.cmpi ne, %convert_element_type3A_399, %cond3A_400 : i32
      scf.if %cond3A_401 {
        %add3A_473 = arith.constant 8 : i32
        %add3A_474 = arith.addi %add3A_378, %add3A_473 : i32
        %dma_start3A_475 = arith.constant 5 : i32
        %dma_start3A_476 = arith.constant 0 : i32
        %dma_start3A_477 = arith.constant 0 : i32
        %dma_start3A_478 = tpu.memref_slice %arg6[%dma_start3A_475, %dma_start3A_476, %dma_start3A_477] : memref<8x2x128xi32, #tpu.memory_space<vmem>> -> memref<1x2x128xi32, #tpu.memory_space<vmem>>
        %dma_start3A_479 = tpu.memref_squeeze %dma_start3A_478 : memref<1x2x128xi32, #tpu.memory_space<vmem>> -> memref<2x128xi32, #tpu.memory_space<vmem>>
        %dma_start3A_480 = arith.constant 0 : i32
        %dma_start3A_481 = arith.constant 0 : i32
        %dma_start3A_482 = tpu.memref_slice %arg3[%add3A, %add3A_474, %dma_start3A_480, %dma_start3A_481] : memref<32x80x2x128xi32, #tpu.memory_space<hbm>> -> memref<1x1x2x128xi32, #tpu.memory_space<hbm>>
        %dma_start3A_483 = tpu.memref_squeeze %dma_start3A_482 : memref<1x1x2x128xi32, #tpu.memory_space<hbm>> -> memref<2x128xi32, #tpu.memory_space<hbm>>
        %dma_start3A_484 = arith.constant 0 : i32
        %dma_start3A_485 = arith.constant 0 : i32
        %dma_start3A_486 = tpu.memref_slice %arg6[%dma_start3A_475, %dma_start3A_484, %dma_start3A_485] : memref<8x2x128xi32, #tpu.memory_space<vmem>> -> memref<1x2x128xi32, #tpu.memory_space<vmem>>
        %dma_start3A_487 = tpu.memref_squeeze %dma_start3A_486 : memref<1x2x128xi32, #tpu.memory_space<vmem>> -> memref<2x128xi32, #tpu.memory_space<vmem>>
        %dma_start3A_488 = arith.constant 0 : i32
        %dma_start3A_489 = arith.constant 0 : i32
        %dma_start3A_490 = tpu.memref_slice %arg3[%add3A, %add3A_474, %dma_start3A_488, %dma_start3A_489] : memref<32x80x2x128xi32, #tpu.memory_space<hbm>> -> memref<1x1x2x128xi32, #tpu.memory_space<hbm>>
        %dma_start3A_491 = tpu.memref_squeeze %dma_start3A_490 : memref<1x1x2x128xi32, #tpu.memory_space<hbm>> -> memref<2x128xi32, #tpu.memory_space<hbm>>
        tpu.enqueue_dma source(%dma_start3A_491 : memref<2x128xi32, #tpu.memory_space<hbm>>) target(%dma_start3A_487 : memref<2x128xi32, #tpu.memory_space<vmem>>) target_semaphore(%arg16 : memref<!tpu.dma_semaphore, #tpu.memory_space<semaphore_mem>>)
      } else {
      }
      %add3A_402 = arith.constant 2 : i32
      %add3A_403 = arith.addi %add3A_378, %add3A_402 : i32
      %lt3A_404 = arith.constant 80 : i32
      %lt3A_405 = arith.cmpi slt, %add3A_403, %lt3A_404 : i32
      %convert_element_type3A_406 = arith.extui %lt3A_405 : i1 to i32
      %cond3A_407 = arith.constant 0 : i32
      %cond3A_408 = arith.cmpi ne, %convert_element_type3A_406, %cond3A_407 : i32
      scf.if %cond3A_408 {
        %add3A_473 = arith.constant 2 : i32
        %add3A_474 = arith.addi %add3A_378, %add3A_473 : i32
        %dma_wait3A_475 = arith.constant 7 : i32
        %dma_wait3A_476 = arith.constant 0 : i32
        %dma_wait3A_477 = arith.constant 0 : i32
        %dma_wait3A_478 = tpu.memref_slice %arg6[%dma_wait3A_475, %dma_wait3A_476, %dma_wait3A_477] : memref<8x2x128xi32, #tpu.memory_space<vmem>> -> memref<1x2x128xi32, #tpu.memory_space<vmem>>
        %dma_wait3A_479 = tpu.memref_squeeze %dma_wait3A_478 : memref<1x2x128xi32, #tpu.memory_space<vmem>> -> memref<2x128xi32, #tpu.memory_space<vmem>>
        %dma_wait3A_480 = arith.constant 0 : i32
        %dma_wait3A_481 = arith.constant 0 : i32
        %dma_wait3A_482 = tpu.memref_slice %arg3[%add3A, %add3A_474, %dma_wait3A_480, %dma_wait3A_481] : memref<32x80x2x128xi32, #tpu.memory_space<hbm>> -> memref<1x1x2x128xi32, #tpu.memory_space<hbm>>
        %dma_wait3A_483 = tpu.memref_squeeze %dma_wait3A_482 : memref<1x1x2x128xi32, #tpu.memory_space<hbm>> -> memref<2x128xi32, #tpu.memory_space<hbm>>
        %dma_wait3A_484 = arith.constant 0 : i32
        %dma_wait3A_485 = arith.constant 0 : i32
        %dma_wait3A_486 = tpu.memref_slice %arg6[%dma_wait3A_475, %dma_wait3A_484, %dma_wait3A_485] : memref<8x2x128xi32, #tpu.memory_space<vmem>> -> memref<1x2x128xi32, #tpu.memory_space<vmem>>
        %dma_wait3A_487 = tpu.memref_squeeze %dma_wait3A_486 : memref<1x2x128xi32, #tpu.memory_space<vmem>> -> memref<2x128xi32, #tpu.memory_space<vmem>>
        %dma_wait3A_488 = arith.constant 0 : i32
        %dma_wait3A_489 = arith.constant 0 : i32
        %dma_wait3A_490 = tpu.memref_slice %arg3[%add3A, %add3A_474, %dma_wait3A_488, %dma_wait3A_489] : memref<32x80x2x128xi32, #tpu.memory_space<hbm>> -> memref<1x1x2x128xi32, #tpu.memory_space<hbm>>
        %dma_wait3A_491 = tpu.memref_squeeze %dma_wait3A_490 : memref<1x1x2x128xi32, #tpu.memory_space<hbm>> -> memref<2x128xi32, #tpu.memory_space<hbm>>
        tpu.wait_dma2 semaphore(%arg18 : memref<!tpu.dma_semaphore, #tpu.memory_space<semaphore_mem>>) src(%dma_wait3A_491 : memref<2x128xi32, #tpu.memory_space<hbm>>) dst(%dma_wait3A_487 : memref<2x128xi32, #tpu.memory_space<vmem>>)
        %dma_start3A_492 = arith.constant 7 : i32
        %dma_start3A_493 = arith.constant 0 : i32
        %dma_start3A_494 = arith.constant 1 : i32
        %dma_start3A_495 = arith.constant 0 : i32
        %dma_start3A_496 = arith.constant 0 : i32
        %dma_start3A_497 = tpu.memref_slice %arg7[%dma_start3A_494, %dma_start3A_495, %dma_start3A_496] : memref<2x128x128xf32, #tpu.memory_space<vmem>> -> memref<1x128x128xf32, #tpu.memory_space<vmem>>
        %dma_start3A_498 = tpu.memref_squeeze %dma_start3A_497 : memref<1x128x128xf32, #tpu.memory_space<vmem>> -> memref<128x128xf32, #tpu.memory_space<vmem>>
        %dma_start3A_499 = arith.constant 0 : i32
        %dma_start3A_500 = tpu.memref_slice %arg6[%dma_start3A_492, %dma_start3A_493, %dma_start3A_499] : memref<8x2x128xi32, #tpu.memory_space<vmem>> -> memref<1x1x128xi32, #tpu.memory_space<vmem>>
        %dma_start3A_501 = tpu.memref_squeeze %dma_start3A_500 : memref<1x1x128xi32, #tpu.memory_space<vmem>> -> memref<128xi32, #tpu.memory_space<vmem>>
        %dma_start3A_502 = arith.constant 0 : i32
        %dma_start3A_503 = arith.constant 0 : i32
        %dma_start3A_504 = tpu.memref_slice %arg2[%dma_start3A_502, %dma_start3A_503] : memref<10000x128xf32, #tpu.memory_space<hbm>> -> memref<10000x128xf32, #tpu.memory_space<hbm>>
        tpu.enqueue_indirect_dma source(%dma_start3A_504 : memref<10000x128xf32, #tpu.memory_space<hbm>>) target(%dma_start3A_498 : memref<128x128xf32, #tpu.memory_space<vmem>>) offsets(%dma_start3A_501 : memref<128xi32, #tpu.memory_space<vmem>>) semaphore(%arg10 : memref<!tpu.dma_semaphore, #tpu.memory_space<semaphore_mem>>)
      } else {
      }
      %add3A_409 = arith.constant 6 : i32
      %add3A_410 = arith.addi %add3A_220, %add3A_409 : i32
      %dma_wait3A_411 = arith.constant 6 : i32
      %dma_wait3A_412 = arith.constant 0 : i32
      %dma_wait3A_413 = arith.constant 0 : i32
      %dma_wait3A_414 = arith.constant 0 : i32
      %dma_wait3A_415 = arith.constant 0 : i32
      %dma_wait3A_416 = tpu.memref_slice %arg7[%dma_wait3A_413, %dma_wait3A_414, %dma_wait3A_415] : memref<2x128x128xf32, #tpu.memory_space<vmem>> -> memref<1x128x128xf32, #tpu.memory_space<vmem>>
      %dma_wait3A_417 = tpu.memref_squeeze %dma_wait3A_416 : memref<1x128x128xf32, #tpu.memory_space<vmem>> -> memref<128x128xf32, #tpu.memory_space<vmem>>
      %dma_wait3A_418 = arith.constant 0 : i32
      %dma_wait3A_419 = tpu.memref_slice %arg6[%dma_wait3A_411, %dma_wait3A_412, %dma_wait3A_418] : memref<8x2x128xi32, #tpu.memory_space<vmem>> -> memref<1x1x128xi32, #tpu.memory_space<vmem>>
      %dma_wait3A_420 = tpu.memref_squeeze %dma_wait3A_419 : memref<1x1x128xi32, #tpu.memory_space<vmem>> -> memref<128xi32, #tpu.memory_space<vmem>>
      %dma_wait3A_421 = arith.constant 0 : i32
      %dma_wait3A_422 = arith.constant 0 : i32
      %dma_wait3A_423 = tpu.memref_slice %arg2[%dma_wait3A_421, %dma_wait3A_422] : memref<10000x128xf32, #tpu.memory_space<hbm>> -> memref<10000x128xf32, #tpu.memory_space<hbm>>
      tpu.wait_indirect_dma semaphore(%arg9 : memref<!tpu.dma_semaphore, #tpu.memory_space<semaphore_mem>>) src(%dma_wait3A_423 : memref<10000x128xf32, #tpu.memory_space<hbm>>) dst(%dma_wait3A_417 : memref<128x128xf32, #tpu.memory_space<vmem>>)
      %run_scoped3A_424 = arith.constant 0 : i32
      %run_scoped3A_425 = arith.constant 6 : i32
      %run_scoped3A_426 = arith.constant 1 : i32
      "tpu.region"() ({
        %run_scoped3A_473 = tpu.sem_alloc : memref<!tpu.dma_semaphore, #tpu.memory_space<semaphore_mem>>
        %dma_start3A_474 = arith.constant 0 : i32
        %dma_start3A_475 = arith.constant 0 : i32
        %dma_start3A_476 = tpu.memref_slice %arg7[%run_scoped3A_424, %dma_start3A_474, %dma_start3A_475] : memref<2x128x128xf32, #tpu.memory_space<vmem>> -> memref<1x128x128xf32, #tpu.memory_space<vmem>>
        %dma_start3A_477 = tpu.memref_squeeze %dma_start3A_476 : memref<1x128x128xf32, #tpu.memory_space<vmem>> -> memref<128x128xf32, #tpu.memory_space<vmem>>
        %dma_start3A_478 = arith.constant 0 : i32
        %dma_start3A_479 = tpu.memref_slice %arg6[%run_scoped3A_425, %run_scoped3A_426, %dma_start3A_478] : memref<8x2x128xi32, #tpu.memory_space<vmem>> -> memref<1x1x128xi32, #tpu.memory_space<vmem>>
        %dma_start3A_480 = tpu.memref_squeeze %dma_start3A_479 : memref<1x1x128xi32, #tpu.memory_space<vmem>> -> memref<128xi32, #tpu.memory_space<vmem>>
        %dma_start3A_481 = arith.constant 0 : i32
        %dma_start3A_482 = arith.constant 0 : i32
        %dma_start3A_483 = tpu.memref_slice %arg8[%dma_start3A_481, %dma_start3A_482] : memref<10112x128xf32, #tpu.memory_space<vmem_shared>> -> memref<10112x128xf32, #tpu.memory_space<vmem_shared>>
        tpu.enqueue_indirect_dma source(%dma_start3A_477 : memref<128x128xf32, #tpu.memory_space<vmem>>) target(%dma_start3A_483 : memref<10112x128xf32, #tpu.memory_space<vmem_shared>>) offsets(%dma_start3A_480 : memref<128xi32, #tpu.memory_space<vmem>>) semaphore(%run_scoped3A_473 : memref<!tpu.dma_semaphore, #tpu.memory_space<semaphore_mem>>) {add = true}
        %dma_wait3A_484 = arith.constant 0 : i32
        %dma_wait3A_485 = arith.constant 0 : i32
        %dma_wait3A_486 = tpu.memref_slice %arg7[%run_scoped3A_424, %dma_wait3A_484, %dma_wait3A_485] : memref<2x128x128xf32, #tpu.memory_space<vmem>> -> memref<1x128x128xf32, #tpu.memory_space<vmem>>
        %dma_wait3A_487 = tpu.memref_squeeze %dma_wait3A_486 : memref<1x128x128xf32, #tpu.memory_space<vmem>> -> memref<128x128xf32, #tpu.memory_space<vmem>>
        %dma_wait3A_488 = arith.constant 0 : i32
        %dma_wait3A_489 = tpu.memref_slice %arg6[%run_scoped3A_425, %run_scoped3A_426, %dma_wait3A_488] : memref<8x2x128xi32, #tpu.memory_space<vmem>> -> memref<1x1x128xi32, #tpu.memory_space<vmem>>
        %dma_wait3A_490 = tpu.memref_squeeze %dma_wait3A_489 : memref<1x1x128xi32, #tpu.memory_space<vmem>> -> memref<128xi32, #tpu.memory_space<vmem>>
        %dma_wait3A_491 = arith.constant 0 : i32
        %dma_wait3A_492 = arith.constant 0 : i32
        %dma_wait3A_493 = tpu.memref_slice %arg8[%dma_wait3A_491, %dma_wait3A_492] : memref<10112x128xf32, #tpu.memory_space<vmem_shared>> -> memref<10112x128xf32, #tpu.memory_space<vmem_shared>>
        tpu.wait_indirect_dma semaphore(%run_scoped3A_473 : memref<!tpu.dma_semaphore, #tpu.memory_space<semaphore_mem>>) src(%dma_wait3A_487 : memref<128x128xf32, #tpu.memory_space<vmem>>) dst(%dma_wait3A_493 : memref<10112x128xf32, #tpu.memory_space<vmem_shared>>)
        tpu.yield
      }) : () -> ()
      %add3A_427 = arith.constant 8 : i32
      %add3A_428 = arith.addi %add3A_410, %add3A_427 : i32
      %lt3A_429 = arith.constant 80 : i32
      %lt3A_430 = arith.cmpi slt, %add3A_428, %lt3A_429 : i32
      %convert_element_type3A_431 = arith.extui %lt3A_430 : i1 to i32
      %cond3A_432 = arith.constant 0 : i32
      %cond3A_433 = arith.cmpi ne, %convert_element_type3A_431, %cond3A_432 : i32
      scf.if %cond3A_433 {
        %add3A_473 = arith.constant 8 : i32
        %add3A_474 = arith.addi %add3A_410, %add3A_473 : i32
        %dma_start3A_475 = arith.constant 6 : i32
        %dma_start3A_476 = arith.constant 0 : i32
        %dma_start3A_477 = arith.constant 0 : i32
        %dma_start3A_478 = tpu.memref_slice %arg6[%dma_start3A_475, %dma_start3A_476, %dma_start3A_477] : memref<8x2x128xi32, #tpu.memory_space<vmem>> -> memref<1x2x128xi32, #tpu.memory_space<vmem>>
        %dma_start3A_479 = tpu.memref_squeeze %dma_start3A_478 : memref<1x2x128xi32, #tpu.memory_space<vmem>> -> memref<2x128xi32, #tpu.memory_space<vmem>>
        %dma_start3A_480 = arith.constant 0 : i32
        %dma_start3A_481 = arith.constant 0 : i32
        %dma_start3A_482 = tpu.memref_slice %arg3[%add3A, %add3A_474, %dma_start3A_480, %dma_start3A_481] : memref<32x80x2x128xi32, #tpu.memory_space<hbm>> -> memref<1x1x2x128xi32, #tpu.memory_space<hbm>>
        %dma_start3A_483 = tpu.memref_squeeze %dma_start3A_482 : memref<1x1x2x128xi32, #tpu.memory_space<hbm>> -> memref<2x128xi32, #tpu.memory_space<hbm>>
        %dma_start3A_484 = arith.constant 0 : i32
        %dma_start3A_485 = arith.constant 0 : i32
        %dma_start3A_486 = tpu.memref_slice %arg6[%dma_start3A_475, %dma_start3A_484, %dma_start3A_485] : memref<8x2x128xi32, #tpu.memory_space<vmem>> -> memref<1x2x128xi32, #tpu.memory_space<vmem>>
        %dma_start3A_487 = tpu.memref_squeeze %dma_start3A_486 : memref<1x2x128xi32, #tpu.memory_space<vmem>> -> memref<2x128xi32, #tpu.memory_space<vmem>>
        %dma_start3A_488 = arith.constant 0 : i32
        %dma_start3A_489 = arith.constant 0 : i32
        %dma_start3A_490 = tpu.memref_slice %arg3[%add3A, %add3A_474, %dma_start3A_488, %dma_start3A_489] : memref<32x80x2x128xi32, #tpu.memory_space<hbm>> -> memref<1x1x2x128xi32, #tpu.memory_space<hbm>>
        %dma_start3A_491 = tpu.memref_squeeze %dma_start3A_490 : memref<1x1x2x128xi32, #tpu.memory_space<hbm>> -> memref<2x128xi32, #tpu.memory_space<hbm>>
        tpu.enqueue_dma source(%dma_start3A_491 : memref<2x128xi32, #tpu.memory_space<hbm>>) target(%dma_start3A_487 : memref<2x128xi32, #tpu.memory_space<vmem>>) target_semaphore(%arg17 : memref<!tpu.dma_semaphore, #tpu.memory_space<semaphore_mem>>)
      } else {
      }
      %add3A_434 = arith.constant 2 : i32
      %add3A_435 = arith.addi %add3A_410, %add3A_434 : i32
      %lt3A_436 = arith.constant 80 : i32
      %lt3A_437 = arith.cmpi slt, %add3A_435, %lt3A_436 : i32
      %convert_element_type3A_438 = arith.extui %lt3A_437 : i1 to i32
      %cond3A_439 = arith.constant 0 : i32
      %cond3A_440 = arith.cmpi ne, %convert_element_type3A_438, %cond3A_439 : i32
      scf.if %cond3A_440 {
        %add3A_473 = arith.constant 2 : i32
        %add3A_474 = arith.addi %add3A_410, %add3A_473 : i32
        %dma_wait3A_475 = arith.constant 0 : i32
        %dma_wait3A_476 = arith.constant 0 : i32
        %dma_wait3A_477 = arith.constant 0 : i32
        %dma_wait3A_478 = tpu.memref_slice %arg6[%dma_wait3A_475, %dma_wait3A_476, %dma_wait3A_477] : memref<8x2x128xi32, #tpu.memory_space<vmem>> -> memref<1x2x128xi32, #tpu.memory_space<vmem>>
        %dma_wait3A_479 = tpu.memref_squeeze %dma_wait3A_478 : memref<1x2x128xi32, #tpu.memory_space<vmem>> -> memref<2x128xi32, #tpu.memory_space<vmem>>
        %dma_wait3A_480 = arith.constant 0 : i32
        %dma_wait3A_481 = arith.constant 0 : i32
        %dma_wait3A_482 = tpu.memref_slice %arg3[%add3A, %add3A_474, %dma_wait3A_480, %dma_wait3A_481] : memref<32x80x2x128xi32, #tpu.memory_space<hbm>> -> memref<1x1x2x128xi32, #tpu.memory_space<hbm>>
        %dma_wait3A_483 = tpu.memref_squeeze %dma_wait3A_482 : memref<1x1x2x128xi32, #tpu.memory_space<hbm>> -> memref<2x128xi32, #tpu.memory_space<hbm>>
        %dma_wait3A_484 = arith.constant 0 : i32
        %dma_wait3A_485 = arith.constant 0 : i32
        %dma_wait3A_486 = tpu.memref_slice %arg6[%dma_wait3A_475, %dma_wait3A_484, %dma_wait3A_485] : memref<8x2x128xi32, #tpu.memory_space<vmem>> -> memref<1x2x128xi32, #tpu.memory_space<vmem>>
        %dma_wait3A_487 = tpu.memref_squeeze %dma_wait3A_486 : memref<1x2x128xi32, #tpu.memory_space<vmem>> -> memref<2x128xi32, #tpu.memory_space<vmem>>
        %dma_wait3A_488 = arith.constant 0 : i32
        %dma_wait3A_489 = arith.constant 0 : i32
        %dma_wait3A_490 = tpu.memref_slice %arg3[%add3A, %add3A_474, %dma_wait3A_488, %dma_wait3A_489] : memref<32x80x2x128xi32, #tpu.memory_space<hbm>> -> memref<1x1x2x128xi32, #tpu.memory_space<hbm>>
        %dma_wait3A_491 = tpu.memref_squeeze %dma_wait3A_490 : memref<1x1x2x128xi32, #tpu.memory_space<hbm>> -> memref<2x128xi32, #tpu.memory_space<hbm>>
        tpu.wait_dma2 semaphore(%arg11 : memref<!tpu.dma_semaphore, #tpu.memory_space<semaphore_mem>>) src(%dma_wait3A_491 : memref<2x128xi32, #tpu.memory_space<hbm>>) dst(%dma_wait3A_487 : memref<2x128xi32, #tpu.memory_space<vmem>>)
        %dma_start3A_492 = arith.constant 0 : i32
        %dma_start3A_493 = arith.constant 0 : i32
        %dma_start3A_494 = arith.constant 0 : i32
        %dma_start3A_495 = arith.constant 0 : i32
        %dma_start3A_496 = arith.constant 0 : i32
        %dma_start3A_497 = tpu.memref_slice %arg7[%dma_start3A_494, %dma_start3A_495, %dma_start3A_496] : memref<2x128x128xf32, #tpu.memory_space<vmem>> -> memref<1x128x128xf32, #tpu.memory_space<vmem>>
        %dma_start3A_498 = tpu.memref_squeeze %dma_start3A_497 : memref<1x128x128xf32, #tpu.memory_space<vmem>> -> memref<128x128xf32, #tpu.memory_space<vmem>>
        %dma_start3A_499 = arith.constant 0 : i32
        %dma_start3A_500 = tpu.memref_slice %arg6[%dma_start3A_492, %dma_start3A_493, %dma_start3A_499] : memref<8x2x128xi32, #tpu.memory_space<vmem>> -> memref<1x1x128xi32, #tpu.memory_space<vmem>>
        %dma_start3A_501 = tpu.memref_squeeze %dma_start3A_500 : memref<1x1x128xi32, #tpu.memory_space<vmem>> -> memref<128xi32, #tpu.memory_space<vmem>>
        %dma_start3A_502 = arith.constant 0 : i32
        %dma_start3A_503 = arith.constant 0 : i32
        %dma_start3A_504 = tpu.memref_slice %arg2[%dma_start3A_502, %dma_start3A_503] : memref<10000x128xf32, #tpu.memory_space<hbm>> -> memref<10000x128xf32, #tpu.memory_space<hbm>>
        tpu.enqueue_indirect_dma source(%dma_start3A_504 : memref<10000x128xf32, #tpu.memory_space<hbm>>) target(%dma_start3A_498 : memref<128x128xf32, #tpu.memory_space<vmem>>) offsets(%dma_start3A_501 : memref<128xi32, #tpu.memory_space<vmem>>) semaphore(%arg9 : memref<!tpu.dma_semaphore, #tpu.memory_space<semaphore_mem>>)
      } else {
      }
      %add3A_441 = arith.constant 7 : i32
      %add3A_442 = arith.addi %add3A_220, %add3A_441 : i32
      %dma_wait3A_443 = arith.constant 7 : i32
      %dma_wait3A_444 = arith.constant 0 : i32
      %dma_wait3A_445 = arith.constant 1 : i32
      %dma_wait3A_446 = arith.constant 0 : i32
      %dma_wait3A_447 = arith.constant 0 : i32
      %dma_wait3A_448 = tpu.memref_slice %arg7[%dma_wait3A_445, %dma_wait3A_446, %dma_wait3A_447] : memref<2x128x128xf32, #tpu.memory_space<vmem>> -> memref<1x128x128xf32, #tpu.memory_space<vmem>>
      %dma_wait3A_449 = tpu.memref_squeeze %dma_wait3A_448 : memref<1x128x128xf32, #tpu.memory_space<vmem>> -> memref<128x128xf32, #tpu.memory_space<vmem>>
      %dma_wait3A_450 = arith.constant 0 : i32
      %dma_wait3A_451 = tpu.memref_slice %arg6[%dma_wait3A_443, %dma_wait3A_444, %dma_wait3A_450] : memref<8x2x128xi32, #tpu.memory_space<vmem>> -> memref<1x1x128xi32, #tpu.memory_space<vmem>>
      %dma_wait3A_452 = tpu.memref_squeeze %dma_wait3A_451 : memref<1x1x128xi32, #tpu.memory_space<vmem>> -> memref<128xi32, #tpu.memory_space<vmem>>
      %dma_wait3A_453 = arith.constant 0 : i32
      %dma_wait3A_454 = arith.constant 0 : i32
      %dma_wait3A_455 = tpu.memref_slice %arg2[%dma_wait3A_453, %dma_wait3A_454] : memref<10000x128xf32, #tpu.memory_space<hbm>> -> memref<10000x128xf32, #tpu.memory_space<hbm>>
      tpu.wait_indirect_dma semaphore(%arg10 : memref<!tpu.dma_semaphore, #tpu.memory_space<semaphore_mem>>) src(%dma_wait3A_455 : memref<10000x128xf32, #tpu.memory_space<hbm>>) dst(%dma_wait3A_449 : memref<128x128xf32, #tpu.memory_space<vmem>>)
      %run_scoped3A_456 = arith.constant 1 : i32
      %run_scoped3A_457 = arith.constant 7 : i32
      %run_scoped3A_458 = arith.constant 1 : i32
      "tpu.region"() ({
        %run_scoped3A_473 = tpu.sem_alloc : memref<!tpu.dma_semaphore, #tpu.memory_space<semaphore_mem>>
        %dma_start3A_474 = arith.constant 0 : i32
        %dma_start3A_475 = arith.constant 0 : i32
        %dma_start3A_476 = tpu.memref_slice %arg7[%run_scoped3A_456, %dma_start3A_474, %dma_start3A_475] : memref<2x128x128xf32, #tpu.memory_space<vmem>> -> memref<1x128x128xf32, #tpu.memory_space<vmem>>
        %dma_start3A_477 = tpu.memref_squeeze %dma_start3A_476 : memref<1x128x128xf32, #tpu.memory_space<vmem>> -> memref<128x128xf32, #tpu.memory_space<vmem>>
        %dma_start3A_478 = arith.constant 0 : i32
        %dma_start3A_479 = tpu.memref_slice %arg6[%run_scoped3A_457, %run_scoped3A_458, %dma_start3A_478] : memref<8x2x128xi32, #tpu.memory_space<vmem>> -> memref<1x1x128xi32, #tpu.memory_space<vmem>>
        %dma_start3A_480 = tpu.memref_squeeze %dma_start3A_479 : memref<1x1x128xi32, #tpu.memory_space<vmem>> -> memref<128xi32, #tpu.memory_space<vmem>>
        %dma_start3A_481 = arith.constant 0 : i32
        %dma_start3A_482 = arith.constant 0 : i32
        %dma_start3A_483 = tpu.memref_slice %arg8[%dma_start3A_481, %dma_start3A_482] : memref<10112x128xf32, #tpu.memory_space<vmem_shared>> -> memref<10112x128xf32, #tpu.memory_space<vmem_shared>>
        tpu.enqueue_indirect_dma source(%dma_start3A_477 : memref<128x128xf32, #tpu.memory_space<vmem>>) target(%dma_start3A_483 : memref<10112x128xf32, #tpu.memory_space<vmem_shared>>) offsets(%dma_start3A_480 : memref<128xi32, #tpu.memory_space<vmem>>) semaphore(%run_scoped3A_473 : memref<!tpu.dma_semaphore, #tpu.memory_space<semaphore_mem>>) {add = true}
        %dma_wait3A_484 = arith.constant 0 : i32
        %dma_wait3A_485 = arith.constant 0 : i32
        %dma_wait3A_486 = tpu.memref_slice %arg7[%run_scoped3A_456, %dma_wait3A_484, %dma_wait3A_485] : memref<2x128x128xf32, #tpu.memory_space<vmem>> -> memref<1x128x128xf32, #tpu.memory_space<vmem>>
        %dma_wait3A_487 = tpu.memref_squeeze %dma_wait3A_486 : memref<1x128x128xf32, #tpu.memory_space<vmem>> -> memref<128x128xf32, #tpu.memory_space<vmem>>
        %dma_wait3A_488 = arith.constant 0 : i32
        %dma_wait3A_489 = tpu.memref_slice %arg6[%run_scoped3A_457, %run_scoped3A_458, %dma_wait3A_488] : memref<8x2x128xi32, #tpu.memory_space<vmem>> -> memref<1x1x128xi32, #tpu.memory_space<vmem>>
        %dma_wait3A_490 = tpu.memref_squeeze %dma_wait3A_489 : memref<1x1x128xi32, #tpu.memory_space<vmem>> -> memref<128xi32, #tpu.memory_space<vmem>>
        %dma_wait3A_491 = arith.constant 0 : i32
        %dma_wait3A_492 = arith.constant 0 : i32
        %dma_wait3A_493 = tpu.memref_slice %arg8[%dma_wait3A_491, %dma_wait3A_492] : memref<10112x128xf32, #tpu.memory_space<vmem_shared>> -> memref<10112x128xf32, #tpu.memory_space<vmem_shared>>
        tpu.wait_indirect_dma semaphore(%run_scoped3A_473 : memref<!tpu.dma_semaphore, #tpu.memory_space<semaphore_mem>>) src(%dma_wait3A_487 : memref<128x128xf32, #tpu.memory_space<vmem>>) dst(%dma_wait3A_493 : memref<10112x128xf32, #tpu.memory_space<vmem_shared>>)
        tpu.yield
      }) : () -> ()
      %add3A_459 = arith.constant 8 : i32
      %add3A_460 = arith.addi %add3A_442, %add3A_459 : i32
      %lt3A_461 = arith.constant 80 : i32
      %lt3A_462 = arith.cmpi slt, %add3A_460, %lt3A_461 : i32
      %convert_element_type3A_463 = arith.extui %lt3A_462 : i1 to i32
      %cond3A_464 = arith.constant 0 : i32
      %cond3A_465 = arith.cmpi ne, %convert_element_type3A_463, %cond3A_464 : i32
      scf.if %cond3A_465 {
        %add3A_473 = arith.constant 8 : i32
        %add3A_474 = arith.addi %add3A_442, %add3A_473 : i32
        %dma_start3A_475 = arith.constant 7 : i32
        %dma_start3A_476 = arith.constant 0 : i32
        %dma_start3A_477 = arith.constant 0 : i32
        %dma_start3A_478 = tpu.memref_slice %arg6[%dma_start3A_475, %dma_start3A_476, %dma_start3A_477] : memref<8x2x128xi32, #tpu.memory_space<vmem>> -> memref<1x2x128xi32, #tpu.memory_space<vmem>>
        %dma_start3A_479 = tpu.memref_squeeze %dma_start3A_478 : memref<1x2x128xi32, #tpu.memory_space<vmem>> -> memref<2x128xi32, #tpu.memory_space<vmem>>
        %dma_start3A_480 = arith.constant 0 : i32
        %dma_start3A_481 = arith.constant 0 : i32
        %dma_start3A_482 = tpu.memref_slice %arg3[%add3A, %add3A_474, %dma_start3A_480, %dma_start3A_481] : memref<32x80x2x128xi32, #tpu.memory_space<hbm>> -> memref<1x1x2x128xi32, #tpu.memory_space<hbm>>
        %dma_start3A_483 = tpu.memref_squeeze %dma_start3A_482 : memref<1x1x2x128xi32, #tpu.memory_space<hbm>> -> memref<2x128xi32, #tpu.memory_space<hbm>>
        %dma_start3A_484 = arith.constant 0 : i32
        %dma_start3A_485 = arith.constant 0 : i32
        %dma_start3A_486 = tpu.memref_slice %arg6[%dma_start3A_475, %dma_start3A_484, %dma_start3A_485] : memref<8x2x128xi32, #tpu.memory_space<vmem>> -> memref<1x2x128xi32, #tpu.memory_space<vmem>>
        %dma_start3A_487 = tpu.memref_squeeze %dma_start3A_486 : memref<1x2x128xi32, #tpu.memory_space<vmem>> -> memref<2x128xi32, #tpu.memory_space<vmem>>
        %dma_start3A_488 = arith.constant 0 : i32
        %dma_start3A_489 = arith.constant 0 : i32
        %dma_start3A_490 = tpu.memref_slice %arg3[%add3A, %add3A_474, %dma_start3A_488, %dma_start3A_489] : memref<32x80x2x128xi32, #tpu.memory_space<hbm>> -> memref<1x1x2x128xi32, #tpu.memory_space<hbm>>
        %dma_start3A_491 = tpu.memref_squeeze %dma_start3A_490 : memref<1x1x2x128xi32, #tpu.memory_space<hbm>> -> memref<2x128xi32, #tpu.memory_space<hbm>>
        tpu.enqueue_dma source(%dma_start3A_491 : memref<2x128xi32, #tpu.memory_space<hbm>>) target(%dma_start3A_487 : memref<2x128xi32, #tpu.memory_space<vmem>>) target_semaphore(%arg18 : memref<!tpu.dma_semaphore, #tpu.memory_space<semaphore_mem>>)
      } else {
      }
      %add3A_466 = arith.constant 2 : i32
      %add3A_467 = arith.addi %add3A_442, %add3A_466 : i32
      %lt3A_468 = arith.constant 80 : i32
      %lt3A_469 = arith.cmpi slt, %add3A_467, %lt3A_468 : i32
      %convert_element_type3A_470 = arith.extui %lt3A_469 : i1 to i32
      %cond3A_471 = arith.constant 0 : i32
      %cond3A_472 = arith.cmpi ne, %convert_element_type3A_470, %cond3A_471 : i32
      scf.if %cond3A_472 {
        %add3A_473 = arith.constant 2 : i32
        %add3A_474 = arith.addi %add3A_442, %add3A_473 : i32
        %dma_wait3A_475 = arith.constant 1 : i32
        %dma_wait3A_476 = arith.constant 0 : i32
        %dma_wait3A_477 = arith.constant 0 : i32
        %dma_wait3A_478 = tpu.memref_slice %arg6[%dma_wait3A_475, %dma_wait3A_476, %dma_wait3A_477] : memref<8x2x128xi32, #tpu.memory_space<vmem>> -> memref<1x2x128xi32, #tpu.memory_space<vmem>>
        %dma_wait3A_479 = tpu.memref_squeeze %dma_wait3A_478 : memref<1x2x128xi32, #tpu.memory_space<vmem>> -> memref<2x128xi32, #tpu.memory_space<vmem>>
        %dma_wait3A_480 = arith.constant 0 : i32
        %dma_wait3A_481 = arith.constant 0 : i32
        %dma_wait3A_482 = tpu.memref_slice %arg3[%add3A, %add3A_474, %dma_wait3A_480, %dma_wait3A_481] : memref<32x80x2x128xi32, #tpu.memory_space<hbm>> -> memref<1x1x2x128xi32, #tpu.memory_space<hbm>>
        %dma_wait3A_483 = tpu.memref_squeeze %dma_wait3A_482 : memref<1x1x2x128xi32, #tpu.memory_space<hbm>> -> memref<2x128xi32, #tpu.memory_space<hbm>>
        %dma_wait3A_484 = arith.constant 0 : i32
        %dma_wait3A_485 = arith.constant 0 : i32
        %dma_wait3A_486 = tpu.memref_slice %arg6[%dma_wait3A_475, %dma_wait3A_484, %dma_wait3A_485] : memref<8x2x128xi32, #tpu.memory_space<vmem>> -> memref<1x2x128xi32, #tpu.memory_space<vmem>>
        %dma_wait3A_487 = tpu.memref_squeeze %dma_wait3A_486 : memref<1x2x128xi32, #tpu.memory_space<vmem>> -> memref<2x128xi32, #tpu.memory_space<vmem>>
        %dma_wait3A_488 = arith.constant 0 : i32
        %dma_wait3A_489 = arith.constant 0 : i32
        %dma_wait3A_490 = tpu.memref_slice %arg3[%add3A, %add3A_474, %dma_wait3A_488, %dma_wait3A_489] : memref<32x80x2x128xi32, #tpu.memory_space<hbm>> -> memref<1x1x2x128xi32, #tpu.memory_space<hbm>>
        %dma_wait3A_491 = tpu.memref_squeeze %dma_wait3A_490 : memref<1x1x2x128xi32, #tpu.memory_space<hbm>> -> memref<2x128xi32, #tpu.memory_space<hbm>>
        tpu.wait_dma2 semaphore(%arg12 : memref<!tpu.dma_semaphore, #tpu.memory_space<semaphore_mem>>) src(%dma_wait3A_491 : memref<2x128xi32, #tpu.memory_space<hbm>>) dst(%dma_wait3A_487 : memref<2x128xi32, #tpu.memory_space<vmem>>)
        %dma_start3A_492 = arith.constant 1 : i32
        %dma_start3A_493 = arith.constant 0 : i32
        %dma_start3A_494 = arith.constant 1 : i32
        %dma_start3A_495 = arith.constant 0 : i32
        %dma_start3A_496 = arith.constant 0 : i32
        %dma_start3A_497 = tpu.memref_slice %arg7[%dma_start3A_494, %dma_start3A_495, %dma_start3A_496] : memref<2x128x128xf32, #tpu.memory_space<vmem>> -> memref<1x128x128xf32, #tpu.memory_space<vmem>>
        %dma_start3A_498 = tpu.memref_squeeze %dma_start3A_497 : memref<1x128x128xf32, #tpu.memory_space<vmem>> -> memref<128x128xf32, #tpu.memory_space<vmem>>
        %dma_start3A_499 = arith.constant 0 : i32
        %dma_start3A_500 = tpu.memref_slice %arg6[%dma_start3A_492, %dma_start3A_493, %dma_start3A_499] : memref<8x2x128xi32, #tpu.memory_space<vmem>> -> memref<1x1x128xi32, #tpu.memory_space<vmem>>
        %dma_start3A_501 = tpu.memref_squeeze %dma_start3A_500 : memref<1x1x128xi32, #tpu.memory_space<vmem>> -> memref<128xi32, #tpu.memory_space<vmem>>
        %dma_start3A_502 = arith.constant 0 : i32
        %dma_start3A_503 = arith.constant 0 : i32
        %dma_start3A_504 = tpu.memref_slice %arg2[%dma_start3A_502, %dma_start3A_503] : memref<10000x128xf32, #tpu.memory_space<hbm>> -> memref<10000x128xf32, #tpu.memory_space<hbm>>
        tpu.enqueue_indirect_dma source(%dma_start3A_504 : memref<10000x128xf32, #tpu.memory_space<hbm>>) target(%dma_start3A_498 : memref<128x128xf32, #tpu.memory_space<vmem>>) offsets(%dma_start3A_501 : memref<128xi32, #tpu.memory_space<vmem>>) semaphore(%arg10 : memref<!tpu.dma_semaphore, #tpu.memory_space<semaphore_mem>>)
      } else {
      }
    }
    %scan3A_210 = arith.constant 10 : i32
    %barrier3A_211 = arith.constant 0 : index
    tpu.barrier barrier_id(%barrier3A_211)
    %mul3A_212 = arith.constant 632 : i32
    %mul3A_213 = arith.muli %arg1, %mul3A_212 : i32
    %mul3A_214 = arith.constant 632 : i32
    %mul3A_215 = arith.muli %arg1, %mul3A_214 : i32
    "tpu.region"() ({
      %run_scoped3A = tpu.sem_alloc : memref<!tpu.dma_semaphore, #tpu.memory_space<semaphore_mem>>
      %dma_start3A_216 = arith.constant 0 : i32
      %dma_start3A_217 = tpu.memref_slice %arg5[%arg0, %mul3A_215, %dma_start3A_216] : memref<2x10112x128xf32, #tpu.memory_space<hbm>> -> memref<1x632x128xf32, #tpu.memory_space<hbm>>
      %dma_start3A_218 = tpu.memref_squeeze %dma_start3A_217 : memref<1x632x128xf32, #tpu.memory_space<hbm>> -> memref<632x128xf32, #tpu.memory_space<hbm>>
      %dma_start3A_219 = arith.constant 0 : i32
      %dma_start3A_220 = tpu.memref_slice %arg8[%mul3A_213, %dma_start3A_219] : memref<10112x128xf32, #tpu.memory_space<vmem_shared>> -> memref<632x128xf32, #tpu.memory_space<vmem_shared>>
      tpu.enqueue_dma source(%dma_start3A_220 : memref<632x128xf32, #tpu.memory_space<vmem_shared>>) target(%dma_start3A_218 : memref<632x128xf32, #tpu.memory_space<hbm>>) target_semaphore(%run_scoped3A : memref<!tpu.dma_semaphore, #tpu.memory_space<semaphore_mem>>)
      %dma_wait3A_221 = arith.constant 0 : i32
      %dma_wait3A_222 = tpu.memref_slice %arg5[%arg0, %mul3A_215, %dma_wait3A_221] : memref<2x10112x128xf32, #tpu.memory_space<hbm>> -> memref<1x632x128xf32, #tpu.memory_space<hbm>>
      %dma_wait3A_223 = tpu.memref_squeeze %dma_wait3A_222 : memref<1x632x128xf32, #tpu.memory_space<hbm>> -> memref<632x128xf32, #tpu.memory_space<hbm>>
      %dma_wait3A_224 = arith.constant 0 : i32
      %dma_wait3A_225 = tpu.memref_slice %arg8[%mul3A_213, %dma_wait3A_224] : memref<10112x128xf32, #tpu.memory_space<vmem_shared>> -> memref<632x128xf32, #tpu.memory_space<vmem_shared>>
      tpu.wait_dma2 semaphore(%run_scoped3A : memref<!tpu.dma_semaphore, #tpu.memory_space<semaphore_mem>>) src(%dma_wait3A_225 : memref<632x128xf32, #tpu.memory_space<vmem_shared>>) dst(%dma_wait3A_223 : memref<632x128xf32, #tpu.memory_space<hbm>>)
      tpu.yield
    }) : () -> ()
    return
  }
}

#map = affine_map<(d0, d1) -> (0, 0)>
#map1 = affine_map<(d0, d1) -> (0, 0, 0, 0)>
#map2 = affine_map<(d0, d1) -> (0, 0, 0)>
module attributes {stable_mosaic.version = 14 : i64} {
  func.func @k(%arg0: i32, %arg1: i32, %arg2: memref<10000x128xf32, #tpu.memory_space<hbm>>, %arg3: memref<32x80x2x128xi32, #tpu.memory_space<hbm>>, %arg4: memref<632x128xf32, #tpu.memory_space<hbm>>, %arg5: memref<2x10112x128xf32, #tpu.memory_space<hbm>>, %arg6: memref<8x2x128xi32, #tpu.memory_space<vmem>>, %arg7: memref<2x128x128xf32, #tpu.memory_space<vmem>>, %arg8: memref<10112x128xf32, #tpu.memory_space<vmem_shared>>, %arg9: memref<!tpu.dma_semaphore, #tpu.memory_space<semaphore_mem>>, %arg10: memref<!tpu.dma_semaphore, #tpu.memory_space<semaphore_mem>>, %arg11: memref<!tpu.dma_semaphore, #tpu.memory_space<semaphore_mem>>, %arg12: memref<!tpu.dma_semaphore, #tpu.memory_space<semaphore_mem>>, %arg13: memref<!tpu.dma_semaphore, #tpu.memory_space<semaphore_mem>>, %arg14: memref<!tpu.dma_semaphore, #tpu.memory_space<semaphore_mem>>, %arg15: memref<!tpu.dma_semaphore, #tpu.memory_space<semaphore_mem>>, %arg16: memref<!tpu.dma_semaphore, #tpu.memory_space<semaphore_mem>>, %arg17: memref<!tpu.dma_semaphore, #tpu.memory_space<semaphore_mem>>, %arg18: memref<!tpu.dma_semaphore, #tpu.memory_space<semaphore_mem>>) attributes {dimension_semantics = [#tpu.dimension_semantics<core_parallel>, #tpu.dimension_semantics<subcore_parallel>], iteration_bounds = array<i64: 2, 16>, scalar_prefetch = 0 : i64, scratch_operands = 13 : i64, tpu.core_type = #tpu.core_type<sc_vector_subcore>, window_params = [{transform_indices = #map}, {transform_indices = #map1}, {transform_indices = #map}, {transform_indices = #map2}]} {
    %mul3A = arith.constant 16 : i32
    %mul3A_0 = arith.muli %arg0, %mul3A : i32
    %add3A = arith.addi %mul3A_0, %arg1 : i32
    %mul3A_1 = arith.constant 632 : i32
    %mul3A_2 = arith.muli %arg1, %mul3A_1 : i32
    "tpu.region"() ({
      %run_scoped3A = tpu.sem_alloc : memref<!tpu.dma_semaphore, #tpu.memory_space<semaphore_mem>>
      %dma_start3A_216 = arith.constant 0 : i32
      %dma_start3A_217 = tpu.memref_slice %arg8[%mul3A_2, %dma_start3A_216] : memref<10112x128xf32, #tpu.memory_space<vmem_shared>> -> memref<632x128xf32, #tpu.memory_space<vmem_shared>>
      tpu.enqueue_dma source(%arg4 : memref<632x128xf32, #tpu.memory_space<hbm>>) target(%dma_start3A_217 : memref<632x128xf32, #tpu.memory_space<vmem_shared>>) target_semaphore(%run_scoped3A : memref<!tpu.dma_semaphore, #tpu.memory_space<semaphore_mem>>)
      %dma_wait3A_218 = arith.constant 0 : i32
      %dma_wait3A_219 = tpu.memref_slice %arg8[%mul3A_2, %dma_wait3A_218] : memref<10112x128xf32, #tpu.memory_space<vmem_shared>> -> memref<632x128xf32, #tpu.memory_space<vmem_shared>>
      tpu.wait_dma2 semaphore(%run_scoped3A : memref<!tpu.dma_semaphore, #tpu.memory_space<semaphore_mem>>) src(%arg4 : memref<632x128xf32, #tpu.memory_space<hbm>>) dst(%dma_wait3A_219 : memref<632x128xf32, #tpu.memory_space<vmem_shared>>)
      tpu.yield
    }) : () -> ()
    %barrier3A = arith.constant 0 : index
    tpu.barrier barrier_id(%barrier3A)
    %dma_start3A = arith.constant 0 : i32
    %dma_start3A_3 = arith.constant 0 : i32
    %dma_start3A_4 = arith.constant 0 : i32
    %dma_start3A_5 = arith.constant 0 : i32
    %dma_start3A_6 = tpu.memref_slice %arg6[%dma_start3A_3, %dma_start3A_4, %dma_start3A_5] : memref<8x2x128xi32, #tpu.memory_space<vmem>> -> memref<1x2x128xi32, #tpu.memory_space<vmem>>
    %dma_start3A_7 = tpu.memref_squeeze %dma_start3A_6 : memref<1x2x128xi32, #tpu.memory_space<vmem>> -> memref<2x128xi32, #tpu.memory_space<vmem>>
    %dma_start3A_8 = arith.constant 0 : i32
    %dma_start3A_9 = arith.constant 0 : i32
    %dma_start3A_10 = tpu.memref_slice %arg3[%add3A, %dma_start3A, %dma_start3A_8, %dma_start3A_9] : memref<32x80x2x128xi32, #tpu.memory_space<hbm>> -> memref<1x1x2x128xi32, #tpu.memory_space<hbm>>
    %dma_start3A_11 = tpu.memref_squeeze %dma_start3A_10 : memref<1x1x2x128xi32, #tpu.memory_space<hbm>> -> memref<2x128xi32, #tpu.memory_space<hbm>>
    %dma_start3A_12 = arith.constant 0 : i32
    %dma_start3A_13 = arith.constant 0 : i32
    %dma_start3A_14 = tpu.memref_slice %arg6[%dma_start3A_3, %dma_start3A_12, %dma_start3A_13] : memref<8x2x128xi32, #tpu.memory_space<vmem>> -> memref<1x2x128xi32, #tpu.memory_space<vmem>>
    %dma_start3A_15 = tpu.memref_squeeze %dma_start3A_14 : memref<1x2x128xi32, #tpu.memory_space<vmem>> -> memref<2x128xi32, #tpu.memory_space<vmem>>
    %dma_start3A_16 = arith.constant 0 : i32
    %dma_start3A_17 = arith.constant 0 : i32
    %dma_start3A_18 = tpu.memref_slice %arg3[%add3A, %dma_start3A, %dma_start3A_16, %dma_start3A_17] : memref<32x80x2x128xi32, #tpu.memory_space<hbm>> -> memref<1x1x2x128xi32, #tpu.memory_space<hbm>>
    %dma_start3A_19 = tpu.memref_squeeze %dma_start3A_18 : memref<1x1x2x128xi32, #tpu.memory_space<hbm>> -> memref<2x128xi32, #tpu.memory_space<hbm>>
    tpu.enqueue_dma source(%dma_start3A_19 : memref<2x128xi32, #tpu.memory_space<hbm>>) target(%dma_start3A_15 : memref<2x128xi32, #tpu.memory_space<vmem>>) target_semaphore(%arg11 : memref<!tpu.dma_semaphore, #tpu.memory_space<semaphore_mem>>)
    %dma_start3A_20 = arith.constant 1 : i32
    %dma_start3A_21 = arith.constant 1 : i32
    %dma_start3A_22 = arith.constant 0 : i32
    %dma_start3A_23 = arith.constant 0 : i32
    %dma_start3A_24 = tpu.memref_slice %arg6[%dma_start3A_21, %dma_start3A_22, %dma_start3A_23] : memref<8x2x128xi32, #tpu.memory_space<vmem>> -> memref<1x2x128xi32, #tpu.memory_space<vmem>>
    %dma_start3A_25 = tpu.memref_squeeze %dma_start3A_24 : memref<1x2x128xi32, #tpu.memory_space<vmem>> -> memref<2x128xi32, #tpu.memory_space<vmem>>
    %dma_start3A_26 = arith.constant 0 : i32
    %dma_start3A_27 = arith.constant 0 : i32
    %dma_start3A_28 = tpu.memref_slice %arg3[%add3A, %dma_start3A_20, %dma_start3A_26, %dma_start3A_27] : memref<32x80x2x128xi32, #tpu.memory_space<hbm>> -> memref<1x1x2x128xi32, #tpu.memory_space<hbm>>
    %dma_start3A_29 = tpu.memref_squeeze %dma_start3A_28 : memref<1x1x2x128xi32, #tpu.memory_space<hbm>> -> memref<2x128xi32, #tpu.memory_space<hbm>>
    %dma_start3A_30 = arith.constant 0 : i32
    %dma_start3A_31 = arith.constant 0 : i32
    %dma_start3A_32 = tpu.memref_slice %arg6[%dma_start3A_21, %dma_start3A_30, %dma_start3A_31] : memref<8x2x128xi32, #tpu.memory_space<vmem>> -> memref<1x2x128xi32, #tpu.memory_space<vmem>>
    %dma_start3A_33 = tpu.memref_squeeze %dma_start3A_32 : memref<1x2x128xi32, #tpu.memory_space<vmem>> -> memref<2x128xi32, #tpu.memory_space<vmem>>
    %dma_start3A_34 = arith.constant 0 : i32
    %dma_start3A_35 = arith.constant 0 : i32
    %dma_start3A_36 = tpu.memref_slice %arg3[%add3A, %dma_start3A_20, %dma_start3A_34, %dma_start3A_35] : memref<32x80x2x128xi32, #tpu.memory_space<hbm>> -> memref<1x1x2x128xi32, #tpu.memory_space<hbm>>
    %dma_start3A_37 = tpu.memref_squeeze %dma_start3A_36 : memref<1x1x2x128xi32, #tpu.memory_space<hbm>> -> memref<2x128xi32, #tpu.memory_space<hbm>>
    tpu.enqueue_dma source(%dma_start3A_37 : memref<2x128xi32, #tpu.memory_space<hbm>>) target(%dma_start3A_33 : memref<2x128xi32, #tpu.memory_space<vmem>>) target_semaphore(%arg12 : memref<!tpu.dma_semaphore, #tpu.memory_space<semaphore_mem>>)
    %dma_start3A_38 = arith.constant 2 : i32
    %dma_start3A_39 = arith.constant 2 : i32
    %dma_start3A_40 = arith.constant 0 : i32
    %dma_start3A_41 = arith.constant 0 : i32
    %dma_start3A_42 = tpu.memref_slice %arg6[%dma_start3A_39, %dma_start3A_40, %dma_start3A_41] : memref<8x2x128xi32, #tpu.memory_space<vmem>> -> memref<1x2x128xi32, #tpu.memory_space<vmem>>
    %dma_start3A_43 = tpu.memref_squeeze %dma_start3A_42 : memref<1x2x128xi32, #tpu.memory_space<vmem>> -> memref<2x128xi32, #tpu.memory_space<vmem>>
    %dma_start3A_44 = arith.constant 0 : i32
    %dma_start3A_45 = arith.constant 0 : i32
    %dma_start3A_46 = tpu.memref_slice %arg3[%add3A, %dma_start3A_38, %dma_start3A_44, %dma_start3A_45] : memref<32x80x2x128xi32, #tpu.memory_space<hbm>> -> memref<1x1x2x128xi32, #tpu.memory_space<hbm>>
    %dma_start3A_47 = tpu.memref_squeeze %dma_start3A_46 : memref<1x1x2x128xi32, #tpu.memory_space<hbm>> -> memref<2x128xi32, #tpu.memory_space<hbm>>
    %dma_start3A_48 = arith.constant 0 : i32
    %dma_start3A_49 = arith.constant 0 : i32
    %dma_start3A_50 = tpu.memref_slice %arg6[%dma_start3A_39, %dma_start3A_48, %dma_start3A_49] : memref<8x2x128xi32, #tpu.memory_space<vmem>> -> memref<1x2x128xi32, #tpu.memory_space<vmem>>
    %dma_start3A_51 = tpu.memref_squeeze %dma_start3A_50 : memref<1x2x128xi32, #tpu.memory_space<vmem>> -> memref<2x128xi32, #tpu.memory_space<vmem>>
    %dma_start3A_52 = arith.constant 0 : i32
    %dma_start3A_53 = arith.constant 0 : i32
    %dma_start3A_54 = tpu.memref_slice %arg3[%add3A, %dma_start3A_38, %dma_start3A_52, %dma_start3A_53] : memref<32x80x2x128xi32, #tpu.memory_space<hbm>> -> memref<1x1x2x128xi32, #tpu.memory_space<hbm>>
    %dma_start3A_55 = tpu.memref_squeeze %dma_start3A_54 : memref<1x1x2x128xi32, #tpu.memory_space<hbm>> -> memref<2x128xi32, #tpu.memory_space<hbm>>
    tpu.enqueue_dma source(%dma_start3A_55 : memref<2x128xi32, #tpu.memory_space<hbm>>) target(%dma_start3A_51 : memref<2x128xi32, #tpu.memory_space<vmem>>) target_semaphore(%arg13 : memref<!tpu.dma_semaphore, #tpu.memory_space<semaphore_mem>>)
    %dma_start3A_56 = arith.constant 3 : i32
    %dma_start3A_57 = arith.constant 3 : i32
    %dma_start3A_58 = arith.constant 0 : i32
    %dma_start3A_59 = arith.constant 0 : i32
    %dma_start3A_60 = tpu.memref_slice %arg6[%dma_start3A_57, %dma_start3A_58, %dma_start3A_59] : memref<8x2x128xi32, #tpu.memory_space<vmem>> -> memref<1x2x128xi32, #tpu.memory_space<vmem>>
    %dma_start3A_61 = tpu.memref_squeeze %dma_start3A_60 : memref<1x2x128xi32, #tpu.memory_space<vmem>> -> memref<2x128xi32, #tpu.memory_space<vmem>>
    %dma_start3A_62 = arith.constant 0 : i32
    %dma_start3A_63 = arith.constant 0 : i32
    %dma_start3A_64 = tpu.memref_slice %arg3[%add3A, %dma_start3A_56, %dma_start3A_62, %dma_start3A_63] : memref<32x80x2x128xi32, #tpu.memory_space<hbm>> -> memref<1x1x2x128xi32, #tpu.memory_space<hbm>>
    %dma_start3A_65 = tpu.memref_squeeze %dma_start3A_64 : memref<1x1x2x128xi32, #tpu.memory_space<hbm>> -> memref<2x128xi32, #tpu.memory_space<hbm>>
    %dma_start3A_66 = arith.constant 0 : i32
    %dma_start3A_67 = arith.constant 0 : i32
    %dma_start3A_68 = tpu.memref_slice %arg6[%dma_start3A_57, %dma_start3A_66, %dma_start3A_67] : memref<8x2x128xi32, #tpu.memory_space<vmem>> -> memref<1x2x128xi32, #tpu.memory_space<vmem>>
    %dma_start3A_69 = tpu.memref_squeeze %dma_start3A_68 : memref<1x2x128xi32, #tpu.memory_space<vmem>> -> memref<2x128xi32, #tpu.memory_space<vmem>>
    %dma_start3A_70 = arith.constant 0 : i32
    %dma_start3A_71 = arith.constant 0 : i32
    %dma_start3A_72 = tpu.memref_slice %arg3[%add3A, %dma_start3A_56, %dma_start3A_70, %dma_start3A_71] : memref<32x80x2x128xi32, #tpu.memory_space<hbm>> -> memref<1x1x2x128xi32, #tpu.memory_space<hbm>>
    %dma_start3A_73 = tpu.memref_squeeze %dma_start3A_72 : memref<1x1x2x128xi32, #tpu.memory_space<hbm>> -> memref<2x128xi32, #tpu.memory_space<hbm>>
    tpu.enqueue_dma source(%dma_start3A_73 : memref<2x128xi32, #tpu.memory_space<hbm>>) target(%dma_start3A_69 : memref<2x128xi32, #tpu.memory_space<vmem>>) target_semaphore(%arg14 : memref<!tpu.dma_semaphore, #tpu.memory_space<semaphore_mem>>)
    %dma_start3A_74 = arith.constant 4 : i32
    %dma_start3A_75 = arith.constant 4 : i32
    %dma_start3A_76 = arith.constant 0 : i32
    %dma_start3A_77 = arith.constant 0 : i32
    %dma_start3A_78 = tpu.memref_slice %arg6[%dma_start3A_75, %dma_start3A_76, %dma_start3A_77] : memref<8x2x128xi32, #tpu.memory_space<vmem>> -> memref<1x2x128xi32, #tpu.memory_space<vmem>>
    %dma_start3A_79 = tpu.memref_squeeze %dma_start3A_78 : memref<1x2x128xi32, #tpu.memory_space<vmem>> -> memref<2x128xi32, #tpu.memory_space<vmem>>
    %dma_start3A_80 = arith.constant 0 : i32
    %dma_start3A_81 = arith.constant 0 : i32
    %dma_start3A_82 = tpu.memref_slice %arg3[%add3A, %dma_start3A_74, %dma_start3A_80, %dma_start3A_81] : memref<32x80x2x128xi32, #tpu.memory_space<hbm>> -> memref<1x1x2x128xi32, #tpu.memory_space<hbm>>
    %dma_start3A_83 = tpu.memref_squeeze %dma_start3A_82 : memref<1x1x2x128xi32, #tpu.memory_space<hbm>> -> memref<2x128xi32, #tpu.memory_space<hbm>>
    %dma_start3A_84 = arith.constant 0 : i32
    %dma_start3A_85 = arith.constant 0 : i32
    %dma_start3A_86 = tpu.memref_slice %arg6[%dma_start3A_75, %dma_start3A_84, %dma_start3A_85] : memref<8x2x128xi32, #tpu.memory_space<vmem>> -> memref<1x2x128xi32, #tpu.memory_space<vmem>>
    %dma_start3A_87 = tpu.memref_squeeze %dma_start3A_86 : memref<1x2x128xi32, #tpu.memory_space<vmem>> -> memref<2x128xi32, #tpu.memory_space<vmem>>
    %dma_start3A_88 = arith.constant 0 : i32
    %dma_start3A_89 = arith.constant 0 : i32
    %dma_start3A_90 = tpu.memref_slice %arg3[%add3A, %dma_start3A_74, %dma_start3A_88, %dma_start3A_89] : memref<32x80x2x128xi32, #tpu.memory_space<hbm>> -> memref<1x1x2x128xi32, #tpu.memory_space<hbm>>
    %dma_start3A_91 = tpu.memref_squeeze %dma_start3A_90 : memref<1x1x2x128xi32, #tpu.memory_space<hbm>> -> memref<2x128xi32, #tpu.memory_space<hbm>>
    tpu.enqueue_dma source(%dma_start3A_91 : memref<2x128xi32, #tpu.memory_space<hbm>>) target(%dma_start3A_87 : memref<2x128xi32, #tpu.memory_space<vmem>>) target_semaphore(%arg15 : memref<!tpu.dma_semaphore, #tpu.memory_space<semaphore_mem>>)
    %dma_start3A_92 = arith.constant 5 : i32
    %dma_start3A_93 = arith.constant 5 : i32
    %dma_start3A_94 = arith.constant 0 : i32
    %dma_start3A_95 = arith.constant 0 : i32
    %dma_start3A_96 = tpu.memref_slice %arg6[%dma_start3A_93, %dma_start3A_94, %dma_start3A_95] : memref<8x2x128xi32, #tpu.memory_space<vmem>> -> memref<1x2x128xi32, #tpu.memory_space<vmem>>
    %dma_start3A_97 = tpu.memref_squeeze %dma_start3A_96 : memref<1x2x128xi32, #tpu.memory_space<vmem>> -> memref<2x128xi32, #tpu.memory_space<vmem>>
    %dma_start3A_98 = arith.constant 0 : i32
    %dma_start3A_99 = arith.constant 0 : i32
    %dma_start3A_100 = tpu.memref_slice %arg3[%add3A, %dma_start3A_92, %dma_start3A_98, %dma_start3A_99] : memref<32x80x2x128xi32, #tpu.memory_space<hbm>> -> memref<1x1x2x128xi32, #tpu.memory_space<hbm>>
    %dma_start3A_101 = tpu.memref_squeeze %dma_start3A_100 : memref<1x1x2x128xi32, #tpu.memory_space<hbm>> -> memref<2x128xi32, #tpu.memory_space<hbm>>
    %dma_start3A_102 = arith.constant 0 : i32
    %dma_start3A_103 = arith.constant 0 : i32
    %dma_start3A_104 = tpu.memref_slice %arg6[%dma_start3A_93, %dma_start3A_102, %dma_start3A_103] : memref<8x2x128xi32, #tpu.memory_space<vmem>> -> memref<1x2x128xi32, #tpu.memory_space<vmem>>
    %dma_start3A_105 = tpu.memref_squeeze %dma_start3A_104 : memref<1x2x128xi32, #tpu.memory_space<vmem>> -> memref<2x128xi32, #tpu.memory_space<vmem>>
    %dma_start3A_106 = arith.constant 0 : i32
    %dma_start3A_107 = arith.constant 0 : i32
    %dma_start3A_108 = tpu.memref_slice %arg3[%add3A, %dma_start3A_92, %dma_start3A_106, %dma_start3A_107] : memref<32x80x2x128xi32, #tpu.memory_space<hbm>> -> memref<1x1x2x128xi32, #tpu.memory_space<hbm>>
    %dma_start3A_109 = tpu.memref_squeeze %dma_start3A_108 : memref<1x1x2x128xi32, #tpu.memory_space<hbm>> -> memref<2x128xi32, #tpu.memory_space<hbm>>
    tpu.enqueue_dma source(%dma_start3A_109 : memref<2x128xi32, #tpu.memory_space<hbm>>) target(%dma_start3A_105 : memref<2x128xi32, #tpu.memory_space<vmem>>) target_semaphore(%arg16 : memref<!tpu.dma_semaphore, #tpu.memory_space<semaphore_mem>>)
    %dma_start3A_110 = arith.constant 6 : i32
    %dma_start3A_111 = arith.constant 6 : i32
    %dma_start3A_112 = arith.constant 0 : i32
    %dma_start3A_113 = arith.constant 0 : i32
    %dma_start3A_114 = tpu.memref_slice %arg6[%dma_start3A_111, %dma_start3A_112, %dma_start3A_113] : memref<8x2x128xi32, #tpu.memory_space<vmem>> -> memref<1x2x128xi32, #tpu.memory_space<vmem>>
    %dma_start3A_115 = tpu.memref_squeeze %dma_start3A_114 : memref<1x2x128xi32, #tpu.memory_space<vmem>> -> memref<2x128xi32, #tpu.memory_space<vmem>>
    %dma_start3A_116 = arith.constant 0 : i32
    %dma_start3A_117 = arith.constant 0 : i32
    %dma_start3A_118 = tpu.memref_slice %arg3[%add3A, %dma_start3A_110, %dma_start3A_116, %dma_start3A_117] : memref<32x80x2x128xi32, #tpu.memory_space<hbm>> -> memref<1x1x2x128xi32, #tpu.memory_space<hbm>>
    %dma_start3A_119 = tpu.memref_squeeze %dma_start3A_118 : memref<1x1x2x128xi32, #tpu.memory_space<hbm>> -> memref<2x128xi32, #tpu.memory_space<hbm>>
    %dma_start3A_120 = arith.constant 0 : i32
    %dma_start3A_121 = arith.constant 0 : i32
    %dma_start3A_122 = tpu.memref_slice %arg6[%dma_start3A_111, %dma_start3A_120, %dma_start3A_121] : memref<8x2x128xi32, #tpu.memory_space<vmem>> -> memref<1x2x128xi32, #tpu.memory_space<vmem>>
    %dma_start3A_123 = tpu.memref_squeeze %dma_start3A_122 : memref<1x2x128xi32, #tpu.memory_space<vmem>> -> memref<2x128xi32, #tpu.memory_space<vmem>>
    %dma_start3A_124 = arith.constant 0 : i32
    %dma_start3A_125 = arith.constant 0 : i32
    %dma_start3A_126 = tpu.memref_slice %arg3[%add3A, %dma_start3A_110, %dma_start3A_124, %dma_start3A_125] : memref<32x80x2x128xi32, #tpu.memory_space<hbm>> -> memref<1x1x2x128xi32, #tpu.memory_space<hbm>>
    %dma_start3A_127 = tpu.memref_squeeze %dma_start3A_126 : memref<1x1x2x128xi32, #tpu.memory_space<hbm>> -> memref<2x128xi32, #tpu.memory_space<hbm>>
    tpu.enqueue_dma source(%dma_start3A_127 : memref<2x128xi32, #tpu.memory_space<hbm>>) target(%dma_start3A_123 : memref<2x128xi32, #tpu.memory_space<vmem>>) target_semaphore(%arg17 : memref<!tpu.dma_semaphore, #tpu.memory_space<semaphore_mem>>)
    %dma_start3A_128 = arith.constant 7 : i32
    %dma_start3A_129 = arith.constant 7 : i32
    %dma_start3A_130 = arith.constant 0 : i32
    %dma_start3A_131 = arith.constant 0 : i32
    %dma_start3A_132 = tpu.memref_slice %arg6[%dma_start3A_129, %dma_start3A_130, %dma_start3A_131] : memref<8x2x128xi32, #tpu.memory_space<vmem>> -> memref<1x2x128xi32, #tpu.memory_space<vmem>>
    %dma_start3A_133 = tpu.memref_squeeze %dma_start3A_132 : memref<1x2x128xi32, #tpu.memory_space<vmem>> -> memref<2x128xi32, #tpu.memory_space<vmem>>
    %dma_start3A_134 = arith.constant 0 : i32
    %dma_start3A_135 = arith.constant 0 : i32
    %dma_start3A_136 = tpu.memref_slice %arg3[%add3A, %dma_start3A_128, %dma_start3A_134, %dma_start3A_135] : memref<32x80x2x128xi32, #tpu.memory_space<hbm>> -> memref<1x1x2x128xi32, #tpu.memory_space<hbm>>
    %dma_start3A_137 = tpu.memref_squeeze %dma_start3A_136 : memref<1x1x2x128xi32, #tpu.memory_space<hbm>> -> memref<2x128xi32, #tpu.memory_space<hbm>>
    %dma_start3A_138 = arith.constant 0 : i32
    %dma_start3A_139 = arith.constant 0 : i32
    %dma_start3A_140 = tpu.memref_slice %arg6[%dma_start3A_129, %dma_start3A_138, %dma_start3A_139] : memref<8x2x128xi32, #tpu.memory_space<vmem>> -> memref<1x2x128xi32, #tpu.memory_space<vmem>>
    %dma_start3A_141 = tpu.memref_squeeze %dma_start3A_140 : memref<1x2x128xi32, #tpu.memory_space<vmem>> -> memref<2x128xi32, #tpu.memory_space<vmem>>
    %dma_start3A_142 = arith.constant 0 : i32
    %dma_start3A_143 = arith.constant 0 : i32
    %dma_start3A_144 = tpu.memref_slice %arg3[%add3A, %dma_start3A_128, %dma_start3A_142, %dma_start3A_143] : memref<32x80x2x128xi32, #tpu.memory_space<hbm>> -> memref<1x1x2x128xi32, #tpu.memory_space<hbm>>
    %dma_start3A_145 = tpu.memref_squeeze %dma_start3A_144 : memref<1x1x2x128xi32, #tpu.memory_space<hbm>> -> memref<2x128xi32, #tpu.memory_space<hbm>>
    tpu.enqueue_dma source(%dma_start3A_145 : memref<2x128xi32, #tpu.memory_space<hbm>>) target(%dma_start3A_141 : memref<2x128xi32, #tpu.memory_space<vmem>>) target_semaphore(%arg18 : memref<!tpu.dma_semaphore, #tpu.memory_space<semaphore_mem>>)
    %dma_wait3A = arith.constant 0 : i32
    %dma_wait3A_146 = arith.constant 0 : i32
    %dma_wait3A_147 = arith.constant 0 : i32
    %dma_wait3A_148 = arith.constant 0 : i32
    %dma_wait3A_149 = tpu.memref_slice %arg6[%dma_wait3A_146, %dma_wait3A_147, %dma_wait3A_148] : memref<8x2x128xi32, #tpu.memory_space<vmem>> -> memref<1x2x128xi32, #tpu.memory_space<vmem>>
    %dma_wait3A_150 = tpu.memref_squeeze %dma_wait3A_149 : memref<1x2x128xi32, #tpu.memory_space<vmem>> -> memref<2x128xi32, #tpu.memory_space<vmem>>
    %dma_wait3A_151 = arith.constant 0 : i32
    %dma_wait3A_152 = arith.constant 0 : i32
    %dma_wait3A_153 = tpu.memref_slice %arg3[%add3A, %dma_wait3A, %dma_wait3A_151, %dma_wait3A_152] : memref<32x80x2x128xi32, #tpu.memory_space<hbm>> -> memref<1x1x2x128xi32, #tpu.memory_space<hbm>>
    %dma_wait3A_154 = tpu.memref_squeeze %dma_wait3A_153 : memref<1x1x2x128xi32, #tpu.memory_space<hbm>> -> memref<2x128xi32, #tpu.memory_space<hbm>>
    %dma_wait3A_155 = arith.constant 0 : i32
    %dma_wait3A_156 = arith.constant 0 : i32
    %dma_wait3A_157 = tpu.memref_slice %arg6[%dma_wait3A_146, %dma_wait3A_155, %dma_wait3A_156] : memref<8x2x128xi32, #tpu.memory_space<vmem>> -> memref<1x2x128xi32, #tpu.memory_space<vmem>>
    %dma_wait3A_158 = tpu.memref_squeeze %dma_wait3A_157 : memref<1x2x128xi32, #tpu.memory_space<vmem>> -> memref<2x128xi32, #tpu.memory_space<vmem>>
    %dma_wait3A_159 = arith.constant 0 : i32
    %dma_wait3A_160 = arith.constant 0 : i32
    %dma_wait3A_161 = tpu.memref_slice %arg3[%add3A, %dma_wait3A, %dma_wait3A_159, %dma_wait3A_160] : memref<32x80x2x128xi32, #tpu.memory_space<hbm>> -> memref<1x1x2x128xi32, #tpu.memory_space<hbm>>
    %dma_wait3A_162 = tpu.memref_squeeze %dma_wait3A_161 : memref<1x1x2x128xi32, #tpu.memory_space<hbm>> -> memref<2x128xi32, #tpu.memory_space<hbm>>
    tpu.wait_dma2 semaphore(%arg11 : memref<!tpu.dma_semaphore, #tpu.memory_space<semaphore_mem>>) src(%dma_wait3A_162 : memref<2x128xi32, #tpu.memory_space<hbm>>) dst(%dma_wait3A_158 : memref<2x128xi32, #tpu.memory_space<vmem>>)
    %dma_start3A_163 = arith.constant 0 : i32
    %dma_start3A_164 = arith.constant 0 : i32
    %dma_start3A_165 = arith.constant 0 : i32
    %dma_start3A_166 = arith.constant 0 : i32
    %dma_start3A_167 = arith.constant 0 : i32
    %dma_start3A_168 = tpu.memref_slice %arg7[%dma_start3A_165, %dma_start3A_166, %dma_start3A_167] : memref<2x128x128xf32, #tpu.memory_space<vmem>> -> memref<1x128x128xf32, #tpu.memory_space<vmem>>
    %dma_start3A_169 = tpu.memref_squeeze %dma_start3A_168 : memref<1x128x128xf32, #tpu.memory_space<vmem>> -> memref<128x128xf32, #tpu.memory_space<vmem>>
    %dma_start3A_170 = arith.constant 0 : i32
    %dma_start3A_171 = tpu.memref_slice %arg6[%dma_start3A_163, %dma_start3A_164, %dma_start3A_170] : memref<8x2x128xi32, #tpu.memory_space<vmem>> -> memref<1x1x128xi32, #tpu.memory_space<vmem>>
    %dma_start3A_172 = tpu.memref_squeeze %dma_start3A_171 : memref<1x1x128xi32, #tpu.memory_space<vmem>> -> memref<128xi32, #tpu.memory_space<vmem>>
    %dma_start3A_173 = arith.constant 0 : i32
    %dma_start3A_174 = arith.constant 0 : i32
    %dma_start3A_175 = tpu.memref_slice %arg2[%dma_start3A_173, %dma_start3A_174] : memref<10000x128xf32, #tpu.memory_space<hbm>> -> memref<10000x128xf32, #tpu.memory_space<hbm>>
    tpu.enqueue_indirect_dma source(%dma_start3A_175 : memref<10000x128xf32, #tpu.memory_space<hbm>>) target(%dma_start3A_169 : memref<128x128xf32, #tpu.memory_space<vmem>>) offsets(%dma_start3A_172 : memref<128xi32, #tpu.memory_space<vmem>>) semaphore(%arg9 : memref<!tpu.dma_semaphore, #tpu.memory_space<semaphore_mem>>)
    %dma_wait3A_176 = arith.constant 1 : i32
    %dma_wait3A_177 = arith.constant 1 : i32
    %dma_wait3A_178 = arith.constant 0 : i32
    %dma_wait3A_179 = arith.constant 0 : i32
    %dma_wait3A_180 = tpu.memref_slice %arg6[%dma_wait3A_177, %dma_wait3A_178, %dma_wait3A_179] : memref<8x2x128xi32, #tpu.memory_space<vmem>> -> memref<1x2x128xi32, #tpu.memory_space<vmem>>
    %dma_wait3A_181 = tpu.memref_squeeze %dma_wait3A_180 : memref<1x2x128xi32, #tpu.memory_space<vmem>> -> memref<2x128xi32, #tpu.memory_space<vmem>>
    %dma_wait3A_182 = arith.constant 0 : i32
    %dma_wait3A_183 = arith.constant 0 : i32
    %dma_wait3A_184 = tpu.memref_slice %arg3[%add3A, %dma_wait3A_176, %dma_wait3A_182, %dma_wait3A_183] : memref<32x80x2x128xi32, #tpu.memory_space<hbm>> -> memref<1x1x2x128xi32, #tpu.memory_space<hbm>>
    %dma_wait3A_185 = tpu.memref_squeeze %dma_wait3A_184 : memref<1x1x2x128xi32, #tpu.memory_space<hbm>> -> memref<2x128xi32, #tpu.memory_space<hbm>>
    %dma_wait3A_186 = arith.constant 0 : i32
    %dma_wait3A_187 = arith.constant 0 : i32
    %dma_wait3A_188 = tpu.memref_slice %arg6[%dma_wait3A_177, %dma_wait3A_186, %dma_wait3A_187] : memref<8x2x128xi32, #tpu.memory_space<vmem>> -> memref<1x2x128xi32, #tpu.memory_space<vmem>>
    %dma_wait3A_189 = tpu.memref_squeeze %dma_wait3A_188 : memref<1x2x128xi32, #tpu.memory_space<vmem>> -> memref<2x128xi32, #tpu.memory_space<vmem>>
    %dma_wait3A_190 = arith.constant 0 : i32
    %dma_wait3A_191 = arith.constant 0 : i32
    %dma_wait3A_192 = tpu.memref_slice %arg3[%add3A, %dma_wait3A_176, %dma_wait3A_190, %dma_wait3A_191] : memref<32x80x2x128xi32, #tpu.memory_space<hbm>> -> memref<1x1x2x128xi32, #tpu.memory_space<hbm>>
    %dma_wait3A_193 = tpu.memref_squeeze %dma_wait3A_192 : memref<1x1x2x128xi32, #tpu.memory_space<hbm>> -> memref<2x128xi32, #tpu.memory_space<hbm>>
    tpu.wait_dma2 semaphore(%arg12 : memref<!tpu.dma_semaphore, #tpu.memory_space<semaphore_mem>>) src(%dma_wait3A_193 : memref<2x128xi32, #tpu.memory_space<hbm>>) dst(%dma_wait3A_189 : memref<2x128xi32, #tpu.memory_space<vmem>>)
    %dma_start3A_194 = arith.constant 1 : i32
    %dma_start3A_195 = arith.constant 0 : i32
    %dma_start3A_196 = arith.constant 1 : i32
    %dma_start3A_197 = arith.constant 0 : i32
    %dma_start3A_198 = arith.constant 0 : i32
    %dma_start3A_199 = tpu.memref_slice %arg7[%dma_start3A_196, %dma_start3A_197, %dma_start3A_198] : memref<2x128x128xf32, #tpu.memory_space<vmem>> -> memref<1x128x128xf32, #tpu.memory_space<vmem>>
    %dma_start3A_200 = tpu.memref_squeeze %dma_start3A_199 : memref<1x128x128xf32, #tpu.memory_space<vmem>> -> memref<128x128xf32, #tpu.memory_space<vmem>>
    %dma_start3A_201 = arith.constant 0 : i32
    %dma_start3A_202 = tpu.memref_slice %arg6[%dma_start3A_194, %dma_start3A_195, %dma_start3A_201] : memref<8x2x128xi32, #tpu.memory_space<vmem>> -> memref<1x1x128xi32, #tpu.memory_space<vmem>>
    %dma_start3A_203 = tpu.memref_squeeze %dma_start3A_202 : memref<1x1x128xi32, #tpu.memory_space<vmem>> -> memref<128xi32, #tpu.memory_space<vmem>>
    %dma_start3A_204 = arith.constant 0 : i32
    %dma_start3A_205 = arith.constant 0 : i32
    %dma_start3A_206 = tpu.memref_slice %arg2[%dma_start3A_204, %dma_start3A_205] : memref<10000x128xf32, #tpu.memory_space<hbm>> -> memref<10000x128xf32, #tpu.memory_space<hbm>>
    tpu.enqueue_indirect_dma source(%dma_start3A_206 : memref<10000x128xf32, #tpu.memory_space<hbm>>) target(%dma_start3A_200 : memref<128x128xf32, #tpu.memory_space<vmem>>) offsets(%dma_start3A_203 : memref<128xi32, #tpu.memory_space<vmem>>) semaphore(%arg10 : memref<!tpu.dma_semaphore, #tpu.memory_space<semaphore_mem>>)
    %scan3A = arith.constant 0 : i32
    %scan3A_207 = arith.constant 10 : i32
    %scan3A_208 = arith.addi %scan3A, %scan3A_207 : i32
    %scan3A_209 = arith.constant 1 : i32
    scf.for %scan3A_216 = %scan3A to %scan3A_208 step %scan3A_209  : i32 {
      %mul3A_217 = arith.constant 8 : i32
      %mul3A_218 = arith.muli %scan3A_216, %mul3A_217 : i32
      %add3A_219 = arith.constant 0 : i32
      %add3A_220 = arith.addi %add3A_219, %mul3A_218 : i32
      %add3A_221 = arith.constant 0 : i32
      %add3A_222 = arith.addi %add3A_220, %add3A_221 : i32
      %dma_wait3A_223 = arith.constant 0 : i32
      %dma_wait3A_224 = arith.constant 0 : i32
      %dma_wait3A_225 = arith.constant 0 : i32
      %dma_wait3A_226 = arith.constant 0 : i32
      %dma_wait3A_227 = arith.constant 0 : i32
      %dma_wait3A_228 = tpu.memref_slice %arg7[%dma_wait3A_225, %dma_wait3A_226, %dma_wait3A_227] : memref<2x128x128xf32, #tpu.memory_space<vmem>> -> memref<1x128x128xf32, #tpu.memory_space<vmem>>
      %dma_wait3A_229 = tpu.memref_squeeze %dma_wait3A_228 : memref<1x128x128xf32, #tpu.memory_space<vmem>> -> memref<128x128xf32, #tpu.memory_space<vmem>>
      %dma_wait3A_230 = arith.constant 0 : i32
      %dma_wait3A_231 = tpu.memref_slice %arg6[%dma_wait3A_223, %dma_wait3A_224, %dma_wait3A_230] : memref<8x2x128xi32, #tpu.memory_space<vmem>> -> memref<1x1x128xi32, #tpu.memory_space<vmem>>
      %dma_wait3A_232 = tpu.memref_squeeze %dma_wait3A_231 : memref<1x1x128xi32, #tpu.memory_space<vmem>> -> memref<128xi32, #tpu.memory_space<vmem>>
      %dma_wait3A_233 = arith.constant 0 : i32
      %dma_wait3A_234 = arith.constant 0 : i32
      %dma_wait3A_235 = tpu.memref_slice %arg2[%dma_wait3A_233, %dma_wait3A_234] : memref<10000x128xf32, #tpu.memory_space<hbm>> -> memref<10000x128xf32, #tpu.memory_space<hbm>>
      tpu.wait_indirect_dma semaphore(%arg9 : memref<!tpu.dma_semaphore, #tpu.memory_space<semaphore_mem>>) src(%dma_wait3A_235 : memref<10000x128xf32, #tpu.memory_space<hbm>>) dst(%dma_wait3A_229 : memref<128x128xf32, #tpu.memory_space<vmem>>)
      %run_scoped3A = arith.constant 0 : i32
      %run_scoped3A_236 = arith.constant 0 : i32
      %run_scoped3A_237 = arith.constant 1 : i32
      "tpu.region"() ({
        %run_scoped3A_473 = tpu.sem_alloc : memref<!tpu.dma_semaphore, #tpu.memory_space<semaphore_mem>>
        %dma_start3A_474 = arith.constant 0 : i32
        %dma_start3A_475 = arith.constant 0 : i32
        %dma_start3A_476 = tpu.memref_slice %arg7[%run_scoped3A, %dma_start3A_474, %dma_start3A_475] : memref<2x128x128xf32, #tpu.memory_space<vmem>> -> memref<1x128x128xf32, #tpu.memory_space<vmem>>
        %dma_start3A_477 = tpu.memref_squeeze %dma_start3A_476 : memref<1x128x128xf32, #tpu.memory_space<vmem>> -> memref<128x128xf32, #tpu.memory_space<vmem>>
        %dma_start3A_478 = arith.constant 0 : i32
        %dma_start3A_479 = tpu.memref_slice %arg6[%run_scoped3A_236, %run_scoped3A_237, %dma_start3A_478] : memref<8x2x128xi32, #tpu.memory_space<vmem>> -> memref<1x1x128xi32, #tpu.memory_space<vmem>>
        %dma_start3A_480 = tpu.memref_squeeze %dma_start3A_479 : memref<1x1x128xi32, #tpu.memory_space<vmem>> -> memref<128xi32, #tpu.memory_space<vmem>>
        %dma_start3A_481 = arith.constant 0 : i32
        %dma_start3A_482 = arith.constant 0 : i32
        %dma_start3A_483 = tpu.memref_slice %arg8[%dma_start3A_481, %dma_start3A_482] : memref<10112x128xf32, #tpu.memory_space<vmem_shared>> -> memref<10112x128xf32, #tpu.memory_space<vmem_shared>>
        tpu.enqueue_indirect_dma source(%dma_start3A_477 : memref<128x128xf32, #tpu.memory_space<vmem>>) target(%dma_start3A_483 : memref<10112x128xf32, #tpu.memory_space<vmem_shared>>) offsets(%dma_start3A_480 : memref<128xi32, #tpu.memory_space<vmem>>) semaphore(%run_scoped3A_473 : memref<!tpu.dma_semaphore, #tpu.memory_space<semaphore_mem>>) {add = true}
        %dma_wait3A_484 = arith.constant 0 : i32
        %dma_wait3A_485 = arith.constant 0 : i32
        %dma_wait3A_486 = tpu.memref_slice %arg7[%run_scoped3A, %dma_wait3A_484, %dma_wait3A_485] : memref<2x128x128xf32, #tpu.memory_space<vmem>> -> memref<1x128x128xf32, #tpu.memory_space<vmem>>
        %dma_wait3A_487 = tpu.memref_squeeze %dma_wait3A_486 : memref<1x128x128xf32, #tpu.memory_space<vmem>> -> memref<128x128xf32, #tpu.memory_space<vmem>>
        %dma_wait3A_488 = arith.constant 0 : i32
        %dma_wait3A_489 = tpu.memref_slice %arg6[%run_scoped3A_236, %run_scoped3A_237, %dma_wait3A_488] : memref<8x2x128xi32, #tpu.memory_space<vmem>> -> memref<1x1x128xi32, #tpu.memory_space<vmem>>
        %dma_wait3A_490 = tpu.memref_squeeze %dma_wait3A_489 : memref<1x1x128xi32, #tpu.memory_space<vmem>> -> memref<128xi32, #tpu.memory_space<vmem>>
        %dma_wait3A_491 = arith.constant 0 : i32
        %dma_wait3A_492 = arith.constant 0 : i32
        %dma_wait3A_493 = tpu.memref_slice %arg8[%dma_wait3A_491, %dma_wait3A_492] : memref<10112x128xf32, #tpu.memory_space<vmem_shared>> -> memref<10112x128xf32, #tpu.memory_space<vmem_shared>>
        tpu.wait_indirect_dma semaphore(%run_scoped3A_473 : memref<!tpu.dma_semaphore, #tpu.memory_space<semaphore_mem>>) src(%dma_wait3A_487 : memref<128x128xf32, #tpu.memory_space<vmem>>) dst(%dma_wait3A_493 : memref<10112x128xf32, #tpu.memory_space<vmem_shared>>)
        tpu.yield
      }) : () -> ()
      %add3A_238 = arith.constant 8 : i32
      %add3A_239 = arith.addi %add3A_222, %add3A_238 : i32
      %lt3A = arith.constant 80 : i32
      %lt3A_240 = arith.cmpi slt, %add3A_239, %lt3A : i32
      %convert_element_type3A = arith.extui %lt3A_240 : i1 to i32
      %cond3A = arith.constant 0 : i32
      %cond3A_241 = arith.cmpi ne, %convert_element_type3A, %cond3A : i32
      scf.if %cond3A_241 {
        %add3A_473 = arith.constant 8 : i32
        %add3A_474 = arith.addi %add3A_222, %add3A_473 : i32
        %dma_start3A_475 = arith.constant 0 : i32
        %dma_start3A_476 = arith.constant 0 : i32
        %dma_start3A_477 = arith.constant 0 : i32
        %dma_start3A_478 = tpu.memref_slice %arg6[%dma_start3A_475, %dma_start3A_476, %dma_start3A_477] : memref<8x2x128xi32, #tpu.memory_space<vmem>> -> memref<1x2x128xi32, #tpu.memory_space<vmem>>
        %dma_start3A_479 = tpu.memref_squeeze %dma_start3A_478 : memref<1x2x128xi32, #tpu.memory_space<vmem>> -> memref<2x128xi32, #tpu.memory_space<vmem>>
        %dma_start3A_480 = arith.constant 0 : i32
        %dma_start3A_481 = arith.constant 0 : i32
        %dma_start3A_482 = tpu.memref_slice %arg3[%add3A, %add3A_474, %dma_start3A_480, %dma_start3A_481] : memref<32x80x2x128xi32, #tpu.memory_space<hbm>> -> memref<1x1x2x128xi32, #tpu.memory_space<hbm>>
        %dma_start3A_483 = tpu.memref_squeeze %dma_start3A_482 : memref<1x1x2x128xi32, #tpu.memory_space<hbm>> -> memref<2x128xi32, #tpu.memory_space<hbm>>
        %dma_start3A_484 = arith.constant 0 : i32
        %dma_start3A_485 = arith.constant 0 : i32
        %dma_start3A_486 = tpu.memref_slice %arg6[%dma_start3A_475, %dma_start3A_484, %dma_start3A_485] : memref<8x2x128xi32, #tpu.memory_space<vmem>> -> memref<1x2x128xi32, #tpu.memory_space<vmem>>
        %dma_start3A_487 = tpu.memref_squeeze %dma_start3A_486 : memref<1x2x128xi32, #tpu.memory_space<vmem>> -> memref<2x128xi32, #tpu.memory_space<vmem>>
        %dma_start3A_488 = arith.constant 0 : i32
        %dma_start3A_489 = arith.constant 0 : i32
        %dma_start3A_490 = tpu.memref_slice %arg3[%add3A, %add3A_474, %dma_start3A_488, %dma_start3A_489] : memref<32x80x2x128xi32, #tpu.memory_space<hbm>> -> memref<1x1x2x128xi32, #tpu.memory_space<hbm>>
        %dma_start3A_491 = tpu.memref_squeeze %dma_start3A_490 : memref<1x1x2x128xi32, #tpu.memory_space<hbm>> -> memref<2x128xi32, #tpu.memory_space<hbm>>
        tpu.enqueue_dma source(%dma_start3A_491 : memref<2x128xi32, #tpu.memory_space<hbm>>) target(%dma_start3A_487 : memref<2x128xi32, #tpu.memory_space<vmem>>) target_semaphore(%arg11 : memref<!tpu.dma_semaphore, #tpu.memory_space<semaphore_mem>>)
      } else {
      }
      %add3A_242 = arith.constant 2 : i32
      %add3A_243 = arith.addi %add3A_222, %add3A_242 : i32
      %lt3A_244 = arith.constant 80 : i32
      %lt3A_245 = arith.cmpi slt, %add3A_243, %lt3A_244 : i32
      %convert_element_type3A_246 = arith.extui %lt3A_245 : i1 to i32
      %cond3A_247 = arith.constant 0 : i32
      %cond3A_248 = arith.cmpi ne, %convert_element_type3A_246, %cond3A_247 : i32
      scf.if %cond3A_248 {
        %add3A_473 = arith.constant 2 : i32
        %add3A_474 = arith.addi %add3A_222, %add3A_473 : i32
        %dma_wait3A_475 = arith.constant 2 : i32
        %dma_wait3A_476 = arith.constant 0 : i32
        %dma_wait3A_477 = arith.constant 0 : i32
        %dma_wait3A_478 = tpu.memref_slice %arg6[%dma_wait3A_475, %dma_wait3A_476, %dma_wait3A_477] : memref<8x2x128xi32, #tpu.memory_space<vmem>> -> memref<1x2x128xi32, #tpu.memory_space<vmem>>
        %dma_wait3A_479 = tpu.memref_squeeze %dma_wait3A_478 : memref<1x2x128xi32, #tpu.memory_space<vmem>> -> memref<2x128xi32, #tpu.memory_space<vmem>>
        %dma_wait3A_480 = arith.constant 0 : i32
        %dma_wait3A_481 = arith.constant 0 : i32
        %dma_wait3A_482 = tpu.memref_slice %arg3[%add3A, %add3A_474, %dma_wait3A_480, %dma_wait3A_481] : memref<32x80x2x128xi32, #tpu.memory_space<hbm>> -> memref<1x1x2x128xi32, #tpu.memory_space<hbm>>
        %dma_wait3A_483 = tpu.memref_squeeze %dma_wait3A_482 : memref<1x1x2x128xi32, #tpu.memory_space<hbm>> -> memref<2x128xi32, #tpu.memory_space<hbm>>
        %dma_wait3A_484 = arith.constant 0 : i32
        %dma_wait3A_485 = arith.constant 0 : i32
        %dma_wait3A_486 = tpu.memref_slice %arg6[%dma_wait3A_475, %dma_wait3A_484, %dma_wait3A_485] : memref<8x2x128xi32, #tpu.memory_space<vmem>> -> memref<1x2x128xi32, #tpu.memory_space<vmem>>
        %dma_wait3A_487 = tpu.memref_squeeze %dma_wait3A_486 : memref<1x2x128xi32, #tpu.memory_space<vmem>> -> memref<2x128xi32, #tpu.memory_space<vmem>>
        %dma_wait3A_488 = arith.constant 0 : i32
        %dma_wait3A_489 = arith.constant 0 : i32
        %dma_wait3A_490 = tpu.memref_slice %arg3[%add3A, %add3A_474, %dma_wait3A_488, %dma_wait3A_489] : memref<32x80x2x128xi32, #tpu.memory_space<hbm>> -> memref<1x1x2x128xi32, #tpu.memory_space<hbm>>
        %dma_wait3A_491 = tpu.memref_squeeze %dma_wait3A_490 : memref<1x1x2x128xi32, #tpu.memory_space<hbm>> -> memref<2x128xi32, #tpu.memory_space<hbm>>
        tpu.wait_dma2 semaphore(%arg13 : memref<!tpu.dma_semaphore, #tpu.memory_space<semaphore_mem>>) src(%dma_wait3A_491 : memref<2x128xi32, #tpu.memory_space<hbm>>) dst(%dma_wait3A_487 : memref<2x128xi32, #tpu.memory_space<vmem>>)
        %dma_start3A_492 = arith.constant 2 : i32
        %dma_start3A_493 = arith.constant 0 : i32
        %dma_start3A_494 = arith.constant 0 : i32
        %dma_start3A_495 = arith.constant 0 : i32
        %dma_start3A_496 = arith.constant 0 : i32
        %dma_start3A_497 = tpu.memref_slice %arg7[%dma_start3A_494, %dma_start3A_495, %dma_start3A_496] : memref<2x128x128xf32, #tpu.memory_space<vmem>> -> memref<1x128x128xf32, #tpu.memory_space<vmem>>
        %dma_start3A_498 = tpu.memref_squeeze %dma_start3A_497 : memref<1x128x128xf32, #tpu.memory_space<vmem>> -> memref<128x128xf32, #tpu.memory_space<vmem>>
        %dma_start3A_499 = arith.constant 0 : i32
        %dma_start3A_500 = tpu.memref_slice %arg6[%dma_start3A_492, %dma_start3A_493, %dma_start3A_499] : memref<8x2x128xi32, #tpu.memory_space<vmem>> -> memref<1x1x128xi32, #tpu.memory_space<vmem>>
        %dma_start3A_501 = tpu.memref_squeeze %dma_start3A_500 : memref<1x1x128xi32, #tpu.memory_space<vmem>> -> memref<128xi32, #tpu.memory_space<vmem>>
        %dma_start3A_502 = arith.constant 0 : i32
        %dma_start3A_503 = arith.constant 0 : i32
        %dma_start3A_504 = tpu.memref_slice %arg2[%dma_start3A_502, %dma_start3A_503] : memref<10000x128xf32, #tpu.memory_space<hbm>> -> memref<10000x128xf32, #tpu.memory_space<hbm>>
        tpu.enqueue_indirect_dma source(%dma_start3A_504 : memref<10000x128xf32, #tpu.memory_space<hbm>>) target(%dma_start3A_498 : memref<128x128xf32, #tpu.memory_space<vmem>>) offsets(%dma_start3A_501 : memref<128xi32, #tpu.memory_space<vmem>>) semaphore(%arg9 : memref<!tpu.dma_semaphore, #tpu.memory_space<semaphore_mem>>)
      } else {
      }
      %add3A_249 = arith.constant 1 : i32
      %add3A_250 = arith.addi %add3A_220, %add3A_249 : i32
      %dma_wait3A_251 = arith.constant 1 : i32
      %dma_wait3A_252 = arith.constant 0 : i32
      %dma_wait3A_253 = arith.constant 1 : i32
      %dma_wait3A_254 = arith.constant 0 : i32
      %dma_wait3A_255 = arith.constant 0 : i32
      %dma_wait3A_256 = tpu.memref_slice %arg7[%dma_wait3A_253, %dma_wait3A_254, %dma_wait3A_255] : memref<2x128x128xf32, #tpu.memory_space<vmem>> -> memref<1x128x128xf32, #tpu.memory_space<vmem>>
      %dma_wait3A_257 = tpu.memref_squeeze %dma_wait3A_256 : memref<1x128x128xf32, #tpu.memory_space<vmem>> -> memref<128x128xf32, #tpu.memory_space<vmem>>
      %dma_wait3A_258 = arith.constant 0 : i32
      %dma_wait3A_259 = tpu.memref_slice %arg6[%dma_wait3A_251, %dma_wait3A_252, %dma_wait3A_258] : memref<8x2x128xi32, #tpu.memory_space<vmem>> -> memref<1x1x128xi32, #tpu.memory_space<vmem>>
      %dma_wait3A_260 = tpu.memref_squeeze %dma_wait3A_259 : memref<1x1x128xi32, #tpu.memory_space<vmem>> -> memref<128xi32, #tpu.memory_space<vmem>>
      %dma_wait3A_261 = arith.constant 0 : i32
      %dma_wait3A_262 = arith.constant 0 : i32
      %dma_wait3A_263 = tpu.memref_slice %arg2[%dma_wait3A_261, %dma_wait3A_262] : memref<10000x128xf32, #tpu.memory_space<hbm>> -> memref<10000x128xf32, #tpu.memory_space<hbm>>
      tpu.wait_indirect_dma semaphore(%arg10 : memref<!tpu.dma_semaphore, #tpu.memory_space<semaphore_mem>>) src(%dma_wait3A_263 : memref<10000x128xf32, #tpu.memory_space<hbm>>) dst(%dma_wait3A_257 : memref<128x128xf32, #tpu.memory_space<vmem>>)
      %run_scoped3A_264 = arith.constant 1 : i32
      %run_scoped3A_265 = arith.constant 1 : i32
      %run_scoped3A_266 = arith.constant 1 : i32
      "tpu.region"() ({
        %run_scoped3A_473 = tpu.sem_alloc : memref<!tpu.dma_semaphore, #tpu.memory_space<semaphore_mem>>
        %dma_start3A_474 = arith.constant 0 : i32
        %dma_start3A_475 = arith.constant 0 : i32
        %dma_start3A_476 = tpu.memref_slice %arg7[%run_scoped3A_264, %dma_start3A_474, %dma_start3A_475] : memref<2x128x128xf32, #tpu.memory_space<vmem>> -> memref<1x128x128xf32, #tpu.memory_space<vmem>>
        %dma_start3A_477 = tpu.memref_squeeze %dma_start3A_476 : memref<1x128x128xf32, #tpu.memory_space<vmem>> -> memref<128x128xf32, #tpu.memory_space<vmem>>
        %dma_start3A_478 = arith.constant 0 : i32
        %dma_start3A_479 = tpu.memref_slice %arg6[%run_scoped3A_265, %run_scoped3A_266, %dma_start3A_478] : memref<8x2x128xi32, #tpu.memory_space<vmem>> -> memref<1x1x128xi32, #tpu.memory_space<vmem>>
        %dma_start3A_480 = tpu.memref_squeeze %dma_start3A_479 : memref<1x1x128xi32, #tpu.memory_space<vmem>> -> memref<128xi32, #tpu.memory_space<vmem>>
        %dma_start3A_481 = arith.constant 0 : i32
        %dma_start3A_482 = arith.constant 0 : i32
        %dma_start3A_483 = tpu.memref_slice %arg8[%dma_start3A_481, %dma_start3A_482] : memref<10112x128xf32, #tpu.memory_space<vmem_shared>> -> memref<10112x128xf32, #tpu.memory_space<vmem_shared>>
        tpu.enqueue_indirect_dma source(%dma_start3A_477 : memref<128x128xf32, #tpu.memory_space<vmem>>) target(%dma_start3A_483 : memref<10112x128xf32, #tpu.memory_space<vmem_shared>>) offsets(%dma_start3A_480 : memref<128xi32, #tpu.memory_space<vmem>>) semaphore(%run_scoped3A_473 : memref<!tpu.dma_semaphore, #tpu.memory_space<semaphore_mem>>) {add = true}
        %dma_wait3A_484 = arith.constant 0 : i32
        %dma_wait3A_485 = arith.constant 0 : i32
        %dma_wait3A_486 = tpu.memref_slice %arg7[%run_scoped3A_264, %dma_wait3A_484, %dma_wait3A_485] : memref<2x128x128xf32, #tpu.memory_space<vmem>> -> memref<1x128x128xf32, #tpu.memory_space<vmem>>
        %dma_wait3A_487 = tpu.memref_squeeze %dma_wait3A_486 : memref<1x128x128xf32, #tpu.memory_space<vmem>> -> memref<128x128xf32, #tpu.memory_space<vmem>>
        %dma_wait3A_488 = arith.constant 0 : i32
        %dma_wait3A_489 = tpu.memref_slice %arg6[%run_scoped3A_265, %run_scoped3A_266, %dma_wait3A_488] : memref<8x2x128xi32, #tpu.memory_space<vmem>> -> memref<1x1x128xi32, #tpu.memory_space<vmem>>
        %dma_wait3A_490 = tpu.memref_squeeze %dma_wait3A_489 : memref<1x1x128xi32, #tpu.memory_space<vmem>> -> memref<128xi32, #tpu.memory_space<vmem>>
        %dma_wait3A_491 = arith.constant 0 : i32
        %dma_wait3A_492 = arith.constant 0 : i32
        %dma_wait3A_493 = tpu.memref_slice %arg8[%dma_wait3A_491, %dma_wait3A_492] : memref<10112x128xf32, #tpu.memory_space<vmem_shared>> -> memref<10112x128xf32, #tpu.memory_space<vmem_shared>>
        tpu.wait_indirect_dma semaphore(%run_scoped3A_473 : memref<!tpu.dma_semaphore, #tpu.memory_space<semaphore_mem>>) src(%dma_wait3A_487 : memref<128x128xf32, #tpu.memory_space<vmem>>) dst(%dma_wait3A_493 : memref<10112x128xf32, #tpu.memory_space<vmem_shared>>)
        tpu.yield
      }) : () -> ()
      %add3A_267 = arith.constant 8 : i32
      %add3A_268 = arith.addi %add3A_250, %add3A_267 : i32
      %lt3A_269 = arith.constant 80 : i32
      %lt3A_270 = arith.cmpi slt, %add3A_268, %lt3A_269 : i32
      %convert_element_type3A_271 = arith.extui %lt3A_270 : i1 to i32
      %cond3A_272 = arith.constant 0 : i32
      %cond3A_273 = arith.cmpi ne, %convert_element_type3A_271, %cond3A_272 : i32
      scf.if %cond3A_273 {
        %add3A_473 = arith.constant 8 : i32
        %add3A_474 = arith.addi %add3A_250, %add3A_473 : i32
        %dma_start3A_475 = arith.constant 1 : i32
        %dma_start3A_476 = arith.constant 0 : i32
        %dma_start3A_477 = arith.constant 0 : i32
        %dma_start3A_478 = tpu.memref_slice %arg6[%dma_start3A_475, %dma_start3A_476, %dma_start3A_477] : memref<8x2x128xi32, #tpu.memory_space<vmem>> -> memref<1x2x128xi32, #tpu.memory_space<vmem>>
        %dma_start3A_479 = tpu.memref_squeeze %dma_start3A_478 : memref<1x2x128xi32, #tpu.memory_space<vmem>> -> memref<2x128xi32, #tpu.memory_space<vmem>>
        %dma_start3A_480 = arith.constant 0 : i32
        %dma_start3A_481 = arith.constant 0 : i32
        %dma_start3A_482 = tpu.memref_slice %arg3[%add3A, %add3A_474, %dma_start3A_480, %dma_start3A_481] : memref<32x80x2x128xi32, #tpu.memory_space<hbm>> -> memref<1x1x2x128xi32, #tpu.memory_space<hbm>>
        %dma_start3A_483 = tpu.memref_squeeze %dma_start3A_482 : memref<1x1x2x128xi32, #tpu.memory_space<hbm>> -> memref<2x128xi32, #tpu.memory_space<hbm>>
        %dma_start3A_484 = arith.constant 0 : i32
        %dma_start3A_485 = arith.constant 0 : i32
        %dma_start3A_486 = tpu.memref_slice %arg6[%dma_start3A_475, %dma_start3A_484, %dma_start3A_485] : memref<8x2x128xi32, #tpu.memory_space<vmem>> -> memref<1x2x128xi32, #tpu.memory_space<vmem>>
        %dma_start3A_487 = tpu.memref_squeeze %dma_start3A_486 : memref<1x2x128xi32, #tpu.memory_space<vmem>> -> memref<2x128xi32, #tpu.memory_space<vmem>>
        %dma_start3A_488 = arith.constant 0 : i32
        %dma_start3A_489 = arith.constant 0 : i32
        %dma_start3A_490 = tpu.memref_slice %arg3[%add3A, %add3A_474, %dma_start3A_488, %dma_start3A_489] : memref<32x80x2x128xi32, #tpu.memory_space<hbm>> -> memref<1x1x2x128xi32, #tpu.memory_space<hbm>>
        %dma_start3A_491 = tpu.memref_squeeze %dma_start3A_490 : memref<1x1x2x128xi32, #tpu.memory_space<hbm>> -> memref<2x128xi32, #tpu.memory_space<hbm>>
        tpu.enqueue_dma source(%dma_start3A_491 : memref<2x128xi32, #tpu.memory_space<hbm>>) target(%dma_start3A_487 : memref<2x128xi32, #tpu.memory_space<vmem>>) target_semaphore(%arg12 : memref<!tpu.dma_semaphore, #tpu.memory_space<semaphore_mem>>)
      } else {
      }
      %add3A_274 = arith.constant 2 : i32
      %add3A_275 = arith.addi %add3A_250, %add3A_274 : i32
      %lt3A_276 = arith.constant 80 : i32
      %lt3A_277 = arith.cmpi slt, %add3A_275, %lt3A_276 : i32
      %convert_element_type3A_278 = arith.extui %lt3A_277 : i1 to i32
      %cond3A_279 = arith.constant 0 : i32
      %cond3A_280 = arith.cmpi ne, %convert_element_type3A_278, %cond3A_279 : i32
      scf.if %cond3A_280 {
        %add3A_473 = arith.constant 2 : i32
        %add3A_474 = arith.addi %add3A_250, %add3A_473 : i32
        %dma_wait3A_475 = arith.constant 3 : i32
        %dma_wait3A_476 = arith.constant 0 : i32
        %dma_wait3A_477 = arith.constant 0 : i32
        %dma_wait3A_478 = tpu.memref_slice %arg6[%dma_wait3A_475, %dma_wait3A_476, %dma_wait3A_477] : memref<8x2x128xi32, #tpu.memory_space<vmem>> -> memref<1x2x128xi32, #tpu.memory_space<vmem>>
        %dma_wait3A_479 = tpu.memref_squeeze %dma_wait3A_478 : memref<1x2x128xi32, #tpu.memory_space<vmem>> -> memref<2x128xi32, #tpu.memory_space<vmem>>
        %dma_wait3A_480 = arith.constant 0 : i32
        %dma_wait3A_481 = arith.constant 0 : i32
        %dma_wait3A_482 = tpu.memref_slice %arg3[%add3A, %add3A_474, %dma_wait3A_480, %dma_wait3A_481] : memref<32x80x2x128xi32, #tpu.memory_space<hbm>> -> memref<1x1x2x128xi32, #tpu.memory_space<hbm>>
        %dma_wait3A_483 = tpu.memref_squeeze %dma_wait3A_482 : memref<1x1x2x128xi32, #tpu.memory_space<hbm>> -> memref<2x128xi32, #tpu.memory_space<hbm>>
        %dma_wait3A_484 = arith.constant 0 : i32
        %dma_wait3A_485 = arith.constant 0 : i32
        %dma_wait3A_486 = tpu.memref_slice %arg6[%dma_wait3A_475, %dma_wait3A_484, %dma_wait3A_485] : memref<8x2x128xi32, #tpu.memory_space<vmem>> -> memref<1x2x128xi32, #tpu.memory_space<vmem>>
        %dma_wait3A_487 = tpu.memref_squeeze %dma_wait3A_486 : memref<1x2x128xi32, #tpu.memory_space<vmem>> -> memref<2x128xi32, #tpu.memory_space<vmem>>
        %dma_wait3A_488 = arith.constant 0 : i32
        %dma_wait3A_489 = arith.constant 0 : i32
        %dma_wait3A_490 = tpu.memref_slice %arg3[%add3A, %add3A_474, %dma_wait3A_488, %dma_wait3A_489] : memref<32x80x2x128xi32, #tpu.memory_space<hbm>> -> memref<1x1x2x128xi32, #tpu.memory_space<hbm>>
        %dma_wait3A_491 = tpu.memref_squeeze %dma_wait3A_490 : memref<1x1x2x128xi32, #tpu.memory_space<hbm>> -> memref<2x128xi32, #tpu.memory_space<hbm>>
        tpu.wait_dma2 semaphore(%arg14 : memref<!tpu.dma_semaphore, #tpu.memory_space<semaphore_mem>>) src(%dma_wait3A_491 : memref<2x128xi32, #tpu.memory_space<hbm>>) dst(%dma_wait3A_487 : memref<2x128xi32, #tpu.memory_space<vmem>>)
        %dma_start3A_492 = arith.constant 3 : i32
        %dma_start3A_493 = arith.constant 0 : i32
        %dma_start3A_494 = arith.constant 1 : i32
        %dma_start3A_495 = arith.constant 0 : i32
        %dma_start3A_496 = arith.constant 0 : i32
        %dma_start3A_497 = tpu.memref_slice %arg7[%dma_start3A_494, %dma_start3A_495, %dma_start3A_496] : memref<2x128x128xf32, #tpu.memory_space<vmem>> -> memref<1x128x128xf32, #tpu.memory_space<vmem>>
        %dma_start3A_498 = tpu.memref_squeeze %dma_start3A_497 : memref<1x128x128xf32, #tpu.memory_space<vmem>> -> memref<128x128xf32, #tpu.memory_space<vmem>>
        %dma_start3A_499 = arith.constant 0 : i32
        %dma_start3A_500 = tpu.memref_slice %arg6[%dma_start3A_492, %dma_start3A_493, %dma_start3A_499] : memref<8x2x128xi32, #tpu.memory_space<vmem>> -> memref<1x1x128xi32, #tpu.memory_space<vmem>>
        %dma_start3A_501 = tpu.memref_squeeze %dma_start3A_500 : memref<1x1x128xi32, #tpu.memory_space<vmem>> -> memref<128xi32, #tpu.memory_space<vmem>>
        %dma_start3A_502 = arith.constant 0 : i32
        %dma_start3A_503 = arith.constant 0 : i32
        %dma_start3A_504 = tpu.memref_slice %arg2[%dma_start3A_502, %dma_start3A_503] : memref<10000x128xf32, #tpu.memory_space<hbm>> -> memref<10000x128xf32, #tpu.memory_space<hbm>>
        tpu.enqueue_indirect_dma source(%dma_start3A_504 : memref<10000x128xf32, #tpu.memory_space<hbm>>) target(%dma_start3A_498 : memref<128x128xf32, #tpu.memory_space<vmem>>) offsets(%dma_start3A_501 : memref<128xi32, #tpu.memory_space<vmem>>) semaphore(%arg10 : memref<!tpu.dma_semaphore, #tpu.memory_space<semaphore_mem>>)
      } else {
      }
      %add3A_281 = arith.constant 2 : i32
      %add3A_282 = arith.addi %add3A_220, %add3A_281 : i32
      %dma_wait3A_283 = arith.constant 2 : i32
      %dma_wait3A_284 = arith.constant 0 : i32
      %dma_wait3A_285 = arith.constant 0 : i32
      %dma_wait3A_286 = arith.constant 0 : i32
      %dma_wait3A_287 = arith.constant 0 : i32
      %dma_wait3A_288 = tpu.memref_slice %arg7[%dma_wait3A_285, %dma_wait3A_286, %dma_wait3A_287] : memref<2x128x128xf32, #tpu.memory_space<vmem>> -> memref<1x128x128xf32, #tpu.memory_space<vmem>>
      %dma_wait3A_289 = tpu.memref_squeeze %dma_wait3A_288 : memref<1x128x128xf32, #tpu.memory_space<vmem>> -> memref<128x128xf32, #tpu.memory_space<vmem>>
      %dma_wait3A_290 = arith.constant 0 : i32
      %dma_wait3A_291 = tpu.memref_slice %arg6[%dma_wait3A_283, %dma_wait3A_284, %dma_wait3A_290] : memref<8x2x128xi32, #tpu.memory_space<vmem>> -> memref<1x1x128xi32, #tpu.memory_space<vmem>>
      %dma_wait3A_292 = tpu.memref_squeeze %dma_wait3A_291 : memref<1x1x128xi32, #tpu.memory_space<vmem>> -> memref<128xi32, #tpu.memory_space<vmem>>
      %dma_wait3A_293 = arith.constant 0 : i32
      %dma_wait3A_294 = arith.constant 0 : i32
      %dma_wait3A_295 = tpu.memref_slice %arg2[%dma_wait3A_293, %dma_wait3A_294] : memref<10000x128xf32, #tpu.memory_space<hbm>> -> memref<10000x128xf32, #tpu.memory_space<hbm>>
      tpu.wait_indirect_dma semaphore(%arg9 : memref<!tpu.dma_semaphore, #tpu.memory_space<semaphore_mem>>) src(%dma_wait3A_295 : memref<10000x128xf32, #tpu.memory_space<hbm>>) dst(%dma_wait3A_289 : memref<128x128xf32, #tpu.memory_space<vmem>>)
      %run_scoped3A_296 = arith.constant 0 : i32
      %run_scoped3A_297 = arith.constant 2 : i32
      %run_scoped3A_298 = arith.constant 1 : i32
      "tpu.region"() ({
        %run_scoped3A_473 = tpu.sem_alloc : memref<!tpu.dma_semaphore, #tpu.memory_space<semaphore_mem>>
        %dma_start3A_474 = arith.constant 0 : i32
        %dma_start3A_475 = arith.constant 0 : i32
        %dma_start3A_476 = tpu.memref_slice %arg7[%run_scoped3A_296, %dma_start3A_474, %dma_start3A_475] : memref<2x128x128xf32, #tpu.memory_space<vmem>> -> memref<1x128x128xf32, #tpu.memory_space<vmem>>
        %dma_start3A_477 = tpu.memref_squeeze %dma_start3A_476 : memref<1x128x128xf32, #tpu.memory_space<vmem>> -> memref<128x128xf32, #tpu.memory_space<vmem>>
        %dma_start3A_478 = arith.constant 0 : i32
        %dma_start3A_479 = tpu.memref_slice %arg6[%run_scoped3A_297, %run_scoped3A_298, %dma_start3A_478] : memref<8x2x128xi32, #tpu.memory_space<vmem>> -> memref<1x1x128xi32, #tpu.memory_space<vmem>>
        %dma_start3A_480 = tpu.memref_squeeze %dma_start3A_479 : memref<1x1x128xi32, #tpu.memory_space<vmem>> -> memref<128xi32, #tpu.memory_space<vmem>>
        %dma_start3A_481 = arith.constant 0 : i32
        %dma_start3A_482 = arith.constant 0 : i32
        %dma_start3A_483 = tpu.memref_slice %arg8[%dma_start3A_481, %dma_start3A_482] : memref<10112x128xf32, #tpu.memory_space<vmem_shared>> -> memref<10112x128xf32, #tpu.memory_space<vmem_shared>>
        tpu.enqueue_indirect_dma source(%dma_start3A_477 : memref<128x128xf32, #tpu.memory_space<vmem>>) target(%dma_start3A_483 : memref<10112x128xf32, #tpu.memory_space<vmem_shared>>) offsets(%dma_start3A_480 : memref<128xi32, #tpu.memory_space<vmem>>) semaphore(%run_scoped3A_473 : memref<!tpu.dma_semaphore, #tpu.memory_space<semaphore_mem>>) {add = true}
        %dma_wait3A_484 = arith.constant 0 : i32
        %dma_wait3A_485 = arith.constant 0 : i32
        %dma_wait3A_486 = tpu.memref_slice %arg7[%run_scoped3A_296, %dma_wait3A_484, %dma_wait3A_485] : memref<2x128x128xf32, #tpu.memory_space<vmem>> -> memref<1x128x128xf32, #tpu.memory_space<vmem>>
        %dma_wait3A_487 = tpu.memref_squeeze %dma_wait3A_486 : memref<1x128x128xf32, #tpu.memory_space<vmem>> -> memref<128x128xf32, #tpu.memory_space<vmem>>
        %dma_wait3A_488 = arith.constant 0 : i32
        %dma_wait3A_489 = tpu.memref_slice %arg6[%run_scoped3A_297, %run_scoped3A_298, %dma_wait3A_488] : memref<8x2x128xi32, #tpu.memory_space<vmem>> -> memref<1x1x128xi32, #tpu.memory_space<vmem>>
        %dma_wait3A_490 = tpu.memref_squeeze %dma_wait3A_489 : memref<1x1x128xi32, #tpu.memory_space<vmem>> -> memref<128xi32, #tpu.memory_space<vmem>>
        %dma_wait3A_491 = arith.constant 0 : i32
        %dma_wait3A_492 = arith.constant 0 : i32
        %dma_wait3A_493 = tpu.memref_slice %arg8[%dma_wait3A_491, %dma_wait3A_492] : memref<10112x128xf32, #tpu.memory_space<vmem_shared>> -> memref<10112x128xf32, #tpu.memory_space<vmem_shared>>
        tpu.wait_indirect_dma semaphore(%run_scoped3A_473 : memref<!tpu.dma_semaphore, #tpu.memory_space<semaphore_mem>>) src(%dma_wait3A_487 : memref<128x128xf32, #tpu.memory_space<vmem>>) dst(%dma_wait3A_493 : memref<10112x128xf32, #tpu.memory_space<vmem_shared>>)
        tpu.yield
      }) : () -> ()
      %add3A_299 = arith.constant 8 : i32
      %add3A_300 = arith.addi %add3A_282, %add3A_299 : i32
      %lt3A_301 = arith.constant 80 : i32
      %lt3A_302 = arith.cmpi slt, %add3A_300, %lt3A_301 : i32
      %convert_element_type3A_303 = arith.extui %lt3A_302 : i1 to i32
      %cond3A_304 = arith.constant 0 : i32
      %cond3A_305 = arith.cmpi ne, %convert_element_type3A_303, %cond3A_304 : i32
      scf.if %cond3A_305 {
        %add3A_473 = arith.constant 8 : i32
        %add3A_474 = arith.addi %add3A_282, %add3A_473 : i32
        %dma_start3A_475 = arith.constant 2 : i32
        %dma_start3A_476 = arith.constant 0 : i32
        %dma_start3A_477 = arith.constant 0 : i32
        %dma_start3A_478 = tpu.memref_slice %arg6[%dma_start3A_475, %dma_start3A_476, %dma_start3A_477] : memref<8x2x128xi32, #tpu.memory_space<vmem>> -> memref<1x2x128xi32, #tpu.memory_space<vmem>>
        %dma_start3A_479 = tpu.memref_squeeze %dma_start3A_478 : memref<1x2x128xi32, #tpu.memory_space<vmem>> -> memref<2x128xi32, #tpu.memory_space<vmem>>
        %dma_start3A_480 = arith.constant 0 : i32
        %dma_start3A_481 = arith.constant 0 : i32
        %dma_start3A_482 = tpu.memref_slice %arg3[%add3A, %add3A_474, %dma_start3A_480, %dma_start3A_481] : memref<32x80x2x128xi32, #tpu.memory_space<hbm>> -> memref<1x1x2x128xi32, #tpu.memory_space<hbm>>
        %dma_start3A_483 = tpu.memref_squeeze %dma_start3A_482 : memref<1x1x2x128xi32, #tpu.memory_space<hbm>> -> memref<2x128xi32, #tpu.memory_space<hbm>>
        %dma_start3A_484 = arith.constant 0 : i32
        %dma_start3A_485 = arith.constant 0 : i32
        %dma_start3A_486 = tpu.memref_slice %arg6[%dma_start3A_475, %dma_start3A_484, %dma_start3A_485] : memref<8x2x128xi32, #tpu.memory_space<vmem>> -> memref<1x2x128xi32, #tpu.memory_space<vmem>>
        %dma_start3A_487 = tpu.memref_squeeze %dma_start3A_486 : memref<1x2x128xi32, #tpu.memory_space<vmem>> -> memref<2x128xi32, #tpu.memory_space<vmem>>
        %dma_start3A_488 = arith.constant 0 : i32
        %dma_start3A_489 = arith.constant 0 : i32
        %dma_start3A_490 = tpu.memref_slice %arg3[%add3A, %add3A_474, %dma_start3A_488, %dma_start3A_489] : memref<32x80x2x128xi32, #tpu.memory_space<hbm>> -> memref<1x1x2x128xi32, #tpu.memory_space<hbm>>
        %dma_start3A_491 = tpu.memref_squeeze %dma_start3A_490 : memref<1x1x2x128xi32, #tpu.memory_space<hbm>> -> memref<2x128xi32, #tpu.memory_space<hbm>>
        tpu.enqueue_dma source(%dma_start3A_491 : memref<2x128xi32, #tpu.memory_space<hbm>>) target(%dma_start3A_487 : memref<2x128xi32, #tpu.memory_space<vmem>>) target_semaphore(%arg13 : memref<!tpu.dma_semaphore, #tpu.memory_space<semaphore_mem>>)
      } else {
      }
      %add3A_306 = arith.constant 2 : i32
      %add3A_307 = arith.addi %add3A_282, %add3A_306 : i32
      %lt3A_308 = arith.constant 80 : i32
      %lt3A_309 = arith.cmpi slt, %add3A_307, %lt3A_308 : i32
      %convert_element_type3A_310 = arith.extui %lt3A_309 : i1 to i32
      %cond3A_311 = arith.constant 0 : i32
      %cond3A_312 = arith.cmpi ne, %convert_element_type3A_310, %cond3A_311 : i32
      scf.if %cond3A_312 {
        %add3A_473 = arith.constant 2 : i32
        %add3A_474 = arith.addi %add3A_282, %add3A_473 : i32
        %dma_wait3A_475 = arith.constant 4 : i32
        %dma_wait3A_476 = arith.constant 0 : i32
        %dma_wait3A_477 = arith.constant 0 : i32
        %dma_wait3A_478 = tpu.memref_slice %arg6[%dma_wait3A_475, %dma_wait3A_476, %dma_wait3A_477] : memref<8x2x128xi32, #tpu.memory_space<vmem>> -> memref<1x2x128xi32, #tpu.memory_space<vmem>>
        %dma_wait3A_479 = tpu.memref_squeeze %dma_wait3A_478 : memref<1x2x128xi32, #tpu.memory_space<vmem>> -> memref<2x128xi32, #tpu.memory_space<vmem>>
        %dma_wait3A_480 = arith.constant 0 : i32
        %dma_wait3A_481 = arith.constant 0 : i32
        %dma_wait3A_482 = tpu.memref_slice %arg3[%add3A, %add3A_474, %dma_wait3A_480, %dma_wait3A_481] : memref<32x80x2x128xi32, #tpu.memory_space<hbm>> -> memref<1x1x2x128xi32, #tpu.memory_space<hbm>>
        %dma_wait3A_483 = tpu.memref_squeeze %dma_wait3A_482 : memref<1x1x2x128xi32, #tpu.memory_space<hbm>> -> memref<2x128xi32, #tpu.memory_space<hbm>>
        %dma_wait3A_484 = arith.constant 0 : i32
        %dma_wait3A_485 = arith.constant 0 : i32
        %dma_wait3A_486 = tpu.memref_slice %arg6[%dma_wait3A_475, %dma_wait3A_484, %dma_wait3A_485] : memref<8x2x128xi32, #tpu.memory_space<vmem>> -> memref<1x2x128xi32, #tpu.memory_space<vmem>>
        %dma_wait3A_487 = tpu.memref_squeeze %dma_wait3A_486 : memref<1x2x128xi32, #tpu.memory_space<vmem>> -> memref<2x128xi32, #tpu.memory_space<vmem>>
        %dma_wait3A_488 = arith.constant 0 : i32
        %dma_wait3A_489 = arith.constant 0 : i32
        %dma_wait3A_490 = tpu.memref_slice %arg3[%add3A, %add3A_474, %dma_wait3A_488, %dma_wait3A_489] : memref<32x80x2x128xi32, #tpu.memory_space<hbm>> -> memref<1x1x2x128xi32, #tpu.memory_space<hbm>>
        %dma_wait3A_491 = tpu.memref_squeeze %dma_wait3A_490 : memref<1x1x2x128xi32, #tpu.memory_space<hbm>> -> memref<2x128xi32, #tpu.memory_space<hbm>>
        tpu.wait_dma2 semaphore(%arg15 : memref<!tpu.dma_semaphore, #tpu.memory_space<semaphore_mem>>) src(%dma_wait3A_491 : memref<2x128xi32, #tpu.memory_space<hbm>>) dst(%dma_wait3A_487 : memref<2x128xi32, #tpu.memory_space<vmem>>)
        %dma_start3A_492 = arith.constant 4 : i32
        %dma_start3A_493 = arith.constant 0 : i32
        %dma_start3A_494 = arith.constant 0 : i32
        %dma_start3A_495 = arith.constant 0 : i32
        %dma_start3A_496 = arith.constant 0 : i32
        %dma_start3A_497 = tpu.memref_slice %arg7[%dma_start3A_494, %dma_start3A_495, %dma_start3A_496] : memref<2x128x128xf32, #tpu.memory_space<vmem>> -> memref<1x128x128xf32, #tpu.memory_space<vmem>>
        %dma_start3A_498 = tpu.memref_squeeze %dma_start3A_497 : memref<1x128x128xf32, #tpu.memory_space<vmem>> -> memref<128x128xf32, #tpu.memory_space<vmem>>
        %dma_start3A_499 = arith.constant 0 : i32
        %dma_start3A_500 = tpu.memref_slice %arg6[%dma_start3A_492, %dma_start3A_493, %dma_start3A_499] : memref<8x2x128xi32, #tpu.memory_space<vmem>> -> memref<1x1x128xi32, #tpu.memory_space<vmem>>
        %dma_start3A_501 = tpu.memref_squeeze %dma_start3A_500 : memref<1x1x128xi32, #tpu.memory_space<vmem>> -> memref<128xi32, #tpu.memory_space<vmem>>
        %dma_start3A_502 = arith.constant 0 : i32
        %dma_start3A_503 = arith.constant 0 : i32
        %dma_start3A_504 = tpu.memref_slice %arg2[%dma_start3A_502, %dma_start3A_503] : memref<10000x128xf32, #tpu.memory_space<hbm>> -> memref<10000x128xf32, #tpu.memory_space<hbm>>
        tpu.enqueue_indirect_dma source(%dma_start3A_504 : memref<10000x128xf32, #tpu.memory_space<hbm>>) target(%dma_start3A_498 : memref<128x128xf32, #tpu.memory_space<vmem>>) offsets(%dma_start3A_501 : memref<128xi32, #tpu.memory_space<vmem>>) semaphore(%arg9 : memref<!tpu.dma_semaphore, #tpu.memory_space<semaphore_mem>>)
      } else {
      }
      %add3A_313 = arith.constant 3 : i32
      %add3A_314 = arith.addi %add3A_220, %add3A_313 : i32
      %dma_wait3A_315 = arith.constant 3 : i32
      %dma_wait3A_316 = arith.constant 0 : i32
      %dma_wait3A_317 = arith.constant 1 : i32
      %dma_wait3A_318 = arith.constant 0 : i32
      %dma_wait3A_319 = arith.constant 0 : i32
      %dma_wait3A_320 = tpu.memref_slice %arg7[%dma_wait3A_317, %dma_wait3A_318, %dma_wait3A_319] : memref<2x128x128xf32, #tpu.memory_space<vmem>> -> memref<1x128x128xf32, #tpu.memory_space<vmem>>
      %dma_wait3A_321 = tpu.memref_squeeze %dma_wait3A_320 : memref<1x128x128xf32, #tpu.memory_space<vmem>> -> memref<128x128xf32, #tpu.memory_space<vmem>>
      %dma_wait3A_322 = arith.constant 0 : i32
      %dma_wait3A_323 = tpu.memref_slice %arg6[%dma_wait3A_315, %dma_wait3A_316, %dma_wait3A_322] : memref<8x2x128xi32, #tpu.memory_space<vmem>> -> memref<1x1x128xi32, #tpu.memory_space<vmem>>
      %dma_wait3A_324 = tpu.memref_squeeze %dma_wait3A_323 : memref<1x1x128xi32, #tpu.memory_space<vmem>> -> memref<128xi32, #tpu.memory_space<vmem>>
      %dma_wait3A_325 = arith.constant 0 : i32
      %dma_wait3A_326 = arith.constant 0 : i32
      %dma_wait3A_327 = tpu.memref_slice %arg2[%dma_wait3A_325, %dma_wait3A_326] : memref<10000x128xf32, #tpu.memory_space<hbm>> -> memref<10000x128xf32, #tpu.memory_space<hbm>>
      tpu.wait_indirect_dma semaphore(%arg10 : memref<!tpu.dma_semaphore, #tpu.memory_space<semaphore_mem>>) src(%dma_wait3A_327 : memref<10000x128xf32, #tpu.memory_space<hbm>>) dst(%dma_wait3A_321 : memref<128x128xf32, #tpu.memory_space<vmem>>)
      %run_scoped3A_328 = arith.constant 1 : i32
      %run_scoped3A_329 = arith.constant 3 : i32
      %run_scoped3A_330 = arith.constant 1 : i32
      "tpu.region"() ({
        %run_scoped3A_473 = tpu.sem_alloc : memref<!tpu.dma_semaphore, #tpu.memory_space<semaphore_mem>>
        %dma_start3A_474 = arith.constant 0 : i32
        %dma_start3A_475 = arith.constant 0 : i32
        %dma_start3A_476 = tpu.memref_slice %arg7[%run_scoped3A_328, %dma_start3A_474, %dma_start3A_475] : memref<2x128x128xf32, #tpu.memory_space<vmem>> -> memref<1x128x128xf32, #tpu.memory_space<vmem>>
        %dma_start3A_477 = tpu.memref_squeeze %dma_start3A_476 : memref<1x128x128xf32, #tpu.memory_space<vmem>> -> memref<128x128xf32, #tpu.memory_space<vmem>>
        %dma_start3A_478 = arith.constant 0 : i32
        %dma_start3A_479 = tpu.memref_slice %arg6[%run_scoped3A_329, %run_scoped3A_330, %dma_start3A_478] : memref<8x2x128xi32, #tpu.memory_space<vmem>> -> memref<1x1x128xi32, #tpu.memory_space<vmem>>
        %dma_start3A_480 = tpu.memref_squeeze %dma_start3A_479 : memref<1x1x128xi32, #tpu.memory_space<vmem>> -> memref<128xi32, #tpu.memory_space<vmem>>
        %dma_start3A_481 = arith.constant 0 : i32
        %dma_start3A_482 = arith.constant 0 : i32
        %dma_start3A_483 = tpu.memref_slice %arg8[%dma_start3A_481, %dma_start3A_482] : memref<10112x128xf32, #tpu.memory_space<vmem_shared>> -> memref<10112x128xf32, #tpu.memory_space<vmem_shared>>
        tpu.enqueue_indirect_dma source(%dma_start3A_477 : memref<128x128xf32, #tpu.memory_space<vmem>>) target(%dma_start3A_483 : memref<10112x128xf32, #tpu.memory_space<vmem_shared>>) offsets(%dma_start3A_480 : memref<128xi32, #tpu.memory_space<vmem>>) semaphore(%run_scoped3A_473 : memref<!tpu.dma_semaphore, #tpu.memory_space<semaphore_mem>>) {add = true}
        %dma_wait3A_484 = arith.constant 0 : i32
        %dma_wait3A_485 = arith.constant 0 : i32
        %dma_wait3A_486 = tpu.memref_slice %arg7[%run_scoped3A_328, %dma_wait3A_484, %dma_wait3A_485] : memref<2x128x128xf32, #tpu.memory_space<vmem>> -> memref<1x128x128xf32, #tpu.memory_space<vmem>>
        %dma_wait3A_487 = tpu.memref_squeeze %dma_wait3A_486 : memref<1x128x128xf32, #tpu.memory_space<vmem>> -> memref<128x128xf32, #tpu.memory_space<vmem>>
        %dma_wait3A_488 = arith.constant 0 : i32
        %dma_wait3A_489 = tpu.memref_slice %arg6[%run_scoped3A_329, %run_scoped3A_330, %dma_wait3A_488] : memref<8x2x128xi32, #tpu.memory_space<vmem>> -> memref<1x1x128xi32, #tpu.memory_space<vmem>>
        %dma_wait3A_490 = tpu.memref_squeeze %dma_wait3A_489 : memref<1x1x128xi32, #tpu.memory_space<vmem>> -> memref<128xi32, #tpu.memory_space<vmem>>
        %dma_wait3A_491 = arith.constant 0 : i32
        %dma_wait3A_492 = arith.constant 0 : i32
        %dma_wait3A_493 = tpu.memref_slice %arg8[%dma_wait3A_491, %dma_wait3A_492] : memref<10112x128xf32, #tpu.memory_space<vmem_shared>> -> memref<10112x128xf32, #tpu.memory_space<vmem_shared>>
        tpu.wait_indirect_dma semaphore(%run_scoped3A_473 : memref<!tpu.dma_semaphore, #tpu.memory_space<semaphore_mem>>) src(%dma_wait3A_487 : memref<128x128xf32, #tpu.memory_space<vmem>>) dst(%dma_wait3A_493 : memref<10112x128xf32, #tpu.memory_space<vmem_shared>>)
        tpu.yield
      }) : () -> ()
      %add3A_331 = arith.constant 8 : i32
      %add3A_332 = arith.addi %add3A_314, %add3A_331 : i32
      %lt3A_333 = arith.constant 80 : i32
      %lt3A_334 = arith.cmpi slt, %add3A_332, %lt3A_333 : i32
      %convert_element_type3A_335 = arith.extui %lt3A_334 : i1 to i32
      %cond3A_336 = arith.constant 0 : i32
      %cond3A_337 = arith.cmpi ne, %convert_element_type3A_335, %cond3A_336 : i32
      scf.if %cond3A_337 {
        %add3A_473 = arith.constant 8 : i32
        %add3A_474 = arith.addi %add3A_314, %add3A_473 : i32
        %dma_start3A_475 = arith.constant 3 : i32
        %dma_start3A_476 = arith.constant 0 : i32
        %dma_start3A_477 = arith.constant 0 : i32
        %dma_start3A_478 = tpu.memref_slice %arg6[%dma_start3A_475, %dma_start3A_476, %dma_start3A_477] : memref<8x2x128xi32, #tpu.memory_space<vmem>> -> memref<1x2x128xi32, #tpu.memory_space<vmem>>
        %dma_start3A_479 = tpu.memref_squeeze %dma_start3A_478 : memref<1x2x128xi32, #tpu.memory_space<vmem>> -> memref<2x128xi32, #tpu.memory_space<vmem>>
        %dma_start3A_480 = arith.constant 0 : i32
        %dma_start3A_481 = arith.constant 0 : i32
        %dma_start3A_482 = tpu.memref_slice %arg3[%add3A, %add3A_474, %dma_start3A_480, %dma_start3A_481] : memref<32x80x2x128xi32, #tpu.memory_space<hbm>> -> memref<1x1x2x128xi32, #tpu.memory_space<hbm>>
        %dma_start3A_483 = tpu.memref_squeeze %dma_start3A_482 : memref<1x1x2x128xi32, #tpu.memory_space<hbm>> -> memref<2x128xi32, #tpu.memory_space<hbm>>
        %dma_start3A_484 = arith.constant 0 : i32
        %dma_start3A_485 = arith.constant 0 : i32
        %dma_start3A_486 = tpu.memref_slice %arg6[%dma_start3A_475, %dma_start3A_484, %dma_start3A_485] : memref<8x2x128xi32, #tpu.memory_space<vmem>> -> memref<1x2x128xi32, #tpu.memory_space<vmem>>
        %dma_start3A_487 = tpu.memref_squeeze %dma_start3A_486 : memref<1x2x128xi32, #tpu.memory_space<vmem>> -> memref<2x128xi32, #tpu.memory_space<vmem>>
        %dma_start3A_488 = arith.constant 0 : i32
        %dma_start3A_489 = arith.constant 0 : i32
        %dma_start3A_490 = tpu.memref_slice %arg3[%add3A, %add3A_474, %dma_start3A_488, %dma_start3A_489] : memref<32x80x2x128xi32, #tpu.memory_space<hbm>> -> memref<1x1x2x128xi32, #tpu.memory_space<hbm>>
        %dma_start3A_491 = tpu.memref_squeeze %dma_start3A_490 : memref<1x1x2x128xi32, #tpu.memory_space<hbm>> -> memref<2x128xi32, #tpu.memory_space<hbm>>
        tpu.enqueue_dma source(%dma_start3A_491 : memref<2x128xi32, #tpu.memory_space<hbm>>) target(%dma_start3A_487 : memref<2x128xi32, #tpu.memory_space<vmem>>) target_semaphore(%arg14 : memref<!tpu.dma_semaphore, #tpu.memory_space<semaphore_mem>>)
      } else {
      }
      %add3A_338 = arith.constant 2 : i32
      %add3A_339 = arith.addi %add3A_314, %add3A_338 : i32
      %lt3A_340 = arith.constant 80 : i32
      %lt3A_341 = arith.cmpi slt, %add3A_339, %lt3A_340 : i32
      %convert_element_type3A_342 = arith.extui %lt3A_341 : i1 to i32
      %cond3A_343 = arith.constant 0 : i32
      %cond3A_344 = arith.cmpi ne, %convert_element_type3A_342, %cond3A_343 : i32
      scf.if %cond3A_344 {
        %add3A_473 = arith.constant 2 : i32
        %add3A_474 = arith.addi %add3A_314, %add3A_473 : i32
        %dma_wait3A_475 = arith.constant 5 : i32
        %dma_wait3A_476 = arith.constant 0 : i32
        %dma_wait3A_477 = arith.constant 0 : i32
        %dma_wait3A_478 = tpu.memref_slice %arg6[%dma_wait3A_475, %dma_wait3A_476, %dma_wait3A_477] : memref<8x2x128xi32, #tpu.memory_space<vmem>> -> memref<1x2x128xi32, #tpu.memory_space<vmem>>
        %dma_wait3A_479 = tpu.memref_squeeze %dma_wait3A_478 : memref<1x2x128xi32, #tpu.memory_space<vmem>> -> memref<2x128xi32, #tpu.memory_space<vmem>>
        %dma_wait3A_480 = arith.constant 0 : i32
        %dma_wait3A_481 = arith.constant 0 : i32
        %dma_wait3A_482 = tpu.memref_slice %arg3[%add3A, %add3A_474, %dma_wait3A_480, %dma_wait3A_481] : memref<32x80x2x128xi32, #tpu.memory_space<hbm>> -> memref<1x1x2x128xi32, #tpu.memory_space<hbm>>
        %dma_wait3A_483 = tpu.memref_squeeze %dma_wait3A_482 : memref<1x1x2x128xi32, #tpu.memory_space<hbm>> -> memref<2x128xi32, #tpu.memory_space<hbm>>
        %dma_wait3A_484 = arith.constant 0 : i32
        %dma_wait3A_485 = arith.constant 0 : i32
        %dma_wait3A_486 = tpu.memref_slice %arg6[%dma_wait3A_475, %dma_wait3A_484, %dma_wait3A_485] : memref<8x2x128xi32, #tpu.memory_space<vmem>> -> memref<1x2x128xi32, #tpu.memory_space<vmem>>
        %dma_wait3A_487 = tpu.memref_squeeze %dma_wait3A_486 : memref<1x2x128xi32, #tpu.memory_space<vmem>> -> memref<2x128xi32, #tpu.memory_space<vmem>>
        %dma_wait3A_488 = arith.constant 0 : i32
        %dma_wait3A_489 = arith.constant 0 : i32
        %dma_wait3A_490 = tpu.memref_slice %arg3[%add3A, %add3A_474, %dma_wait3A_488, %dma_wait3A_489] : memref<32x80x2x128xi32, #tpu.memory_space<hbm>> -> memref<1x1x2x128xi32, #tpu.memory_space<hbm>>
        %dma_wait3A_491 = tpu.memref_squeeze %dma_wait3A_490 : memref<1x1x2x128xi32, #tpu.memory_space<hbm>> -> memref<2x128xi32, #tpu.memory_space<hbm>>
        tpu.wait_dma2 semaphore(%arg16 : memref<!tpu.dma_semaphore, #tpu.memory_space<semaphore_mem>>) src(%dma_wait3A_491 : memref<2x128xi32, #tpu.memory_space<hbm>>) dst(%dma_wait3A_487 : memref<2x128xi32, #tpu.memory_space<vmem>>)
        %dma_start3A_492 = arith.constant 5 : i32
        %dma_start3A_493 = arith.constant 0 : i32
        %dma_start3A_494 = arith.constant 1 : i32
        %dma_start3A_495 = arith.constant 0 : i32
        %dma_start3A_496 = arith.constant 0 : i32
        %dma_start3A_497 = tpu.memref_slice %arg7[%dma_start3A_494, %dma_start3A_495, %dma_start3A_496] : memref<2x128x128xf32, #tpu.memory_space<vmem>> -> memref<1x128x128xf32, #tpu.memory_space<vmem>>
        %dma_start3A_498 = tpu.memref_squeeze %dma_start3A_497 : memref<1x128x128xf32, #tpu.memory_space<vmem>> -> memref<128x128xf32, #tpu.memory_space<vmem>>
        %dma_start3A_499 = arith.constant 0 : i32
        %dma_start3A_500 = tpu.memref_slice %arg6[%dma_start3A_492, %dma_start3A_493, %dma_start3A_499] : memref<8x2x128xi32, #tpu.memory_space<vmem>> -> memref<1x1x128xi32, #tpu.memory_space<vmem>>
        %dma_start3A_501 = tpu.memref_squeeze %dma_start3A_500 : memref<1x1x128xi32, #tpu.memory_space<vmem>> -> memref<128xi32, #tpu.memory_space<vmem>>
        %dma_start3A_502 = arith.constant 0 : i32
        %dma_start3A_503 = arith.constant 0 : i32
        %dma_start3A_504 = tpu.memref_slice %arg2[%dma_start3A_502, %dma_start3A_503] : memref<10000x128xf32, #tpu.memory_space<hbm>> -> memref<10000x128xf32, #tpu.memory_space<hbm>>
        tpu.enqueue_indirect_dma source(%dma_start3A_504 : memref<10000x128xf32, #tpu.memory_space<hbm>>) target(%dma_start3A_498 : memref<128x128xf32, #tpu.memory_space<vmem>>) offsets(%dma_start3A_501 : memref<128xi32, #tpu.memory_space<vmem>>) semaphore(%arg10 : memref<!tpu.dma_semaphore, #tpu.memory_space<semaphore_mem>>)
      } else {
      }
      %add3A_345 = arith.constant 4 : i32
      %add3A_346 = arith.addi %add3A_220, %add3A_345 : i32
      %dma_wait3A_347 = arith.constant 4 : i32
      %dma_wait3A_348 = arith.constant 0 : i32
      %dma_wait3A_349 = arith.constant 0 : i32
      %dma_wait3A_350 = arith.constant 0 : i32
      %dma_wait3A_351 = arith.constant 0 : i32
      %dma_wait3A_352 = tpu.memref_slice %arg7[%dma_wait3A_349, %dma_wait3A_350, %dma_wait3A_351] : memref<2x128x128xf32, #tpu.memory_space<vmem>> -> memref<1x128x128xf32, #tpu.memory_space<vmem>>
      %dma_wait3A_353 = tpu.memref_squeeze %dma_wait3A_352 : memref<1x128x128xf32, #tpu.memory_space<vmem>> -> memref<128x128xf32, #tpu.memory_space<vmem>>
      %dma_wait3A_354 = arith.constant 0 : i32
      %dma_wait3A_355 = tpu.memref_slice %arg6[%dma_wait3A_347, %dma_wait3A_348, %dma_wait3A_354] : memref<8x2x128xi32, #tpu.memory_space<vmem>> -> memref<1x1x128xi32, #tpu.memory_space<vmem>>
      %dma_wait3A_356 = tpu.memref_squeeze %dma_wait3A_355 : memref<1x1x128xi32, #tpu.memory_space<vmem>> -> memref<128xi32, #tpu.memory_space<vmem>>
      %dma_wait3A_357 = arith.constant 0 : i32
      %dma_wait3A_358 = arith.constant 0 : i32
      %dma_wait3A_359 = tpu.memref_slice %arg2[%dma_wait3A_357, %dma_wait3A_358] : memref<10000x128xf32, #tpu.memory_space<hbm>> -> memref<10000x128xf32, #tpu.memory_space<hbm>>
      tpu.wait_indirect_dma semaphore(%arg9 : memref<!tpu.dma_semaphore, #tpu.memory_space<semaphore_mem>>) src(%dma_wait3A_359 : memref<10000x128xf32, #tpu.memory_space<hbm>>) dst(%dma_wait3A_353 : memref<128x128xf32, #tpu.memory_space<vmem>>)
      %run_scoped3A_360 = arith.constant 0 : i32
      %run_scoped3A_361 = arith.constant 4 : i32
      %run_scoped3A_362 = arith.constant 1 : i32
      "tpu.region"() ({
        %run_scoped3A_473 = tpu.sem_alloc : memref<!tpu.dma_semaphore, #tpu.memory_space<semaphore_mem>>
        %dma_start3A_474 = arith.constant 0 : i32
        %dma_start3A_475 = arith.constant 0 : i32
        %dma_start3A_476 = tpu.memref_slice %arg7[%run_scoped3A_360, %dma_start3A_474, %dma_start3A_475] : memref<2x128x128xf32, #tpu.memory_space<vmem>> -> memref<1x128x128xf32, #tpu.memory_space<vmem>>
        %dma_start3A_477 = tpu.memref_squeeze %dma_start3A_476 : memref<1x128x128xf32, #tpu.memory_space<vmem>> -> memref<128x128xf32, #tpu.memory_space<vmem>>
        %dma_start3A_478 = arith.constant 0 : i32
        %dma_start3A_479 = tpu.memref_slice %arg6[%run_scoped3A_361, %run_scoped3A_362, %dma_start3A_478] : memref<8x2x128xi32, #tpu.memory_space<vmem>> -> memref<1x1x128xi32, #tpu.memory_space<vmem>>
        %dma_start3A_480 = tpu.memref_squeeze %dma_start3A_479 : memref<1x1x128xi32, #tpu.memory_space<vmem>> -> memref<128xi32, #tpu.memory_space<vmem>>
        %dma_start3A_481 = arith.constant 0 : i32
        %dma_start3A_482 = arith.constant 0 : i32
        %dma_start3A_483 = tpu.memref_slice %arg8[%dma_start3A_481, %dma_start3A_482] : memref<10112x128xf32, #tpu.memory_space<vmem_shared>> -> memref<10112x128xf32, #tpu.memory_space<vmem_shared>>
        tpu.enqueue_indirect_dma source(%dma_start3A_477 : memref<128x128xf32, #tpu.memory_space<vmem>>) target(%dma_start3A_483 : memref<10112x128xf32, #tpu.memory_space<vmem_shared>>) offsets(%dma_start3A_480 : memref<128xi32, #tpu.memory_space<vmem>>) semaphore(%run_scoped3A_473 : memref<!tpu.dma_semaphore, #tpu.memory_space<semaphore_mem>>) {add = true}
        %dma_wait3A_484 = arith.constant 0 : i32
        %dma_wait3A_485 = arith.constant 0 : i32
        %dma_wait3A_486 = tpu.memref_slice %arg7[%run_scoped3A_360, %dma_wait3A_484, %dma_wait3A_485] : memref<2x128x128xf32, #tpu.memory_space<vmem>> -> memref<1x128x128xf32, #tpu.memory_space<vmem>>
        %dma_wait3A_487 = tpu.memref_squeeze %dma_wait3A_486 : memref<1x128x128xf32, #tpu.memory_space<vmem>> -> memref<128x128xf32, #tpu.memory_space<vmem>>
        %dma_wait3A_488 = arith.constant 0 : i32
        %dma_wait3A_489 = tpu.memref_slice %arg6[%run_scoped3A_361, %run_scoped3A_362, %dma_wait3A_488] : memref<8x2x128xi32, #tpu.memory_space<vmem>> -> memref<1x1x128xi32, #tpu.memory_space<vmem>>
        %dma_wait3A_490 = tpu.memref_squeeze %dma_wait3A_489 : memref<1x1x128xi32, #tpu.memory_space<vmem>> -> memref<128xi32, #tpu.memory_space<vmem>>
        %dma_wait3A_491 = arith.constant 0 : i32
        %dma_wait3A_492 = arith.constant 0 : i32
        %dma_wait3A_493 = tpu.memref_slice %arg8[%dma_wait3A_491, %dma_wait3A_492] : memref<10112x128xf32, #tpu.memory_space<vmem_shared>> -> memref<10112x128xf32, #tpu.memory_space<vmem_shared>>
        tpu.wait_indirect_dma semaphore(%run_scoped3A_473 : memref<!tpu.dma_semaphore, #tpu.memory_space<semaphore_mem>>) src(%dma_wait3A_487 : memref<128x128xf32, #tpu.memory_space<vmem>>) dst(%dma_wait3A_493 : memref<10112x128xf32, #tpu.memory_space<vmem_shared>>)
        tpu.yield
      }) : () -> ()
      %add3A_363 = arith.constant 8 : i32
      %add3A_364 = arith.addi %add3A_346, %add3A_363 : i32
      %lt3A_365 = arith.constant 80 : i32
      %lt3A_366 = arith.cmpi slt, %add3A_364, %lt3A_365 : i32
      %convert_element_type3A_367 = arith.extui %lt3A_366 : i1 to i32
      %cond3A_368 = arith.constant 0 : i32
      %cond3A_369 = arith.cmpi ne, %convert_element_type3A_367, %cond3A_368 : i32
      scf.if %cond3A_369 {
        %add3A_473 = arith.constant 8 : i32
        %add3A_474 = arith.addi %add3A_346, %add3A_473 : i32
        %dma_start3A_475 = arith.constant 4 : i32
        %dma_start3A_476 = arith.constant 0 : i32
        %dma_start3A_477 = arith.constant 0 : i32
        %dma_start3A_478 = tpu.memref_slice %arg6[%dma_start3A_475, %dma_start3A_476, %dma_start3A_477] : memref<8x2x128xi32, #tpu.memory_space<vmem>> -> memref<1x2x128xi32, #tpu.memory_space<vmem>>
        %dma_start3A_479 = tpu.memref_squeeze %dma_start3A_478 : memref<1x2x128xi32, #tpu.memory_space<vmem>> -> memref<2x128xi32, #tpu.memory_space<vmem>>
        %dma_start3A_480 = arith.constant 0 : i32
        %dma_start3A_481 = arith.constant 0 : i32
        %dma_start3A_482 = tpu.memref_slice %arg3[%add3A, %add3A_474, %dma_start3A_480, %dma_start3A_481] : memref<32x80x2x128xi32, #tpu.memory_space<hbm>> -> memref<1x1x2x128xi32, #tpu.memory_space<hbm>>
        %dma_start3A_483 = tpu.memref_squeeze %dma_start3A_482 : memref<1x1x2x128xi32, #tpu.memory_space<hbm>> -> memref<2x128xi32, #tpu.memory_space<hbm>>
        %dma_start3A_484 = arith.constant 0 : i32
        %dma_start3A_485 = arith.constant 0 : i32
        %dma_start3A_486 = tpu.memref_slice %arg6[%dma_start3A_475, %dma_start3A_484, %dma_start3A_485] : memref<8x2x128xi32, #tpu.memory_space<vmem>> -> memref<1x2x128xi32, #tpu.memory_space<vmem>>
        %dma_start3A_487 = tpu.memref_squeeze %dma_start3A_486 : memref<1x2x128xi32, #tpu.memory_space<vmem>> -> memref<2x128xi32, #tpu.memory_space<vmem>>
        %dma_start3A_488 = arith.constant 0 : i32
        %dma_start3A_489 = arith.constant 0 : i32
        %dma_start3A_490 = tpu.memref_slice %arg3[%add3A, %add3A_474, %dma_start3A_488, %dma_start3A_489] : memref<32x80x2x128xi32, #tpu.memory_space<hbm>> -> memref<1x1x2x128xi32, #tpu.memory_space<hbm>>
        %dma_start3A_491 = tpu.memref_squeeze %dma_start3A_490 : memref<1x1x2x128xi32, #tpu.memory_space<hbm>> -> memref<2x128xi32, #tpu.memory_space<hbm>>
        tpu.enqueue_dma source(%dma_start3A_491 : memref<2x128xi32, #tpu.memory_space<hbm>>) target(%dma_start3A_487 : memref<2x128xi32, #tpu.memory_space<vmem>>) target_semaphore(%arg15 : memref<!tpu.dma_semaphore, #tpu.memory_space<semaphore_mem>>)
      } else {
      }
      %add3A_370 = arith.constant 2 : i32
      %add3A_371 = arith.addi %add3A_346, %add3A_370 : i32
      %lt3A_372 = arith.constant 80 : i32
      %lt3A_373 = arith.cmpi slt, %add3A_371, %lt3A_372 : i32
      %convert_element_type3A_374 = arith.extui %lt3A_373 : i1 to i32
      %cond3A_375 = arith.constant 0 : i32
      %cond3A_376 = arith.cmpi ne, %convert_element_type3A_374, %cond3A_375 : i32
      scf.if %cond3A_376 {
        %add3A_473 = arith.constant 2 : i32
        %add3A_474 = arith.addi %add3A_346, %add3A_473 : i32
        %dma_wait3A_475 = arith.constant 6 : i32
        %dma_wait3A_476 = arith.constant 0 : i32
        %dma_wait3A_477 = arith.constant 0 : i32
        %dma_wait3A_478 = tpu.memref_slice %arg6[%dma_wait3A_475, %dma_wait3A_476, %dma_wait3A_477] : memref<8x2x128xi32, #tpu.memory_space<vmem>> -> memref<1x2x128xi32, #tpu.memory_space<vmem>>
        %dma_wait3A_479 = tpu.memref_squeeze %dma_wait3A_478 : memref<1x2x128xi32, #tpu.memory_space<vmem>> -> memref<2x128xi32, #tpu.memory_space<vmem>>
        %dma_wait3A_480 = arith.constant 0 : i32
        %dma_wait3A_481 = arith.constant 0 : i32
        %dma_wait3A_482 = tpu.memref_slice %arg3[%add3A, %add3A_474, %dma_wait3A_480, %dma_wait3A_481] : memref<32x80x2x128xi32, #tpu.memory_space<hbm>> -> memref<1x1x2x128xi32, #tpu.memory_space<hbm>>
        %dma_wait3A_483 = tpu.memref_squeeze %dma_wait3A_482 : memref<1x1x2x128xi32, #tpu.memory_space<hbm>> -> memref<2x128xi32, #tpu.memory_space<hbm>>
        %dma_wait3A_484 = arith.constant 0 : i32
        %dma_wait3A_485 = arith.constant 0 : i32
        %dma_wait3A_486 = tpu.memref_slice %arg6[%dma_wait3A_475, %dma_wait3A_484, %dma_wait3A_485] : memref<8x2x128xi32, #tpu.memory_space<vmem>> -> memref<1x2x128xi32, #tpu.memory_space<vmem>>
        %dma_wait3A_487 = tpu.memref_squeeze %dma_wait3A_486 : memref<1x2x128xi32, #tpu.memory_space<vmem>> -> memref<2x128xi32, #tpu.memory_space<vmem>>
        %dma_wait3A_488 = arith.constant 0 : i32
        %dma_wait3A_489 = arith.constant 0 : i32
        %dma_wait3A_490 = tpu.memref_slice %arg3[%add3A, %add3A_474, %dma_wait3A_488, %dma_wait3A_489] : memref<32x80x2x128xi32, #tpu.memory_space<hbm>> -> memref<1x1x2x128xi32, #tpu.memory_space<hbm>>
        %dma_wait3A_491 = tpu.memref_squeeze %dma_wait3A_490 : memref<1x1x2x128xi32, #tpu.memory_space<hbm>> -> memref<2x128xi32, #tpu.memory_space<hbm>>
        tpu.wait_dma2 semaphore(%arg17 : memref<!tpu.dma_semaphore, #tpu.memory_space<semaphore_mem>>) src(%dma_wait3A_491 : memref<2x128xi32, #tpu.memory_space<hbm>>) dst(%dma_wait3A_487 : memref<2x128xi32, #tpu.memory_space<vmem>>)
        %dma_start3A_492 = arith.constant 6 : i32
        %dma_start3A_493 = arith.constant 0 : i32
        %dma_start3A_494 = arith.constant 0 : i32
        %dma_start3A_495 = arith.constant 0 : i32
        %dma_start3A_496 = arith.constant 0 : i32
        %dma_start3A_497 = tpu.memref_slice %arg7[%dma_start3A_494, %dma_start3A_495, %dma_start3A_496] : memref<2x128x128xf32, #tpu.memory_space<vmem>> -> memref<1x128x128xf32, #tpu.memory_space<vmem>>
        %dma_start3A_498 = tpu.memref_squeeze %dma_start3A_497 : memref<1x128x128xf32, #tpu.memory_space<vmem>> -> memref<128x128xf32, #tpu.memory_space<vmem>>
        %dma_start3A_499 = arith.constant 0 : i32
        %dma_start3A_500 = tpu.memref_slice %arg6[%dma_start3A_492, %dma_start3A_493, %dma_start3A_499] : memref<8x2x128xi32, #tpu.memory_space<vmem>> -> memref<1x1x128xi32, #tpu.memory_space<vmem>>
        %dma_start3A_501 = tpu.memref_squeeze %dma_start3A_500 : memref<1x1x128xi32, #tpu.memory_space<vmem>> -> memref<128xi32, #tpu.memory_space<vmem>>
        %dma_start3A_502 = arith.constant 0 : i32
        %dma_start3A_503 = arith.constant 0 : i32
        %dma_start3A_504 = tpu.memref_slice %arg2[%dma_start3A_502, %dma_start3A_503] : memref<10000x128xf32, #tpu.memory_space<hbm>> -> memref<10000x128xf32, #tpu.memory_space<hbm>>
        tpu.enqueue_indirect_dma source(%dma_start3A_504 : memref<10000x128xf32, #tpu.memory_space<hbm>>) target(%dma_start3A_498 : memref<128x128xf32, #tpu.memory_space<vmem>>) offsets(%dma_start3A_501 : memref<128xi32, #tpu.memory_space<vmem>>) semaphore(%arg9 : memref<!tpu.dma_semaphore, #tpu.memory_space<semaphore_mem>>)
      } else {
      }
      %add3A_377 = arith.constant 5 : i32
      %add3A_378 = arith.addi %add3A_220, %add3A_377 : i32
      %dma_wait3A_379 = arith.constant 5 : i32
      %dma_wait3A_380 = arith.constant 0 : i32
      %dma_wait3A_381 = arith.constant 1 : i32
      %dma_wait3A_382 = arith.constant 0 : i32
      %dma_wait3A_383 = arith.constant 0 : i32
      %dma_wait3A_384 = tpu.memref_slice %arg7[%dma_wait3A_381, %dma_wait3A_382, %dma_wait3A_383] : memref<2x128x128xf32, #tpu.memory_space<vmem>> -> memref<1x128x128xf32, #tpu.memory_space<vmem>>
      %dma_wait3A_385 = tpu.memref_squeeze %dma_wait3A_384 : memref<1x128x128xf32, #tpu.memory_space<vmem>> -> memref<128x128xf32, #tpu.memory_space<vmem>>
      %dma_wait3A_386 = arith.constant 0 : i32
      %dma_wait3A_387 = tpu.memref_slice %arg6[%dma_wait3A_379, %dma_wait3A_380, %dma_wait3A_386] : memref<8x2x128xi32, #tpu.memory_space<vmem>> -> memref<1x1x128xi32, #tpu.memory_space<vmem>>
      %dma_wait3A_388 = tpu.memref_squeeze %dma_wait3A_387 : memref<1x1x128xi32, #tpu.memory_space<vmem>> -> memref<128xi32, #tpu.memory_space<vmem>>
      %dma_wait3A_389 = arith.constant 0 : i32
      %dma_wait3A_390 = arith.constant 0 : i32
      %dma_wait3A_391 = tpu.memref_slice %arg2[%dma_wait3A_389, %dma_wait3A_390] : memref<10000x128xf32, #tpu.memory_space<hbm>> -> memref<10000x128xf32, #tpu.memory_space<hbm>>
      tpu.wait_indirect_dma semaphore(%arg10 : memref<!tpu.dma_semaphore, #tpu.memory_space<semaphore_mem>>) src(%dma_wait3A_391 : memref<10000x128xf32, #tpu.memory_space<hbm>>) dst(%dma_wait3A_385 : memref<128x128xf32, #tpu.memory_space<vmem>>)
      %run_scoped3A_392 = arith.constant 1 : i32
      %run_scoped3A_393 = arith.constant 5 : i32
      %run_scoped3A_394 = arith.constant 1 : i32
      "tpu.region"() ({
        %run_scoped3A_473 = tpu.sem_alloc : memref<!tpu.dma_semaphore, #tpu.memory_space<semaphore_mem>>
        %dma_start3A_474 = arith.constant 0 : i32
        %dma_start3A_475 = arith.constant 0 : i32
        %dma_start3A_476 = tpu.memref_slice %arg7[%run_scoped3A_392, %dma_start3A_474, %dma_start3A_475] : memref<2x128x128xf32, #tpu.memory_space<vmem>> -> memref<1x128x128xf32, #tpu.memory_space<vmem>>
        %dma_start3A_477 = tpu.memref_squeeze %dma_start3A_476 : memref<1x128x128xf32, #tpu.memory_space<vmem>> -> memref<128x128xf32, #tpu.memory_space<vmem>>
        %dma_start3A_478 = arith.constant 0 : i32
        %dma_start3A_479 = tpu.memref_slice %arg6[%run_scoped3A_393, %run_scoped3A_394, %dma_start3A_478] : memref<8x2x128xi32, #tpu.memory_space<vmem>> -> memref<1x1x128xi32, #tpu.memory_space<vmem>>
        %dma_start3A_480 = tpu.memref_squeeze %dma_start3A_479 : memref<1x1x128xi32, #tpu.memory_space<vmem>> -> memref<128xi32, #tpu.memory_space<vmem>>
        %dma_start3A_481 = arith.constant 0 : i32
        %dma_start3A_482 = arith.constant 0 : i32
        %dma_start3A_483 = tpu.memref_slice %arg8[%dma_start3A_481, %dma_start3A_482] : memref<10112x128xf32, #tpu.memory_space<vmem_shared>> -> memref<10112x128xf32, #tpu.memory_space<vmem_shared>>
        tpu.enqueue_indirect_dma source(%dma_start3A_477 : memref<128x128xf32, #tpu.memory_space<vmem>>) target(%dma_start3A_483 : memref<10112x128xf32, #tpu.memory_space<vmem_shared>>) offsets(%dma_start3A_480 : memref<128xi32, #tpu.memory_space<vmem>>) semaphore(%run_scoped3A_473 : memref<!tpu.dma_semaphore, #tpu.memory_space<semaphore_mem>>) {add = true}
        %dma_wait3A_484 = arith.constant 0 : i32
        %dma_wait3A_485 = arith.constant 0 : i32
        %dma_wait3A_486 = tpu.memref_slice %arg7[%run_scoped3A_392, %dma_wait3A_484, %dma_wait3A_485] : memref<2x128x128xf32, #tpu.memory_space<vmem>> -> memref<1x128x128xf32, #tpu.memory_space<vmem>>
        %dma_wait3A_487 = tpu.memref_squeeze %dma_wait3A_486 : memref<1x128x128xf32, #tpu.memory_space<vmem>> -> memref<128x128xf32, #tpu.memory_space<vmem>>
        %dma_wait3A_488 = arith.constant 0 : i32
        %dma_wait3A_489 = tpu.memref_slice %arg6[%run_scoped3A_393, %run_scoped3A_394, %dma_wait3A_488] : memref<8x2x128xi32, #tpu.memory_space<vmem>> -> memref<1x1x128xi32, #tpu.memory_space<vmem>>
        %dma_wait3A_490 = tpu.memref_squeeze %dma_wait3A_489 : memref<1x1x128xi32, #tpu.memory_space<vmem>> -> memref<128xi32, #tpu.memory_space<vmem>>
        %dma_wait3A_491 = arith.constant 0 : i32
        %dma_wait3A_492 = arith.constant 0 : i32
        %dma_wait3A_493 = tpu.memref_slice %arg8[%dma_wait3A_491, %dma_wait3A_492] : memref<10112x128xf32, #tpu.memory_space<vmem_shared>> -> memref<10112x128xf32, #tpu.memory_space<vmem_shared>>
        tpu.wait_indirect_dma semaphore(%run_scoped3A_473 : memref<!tpu.dma_semaphore, #tpu.memory_space<semaphore_mem>>) src(%dma_wait3A_487 : memref<128x128xf32, #tpu.memory_space<vmem>>) dst(%dma_wait3A_493 : memref<10112x128xf32, #tpu.memory_space<vmem_shared>>)
        tpu.yield
      }) : () -> ()
      %add3A_395 = arith.constant 8 : i32
      %add3A_396 = arith.addi %add3A_378, %add3A_395 : i32
      %lt3A_397 = arith.constant 80 : i32
      %lt3A_398 = arith.cmpi slt, %add3A_396, %lt3A_397 : i32
      %convert_element_type3A_399 = arith.extui %lt3A_398 : i1 to i32
      %cond3A_400 = arith.constant 0 : i32
      %cond3A_401 = arith.cmpi ne, %convert_element_type3A_399, %cond3A_400 : i32
      scf.if %cond3A_401 {
        %add3A_473 = arith.constant 8 : i32
        %add3A_474 = arith.addi %add3A_378, %add3A_473 : i32
        %dma_start3A_475 = arith.constant 5 : i32
        %dma_start3A_476 = arith.constant 0 : i32
        %dma_start3A_477 = arith.constant 0 : i32
        %dma_start3A_478 = tpu.memref_slice %arg6[%dma_start3A_475, %dma_start3A_476, %dma_start3A_477] : memref<8x2x128xi32, #tpu.memory_space<vmem>> -> memref<1x2x128xi32, #tpu.memory_space<vmem>>
        %dma_start3A_479 = tpu.memref_squeeze %dma_start3A_478 : memref<1x2x128xi32, #tpu.memory_space<vmem>> -> memref<2x128xi32, #tpu.memory_space<vmem>>
        %dma_start3A_480 = arith.constant 0 : i32
        %dma_start3A_481 = arith.constant 0 : i32
        %dma_start3A_482 = tpu.memref_slice %arg3[%add3A, %add3A_474, %dma_start3A_480, %dma_start3A_481] : memref<32x80x2x128xi32, #tpu.memory_space<hbm>> -> memref<1x1x2x128xi32, #tpu.memory_space<hbm>>
        %dma_start3A_483 = tpu.memref_squeeze %dma_start3A_482 : memref<1x1x2x128xi32, #tpu.memory_space<hbm>> -> memref<2x128xi32, #tpu.memory_space<hbm>>
        %dma_start3A_484 = arith.constant 0 : i32
        %dma_start3A_485 = arith.constant 0 : i32
        %dma_start3A_486 = tpu.memref_slice %arg6[%dma_start3A_475, %dma_start3A_484, %dma_start3A_485] : memref<8x2x128xi32, #tpu.memory_space<vmem>> -> memref<1x2x128xi32, #tpu.memory_space<vmem>>
        %dma_start3A_487 = tpu.memref_squeeze %dma_start3A_486 : memref<1x2x128xi32, #tpu.memory_space<vmem>> -> memref<2x128xi32, #tpu.memory_space<vmem>>
        %dma_start3A_488 = arith.constant 0 : i32
        %dma_start3A_489 = arith.constant 0 : i32
        %dma_start3A_490 = tpu.memref_slice %arg3[%add3A, %add3A_474, %dma_start3A_488, %dma_start3A_489] : memref<32x80x2x128xi32, #tpu.memory_space<hbm>> -> memref<1x1x2x128xi32, #tpu.memory_space<hbm>>
        %dma_start3A_491 = tpu.memref_squeeze %dma_start3A_490 : memref<1x1x2x128xi32, #tpu.memory_space<hbm>> -> memref<2x128xi32, #tpu.memory_space<hbm>>
        tpu.enqueue_dma source(%dma_start3A_491 : memref<2x128xi32, #tpu.memory_space<hbm>>) target(%dma_start3A_487 : memref<2x128xi32, #tpu.memory_space<vmem>>) target_semaphore(%arg16 : memref<!tpu.dma_semaphore, #tpu.memory_space<semaphore_mem>>)
      } else {
      }
      %add3A_402 = arith.constant 2 : i32
      %add3A_403 = arith.addi %add3A_378, %add3A_402 : i32
      %lt3A_404 = arith.constant 80 : i32
      %lt3A_405 = arith.cmpi slt, %add3A_403, %lt3A_404 : i32
      %convert_element_type3A_406 = arith.extui %lt3A_405 : i1 to i32
      %cond3A_407 = arith.constant 0 : i32
      %cond3A_408 = arith.cmpi ne, %convert_element_type3A_406, %cond3A_407 : i32
      scf.if %cond3A_408 {
        %add3A_473 = arith.constant 2 : i32
        %add3A_474 = arith.addi %add3A_378, %add3A_473 : i32
        %dma_wait3A_475 = arith.constant 7 : i32
        %dma_wait3A_476 = arith.constant 0 : i32
        %dma_wait3A_477 = arith.constant 0 : i32
        %dma_wait3A_478 = tpu.memref_slice %arg6[%dma_wait3A_475, %dma_wait3A_476, %dma_wait3A_477] : memref<8x2x128xi32, #tpu.memory_space<vmem>> -> memref<1x2x128xi32, #tpu.memory_space<vmem>>
        %dma_wait3A_479 = tpu.memref_squeeze %dma_wait3A_478 : memref<1x2x128xi32, #tpu.memory_space<vmem>> -> memref<2x128xi32, #tpu.memory_space<vmem>>
        %dma_wait3A_480 = arith.constant 0 : i32
        %dma_wait3A_481 = arith.constant 0 : i32
        %dma_wait3A_482 = tpu.memref_slice %arg3[%add3A, %add3A_474, %dma_wait3A_480, %dma_wait3A_481] : memref<32x80x2x128xi32, #tpu.memory_space<hbm>> -> memref<1x1x2x128xi32, #tpu.memory_space<hbm>>
        %dma_wait3A_483 = tpu.memref_squeeze %dma_wait3A_482 : memref<1x1x2x128xi32, #tpu.memory_space<hbm>> -> memref<2x128xi32, #tpu.memory_space<hbm>>
        %dma_wait3A_484 = arith.constant 0 : i32
        %dma_wait3A_485 = arith.constant 0 : i32
        %dma_wait3A_486 = tpu.memref_slice %arg6[%dma_wait3A_475, %dma_wait3A_484, %dma_wait3A_485] : memref<8x2x128xi32, #tpu.memory_space<vmem>> -> memref<1x2x128xi32, #tpu.memory_space<vmem>>
        %dma_wait3A_487 = tpu.memref_squeeze %dma_wait3A_486 : memref<1x2x128xi32, #tpu.memory_space<vmem>> -> memref<2x128xi32, #tpu.memory_space<vmem>>
        %dma_wait3A_488 = arith.constant 0 : i32
        %dma_wait3A_489 = arith.constant 0 : i32
        %dma_wait3A_490 = tpu.memref_slice %arg3[%add3A, %add3A_474, %dma_wait3A_488, %dma_wait3A_489] : memref<32x80x2x128xi32, #tpu.memory_space<hbm>> -> memref<1x1x2x128xi32, #tpu.memory_space<hbm>>
        %dma_wait3A_491 = tpu.memref_squeeze %dma_wait3A_490 : memref<1x1x2x128xi32, #tpu.memory_space<hbm>> -> memref<2x128xi32, #tpu.memory_space<hbm>>
        tpu.wait_dma2 semaphore(%arg18 : memref<!tpu.dma_semaphore, #tpu.memory_space<semaphore_mem>>) src(%dma_wait3A_491 : memref<2x128xi32, #tpu.memory_space<hbm>>) dst(%dma_wait3A_487 : memref<2x128xi32, #tpu.memory_space<vmem>>)
        %dma_start3A_492 = arith.constant 7 : i32
        %dma_start3A_493 = arith.constant 0 : i32
        %dma_start3A_494 = arith.constant 1 : i32
        %dma_start3A_495 = arith.constant 0 : i32
        %dma_start3A_496 = arith.constant 0 : i32
        %dma_start3A_497 = tpu.memref_slice %arg7[%dma_start3A_494, %dma_start3A_495, %dma_start3A_496] : memref<2x128x128xf32, #tpu.memory_space<vmem>> -> memref<1x128x128xf32, #tpu.memory_space<vmem>>
        %dma_start3A_498 = tpu.memref_squeeze %dma_start3A_497 : memref<1x128x128xf32, #tpu.memory_space<vmem>> -> memref<128x128xf32, #tpu.memory_space<vmem>>
        %dma_start3A_499 = arith.constant 0 : i32
        %dma_start3A_500 = tpu.memref_slice %arg6[%dma_start3A_492, %dma_start3A_493, %dma_start3A_499] : memref<8x2x128xi32, #tpu.memory_space<vmem>> -> memref<1x1x128xi32, #tpu.memory_space<vmem>>
        %dma_start3A_501 = tpu.memref_squeeze %dma_start3A_500 : memref<1x1x128xi32, #tpu.memory_space<vmem>> -> memref<128xi32, #tpu.memory_space<vmem>>
        %dma_start3A_502 = arith.constant 0 : i32
        %dma_start3A_503 = arith.constant 0 : i32
        %dma_start3A_504 = tpu.memref_slice %arg2[%dma_start3A_502, %dma_start3A_503] : memref<10000x128xf32, #tpu.memory_space<hbm>> -> memref<10000x128xf32, #tpu.memory_space<hbm>>
        tpu.enqueue_indirect_dma source(%dma_start3A_504 : memref<10000x128xf32, #tpu.memory_space<hbm>>) target(%dma_start3A_498 : memref<128x128xf32, #tpu.memory_space<vmem>>) offsets(%dma_start3A_501 : memref<128xi32, #tpu.memory_space<vmem>>) semaphore(%arg10 : memref<!tpu.dma_semaphore, #tpu.memory_space<semaphore_mem>>)
      } else {
      }
      %add3A_409 = arith.constant 6 : i32
      %add3A_410 = arith.addi %add3A_220, %add3A_409 : i32
      %dma_wait3A_411 = arith.constant 6 : i32
      %dma_wait3A_412 = arith.constant 0 : i32
      %dma_wait3A_413 = arith.constant 0 : i32
      %dma_wait3A_414 = arith.constant 0 : i32
      %dma_wait3A_415 = arith.constant 0 : i32
      %dma_wait3A_416 = tpu.memref_slice %arg7[%dma_wait3A_413, %dma_wait3A_414, %dma_wait3A_415] : memref<2x128x128xf32, #tpu.memory_space<vmem>> -> memref<1x128x128xf32, #tpu.memory_space<vmem>>
      %dma_wait3A_417 = tpu.memref_squeeze %dma_wait3A_416 : memref<1x128x128xf32, #tpu.memory_space<vmem>> -> memref<128x128xf32, #tpu.memory_space<vmem>>
      %dma_wait3A_418 = arith.constant 0 : i32
      %dma_wait3A_419 = tpu.memref_slice %arg6[%dma_wait3A_411, %dma_wait3A_412, %dma_wait3A_418] : memref<8x2x128xi32, #tpu.memory_space<vmem>> -> memref<1x1x128xi32, #tpu.memory_space<vmem>>
      %dma_wait3A_420 = tpu.memref_squeeze %dma_wait3A_419 : memref<1x1x128xi32, #tpu.memory_space<vmem>> -> memref<128xi32, #tpu.memory_space<vmem>>
      %dma_wait3A_421 = arith.constant 0 : i32
      %dma_wait3A_422 = arith.constant 0 : i32
      %dma_wait3A_423 = tpu.memref_slice %arg2[%dma_wait3A_421, %dma_wait3A_422] : memref<10000x128xf32, #tpu.memory_space<hbm>> -> memref<10000x128xf32, #tpu.memory_space<hbm>>
      tpu.wait_indirect_dma semaphore(%arg9 : memref<!tpu.dma_semaphore, #tpu.memory_space<semaphore_mem>>) src(%dma_wait3A_423 : memref<10000x128xf32, #tpu.memory_space<hbm>>) dst(%dma_wait3A_417 : memref<128x128xf32, #tpu.memory_space<vmem>>)
      %run_scoped3A_424 = arith.constant 0 : i32
      %run_scoped3A_425 = arith.constant 6 : i32
      %run_scoped3A_426 = arith.constant 1 : i32
      "tpu.region"() ({
        %run_scoped3A_473 = tpu.sem_alloc : memref<!tpu.dma_semaphore, #tpu.memory_space<semaphore_mem>>
        %dma_start3A_474 = arith.constant 0 : i32
        %dma_start3A_475 = arith.constant 0 : i32
        %dma_start3A_476 = tpu.memref_slice %arg7[%run_scoped3A_424, %dma_start3A_474, %dma_start3A_475] : memref<2x128x128xf32, #tpu.memory_space<vmem>> -> memref<1x128x128xf32, #tpu.memory_space<vmem>>
        %dma_start3A_477 = tpu.memref_squeeze %dma_start3A_476 : memref<1x128x128xf32, #tpu.memory_space<vmem>> -> memref<128x128xf32, #tpu.memory_space<vmem>>
        %dma_start3A_478 = arith.constant 0 : i32
        %dma_start3A_479 = tpu.memref_slice %arg6[%run_scoped3A_425, %run_scoped3A_426, %dma_start3A_478] : memref<8x2x128xi32, #tpu.memory_space<vmem>> -> memref<1x1x128xi32, #tpu.memory_space<vmem>>
        %dma_start3A_480 = tpu.memref_squeeze %dma_start3A_479 : memref<1x1x128xi32, #tpu.memory_space<vmem>> -> memref<128xi32, #tpu.memory_space<vmem>>
        %dma_start3A_481 = arith.constant 0 : i32
        %dma_start3A_482 = arith.constant 0 : i32
        %dma_start3A_483 = tpu.memref_slice %arg8[%dma_start3A_481, %dma_start3A_482] : memref<10112x128xf32, #tpu.memory_space<vmem_shared>> -> memref<10112x128xf32, #tpu.memory_space<vmem_shared>>
        tpu.enqueue_indirect_dma source(%dma_start3A_477 : memref<128x128xf32, #tpu.memory_space<vmem>>) target(%dma_start3A_483 : memref<10112x128xf32, #tpu.memory_space<vmem_shared>>) offsets(%dma_start3A_480 : memref<128xi32, #tpu.memory_space<vmem>>) semaphore(%run_scoped3A_473 : memref<!tpu.dma_semaphore, #tpu.memory_space<semaphore_mem>>) {add = true}
        %dma_wait3A_484 = arith.constant 0 : i32
        %dma_wait3A_485 = arith.constant 0 : i32
        %dma_wait3A_486 = tpu.memref_slice %arg7[%run_scoped3A_424, %dma_wait3A_484, %dma_wait3A_485] : memref<2x128x128xf32, #tpu.memory_space<vmem>> -> memref<1x128x128xf32, #tpu.memory_space<vmem>>
        %dma_wait3A_487 = tpu.memref_squeeze %dma_wait3A_486 : memref<1x128x128xf32, #tpu.memory_space<vmem>> -> memref<128x128xf32, #tpu.memory_space<vmem>>
        %dma_wait3A_488 = arith.constant 0 : i32
        %dma_wait3A_489 = tpu.memref_slice %arg6[%run_scoped3A_425, %run_scoped3A_426, %dma_wait3A_488] : memref<8x2x128xi32, #tpu.memory_space<vmem>> -> memref<1x1x128xi32, #tpu.memory_space<vmem>>
        %dma_wait3A_490 = tpu.memref_squeeze %dma_wait3A_489 : memref<1x1x128xi32, #tpu.memory_space<vmem>> -> memref<128xi32, #tpu.memory_space<vmem>>
        %dma_wait3A_491 = arith.constant 0 : i32
        %dma_wait3A_492 = arith.constant 0 : i32
        %dma_wait3A_493 = tpu.memref_slice %arg8[%dma_wait3A_491, %dma_wait3A_492] : memref<10112x128xf32, #tpu.memory_space<vmem_shared>> -> memref<10112x128xf32, #tpu.memory_space<vmem_shared>>
        tpu.wait_indirect_dma semaphore(%run_scoped3A_473 : memref<!tpu.dma_semaphore, #tpu.memory_space<semaphore_mem>>) src(%dma_wait3A_487 : memref<128x128xf32, #tpu.memory_space<vmem>>) dst(%dma_wait3A_493 : memref<10112x128xf32, #tpu.memory_space<vmem_shared>>)
        tpu.yield
      }) : () -> ()
      %add3A_427 = arith.constant 8 : i32
      %add3A_428 = arith.addi %add3A_410, %add3A_427 : i32
      %lt3A_429 = arith.constant 80 : i32
      %lt3A_430 = arith.cmpi slt, %add3A_428, %lt3A_429 : i32
      %convert_element_type3A_431 = arith.extui %lt3A_430 : i1 to i32
      %cond3A_432 = arith.constant 0 : i32
      %cond3A_433 = arith.cmpi ne, %convert_element_type3A_431, %cond3A_432 : i32
      scf.if %cond3A_433 {
        %add3A_473 = arith.constant 8 : i32
        %add3A_474 = arith.addi %add3A_410, %add3A_473 : i32
        %dma_start3A_475 = arith.constant 6 : i32
        %dma_start3A_476 = arith.constant 0 : i32
        %dma_start3A_477 = arith.constant 0 : i32
        %dma_start3A_478 = tpu.memref_slice %arg6[%dma_start3A_475, %dma_start3A_476, %dma_start3A_477] : memref<8x2x128xi32, #tpu.memory_space<vmem>> -> memref<1x2x128xi32, #tpu.memory_space<vmem>>
        %dma_start3A_479 = tpu.memref_squeeze %dma_start3A_478 : memref<1x2x128xi32, #tpu.memory_space<vmem>> -> memref<2x128xi32, #tpu.memory_space<vmem>>
        %dma_start3A_480 = arith.constant 0 : i32
        %dma_start3A_481 = arith.constant 0 : i32
        %dma_start3A_482 = tpu.memref_slice %arg3[%add3A, %add3A_474, %dma_start3A_480, %dma_start3A_481] : memref<32x80x2x128xi32, #tpu.memory_space<hbm>> -> memref<1x1x2x128xi32, #tpu.memory_space<hbm>>
        %dma_start3A_483 = tpu.memref_squeeze %dma_start3A_482 : memref<1x1x2x128xi32, #tpu.memory_space<hbm>> -> memref<2x128xi32, #tpu.memory_space<hbm>>
        %dma_start3A_484 = arith.constant 0 : i32
        %dma_start3A_485 = arith.constant 0 : i32
        %dma_start3A_486 = tpu.memref_slice %arg6[%dma_start3A_475, %dma_start3A_484, %dma_start3A_485] : memref<8x2x128xi32, #tpu.memory_space<vmem>> -> memref<1x2x128xi32, #tpu.memory_space<vmem>>
        %dma_start3A_487 = tpu.memref_squeeze %dma_start3A_486 : memref<1x2x128xi32, #tpu.memory_space<vmem>> -> memref<2x128xi32, #tpu.memory_space<vmem>>
        %dma_start3A_488 = arith.constant 0 : i32
        %dma_start3A_489 = arith.constant 0 : i32
        %dma_start3A_490 = tpu.memref_slice %arg3[%add3A, %add3A_474, %dma_start3A_488, %dma_start3A_489] : memref<32x80x2x128xi32, #tpu.memory_space<hbm>> -> memref<1x1x2x128xi32, #tpu.memory_space<hbm>>
        %dma_start3A_491 = tpu.memref_squeeze %dma_start3A_490 : memref<1x1x2x128xi32, #tpu.memory_space<hbm>> -> memref<2x128xi32, #tpu.memory_space<hbm>>
        tpu.enqueue_dma source(%dma_start3A_491 : memref<2x128xi32, #tpu.memory_space<hbm>>) target(%dma_start3A_487 : memref<2x128xi32, #tpu.memory_space<vmem>>) target_semaphore(%arg17 : memref<!tpu.dma_semaphore, #tpu.memory_space<semaphore_mem>>)
      } else {
      }
      %add3A_434 = arith.constant 2 : i32
      %add3A_435 = arith.addi %add3A_410, %add3A_434 : i32
      %lt3A_436 = arith.constant 80 : i32
      %lt3A_437 = arith.cmpi slt, %add3A_435, %lt3A_436 : i32
      %convert_element_type3A_438 = arith.extui %lt3A_437 : i1 to i32
      %cond3A_439 = arith.constant 0 : i32
      %cond3A_440 = arith.cmpi ne, %convert_element_type3A_438, %cond3A_439 : i32
      scf.if %cond3A_440 {
        %add3A_473 = arith.constant 2 : i32
        %add3A_474 = arith.addi %add3A_410, %add3A_473 : i32
        %dma_wait3A_475 = arith.constant 0 : i32
        %dma_wait3A_476 = arith.constant 0 : i32
        %dma_wait3A_477 = arith.constant 0 : i32
        %dma_wait3A_478 = tpu.memref_slice %arg6[%dma_wait3A_475, %dma_wait3A_476, %dma_wait3A_477] : memref<8x2x128xi32, #tpu.memory_space<vmem>> -> memref<1x2x128xi32, #tpu.memory_space<vmem>>
        %dma_wait3A_479 = tpu.memref_squeeze %dma_wait3A_478 : memref<1x2x128xi32, #tpu.memory_space<vmem>> -> memref<2x128xi32, #tpu.memory_space<vmem>>
        %dma_wait3A_480 = arith.constant 0 : i32
        %dma_wait3A_481 = arith.constant 0 : i32
        %dma_wait3A_482 = tpu.memref_slice %arg3[%add3A, %add3A_474, %dma_wait3A_480, %dma_wait3A_481] : memref<32x80x2x128xi32, #tpu.memory_space<hbm>> -> memref<1x1x2x128xi32, #tpu.memory_space<hbm>>
        %dma_wait3A_483 = tpu.memref_squeeze %dma_wait3A_482 : memref<1x1x2x128xi32, #tpu.memory_space<hbm>> -> memref<2x128xi32, #tpu.memory_space<hbm>>
        %dma_wait3A_484 = arith.constant 0 : i32
        %dma_wait3A_485 = arith.constant 0 : i32
        %dma_wait3A_486 = tpu.memref_slice %arg6[%dma_wait3A_475, %dma_wait3A_484, %dma_wait3A_485] : memref<8x2x128xi32, #tpu.memory_space<vmem>> -> memref<1x2x128xi32, #tpu.memory_space<vmem>>
        %dma_wait3A_487 = tpu.memref_squeeze %dma_wait3A_486 : memref<1x2x128xi32, #tpu.memory_space<vmem>> -> memref<2x128xi32, #tpu.memory_space<vmem>>
        %dma_wait3A_488 = arith.constant 0 : i32
        %dma_wait3A_489 = arith.constant 0 : i32
        %dma_wait3A_490 = tpu.memref_slice %arg3[%add3A, %add3A_474, %dma_wait3A_488, %dma_wait3A_489] : memref<32x80x2x128xi32, #tpu.memory_space<hbm>> -> memref<1x1x2x128xi32, #tpu.memory_space<hbm>>
        %dma_wait3A_491 = tpu.memref_squeeze %dma_wait3A_490 : memref<1x1x2x128xi32, #tpu.memory_space<hbm>> -> memref<2x128xi32, #tpu.memory_space<hbm>>
        tpu.wait_dma2 semaphore(%arg11 : memref<!tpu.dma_semaphore, #tpu.memory_space<semaphore_mem>>) src(%dma_wait3A_491 : memref<2x128xi32, #tpu.memory_space<hbm>>) dst(%dma_wait3A_487 : memref<2x128xi32, #tpu.memory_space<vmem>>)
        %dma_start3A_492 = arith.constant 0 : i32
        %dma_start3A_493 = arith.constant 0 : i32
        %dma_start3A_494 = arith.constant 0 : i32
        %dma_start3A_495 = arith.constant 0 : i32
        %dma_start3A_496 = arith.constant 0 : i32
        %dma_start3A_497 = tpu.memref_slice %arg7[%dma_start3A_494, %dma_start3A_495, %dma_start3A_496] : memref<2x128x128xf32, #tpu.memory_space<vmem>> -> memref<1x128x128xf32, #tpu.memory_space<vmem>>
        %dma_start3A_498 = tpu.memref_squeeze %dma_start3A_497 : memref<1x128x128xf32, #tpu.memory_space<vmem>> -> memref<128x128xf32, #tpu.memory_space<vmem>>
        %dma_start3A_499 = arith.constant 0 : i32
        %dma_start3A_500 = tpu.memref_slice %arg6[%dma_start3A_492, %dma_start3A_493, %dma_start3A_499] : memref<8x2x128xi32, #tpu.memory_space<vmem>> -> memref<1x1x128xi32, #tpu.memory_space<vmem>>
        %dma_start3A_501 = tpu.memref_squeeze %dma_start3A_500 : memref<1x1x128xi32, #tpu.memory_space<vmem>> -> memref<128xi32, #tpu.memory_space<vmem>>
        %dma_start3A_502 = arith.constant 0 : i32
        %dma_start3A_503 = arith.constant 0 : i32
        %dma_start3A_504 = tpu.memref_slice %arg2[%dma_start3A_502, %dma_start3A_503] : memref<10000x128xf32, #tpu.memory_space<hbm>> -> memref<10000x128xf32, #tpu.memory_space<hbm>>
        tpu.enqueue_indirect_dma source(%dma_start3A_504 : memref<10000x128xf32, #tpu.memory_space<hbm>>) target(%dma_start3A_498 : memref<128x128xf32, #tpu.memory_space<vmem>>) offsets(%dma_start3A_501 : memref<128xi32, #tpu.memory_space<vmem>>) semaphore(%arg9 : memref<!tpu.dma_semaphore, #tpu.memory_space<semaphore_mem>>)
      } else {
      }
      %add3A_441 = arith.constant 7 : i32
      %add3A_442 = arith.addi %add3A_220, %add3A_441 : i32
      %dma_wait3A_443 = arith.constant 7 : i32
      %dma_wait3A_444 = arith.constant 0 : i32
      %dma_wait3A_445 = arith.constant 1 : i32
      %dma_wait3A_446 = arith.constant 0 : i32
      %dma_wait3A_447 = arith.constant 0 : i32
      %dma_wait3A_448 = tpu.memref_slice %arg7[%dma_wait3A_445, %dma_wait3A_446, %dma_wait3A_447] : memref<2x128x128xf32, #tpu.memory_space<vmem>> -> memref<1x128x128xf32, #tpu.memory_space<vmem>>
      %dma_wait3A_449 = tpu.memref_squeeze %dma_wait3A_448 : memref<1x128x128xf32, #tpu.memory_space<vmem>> -> memref<128x128xf32, #tpu.memory_space<vmem>>
      %dma_wait3A_450 = arith.constant 0 : i32
      %dma_wait3A_451 = tpu.memref_slice %arg6[%dma_wait3A_443, %dma_wait3A_444, %dma_wait3A_450] : memref<8x2x128xi32, #tpu.memory_space<vmem>> -> memref<1x1x128xi32, #tpu.memory_space<vmem>>
      %dma_wait3A_452 = tpu.memref_squeeze %dma_wait3A_451 : memref<1x1x128xi32, #tpu.memory_space<vmem>> -> memref<128xi32, #tpu.memory_space<vmem>>
      %dma_wait3A_453 = arith.constant 0 : i32
      %dma_wait3A_454 = arith.constant 0 : i32
      %dma_wait3A_455 = tpu.memref_slice %arg2[%dma_wait3A_453, %dma_wait3A_454] : memref<10000x128xf32, #tpu.memory_space<hbm>> -> memref<10000x128xf32, #tpu.memory_space<hbm>>
      tpu.wait_indirect_dma semaphore(%arg10 : memref<!tpu.dma_semaphore, #tpu.memory_space<semaphore_mem>>) src(%dma_wait3A_455 : memref<10000x128xf32, #tpu.memory_space<hbm>>) dst(%dma_wait3A_449 : memref<128x128xf32, #tpu.memory_space<vmem>>)
      %run_scoped3A_456 = arith.constant 1 : i32
      %run_scoped3A_457 = arith.constant 7 : i32
      %run_scoped3A_458 = arith.constant 1 : i32
      "tpu.region"() ({
        %run_scoped3A_473 = tpu.sem_alloc : memref<!tpu.dma_semaphore, #tpu.memory_space<semaphore_mem>>
        %dma_start3A_474 = arith.constant 0 : i32
        %dma_start3A_475 = arith.constant 0 : i32
        %dma_start3A_476 = tpu.memref_slice %arg7[%run_scoped3A_456, %dma_start3A_474, %dma_start3A_475] : memref<2x128x128xf32, #tpu.memory_space<vmem>> -> memref<1x128x128xf32, #tpu.memory_space<vmem>>
        %dma_start3A_477 = tpu.memref_squeeze %dma_start3A_476 : memref<1x128x128xf32, #tpu.memory_space<vmem>> -> memref<128x128xf32, #tpu.memory_space<vmem>>
        %dma_start3A_478 = arith.constant 0 : i32
        %dma_start3A_479 = tpu.memref_slice %arg6[%run_scoped3A_457, %run_scoped3A_458, %dma_start3A_478] : memref<8x2x128xi32, #tpu.memory_space<vmem>> -> memref<1x1x128xi32, #tpu.memory_space<vmem>>
        %dma_start3A_480 = tpu.memref_squeeze %dma_start3A_479 : memref<1x1x128xi32, #tpu.memory_space<vmem>> -> memref<128xi32, #tpu.memory_space<vmem>>
        %dma_start3A_481 = arith.constant 0 : i32
        %dma_start3A_482 = arith.constant 0 : i32
        %dma_start3A_483 = tpu.memref_slice %arg8[%dma_start3A_481, %dma_start3A_482] : memref<10112x128xf32, #tpu.memory_space<vmem_shared>> -> memref<10112x128xf32, #tpu.memory_space<vmem_shared>>
        tpu.enqueue_indirect_dma source(%dma_start3A_477 : memref<128x128xf32, #tpu.memory_space<vmem>>) target(%dma_start3A_483 : memref<10112x128xf32, #tpu.memory_space<vmem_shared>>) offsets(%dma_start3A_480 : memref<128xi32, #tpu.memory_space<vmem>>) semaphore(%run_scoped3A_473 : memref<!tpu.dma_semaphore, #tpu.memory_space<semaphore_mem>>) {add = true}
        %dma_wait3A_484 = arith.constant 0 : i32
        %dma_wait3A_485 = arith.constant 0 : i32
        %dma_wait3A_486 = tpu.memref_slice %arg7[%run_scoped3A_456, %dma_wait3A_484, %dma_wait3A_485] : memref<2x128x128xf32, #tpu.memory_space<vmem>> -> memref<1x128x128xf32, #tpu.memory_space<vmem>>
        %dma_wait3A_487 = tpu.memref_squeeze %dma_wait3A_486 : memref<1x128x128xf32, #tpu.memory_space<vmem>> -> memref<128x128xf32, #tpu.memory_space<vmem>>
        %dma_wait3A_488 = arith.constant 0 : i32
        %dma_wait3A_489 = tpu.memref_slice %arg6[%run_scoped3A_457, %run_scoped3A_458, %dma_wait3A_488] : memref<8x2x128xi32, #tpu.memory_space<vmem>> -> memref<1x1x128xi32, #tpu.memory_space<vmem>>
        %dma_wait3A_490 = tpu.memref_squeeze %dma_wait3A_489 : memref<1x1x128xi32, #tpu.memory_space<vmem>> -> memref<128xi32, #tpu.memory_space<vmem>>
        %dma_wait3A_491 = arith.constant 0 : i32
        %dma_wait3A_492 = arith.constant 0 : i32
        %dma_wait3A_493 = tpu.memref_slice %arg8[%dma_wait3A_491, %dma_wait3A_492] : memref<10112x128xf32, #tpu.memory_space<vmem_shared>> -> memref<10112x128xf32, #tpu.memory_space<vmem_shared>>
        tpu.wait_indirect_dma semaphore(%run_scoped3A_473 : memref<!tpu.dma_semaphore, #tpu.memory_space<semaphore_mem>>) src(%dma_wait3A_487 : memref<128x128xf32, #tpu.memory_space<vmem>>) dst(%dma_wait3A_493 : memref<10112x128xf32, #tpu.memory_space<vmem_shared>>)
        tpu.yield
      }) : () -> ()
      %add3A_459 = arith.constant 8 : i32
      %add3A_460 = arith.addi %add3A_442, %add3A_459 : i32
      %lt3A_461 = arith.constant 80 : i32
      %lt3A_462 = arith.cmpi slt, %add3A_460, %lt3A_461 : i32
      %convert_element_type3A_463 = arith.extui %lt3A_462 : i1 to i32
      %cond3A_464 = arith.constant 0 : i32
      %cond3A_465 = arith.cmpi ne, %convert_element_type3A_463, %cond3A_464 : i32
      scf.if %cond3A_465 {
        %add3A_473 = arith.constant 8 : i32
        %add3A_474 = arith.addi %add3A_442, %add3A_473 : i32
        %dma_start3A_475 = arith.constant 7 : i32
        %dma_start3A_476 = arith.constant 0 : i32
        %dma_start3A_477 = arith.constant 0 : i32
        %dma_start3A_478 = tpu.memref_slice %arg6[%dma_start3A_475, %dma_start3A_476, %dma_start3A_477] : memref<8x2x128xi32, #tpu.memory_space<vmem>> -> memref<1x2x128xi32, #tpu.memory_space<vmem>>
        %dma_start3A_479 = tpu.memref_squeeze %dma_start3A_478 : memref<1x2x128xi32, #tpu.memory_space<vmem>> -> memref<2x128xi32, #tpu.memory_space<vmem>>
        %dma_start3A_480 = arith.constant 0 : i32
        %dma_start3A_481 = arith.constant 0 : i32
        %dma_start3A_482 = tpu.memref_slice %arg3[%add3A, %add3A_474, %dma_start3A_480, %dma_start3A_481] : memref<32x80x2x128xi32, #tpu.memory_space<hbm>> -> memref<1x1x2x128xi32, #tpu.memory_space<hbm>>
        %dma_start3A_483 = tpu.memref_squeeze %dma_start3A_482 : memref<1x1x2x128xi32, #tpu.memory_space<hbm>> -> memref<2x128xi32, #tpu.memory_space<hbm>>
        %dma_start3A_484 = arith.constant 0 : i32
        %dma_start3A_485 = arith.constant 0 : i32
        %dma_start3A_486 = tpu.memref_slice %arg6[%dma_start3A_475, %dma_start3A_484, %dma_start3A_485] : memref<8x2x128xi32, #tpu.memory_space<vmem>> -> memref<1x2x128xi32, #tpu.memory_space<vmem>>
        %dma_start3A_487 = tpu.memref_squeeze %dma_start3A_486 : memref<1x2x128xi32, #tpu.memory_space<vmem>> -> memref<2x128xi32, #tpu.memory_space<vmem>>
        %dma_start3A_488 = arith.constant 0 : i32
        %dma_start3A_489 = arith.constant 0 : i32
        %dma_start3A_490 = tpu.memref_slice %arg3[%add3A, %add3A_474, %dma_start3A_488, %dma_start3A_489] : memref<32x80x2x128xi32, #tpu.memory_space<hbm>> -> memref<1x1x2x128xi32, #tpu.memory_space<hbm>>
        %dma_start3A_491 = tpu.memref_squeeze %dma_start3A_490 : memref<1x1x2x128xi32, #tpu.memory_space<hbm>> -> memref<2x128xi32, #tpu.memory_space<hbm>>
        tpu.enqueue_dma source(%dma_start3A_491 : memref<2x128xi32, #tpu.memory_space<hbm>>) target(%dma_start3A_487 : memref<2x128xi32, #tpu.memory_space<vmem>>) target_semaphore(%arg18 : memref<!tpu.dma_semaphore, #tpu.memory_space<semaphore_mem>>)
      } else {
      }
      %add3A_466 = arith.constant 2 : i32
      %add3A_467 = arith.addi %add3A_442, %add3A_466 : i32
      %lt3A_468 = arith.constant 80 : i32
      %lt3A_469 = arith.cmpi slt, %add3A_467, %lt3A_468 : i32
      %convert_element_type3A_470 = arith.extui %lt3A_469 : i1 to i32
      %cond3A_471 = arith.constant 0 : i32
      %cond3A_472 = arith.cmpi ne, %convert_element_type3A_470, %cond3A_471 : i32
      scf.if %cond3A_472 {
        %add3A_473 = arith.constant 2 : i32
        %add3A_474 = arith.addi %add3A_442, %add3A_473 : i32
        %dma_wait3A_475 = arith.constant 1 : i32
        %dma_wait3A_476 = arith.constant 0 : i32
        %dma_wait3A_477 = arith.constant 0 : i32
        %dma_wait3A_478 = tpu.memref_slice %arg6[%dma_wait3A_475, %dma_wait3A_476, %dma_wait3A_477] : memref<8x2x128xi32, #tpu.memory_space<vmem>> -> memref<1x2x128xi32, #tpu.memory_space<vmem>>
        %dma_wait3A_479 = tpu.memref_squeeze %dma_wait3A_478 : memref<1x2x128xi32, #tpu.memory_space<vmem>> -> memref<2x128xi32, #tpu.memory_space<vmem>>
        %dma_wait3A_480 = arith.constant 0 : i32
        %dma_wait3A_481 = arith.constant 0 : i32
        %dma_wait3A_482 = tpu.memref_slice %arg3[%add3A, %add3A_474, %dma_wait3A_480, %dma_wait3A_481] : memref<32x80x2x128xi32, #tpu.memory_space<hbm>> -> memref<1x1x2x128xi32, #tpu.memory_space<hbm>>
        %dma_wait3A_483 = tpu.memref_squeeze %dma_wait3A_482 : memref<1x1x2x128xi32, #tpu.memory_space<hbm>> -> memref<2x128xi32, #tpu.memory_space<hbm>>
        %dma_wait3A_484 = arith.constant 0 : i32
        %dma_wait3A_485 = arith.constant 0 : i32
        %dma_wait3A_486 = tpu.memref_slice %arg6[%dma_wait3A_475, %dma_wait3A_484, %dma_wait3A_485] : memref<8x2x128xi32, #tpu.memory_space<vmem>> -> memref<1x2x128xi32, #tpu.memory_space<vmem>>
        %dma_wait3A_487 = tpu.memref_squeeze %dma_wait3A_486 : memref<1x2x128xi32, #tpu.memory_space<vmem>> -> memref<2x128xi32, #tpu.memory_space<vmem>>
        %dma_wait3A_488 = arith.constant 0 : i32
        %dma_wait3A_489 = arith.constant 0 : i32
        %dma_wait3A_490 = tpu.memref_slice %arg3[%add3A, %add3A_474, %dma_wait3A_488, %dma_wait3A_489] : memref<32x80x2x128xi32, #tpu.memory_space<hbm>> -> memref<1x1x2x128xi32, #tpu.memory_space<hbm>>
        %dma_wait3A_491 = tpu.memref_squeeze %dma_wait3A_490 : memref<1x1x2x128xi32, #tpu.memory_space<hbm>> -> memref<2x128xi32, #tpu.memory_space<hbm>>
        tpu.wait_dma2 semaphore(%arg12 : memref<!tpu.dma_semaphore, #tpu.memory_space<semaphore_mem>>) src(%dma_wait3A_491 : memref<2x128xi32, #tpu.memory_space<hbm>>) dst(%dma_wait3A_487 : memref<2x128xi32, #tpu.memory_space<vmem>>)
        %dma_start3A_492 = arith.constant 1 : i32
        %dma_start3A_493 = arith.constant 0 : i32
        %dma_start3A_494 = arith.constant 1 : i32
        %dma_start3A_495 = arith.constant 0 : i32
        %dma_start3A_496 = arith.constant 0 : i32
        %dma_start3A_497 = tpu.memref_slice %arg7[%dma_start3A_494, %dma_start3A_495, %dma_start3A_496] : memref<2x128x128xf32, #tpu.memory_space<vmem>> -> memref<1x128x128xf32, #tpu.memory_space<vmem>>
        %dma_start3A_498 = tpu.memref_squeeze %dma_start3A_497 : memref<1x128x128xf32, #tpu.memory_space<vmem>> -> memref<128x128xf32, #tpu.memory_space<vmem>>
        %dma_start3A_499 = arith.constant 0 : i32
        %dma_start3A_500 = tpu.memref_slice %arg6[%dma_start3A_492, %dma_start3A_493, %dma_start3A_499] : memref<8x2x128xi32, #tpu.memory_space<vmem>> -> memref<1x1x128xi32, #tpu.memory_space<vmem>>
        %dma_start3A_501 = tpu.memref_squeeze %dma_start3A_500 : memref<1x1x128xi32, #tpu.memory_space<vmem>> -> memref<128xi32, #tpu.memory_space<vmem>>
        %dma_start3A_502 = arith.constant 0 : i32
        %dma_start3A_503 = arith.constant 0 : i32
        %dma_start3A_504 = tpu.memref_slice %arg2[%dma_start3A_502, %dma_start3A_503] : memref<10000x128xf32, #tpu.memory_space<hbm>> -> memref<10000x128xf32, #tpu.memory_space<hbm>>
        tpu.enqueue_indirect_dma source(%dma_start3A_504 : memref<10000x128xf32, #tpu.memory_space<hbm>>) target(%dma_start3A_498 : memref<128x128xf32, #tpu.memory_space<vmem>>) offsets(%dma_start3A_501 : memref<128xi32, #tpu.memory_space<vmem>>) semaphore(%arg10 : memref<!tpu.dma_semaphore, #tpu.memory_space<semaphore_mem>>)
      } else {
      }
    }
    %scan3A_210 = arith.constant 10 : i32
    %barrier3A_211 = arith.constant 0 : index
    tpu.barrier barrier_id(%barrier3A_211)
    %mul3A_212 = arith.constant 632 : i32
    %mul3A_213 = arith.muli %arg1, %mul3A_212 : i32
    %mul3A_214 = arith.constant 632 : i32
    %mul3A_215 = arith.muli %arg1, %mul3A_214 : i32
    "tpu.region"() ({
      %run_scoped3A = tpu.sem_alloc : memref<!tpu.dma_semaphore, #tpu.memory_space<semaphore_mem>>
      %dma_start3A_216 = arith.constant 0 : i32
      %dma_start3A_217 = tpu.memref_slice %arg5[%arg0, %mul3A_215, %dma_start3A_216] : memref<2x10112x128xf32, #tpu.memory_space<hbm>> -> memref<1x632x128xf32, #tpu.memory_space<hbm>>
      %dma_start3A_218 = tpu.memref_squeeze %dma_start3A_217 : memref<1x632x128xf32, #tpu.memory_space<hbm>> -> memref<632x128xf32, #tpu.memory_space<hbm>>
      %dma_start3A_219 = arith.constant 0 : i32
      %dma_start3A_220 = tpu.memref_slice %arg8[%mul3A_213, %dma_start3A_219] : memref<10112x128xf32, #tpu.memory_space<vmem_shared>> -> memref<632x128xf32, #tpu.memory_space<vmem_shared>>
      tpu.enqueue_dma source(%dma_start3A_220 : memref<632x128xf32, #tpu.memory_space<vmem_shared>>) target(%dma_start3A_218 : memref<632x128xf32, #tpu.memory_space<hbm>>) target_semaphore(%run_scoped3A : memref<!tpu.dma_semaphore, #tpu.memory_space<semaphore_mem>>)
      %dma_wait3A_221 = arith.constant 0 : i32
      %dma_wait3A_222 = tpu.memref_slice %arg5[%arg0, %mul3A_215, %dma_wait3A_221] : memref<2x10112x128xf32, #tpu.memory_space<hbm>> -> memref<1x632x128xf32, #tpu.memory_space<hbm>>
      %dma_wait3A_223 = tpu.memref_squeeze %dma_wait3A_222 : memref<1x632x128xf32, #tpu.memory_space<hbm>> -> memref<632x128xf32, #tpu.memory_space<hbm>>
      %dma_wait3A_224 = arith.constant 0 : i32
      %dma_wait3A_225 = tpu.memref_slice %arg8[%mul3A_213, %dma_wait3A_224] : memref<10112x128xf32, #tpu.memory_space<vmem_shared>> -> memref<632x128xf32, #tpu.memory_space<vmem_shared>>
      tpu.wait_dma2 semaphore(%run_scoped3A : memref<!tpu.dma_semaphore, #tpu.memory_space<semaphore_mem>>) src(%dma_wait3A_225 : memref<632x128xf32, #tpu.memory_space<vmem_shared>>) dst(%dma_wait3A_223 : memref<632x128xf32, #tpu.memory_space<hbm>>)
      tpu.yield
    }) : () -> ()
    return
  }
}

#map = affine_map<(d0, d1) -> (0, 0)>
#map1 = affine_map<(d0, d1) -> (0, 0, 0, 0)>
#map2 = affine_map<(d0, d1) -> (0, 0, 0)>
module attributes {stable_mosaic.version = 14 : i64} {
  func.func @k(%arg0: i32, %arg1: i32, %arg2: memref<10000x128xf32, #tpu.memory_space<hbm>>, %arg3: memref<32x80x2x128xi32, #tpu.memory_space<hbm>>, %arg4: memref<632x128xf32, #tpu.memory_space<hbm>>, %arg5: memref<2x10112x128xf32, #tpu.memory_space<hbm>>, %arg6: memref<8x2x128xi32, #tpu.memory_space<vmem>>, %arg7: memref<2x128x128xf32, #tpu.memory_space<vmem>>, %arg8: memref<10112x128xf32, #tpu.memory_space<vmem_shared>>, %arg9: memref<!tpu.dma_semaphore, #tpu.memory_space<semaphore_mem>>, %arg10: memref<!tpu.dma_semaphore, #tpu.memory_space<semaphore_mem>>, %arg11: memref<!tpu.dma_semaphore, #tpu.memory_space<semaphore_mem>>, %arg12: memref<!tpu.dma_semaphore, #tpu.memory_space<semaphore_mem>>, %arg13: memref<!tpu.dma_semaphore, #tpu.memory_space<semaphore_mem>>, %arg14: memref<!tpu.dma_semaphore, #tpu.memory_space<semaphore_mem>>, %arg15: memref<!tpu.dma_semaphore, #tpu.memory_space<semaphore_mem>>, %arg16: memref<!tpu.dma_semaphore, #tpu.memory_space<semaphore_mem>>, %arg17: memref<!tpu.dma_semaphore, #tpu.memory_space<semaphore_mem>>, %arg18: memref<!tpu.dma_semaphore, #tpu.memory_space<semaphore_mem>>) attributes {dimension_semantics = [#tpu.dimension_semantics<core_parallel>, #tpu.dimension_semantics<subcore_parallel>], iteration_bounds = array<i64: 2, 16>, scalar_prefetch = 0 : i64, scratch_operands = 13 : i64, tpu.core_type = #tpu.core_type<sc_vector_subcore>, window_params = [{transform_indices = #map}, {transform_indices = #map1}, {transform_indices = #map}, {transform_indices = #map2}]} {
    %mul3A = arith.constant 16 : i32
    %mul3A_0 = arith.muli %arg0, %mul3A : i32
    %add3A = arith.addi %mul3A_0, %arg1 : i32
    %mul3A_1 = arith.constant 632 : i32
    %mul3A_2 = arith.muli %arg1, %mul3A_1 : i32
    "tpu.region"() ({
      %run_scoped3A = tpu.sem_alloc : memref<!tpu.dma_semaphore, #tpu.memory_space<semaphore_mem>>
      %dma_start3A_216 = arith.constant 0 : i32
      %dma_start3A_217 = tpu.memref_slice %arg8[%mul3A_2, %dma_start3A_216] : memref<10112x128xf32, #tpu.memory_space<vmem_shared>> -> memref<632x128xf32, #tpu.memory_space<vmem_shared>>
      tpu.enqueue_dma source(%arg4 : memref<632x128xf32, #tpu.memory_space<hbm>>) target(%dma_start3A_217 : memref<632x128xf32, #tpu.memory_space<vmem_shared>>) target_semaphore(%run_scoped3A : memref<!tpu.dma_semaphore, #tpu.memory_space<semaphore_mem>>)
      %dma_wait3A_218 = arith.constant 0 : i32
      %dma_wait3A_219 = tpu.memref_slice %arg8[%mul3A_2, %dma_wait3A_218] : memref<10112x128xf32, #tpu.memory_space<vmem_shared>> -> memref<632x128xf32, #tpu.memory_space<vmem_shared>>
      tpu.wait_dma2 semaphore(%run_scoped3A : memref<!tpu.dma_semaphore, #tpu.memory_space<semaphore_mem>>) src(%arg4 : memref<632x128xf32, #tpu.memory_space<hbm>>) dst(%dma_wait3A_219 : memref<632x128xf32, #tpu.memory_space<vmem_shared>>)
      tpu.yield
    }) : () -> ()
    %barrier3A = arith.constant 0 : index
    tpu.barrier barrier_id(%barrier3A)
    %dma_start3A = arith.constant 0 : i32
    %dma_start3A_3 = arith.constant 0 : i32
    %dma_start3A_4 = arith.constant 0 : i32
    %dma_start3A_5 = arith.constant 0 : i32
    %dma_start3A_6 = tpu.memref_slice %arg6[%dma_start3A_3, %dma_start3A_4, %dma_start3A_5] : memref<8x2x128xi32, #tpu.memory_space<vmem>> -> memref<1x2x128xi32, #tpu.memory_space<vmem>>
    %dma_start3A_7 = tpu.memref_squeeze %dma_start3A_6 : memref<1x2x128xi32, #tpu.memory_space<vmem>> -> memref<2x128xi32, #tpu.memory_space<vmem>>
    %dma_start3A_8 = arith.constant 0 : i32
    %dma_start3A_9 = arith.constant 0 : i32
    %dma_start3A_10 = tpu.memref_slice %arg3[%add3A, %dma_start3A, %dma_start3A_8, %dma_start3A_9] : memref<32x80x2x128xi32, #tpu.memory_space<hbm>> -> memref<1x1x2x128xi32, #tpu.memory_space<hbm>>
    %dma_start3A_11 = tpu.memref_squeeze %dma_start3A_10 : memref<1x1x2x128xi32, #tpu.memory_space<hbm>> -> memref<2x128xi32, #tpu.memory_space<hbm>>
    %dma_start3A_12 = arith.constant 0 : i32
    %dma_start3A_13 = arith.constant 0 : i32
    %dma_start3A_14 = tpu.memref_slice %arg6[%dma_start3A_3, %dma_start3A_12, %dma_start3A_13] : memref<8x2x128xi32, #tpu.memory_space<vmem>> -> memref<1x2x128xi32, #tpu.memory_space<vmem>>
    %dma_start3A_15 = tpu.memref_squeeze %dma_start3A_14 : memref<1x2x128xi32, #tpu.memory_space<vmem>> -> memref<2x128xi32, #tpu.memory_space<vmem>>
    %dma_start3A_16 = arith.constant 0 : i32
    %dma_start3A_17 = arith.constant 0 : i32
    %dma_start3A_18 = tpu.memref_slice %arg3[%add3A, %dma_start3A, %dma_start3A_16, %dma_start3A_17] : memref<32x80x2x128xi32, #tpu.memory_space<hbm>> -> memref<1x1x2x128xi32, #tpu.memory_space<hbm>>
    %dma_start3A_19 = tpu.memref_squeeze %dma_start3A_18 : memref<1x1x2x128xi32, #tpu.memory_space<hbm>> -> memref<2x128xi32, #tpu.memory_space<hbm>>
    tpu.enqueue_dma source(%dma_start3A_19 : memref<2x128xi32, #tpu.memory_space<hbm>>) target(%dma_start3A_15 : memref<2x128xi32, #tpu.memory_space<vmem>>) target_semaphore(%arg11 : memref<!tpu.dma_semaphore, #tpu.memory_space<semaphore_mem>>)
    %dma_start3A_20 = arith.constant 1 : i32
    %dma_start3A_21 = arith.constant 1 : i32
    %dma_start3A_22 = arith.constant 0 : i32
    %dma_start3A_23 = arith.constant 0 : i32
    %dma_start3A_24 = tpu.memref_slice %arg6[%dma_start3A_21, %dma_start3A_22, %dma_start3A_23] : memref<8x2x128xi32, #tpu.memory_space<vmem>> -> memref<1x2x128xi32, #tpu.memory_space<vmem>>
    %dma_start3A_25 = tpu.memref_squeeze %dma_start3A_24 : memref<1x2x128xi32, #tpu.memory_space<vmem>> -> memref<2x128xi32, #tpu.memory_space<vmem>>
    %dma_start3A_26 = arith.constant 0 : i32
    %dma_start3A_27 = arith.constant 0 : i32
    %dma_start3A_28 = tpu.memref_slice %arg3[%add3A, %dma_start3A_20, %dma_start3A_26, %dma_start3A_27] : memref<32x80x2x128xi32, #tpu.memory_space<hbm>> -> memref<1x1x2x128xi32, #tpu.memory_space<hbm>>
    %dma_start3A_29 = tpu.memref_squeeze %dma_start3A_28 : memref<1x1x2x128xi32, #tpu.memory_space<hbm>> -> memref<2x128xi32, #tpu.memory_space<hbm>>
    %dma_start3A_30 = arith.constant 0 : i32
    %dma_start3A_31 = arith.constant 0 : i32
    %dma_start3A_32 = tpu.memref_slice %arg6[%dma_start3A_21, %dma_start3A_30, %dma_start3A_31] : memref<8x2x128xi32, #tpu.memory_space<vmem>> -> memref<1x2x128xi32, #tpu.memory_space<vmem>>
    %dma_start3A_33 = tpu.memref_squeeze %dma_start3A_32 : memref<1x2x128xi32, #tpu.memory_space<vmem>> -> memref<2x128xi32, #tpu.memory_space<vmem>>
    %dma_start3A_34 = arith.constant 0 : i32
    %dma_start3A_35 = arith.constant 0 : i32
    %dma_start3A_36 = tpu.memref_slice %arg3[%add3A, %dma_start3A_20, %dma_start3A_34, %dma_start3A_35] : memref<32x80x2x128xi32, #tpu.memory_space<hbm>> -> memref<1x1x2x128xi32, #tpu.memory_space<hbm>>
    %dma_start3A_37 = tpu.memref_squeeze %dma_start3A_36 : memref<1x1x2x128xi32, #tpu.memory_space<hbm>> -> memref<2x128xi32, #tpu.memory_space<hbm>>
    tpu.enqueue_dma source(%dma_start3A_37 : memref<2x128xi32, #tpu.memory_space<hbm>>) target(%dma_start3A_33 : memref<2x128xi32, #tpu.memory_space<vmem>>) target_semaphore(%arg12 : memref<!tpu.dma_semaphore, #tpu.memory_space<semaphore_mem>>)
    %dma_start3A_38 = arith.constant 2 : i32
    %dma_start3A_39 = arith.constant 2 : i32
    %dma_start3A_40 = arith.constant 0 : i32
    %dma_start3A_41 = arith.constant 0 : i32
    %dma_start3A_42 = tpu.memref_slice %arg6[%dma_start3A_39, %dma_start3A_40, %dma_start3A_41] : memref<8x2x128xi32, #tpu.memory_space<vmem>> -> memref<1x2x128xi32, #tpu.memory_space<vmem>>
    %dma_start3A_43 = tpu.memref_squeeze %dma_start3A_42 : memref<1x2x128xi32, #tpu.memory_space<vmem>> -> memref<2x128xi32, #tpu.memory_space<vmem>>
    %dma_start3A_44 = arith.constant 0 : i32
    %dma_start3A_45 = arith.constant 0 : i32
    %dma_start3A_46 = tpu.memref_slice %arg3[%add3A, %dma_start3A_38, %dma_start3A_44, %dma_start3A_45] : memref<32x80x2x128xi32, #tpu.memory_space<hbm>> -> memref<1x1x2x128xi32, #tpu.memory_space<hbm>>
    %dma_start3A_47 = tpu.memref_squeeze %dma_start3A_46 : memref<1x1x2x128xi32, #tpu.memory_space<hbm>> -> memref<2x128xi32, #tpu.memory_space<hbm>>
    %dma_start3A_48 = arith.constant 0 : i32
    %dma_start3A_49 = arith.constant 0 : i32
    %dma_start3A_50 = tpu.memref_slice %arg6[%dma_start3A_39, %dma_start3A_48, %dma_start3A_49] : memref<8x2x128xi32, #tpu.memory_space<vmem>> -> memref<1x2x128xi32, #tpu.memory_space<vmem>>
    %dma_start3A_51 = tpu.memref_squeeze %dma_start3A_50 : memref<1x2x128xi32, #tpu.memory_space<vmem>> -> memref<2x128xi32, #tpu.memory_space<vmem>>
    %dma_start3A_52 = arith.constant 0 : i32
    %dma_start3A_53 = arith.constant 0 : i32
    %dma_start3A_54 = tpu.memref_slice %arg3[%add3A, %dma_start3A_38, %dma_start3A_52, %dma_start3A_53] : memref<32x80x2x128xi32, #tpu.memory_space<hbm>> -> memref<1x1x2x128xi32, #tpu.memory_space<hbm>>
    %dma_start3A_55 = tpu.memref_squeeze %dma_start3A_54 : memref<1x1x2x128xi32, #tpu.memory_space<hbm>> -> memref<2x128xi32, #tpu.memory_space<hbm>>
    tpu.enqueue_dma source(%dma_start3A_55 : memref<2x128xi32, #tpu.memory_space<hbm>>) target(%dma_start3A_51 : memref<2x128xi32, #tpu.memory_space<vmem>>) target_semaphore(%arg13 : memref<!tpu.dma_semaphore, #tpu.memory_space<semaphore_mem>>)
    %dma_start3A_56 = arith.constant 3 : i32
    %dma_start3A_57 = arith.constant 3 : i32
    %dma_start3A_58 = arith.constant 0 : i32
    %dma_start3A_59 = arith.constant 0 : i32
    %dma_start3A_60 = tpu.memref_slice %arg6[%dma_start3A_57, %dma_start3A_58, %dma_start3A_59] : memref<8x2x128xi32, #tpu.memory_space<vmem>> -> memref<1x2x128xi32, #tpu.memory_space<vmem>>
    %dma_start3A_61 = tpu.memref_squeeze %dma_start3A_60 : memref<1x2x128xi32, #tpu.memory_space<vmem>> -> memref<2x128xi32, #tpu.memory_space<vmem>>
    %dma_start3A_62 = arith.constant 0 : i32
    %dma_start3A_63 = arith.constant 0 : i32
    %dma_start3A_64 = tpu.memref_slice %arg3[%add3A, %dma_start3A_56, %dma_start3A_62, %dma_start3A_63] : memref<32x80x2x128xi32, #tpu.memory_space<hbm>> -> memref<1x1x2x128xi32, #tpu.memory_space<hbm>>
    %dma_start3A_65 = tpu.memref_squeeze %dma_start3A_64 : memref<1x1x2x128xi32, #tpu.memory_space<hbm>> -> memref<2x128xi32, #tpu.memory_space<hbm>>
    %dma_start3A_66 = arith.constant 0 : i32
    %dma_start3A_67 = arith.constant 0 : i32
    %dma_start3A_68 = tpu.memref_slice %arg6[%dma_start3A_57, %dma_start3A_66, %dma_start3A_67] : memref<8x2x128xi32, #tpu.memory_space<vmem>> -> memref<1x2x128xi32, #tpu.memory_space<vmem>>
    %dma_start3A_69 = tpu.memref_squeeze %dma_start3A_68 : memref<1x2x128xi32, #tpu.memory_space<vmem>> -> memref<2x128xi32, #tpu.memory_space<vmem>>
    %dma_start3A_70 = arith.constant 0 : i32
    %dma_start3A_71 = arith.constant 0 : i32
    %dma_start3A_72 = tpu.memref_slice %arg3[%add3A, %dma_start3A_56, %dma_start3A_70, %dma_start3A_71] : memref<32x80x2x128xi32, #tpu.memory_space<hbm>> -> memref<1x1x2x128xi32, #tpu.memory_space<hbm>>
    %dma_start3A_73 = tpu.memref_squeeze %dma_start3A_72 : memref<1x1x2x128xi32, #tpu.memory_space<hbm>> -> memref<2x128xi32, #tpu.memory_space<hbm>>
    tpu.enqueue_dma source(%dma_start3A_73 : memref<2x128xi32, #tpu.memory_space<hbm>>) target(%dma_start3A_69 : memref<2x128xi32, #tpu.memory_space<vmem>>) target_semaphore(%arg14 : memref<!tpu.dma_semaphore, #tpu.memory_space<semaphore_mem>>)
    %dma_start3A_74 = arith.constant 4 : i32
    %dma_start3A_75 = arith.constant 4 : i32
    %dma_start3A_76 = arith.constant 0 : i32
    %dma_start3A_77 = arith.constant 0 : i32
    %dma_start3A_78 = tpu.memref_slice %arg6[%dma_start3A_75, %dma_start3A_76, %dma_start3A_77] : memref<8x2x128xi32, #tpu.memory_space<vmem>> -> memref<1x2x128xi32, #tpu.memory_space<vmem>>
    %dma_start3A_79 = tpu.memref_squeeze %dma_start3A_78 : memref<1x2x128xi32, #tpu.memory_space<vmem>> -> memref<2x128xi32, #tpu.memory_space<vmem>>
    %dma_start3A_80 = arith.constant 0 : i32
    %dma_start3A_81 = arith.constant 0 : i32
    %dma_start3A_82 = tpu.memref_slice %arg3[%add3A, %dma_start3A_74, %dma_start3A_80, %dma_start3A_81] : memref<32x80x2x128xi32, #tpu.memory_space<hbm>> -> memref<1x1x2x128xi32, #tpu.memory_space<hbm>>
    %dma_start3A_83 = tpu.memref_squeeze %dma_start3A_82 : memref<1x1x2x128xi32, #tpu.memory_space<hbm>> -> memref<2x128xi32, #tpu.memory_space<hbm>>
    %dma_start3A_84 = arith.constant 0 : i32
    %dma_start3A_85 = arith.constant 0 : i32
    %dma_start3A_86 = tpu.memref_slice %arg6[%dma_start3A_75, %dma_start3A_84, %dma_start3A_85] : memref<8x2x128xi32, #tpu.memory_space<vmem>> -> memref<1x2x128xi32, #tpu.memory_space<vmem>>
    %dma_start3A_87 = tpu.memref_squeeze %dma_start3A_86 : memref<1x2x128xi32, #tpu.memory_space<vmem>> -> memref<2x128xi32, #tpu.memory_space<vmem>>
    %dma_start3A_88 = arith.constant 0 : i32
    %dma_start3A_89 = arith.constant 0 : i32
    %dma_start3A_90 = tpu.memref_slice %arg3[%add3A, %dma_start3A_74, %dma_start3A_88, %dma_start3A_89] : memref<32x80x2x128xi32, #tpu.memory_space<hbm>> -> memref<1x1x2x128xi32, #tpu.memory_space<hbm>>
    %dma_start3A_91 = tpu.memref_squeeze %dma_start3A_90 : memref<1x1x2x128xi32, #tpu.memory_space<hbm>> -> memref<2x128xi32, #tpu.memory_space<hbm>>
    tpu.enqueue_dma source(%dma_start3A_91 : memref<2x128xi32, #tpu.memory_space<hbm>>) target(%dma_start3A_87 : memref<2x128xi32, #tpu.memory_space<vmem>>) target_semaphore(%arg15 : memref<!tpu.dma_semaphore, #tpu.memory_space<semaphore_mem>>)
    %dma_start3A_92 = arith.constant 5 : i32
    %dma_start3A_93 = arith.constant 5 : i32
    %dma_start3A_94 = arith.constant 0 : i32
    %dma_start3A_95 = arith.constant 0 : i32
    %dma_start3A_96 = tpu.memref_slice %arg6[%dma_start3A_93, %dma_start3A_94, %dma_start3A_95] : memref<8x2x128xi32, #tpu.memory_space<vmem>> -> memref<1x2x128xi32, #tpu.memory_space<vmem>>
    %dma_start3A_97 = tpu.memref_squeeze %dma_start3A_96 : memref<1x2x128xi32, #tpu.memory_space<vmem>> -> memref<2x128xi32, #tpu.memory_space<vmem>>
    %dma_start3A_98 = arith.constant 0 : i32
    %dma_start3A_99 = arith.constant 0 : i32
    %dma_start3A_100 = tpu.memref_slice %arg3[%add3A, %dma_start3A_92, %dma_start3A_98, %dma_start3A_99] : memref<32x80x2x128xi32, #tpu.memory_space<hbm>> -> memref<1x1x2x128xi32, #tpu.memory_space<hbm>>
    %dma_start3A_101 = tpu.memref_squeeze %dma_start3A_100 : memref<1x1x2x128xi32, #tpu.memory_space<hbm>> -> memref<2x128xi32, #tpu.memory_space<hbm>>
    %dma_start3A_102 = arith.constant 0 : i32
    %dma_start3A_103 = arith.constant 0 : i32
    %dma_start3A_104 = tpu.memref_slice %arg6[%dma_start3A_93, %dma_start3A_102, %dma_start3A_103] : memref<8x2x128xi32, #tpu.memory_space<vmem>> -> memref<1x2x128xi32, #tpu.memory_space<vmem>>
    %dma_start3A_105 = tpu.memref_squeeze %dma_start3A_104 : memref<1x2x128xi32, #tpu.memory_space<vmem>> -> memref<2x128xi32, #tpu.memory_space<vmem>>
    %dma_start3A_106 = arith.constant 0 : i32
    %dma_start3A_107 = arith.constant 0 : i32
    %dma_start3A_108 = tpu.memref_slice %arg3[%add3A, %dma_start3A_92, %dma_start3A_106, %dma_start3A_107] : memref<32x80x2x128xi32, #tpu.memory_space<hbm>> -> memref<1x1x2x128xi32, #tpu.memory_space<hbm>>
    %dma_start3A_109 = tpu.memref_squeeze %dma_start3A_108 : memref<1x1x2x128xi32, #tpu.memory_space<hbm>> -> memref<2x128xi32, #tpu.memory_space<hbm>>
    tpu.enqueue_dma source(%dma_start3A_109 : memref<2x128xi32, #tpu.memory_space<hbm>>) target(%dma_start3A_105 : memref<2x128xi32, #tpu.memory_space<vmem>>) target_semaphore(%arg16 : memref<!tpu.dma_semaphore, #tpu.memory_space<semaphore_mem>>)
    %dma_start3A_110 = arith.constant 6 : i32
    %dma_start3A_111 = arith.constant 6 : i32
    %dma_start3A_112 = arith.constant 0 : i32
    %dma_start3A_113 = arith.constant 0 : i32
    %dma_start3A_114 = tpu.memref_slice %arg6[%dma_start3A_111, %dma_start3A_112, %dma_start3A_113] : memref<8x2x128xi32, #tpu.memory_space<vmem>> -> memref<1x2x128xi32, #tpu.memory_space<vmem>>
    %dma_start3A_115 = tpu.memref_squeeze %dma_start3A_114 : memref<1x2x128xi32, #tpu.memory_space<vmem>> -> memref<2x128xi32, #tpu.memory_space<vmem>>
    %dma_start3A_116 = arith.constant 0 : i32
    %dma_start3A_117 = arith.constant 0 : i32
    %dma_start3A_118 = tpu.memref_slice %arg3[%add3A, %dma_start3A_110, %dma_start3A_116, %dma_start3A_117] : memref<32x80x2x128xi32, #tpu.memory_space<hbm>> -> memref<1x1x2x128xi32, #tpu.memory_space<hbm>>
    %dma_start3A_119 = tpu.memref_squeeze %dma_start3A_118 : memref<1x1x2x128xi32, #tpu.memory_space<hbm>> -> memref<2x128xi32, #tpu.memory_space<hbm>>
    %dma_start3A_120 = arith.constant 0 : i32
    %dma_start3A_121 = arith.constant 0 : i32
    %dma_start3A_122 = tpu.memref_slice %arg6[%dma_start3A_111, %dma_start3A_120, %dma_start3A_121] : memref<8x2x128xi32, #tpu.memory_space<vmem>> -> memref<1x2x128xi32, #tpu.memory_space<vmem>>
    %dma_start3A_123 = tpu.memref_squeeze %dma_start3A_122 : memref<1x2x128xi32, #tpu.memory_space<vmem>> -> memref<2x128xi32, #tpu.memory_space<vmem>>
    %dma_start3A_124 = arith.constant 0 : i32
    %dma_start3A_125 = arith.constant 0 : i32
    %dma_start3A_126 = tpu.memref_slice %arg3[%add3A, %dma_start3A_110, %dma_start3A_124, %dma_start3A_125] : memref<32x80x2x128xi32, #tpu.memory_space<hbm>> -> memref<1x1x2x128xi32, #tpu.memory_space<hbm>>
    %dma_start3A_127 = tpu.memref_squeeze %dma_start3A_126 : memref<1x1x2x128xi32, #tpu.memory_space<hbm>> -> memref<2x128xi32, #tpu.memory_space<hbm>>
    tpu.enqueue_dma source(%dma_start3A_127 : memref<2x128xi32, #tpu.memory_space<hbm>>) target(%dma_start3A_123 : memref<2x128xi32, #tpu.memory_space<vmem>>) target_semaphore(%arg17 : memref<!tpu.dma_semaphore, #tpu.memory_space<semaphore_mem>>)
    %dma_start3A_128 = arith.constant 7 : i32
    %dma_start3A_129 = arith.constant 7 : i32
    %dma_start3A_130 = arith.constant 0 : i32
    %dma_start3A_131 = arith.constant 0 : i32
    %dma_start3A_132 = tpu.memref_slice %arg6[%dma_start3A_129, %dma_start3A_130, %dma_start3A_131] : memref<8x2x128xi32, #tpu.memory_space<vmem>> -> memref<1x2x128xi32, #tpu.memory_space<vmem>>
    %dma_start3A_133 = tpu.memref_squeeze %dma_start3A_132 : memref<1x2x128xi32, #tpu.memory_space<vmem>> -> memref<2x128xi32, #tpu.memory_space<vmem>>
    %dma_start3A_134 = arith.constant 0 : i32
    %dma_start3A_135 = arith.constant 0 : i32
    %dma_start3A_136 = tpu.memref_slice %arg3[%add3A, %dma_start3A_128, %dma_start3A_134, %dma_start3A_135] : memref<32x80x2x128xi32, #tpu.memory_space<hbm>> -> memref<1x1x2x128xi32, #tpu.memory_space<hbm>>
    %dma_start3A_137 = tpu.memref_squeeze %dma_start3A_136 : memref<1x1x2x128xi32, #tpu.memory_space<hbm>> -> memref<2x128xi32, #tpu.memory_space<hbm>>
    %dma_start3A_138 = arith.constant 0 : i32
    %dma_start3A_139 = arith.constant 0 : i32
    %dma_start3A_140 = tpu.memref_slice %arg6[%dma_start3A_129, %dma_start3A_138, %dma_start3A_139] : memref<8x2x128xi32, #tpu.memory_space<vmem>> -> memref<1x2x128xi32, #tpu.memory_space<vmem>>
    %dma_start3A_141 = tpu.memref_squeeze %dma_start3A_140 : memref<1x2x128xi32, #tpu.memory_space<vmem>> -> memref<2x128xi32, #tpu.memory_space<vmem>>
    %dma_start3A_142 = arith.constant 0 : i32
    %dma_start3A_143 = arith.constant 0 : i32
    %dma_start3A_144 = tpu.memref_slice %arg3[%add3A, %dma_start3A_128, %dma_start3A_142, %dma_start3A_143] : memref<32x80x2x128xi32, #tpu.memory_space<hbm>> -> memref<1x1x2x128xi32, #tpu.memory_space<hbm>>
    %dma_start3A_145 = tpu.memref_squeeze %dma_start3A_144 : memref<1x1x2x128xi32, #tpu.memory_space<hbm>> -> memref<2x128xi32, #tpu.memory_space<hbm>>
    tpu.enqueue_dma source(%dma_start3A_145 : memref<2x128xi32, #tpu.memory_space<hbm>>) target(%dma_start3A_141 : memref<2x128xi32, #tpu.memory_space<vmem>>) target_semaphore(%arg18 : memref<!tpu.dma_semaphore, #tpu.memory_space<semaphore_mem>>)
    %dma_wait3A = arith.constant 0 : i32
    %dma_wait3A_146 = arith.constant 0 : i32
    %dma_wait3A_147 = arith.constant 0 : i32
    %dma_wait3A_148 = arith.constant 0 : i32
    %dma_wait3A_149 = tpu.memref_slice %arg6[%dma_wait3A_146, %dma_wait3A_147, %dma_wait3A_148] : memref<8x2x128xi32, #tpu.memory_space<vmem>> -> memref<1x2x128xi32, #tpu.memory_space<vmem>>
    %dma_wait3A_150 = tpu.memref_squeeze %dma_wait3A_149 : memref<1x2x128xi32, #tpu.memory_space<vmem>> -> memref<2x128xi32, #tpu.memory_space<vmem>>
    %dma_wait3A_151 = arith.constant 0 : i32
    %dma_wait3A_152 = arith.constant 0 : i32
    %dma_wait3A_153 = tpu.memref_slice %arg3[%add3A, %dma_wait3A, %dma_wait3A_151, %dma_wait3A_152] : memref<32x80x2x128xi32, #tpu.memory_space<hbm>> -> memref<1x1x2x128xi32, #tpu.memory_space<hbm>>
    %dma_wait3A_154 = tpu.memref_squeeze %dma_wait3A_153 : memref<1x1x2x128xi32, #tpu.memory_space<hbm>> -> memref<2x128xi32, #tpu.memory_space<hbm>>
    %dma_wait3A_155 = arith.constant 0 : i32
    %dma_wait3A_156 = arith.constant 0 : i32
    %dma_wait3A_157 = tpu.memref_slice %arg6[%dma_wait3A_146, %dma_wait3A_155, %dma_wait3A_156] : memref<8x2x128xi32, #tpu.memory_space<vmem>> -> memref<1x2x128xi32, #tpu.memory_space<vmem>>
    %dma_wait3A_158 = tpu.memref_squeeze %dma_wait3A_157 : memref<1x2x128xi32, #tpu.memory_space<vmem>> -> memref<2x128xi32, #tpu.memory_space<vmem>>
    %dma_wait3A_159 = arith.constant 0 : i32
    %dma_wait3A_160 = arith.constant 0 : i32
    %dma_wait3A_161 = tpu.memref_slice %arg3[%add3A, %dma_wait3A, %dma_wait3A_159, %dma_wait3A_160] : memref<32x80x2x128xi32, #tpu.memory_space<hbm>> -> memref<1x1x2x128xi32, #tpu.memory_space<hbm>>
    %dma_wait3A_162 = tpu.memref_squeeze %dma_wait3A_161 : memref<1x1x2x128xi32, #tpu.memory_space<hbm>> -> memref<2x128xi32, #tpu.memory_space<hbm>>
    tpu.wait_dma2 semaphore(%arg11 : memref<!tpu.dma_semaphore, #tpu.memory_space<semaphore_mem>>) src(%dma_wait3A_162 : memref<2x128xi32, #tpu.memory_space<hbm>>) dst(%dma_wait3A_158 : memref<2x128xi32, #tpu.memory_space<vmem>>)
    %dma_start3A_163 = arith.constant 0 : i32
    %dma_start3A_164 = arith.constant 0 : i32
    %dma_start3A_165 = arith.constant 0 : i32
    %dma_start3A_166 = arith.constant 0 : i32
    %dma_start3A_167 = arith.constant 0 : i32
    %dma_start3A_168 = tpu.memref_slice %arg7[%dma_start3A_165, %dma_start3A_166, %dma_start3A_167] : memref<2x128x128xf32, #tpu.memory_space<vmem>> -> memref<1x128x128xf32, #tpu.memory_space<vmem>>
    %dma_start3A_169 = tpu.memref_squeeze %dma_start3A_168 : memref<1x128x128xf32, #tpu.memory_space<vmem>> -> memref<128x128xf32, #tpu.memory_space<vmem>>
    %dma_start3A_170 = arith.constant 0 : i32
    %dma_start3A_171 = tpu.memref_slice %arg6[%dma_start3A_163, %dma_start3A_164, %dma_start3A_170] : memref<8x2x128xi32, #tpu.memory_space<vmem>> -> memref<1x1x128xi32, #tpu.memory_space<vmem>>
    %dma_start3A_172 = tpu.memref_squeeze %dma_start3A_171 : memref<1x1x128xi32, #tpu.memory_space<vmem>> -> memref<128xi32, #tpu.memory_space<vmem>>
    %dma_start3A_173 = arith.constant 0 : i32
    %dma_start3A_174 = arith.constant 0 : i32
    %dma_start3A_175 = tpu.memref_slice %arg2[%dma_start3A_173, %dma_start3A_174] : memref<10000x128xf32, #tpu.memory_space<hbm>> -> memref<10000x128xf32, #tpu.memory_space<hbm>>
    tpu.enqueue_indirect_dma source(%dma_start3A_175 : memref<10000x128xf32, #tpu.memory_space<hbm>>) target(%dma_start3A_169 : memref<128x128xf32, #tpu.memory_space<vmem>>) offsets(%dma_start3A_172 : memref<128xi32, #tpu.memory_space<vmem>>) semaphore(%arg9 : memref<!tpu.dma_semaphore, #tpu.memory_space<semaphore_mem>>)
    %dma_wait3A_176 = arith.constant 1 : i32
    %dma_wait3A_177 = arith.constant 1 : i32
    %dma_wait3A_178 = arith.constant 0 : i32
    %dma_wait3A_179 = arith.constant 0 : i32
    %dma_wait3A_180 = tpu.memref_slice %arg6[%dma_wait3A_177, %dma_wait3A_178, %dma_wait3A_179] : memref<8x2x128xi32, #tpu.memory_space<vmem>> -> memref<1x2x128xi32, #tpu.memory_space<vmem>>
    %dma_wait3A_181 = tpu.memref_squeeze %dma_wait3A_180 : memref<1x2x128xi32, #tpu.memory_space<vmem>> -> memref<2x128xi32, #tpu.memory_space<vmem>>
    %dma_wait3A_182 = arith.constant 0 : i32
    %dma_wait3A_183 = arith.constant 0 : i32
    %dma_wait3A_184 = tpu.memref_slice %arg3[%add3A, %dma_wait3A_176, %dma_wait3A_182, %dma_wait3A_183] : memref<32x80x2x128xi32, #tpu.memory_space<hbm>> -> memref<1x1x2x128xi32, #tpu.memory_space<hbm>>
    %dma_wait3A_185 = tpu.memref_squeeze %dma_wait3A_184 : memref<1x1x2x128xi32, #tpu.memory_space<hbm>> -> memref<2x128xi32, #tpu.memory_space<hbm>>
    %dma_wait3A_186 = arith.constant 0 : i32
    %dma_wait3A_187 = arith.constant 0 : i32
    %dma_wait3A_188 = tpu.memref_slice %arg6[%dma_wait3A_177, %dma_wait3A_186, %dma_wait3A_187] : memref<8x2x128xi32, #tpu.memory_space<vmem>> -> memref<1x2x128xi32, #tpu.memory_space<vmem>>
    %dma_wait3A_189 = tpu.memref_squeeze %dma_wait3A_188 : memref<1x2x128xi32, #tpu.memory_space<vmem>> -> memref<2x128xi32, #tpu.memory_space<vmem>>
    %dma_wait3A_190 = arith.constant 0 : i32
    %dma_wait3A_191 = arith.constant 0 : i32
    %dma_wait3A_192 = tpu.memref_slice %arg3[%add3A, %dma_wait3A_176, %dma_wait3A_190, %dma_wait3A_191] : memref<32x80x2x128xi32, #tpu.memory_space<hbm>> -> memref<1x1x2x128xi32, #tpu.memory_space<hbm>>
    %dma_wait3A_193 = tpu.memref_squeeze %dma_wait3A_192 : memref<1x1x2x128xi32, #tpu.memory_space<hbm>> -> memref<2x128xi32, #tpu.memory_space<hbm>>
    tpu.wait_dma2 semaphore(%arg12 : memref<!tpu.dma_semaphore, #tpu.memory_space<semaphore_mem>>) src(%dma_wait3A_193 : memref<2x128xi32, #tpu.memory_space<hbm>>) dst(%dma_wait3A_189 : memref<2x128xi32, #tpu.memory_space<vmem>>)
    %dma_start3A_194 = arith.constant 1 : i32
    %dma_start3A_195 = arith.constant 0 : i32
    %dma_start3A_196 = arith.constant 1 : i32
    %dma_start3A_197 = arith.constant 0 : i32
    %dma_start3A_198 = arith.constant 0 : i32
    %dma_start3A_199 = tpu.memref_slice %arg7[%dma_start3A_196, %dma_start3A_197, %dma_start3A_198] : memref<2x128x128xf32, #tpu.memory_space<vmem>> -> memref<1x128x128xf32, #tpu.memory_space<vmem>>
    %dma_start3A_200 = tpu.memref_squeeze %dma_start3A_199 : memref<1x128x128xf32, #tpu.memory_space<vmem>> -> memref<128x128xf32, #tpu.memory_space<vmem>>
    %dma_start3A_201 = arith.constant 0 : i32
    %dma_start3A_202 = tpu.memref_slice %arg6[%dma_start3A_194, %dma_start3A_195, %dma_start3A_201] : memref<8x2x128xi32, #tpu.memory_space<vmem>> -> memref<1x1x128xi32, #tpu.memory_space<vmem>>
    %dma_start3A_203 = tpu.memref_squeeze %dma_start3A_202 : memref<1x1x128xi32, #tpu.memory_space<vmem>> -> memref<128xi32, #tpu.memory_space<vmem>>
    %dma_start3A_204 = arith.constant 0 : i32
    %dma_start3A_205 = arith.constant 0 : i32
    %dma_start3A_206 = tpu.memref_slice %arg2[%dma_start3A_204, %dma_start3A_205] : memref<10000x128xf32, #tpu.memory_space<hbm>> -> memref<10000x128xf32, #tpu.memory_space<hbm>>
    tpu.enqueue_indirect_dma source(%dma_start3A_206 : memref<10000x128xf32, #tpu.memory_space<hbm>>) target(%dma_start3A_200 : memref<128x128xf32, #tpu.memory_space<vmem>>) offsets(%dma_start3A_203 : memref<128xi32, #tpu.memory_space<vmem>>) semaphore(%arg10 : memref<!tpu.dma_semaphore, #tpu.memory_space<semaphore_mem>>)
    %scan3A = arith.constant 0 : i32
    %scan3A_207 = arith.constant 10 : i32
    %scan3A_208 = arith.addi %scan3A, %scan3A_207 : i32
    %scan3A_209 = arith.constant 1 : i32
    scf.for %scan3A_216 = %scan3A to %scan3A_208 step %scan3A_209  : i32 {
      %mul3A_217 = arith.constant 8 : i32
      %mul3A_218 = arith.muli %scan3A_216, %mul3A_217 : i32
      %add3A_219 = arith.constant 0 : i32
      %add3A_220 = arith.addi %add3A_219, %mul3A_218 : i32
      %add3A_221 = arith.constant 0 : i32
      %add3A_222 = arith.addi %add3A_220, %add3A_221 : i32
      %dma_wait3A_223 = arith.constant 0 : i32
      %dma_wait3A_224 = arith.constant 0 : i32
      %dma_wait3A_225 = arith.constant 0 : i32
      %dma_wait3A_226 = arith.constant 0 : i32
      %dma_wait3A_227 = arith.constant 0 : i32
      %dma_wait3A_228 = tpu.memref_slice %arg7[%dma_wait3A_225, %dma_wait3A_226, %dma_wait3A_227] : memref<2x128x128xf32, #tpu.memory_space<vmem>> -> memref<1x128x128xf32, #tpu.memory_space<vmem>>
      %dma_wait3A_229 = tpu.memref_squeeze %dma_wait3A_228 : memref<1x128x128xf32, #tpu.memory_space<vmem>> -> memref<128x128xf32, #tpu.memory_space<vmem>>
      %dma_wait3A_230 = arith.constant 0 : i32
      %dma_wait3A_231 = tpu.memref_slice %arg6[%dma_wait3A_223, %dma_wait3A_224, %dma_wait3A_230] : memref<8x2x128xi32, #tpu.memory_space<vmem>> -> memref<1x1x128xi32, #tpu.memory_space<vmem>>
      %dma_wait3A_232 = tpu.memref_squeeze %dma_wait3A_231 : memref<1x1x128xi32, #tpu.memory_space<vmem>> -> memref<128xi32, #tpu.memory_space<vmem>>
      %dma_wait3A_233 = arith.constant 0 : i32
      %dma_wait3A_234 = arith.constant 0 : i32
      %dma_wait3A_235 = tpu.memref_slice %arg2[%dma_wait3A_233, %dma_wait3A_234] : memref<10000x128xf32, #tpu.memory_space<hbm>> -> memref<10000x128xf32, #tpu.memory_space<hbm>>
      tpu.wait_indirect_dma semaphore(%arg9 : memref<!tpu.dma_semaphore, #tpu.memory_space<semaphore_mem>>) src(%dma_wait3A_235 : memref<10000x128xf32, #tpu.memory_space<hbm>>) dst(%dma_wait3A_229 : memref<128x128xf32, #tpu.memory_space<vmem>>)
      %run_scoped3A = arith.constant 0 : i32
      %run_scoped3A_236 = arith.constant 0 : i32
      %run_scoped3A_237 = arith.constant 1 : i32
      "tpu.region"() ({
        %run_scoped3A_473 = tpu.sem_alloc : memref<!tpu.dma_semaphore, #tpu.memory_space<semaphore_mem>>
        %dma_start3A_474 = arith.constant 0 : i32
        %dma_start3A_475 = arith.constant 0 : i32
        %dma_start3A_476 = tpu.memref_slice %arg7[%run_scoped3A, %dma_start3A_474, %dma_start3A_475] : memref<2x128x128xf32, #tpu.memory_space<vmem>> -> memref<1x128x128xf32, #tpu.memory_space<vmem>>
        %dma_start3A_477 = tpu.memref_squeeze %dma_start3A_476 : memref<1x128x128xf32, #tpu.memory_space<vmem>> -> memref<128x128xf32, #tpu.memory_space<vmem>>
        %dma_start3A_478 = arith.constant 0 : i32
        %dma_start3A_479 = tpu.memref_slice %arg6[%run_scoped3A_236, %run_scoped3A_237, %dma_start3A_478] : memref<8x2x128xi32, #tpu.memory_space<vmem>> -> memref<1x1x128xi32, #tpu.memory_space<vmem>>
        %dma_start3A_480 = tpu.memref_squeeze %dma_start3A_479 : memref<1x1x128xi32, #tpu.memory_space<vmem>> -> memref<128xi32, #tpu.memory_space<vmem>>
        %dma_start3A_481 = arith.constant 0 : i32
        %dma_start3A_482 = arith.constant 0 : i32
        %dma_start3A_483 = tpu.memref_slice %arg8[%dma_start3A_481, %dma_start3A_482] : memref<10112x128xf32, #tpu.memory_space<vmem_shared>> -> memref<10112x128xf32, #tpu.memory_space<vmem_shared>>
        tpu.enqueue_indirect_dma source(%dma_start3A_477 : memref<128x128xf32, #tpu.memory_space<vmem>>) target(%dma_start3A_483 : memref<10112x128xf32, #tpu.memory_space<vmem_shared>>) offsets(%dma_start3A_480 : memref<128xi32, #tpu.memory_space<vmem>>) semaphore(%run_scoped3A_473 : memref<!tpu.dma_semaphore, #tpu.memory_space<semaphore_mem>>) {add = true}
        %dma_wait3A_484 = arith.constant 0 : i32
        %dma_wait3A_485 = arith.constant 0 : i32
        %dma_wait3A_486 = tpu.memref_slice %arg7[%run_scoped3A, %dma_wait3A_484, %dma_wait3A_485] : memref<2x128x128xf32, #tpu.memory_space<vmem>> -> memref<1x128x128xf32, #tpu.memory_space<vmem>>
        %dma_wait3A_487 = tpu.memref_squeeze %dma_wait3A_486 : memref<1x128x128xf32, #tpu.memory_space<vmem>> -> memref<128x128xf32, #tpu.memory_space<vmem>>
        %dma_wait3A_488 = arith.constant 0 : i32
        %dma_wait3A_489 = tpu.memref_slice %arg6[%run_scoped3A_236, %run_scoped3A_237, %dma_wait3A_488] : memref<8x2x128xi32, #tpu.memory_space<vmem>> -> memref<1x1x128xi32, #tpu.memory_space<vmem>>
        %dma_wait3A_490 = tpu.memref_squeeze %dma_wait3A_489 : memref<1x1x128xi32, #tpu.memory_space<vmem>> -> memref<128xi32, #tpu.memory_space<vmem>>
        %dma_wait3A_491 = arith.constant 0 : i32
        %dma_wait3A_492 = arith.constant 0 : i32
        %dma_wait3A_493 = tpu.memref_slice %arg8[%dma_wait3A_491, %dma_wait3A_492] : memref<10112x128xf32, #tpu.memory_space<vmem_shared>> -> memref<10112x128xf32, #tpu.memory_space<vmem_shared>>
        tpu.wait_indirect_dma semaphore(%run_scoped3A_473 : memref<!tpu.dma_semaphore, #tpu.memory_space<semaphore_mem>>) src(%dma_wait3A_487 : memref<128x128xf32, #tpu.memory_space<vmem>>) dst(%dma_wait3A_493 : memref<10112x128xf32, #tpu.memory_space<vmem_shared>>)
        tpu.yield
      }) : () -> ()
      %add3A_238 = arith.constant 8 : i32
      %add3A_239 = arith.addi %add3A_222, %add3A_238 : i32
      %lt3A = arith.constant 80 : i32
      %lt3A_240 = arith.cmpi slt, %add3A_239, %lt3A : i32
      %convert_element_type3A = arith.extui %lt3A_240 : i1 to i32
      %cond3A = arith.constant 0 : i32
      %cond3A_241 = arith.cmpi ne, %convert_element_type3A, %cond3A : i32
      scf.if %cond3A_241 {
        %add3A_473 = arith.constant 8 : i32
        %add3A_474 = arith.addi %add3A_222, %add3A_473 : i32
        %dma_start3A_475 = arith.constant 0 : i32
        %dma_start3A_476 = arith.constant 0 : i32
        %dma_start3A_477 = arith.constant 0 : i32
        %dma_start3A_478 = tpu.memref_slice %arg6[%dma_start3A_475, %dma_start3A_476, %dma_start3A_477] : memref<8x2x128xi32, #tpu.memory_space<vmem>> -> memref<1x2x128xi32, #tpu.memory_space<vmem>>
        %dma_start3A_479 = tpu.memref_squeeze %dma_start3A_478 : memref<1x2x128xi32, #tpu.memory_space<vmem>> -> memref<2x128xi32, #tpu.memory_space<vmem>>
        %dma_start3A_480 = arith.constant 0 : i32
        %dma_start3A_481 = arith.constant 0 : i32
        %dma_start3A_482 = tpu.memref_slice %arg3[%add3A, %add3A_474, %dma_start3A_480, %dma_start3A_481] : memref<32x80x2x128xi32, #tpu.memory_space<hbm>> -> memref<1x1x2x128xi32, #tpu.memory_space<hbm>>
        %dma_start3A_483 = tpu.memref_squeeze %dma_start3A_482 : memref<1x1x2x128xi32, #tpu.memory_space<hbm>> -> memref<2x128xi32, #tpu.memory_space<hbm>>
        %dma_start3A_484 = arith.constant 0 : i32
        %dma_start3A_485 = arith.constant 0 : i32
        %dma_start3A_486 = tpu.memref_slice %arg6[%dma_start3A_475, %dma_start3A_484, %dma_start3A_485] : memref<8x2x128xi32, #tpu.memory_space<vmem>> -> memref<1x2x128xi32, #tpu.memory_space<vmem>>
        %dma_start3A_487 = tpu.memref_squeeze %dma_start3A_486 : memref<1x2x128xi32, #tpu.memory_space<vmem>> -> memref<2x128xi32, #tpu.memory_space<vmem>>
        %dma_start3A_488 = arith.constant 0 : i32
        %dma_start3A_489 = arith.constant 0 : i32
        %dma_start3A_490 = tpu.memref_slice %arg3[%add3A, %add3A_474, %dma_start3A_488, %dma_start3A_489] : memref<32x80x2x128xi32, #tpu.memory_space<hbm>> -> memref<1x1x2x128xi32, #tpu.memory_space<hbm>>
        %dma_start3A_491 = tpu.memref_squeeze %dma_start3A_490 : memref<1x1x2x128xi32, #tpu.memory_space<hbm>> -> memref<2x128xi32, #tpu.memory_space<hbm>>
        tpu.enqueue_dma source(%dma_start3A_491 : memref<2x128xi32, #tpu.memory_space<hbm>>) target(%dma_start3A_487 : memref<2x128xi32, #tpu.memory_space<vmem>>) target_semaphore(%arg11 : memref<!tpu.dma_semaphore, #tpu.memory_space<semaphore_mem>>)
      } else {
      }
      %add3A_242 = arith.constant 2 : i32
      %add3A_243 = arith.addi %add3A_222, %add3A_242 : i32
      %lt3A_244 = arith.constant 80 : i32
      %lt3A_245 = arith.cmpi slt, %add3A_243, %lt3A_244 : i32
      %convert_element_type3A_246 = arith.extui %lt3A_245 : i1 to i32
      %cond3A_247 = arith.constant 0 : i32
      %cond3A_248 = arith.cmpi ne, %convert_element_type3A_246, %cond3A_247 : i32
      scf.if %cond3A_248 {
        %add3A_473 = arith.constant 2 : i32
        %add3A_474 = arith.addi %add3A_222, %add3A_473 : i32
        %dma_wait3A_475 = arith.constant 2 : i32
        %dma_wait3A_476 = arith.constant 0 : i32
        %dma_wait3A_477 = arith.constant 0 : i32
        %dma_wait3A_478 = tpu.memref_slice %arg6[%dma_wait3A_475, %dma_wait3A_476, %dma_wait3A_477] : memref<8x2x128xi32, #tpu.memory_space<vmem>> -> memref<1x2x128xi32, #tpu.memory_space<vmem>>
        %dma_wait3A_479 = tpu.memref_squeeze %dma_wait3A_478 : memref<1x2x128xi32, #tpu.memory_space<vmem>> -> memref<2x128xi32, #tpu.memory_space<vmem>>
        %dma_wait3A_480 = arith.constant 0 : i32
        %dma_wait3A_481 = arith.constant 0 : i32
        %dma_wait3A_482 = tpu.memref_slice %arg3[%add3A, %add3A_474, %dma_wait3A_480, %dma_wait3A_481] : memref<32x80x2x128xi32, #tpu.memory_space<hbm>> -> memref<1x1x2x128xi32, #tpu.memory_space<hbm>>
        %dma_wait3A_483 = tpu.memref_squeeze %dma_wait3A_482 : memref<1x1x2x128xi32, #tpu.memory_space<hbm>> -> memref<2x128xi32, #tpu.memory_space<hbm>>
        %dma_wait3A_484 = arith.constant 0 : i32
        %dma_wait3A_485 = arith.constant 0 : i32
        %dma_wait3A_486 = tpu.memref_slice %arg6[%dma_wait3A_475, %dma_wait3A_484, %dma_wait3A_485] : memref<8x2x128xi32, #tpu.memory_space<vmem>> -> memref<1x2x128xi32, #tpu.memory_space<vmem>>
        %dma_wait3A_487 = tpu.memref_squeeze %dma_wait3A_486 : memref<1x2x128xi32, #tpu.memory_space<vmem>> -> memref<2x128xi32, #tpu.memory_space<vmem>>
        %dma_wait3A_488 = arith.constant 0 : i32
        %dma_wait3A_489 = arith.constant 0 : i32
        %dma_wait3A_490 = tpu.memref_slice %arg3[%add3A, %add3A_474, %dma_wait3A_488, %dma_wait3A_489] : memref<32x80x2x128xi32, #tpu.memory_space<hbm>> -> memref<1x1x2x128xi32, #tpu.memory_space<hbm>>
        %dma_wait3A_491 = tpu.memref_squeeze %dma_wait3A_490 : memref<1x1x2x128xi32, #tpu.memory_space<hbm>> -> memref<2x128xi32, #tpu.memory_space<hbm>>
        tpu.wait_dma2 semaphore(%arg13 : memref<!tpu.dma_semaphore, #tpu.memory_space<semaphore_mem>>) src(%dma_wait3A_491 : memref<2x128xi32, #tpu.memory_space<hbm>>) dst(%dma_wait3A_487 : memref<2x128xi32, #tpu.memory_space<vmem>>)
        %dma_start3A_492 = arith.constant 2 : i32
        %dma_start3A_493 = arith.constant 0 : i32
        %dma_start3A_494 = arith.constant 0 : i32
        %dma_start3A_495 = arith.constant 0 : i32
        %dma_start3A_496 = arith.constant 0 : i32
        %dma_start3A_497 = tpu.memref_slice %arg7[%dma_start3A_494, %dma_start3A_495, %dma_start3A_496] : memref<2x128x128xf32, #tpu.memory_space<vmem>> -> memref<1x128x128xf32, #tpu.memory_space<vmem>>
        %dma_start3A_498 = tpu.memref_squeeze %dma_start3A_497 : memref<1x128x128xf32, #tpu.memory_space<vmem>> -> memref<128x128xf32, #tpu.memory_space<vmem>>
        %dma_start3A_499 = arith.constant 0 : i32
        %dma_start3A_500 = tpu.memref_slice %arg6[%dma_start3A_492, %dma_start3A_493, %dma_start3A_499] : memref<8x2x128xi32, #tpu.memory_space<vmem>> -> memref<1x1x128xi32, #tpu.memory_space<vmem>>
        %dma_start3A_501 = tpu.memref_squeeze %dma_start3A_500 : memref<1x1x128xi32, #tpu.memory_space<vmem>> -> memref<128xi32, #tpu.memory_space<vmem>>
        %dma_start3A_502 = arith.constant 0 : i32
        %dma_start3A_503 = arith.constant 0 : i32
        %dma_start3A_504 = tpu.memref_slice %arg2[%dma_start3A_502, %dma_start3A_503] : memref<10000x128xf32, #tpu.memory_space<hbm>> -> memref<10000x128xf32, #tpu.memory_space<hbm>>
        tpu.enqueue_indirect_dma source(%dma_start3A_504 : memref<10000x128xf32, #tpu.memory_space<hbm>>) target(%dma_start3A_498 : memref<128x128xf32, #tpu.memory_space<vmem>>) offsets(%dma_start3A_501 : memref<128xi32, #tpu.memory_space<vmem>>) semaphore(%arg9 : memref<!tpu.dma_semaphore, #tpu.memory_space<semaphore_mem>>)
      } else {
      }
      %add3A_249 = arith.constant 1 : i32
      %add3A_250 = arith.addi %add3A_220, %add3A_249 : i32
      %dma_wait3A_251 = arith.constant 1 : i32
      %dma_wait3A_252 = arith.constant 0 : i32
      %dma_wait3A_253 = arith.constant 1 : i32
      %dma_wait3A_254 = arith.constant 0 : i32
      %dma_wait3A_255 = arith.constant 0 : i32
      %dma_wait3A_256 = tpu.memref_slice %arg7[%dma_wait3A_253, %dma_wait3A_254, %dma_wait3A_255] : memref<2x128x128xf32, #tpu.memory_space<vmem>> -> memref<1x128x128xf32, #tpu.memory_space<vmem>>
      %dma_wait3A_257 = tpu.memref_squeeze %dma_wait3A_256 : memref<1x128x128xf32, #tpu.memory_space<vmem>> -> memref<128x128xf32, #tpu.memory_space<vmem>>
      %dma_wait3A_258 = arith.constant 0 : i32
      %dma_wait3A_259 = tpu.memref_slice %arg6[%dma_wait3A_251, %dma_wait3A_252, %dma_wait3A_258] : memref<8x2x128xi32, #tpu.memory_space<vmem>> -> memref<1x1x128xi32, #tpu.memory_space<vmem>>
      %dma_wait3A_260 = tpu.memref_squeeze %dma_wait3A_259 : memref<1x1x128xi32, #tpu.memory_space<vmem>> -> memref<128xi32, #tpu.memory_space<vmem>>
      %dma_wait3A_261 = arith.constant 0 : i32
      %dma_wait3A_262 = arith.constant 0 : i32
      %dma_wait3A_263 = tpu.memref_slice %arg2[%dma_wait3A_261, %dma_wait3A_262] : memref<10000x128xf32, #tpu.memory_space<hbm>> -> memref<10000x128xf32, #tpu.memory_space<hbm>>
      tpu.wait_indirect_dma semaphore(%arg10 : memref<!tpu.dma_semaphore, #tpu.memory_space<semaphore_mem>>) src(%dma_wait3A_263 : memref<10000x128xf32, #tpu.memory_space<hbm>>) dst(%dma_wait3A_257 : memref<128x128xf32, #tpu.memory_space<vmem>>)
      %run_scoped3A_264 = arith.constant 1 : i32
      %run_scoped3A_265 = arith.constant 1 : i32
      %run_scoped3A_266 = arith.constant 1 : i32
      "tpu.region"() ({
        %run_scoped3A_473 = tpu.sem_alloc : memref<!tpu.dma_semaphore, #tpu.memory_space<semaphore_mem>>
        %dma_start3A_474 = arith.constant 0 : i32
        %dma_start3A_475 = arith.constant 0 : i32
        %dma_start3A_476 = tpu.memref_slice %arg7[%run_scoped3A_264, %dma_start3A_474, %dma_start3A_475] : memref<2x128x128xf32, #tpu.memory_space<vmem>> -> memref<1x128x128xf32, #tpu.memory_space<vmem>>
        %dma_start3A_477 = tpu.memref_squeeze %dma_start3A_476 : memref<1x128x128xf32, #tpu.memory_space<vmem>> -> memref<128x128xf32, #tpu.memory_space<vmem>>
        %dma_start3A_478 = arith.constant 0 : i32
        %dma_start3A_479 = tpu.memref_slice %arg6[%run_scoped3A_265, %run_scoped3A_266, %dma_start3A_478] : memref<8x2x128xi32, #tpu.memory_space<vmem>> -> memref<1x1x128xi32, #tpu.memory_space<vmem>>
        %dma_start3A_480 = tpu.memref_squeeze %dma_start3A_479 : memref<1x1x128xi32, #tpu.memory_space<vmem>> -> memref<128xi32, #tpu.memory_space<vmem>>
        %dma_start3A_481 = arith.constant 0 : i32
        %dma_start3A_482 = arith.constant 0 : i32
        %dma_start3A_483 = tpu.memref_slice %arg8[%dma_start3A_481, %dma_start3A_482] : memref<10112x128xf32, #tpu.memory_space<vmem_shared>> -> memref<10112x128xf32, #tpu.memory_space<vmem_shared>>
        tpu.enqueue_indirect_dma source(%dma_start3A_477 : memref<128x128xf32, #tpu.memory_space<vmem>>) target(%dma_start3A_483 : memref<10112x128xf32, #tpu.memory_space<vmem_shared>>) offsets(%dma_start3A_480 : memref<128xi32, #tpu.memory_space<vmem>>) semaphore(%run_scoped3A_473 : memref<!tpu.dma_semaphore, #tpu.memory_space<semaphore_mem>>) {add = true}
        %dma_wait3A_484 = arith.constant 0 : i32
        %dma_wait3A_485 = arith.constant 0 : i32
        %dma_wait3A_486 = tpu.memref_slice %arg7[%run_scoped3A_264, %dma_wait3A_484, %dma_wait3A_485] : memref<2x128x128xf32, #tpu.memory_space<vmem>> -> memref<1x128x128xf32, #tpu.memory_space<vmem>>
        %dma_wait3A_487 = tpu.memref_squeeze %dma_wait3A_486 : memref<1x128x128xf32, #tpu.memory_space<vmem>> -> memref<128x128xf32, #tpu.memory_space<vmem>>
        %dma_wait3A_488 = arith.constant 0 : i32
        %dma_wait3A_489 = tpu.memref_slice %arg6[%run_scoped3A_265, %run_scoped3A_266, %dma_wait3A_488] : memref<8x2x128xi32, #tpu.memory_space<vmem>> -> memref<1x1x128xi32, #tpu.memory_space<vmem>>
        %dma_wait3A_490 = tpu.memref_squeeze %dma_wait3A_489 : memref<1x1x128xi32, #tpu.memory_space<vmem>> -> memref<128xi32, #tpu.memory_space<vmem>>
        %dma_wait3A_491 = arith.constant 0 : i32
        %dma_wait3A_492 = arith.constant 0 : i32
        %dma_wait3A_493 = tpu.memref_slice %arg8[%dma_wait3A_491, %dma_wait3A_492] : memref<10112x128xf32, #tpu.memory_space<vmem_shared>> -> memref<10112x128xf32, #tpu.memory_space<vmem_shared>>
        tpu.wait_indirect_dma semaphore(%run_scoped3A_473 : memref<!tpu.dma_semaphore, #tpu.memory_space<semaphore_mem>>) src(%dma_wait3A_487 : memref<128x128xf32, #tpu.memory_space<vmem>>) dst(%dma_wait3A_493 : memref<10112x128xf32, #tpu.memory_space<vmem_shared>>)
        tpu.yield
      }) : () -> ()
      %add3A_267 = arith.constant 8 : i32
      %add3A_268 = arith.addi %add3A_250, %add3A_267 : i32
      %lt3A_269 = arith.constant 80 : i32
      %lt3A_270 = arith.cmpi slt, %add3A_268, %lt3A_269 : i32
      %convert_element_type3A_271 = arith.extui %lt3A_270 : i1 to i32
      %cond3A_272 = arith.constant 0 : i32
      %cond3A_273 = arith.cmpi ne, %convert_element_type3A_271, %cond3A_272 : i32
      scf.if %cond3A_273 {
        %add3A_473 = arith.constant 8 : i32
        %add3A_474 = arith.addi %add3A_250, %add3A_473 : i32
        %dma_start3A_475 = arith.constant 1 : i32
        %dma_start3A_476 = arith.constant 0 : i32
        %dma_start3A_477 = arith.constant 0 : i32
        %dma_start3A_478 = tpu.memref_slice %arg6[%dma_start3A_475, %dma_start3A_476, %dma_start3A_477] : memref<8x2x128xi32, #tpu.memory_space<vmem>> -> memref<1x2x128xi32, #tpu.memory_space<vmem>>
        %dma_start3A_479 = tpu.memref_squeeze %dma_start3A_478 : memref<1x2x128xi32, #tpu.memory_space<vmem>> -> memref<2x128xi32, #tpu.memory_space<vmem>>
        %dma_start3A_480 = arith.constant 0 : i32
        %dma_start3A_481 = arith.constant 0 : i32
        %dma_start3A_482 = tpu.memref_slice %arg3[%add3A, %add3A_474, %dma_start3A_480, %dma_start3A_481] : memref<32x80x2x128xi32, #tpu.memory_space<hbm>> -> memref<1x1x2x128xi32, #tpu.memory_space<hbm>>
        %dma_start3A_483 = tpu.memref_squeeze %dma_start3A_482 : memref<1x1x2x128xi32, #tpu.memory_space<hbm>> -> memref<2x128xi32, #tpu.memory_space<hbm>>
        %dma_start3A_484 = arith.constant 0 : i32
        %dma_start3A_485 = arith.constant 0 : i32
        %dma_start3A_486 = tpu.memref_slice %arg6[%dma_start3A_475, %dma_start3A_484, %dma_start3A_485] : memref<8x2x128xi32, #tpu.memory_space<vmem>> -> memref<1x2x128xi32, #tpu.memory_space<vmem>>
        %dma_start3A_487 = tpu.memref_squeeze %dma_start3A_486 : memref<1x2x128xi32, #tpu.memory_space<vmem>> -> memref<2x128xi32, #tpu.memory_space<vmem>>
        %dma_start3A_488 = arith.constant 0 : i32
        %dma_start3A_489 = arith.constant 0 : i32
        %dma_start3A_490 = tpu.memref_slice %arg3[%add3A, %add3A_474, %dma_start3A_488, %dma_start3A_489] : memref<32x80x2x128xi32, #tpu.memory_space<hbm>> -> memref<1x1x2x128xi32, #tpu.memory_space<hbm>>
        %dma_start3A_491 = tpu.memref_squeeze %dma_start3A_490 : memref<1x1x2x128xi32, #tpu.memory_space<hbm>> -> memref<2x128xi32, #tpu.memory_space<hbm>>
        tpu.enqueue_dma source(%dma_start3A_491 : memref<2x128xi32, #tpu.memory_space<hbm>>) target(%dma_start3A_487 : memref<2x128xi32, #tpu.memory_space<vmem>>) target_semaphore(%arg12 : memref<!tpu.dma_semaphore, #tpu.memory_space<semaphore_mem>>)
      } else {
      }
      %add3A_274 = arith.constant 2 : i32
      %add3A_275 = arith.addi %add3A_250, %add3A_274 : i32
      %lt3A_276 = arith.constant 80 : i32
      %lt3A_277 = arith.cmpi slt, %add3A_275, %lt3A_276 : i32
      %convert_element_type3A_278 = arith.extui %lt3A_277 : i1 to i32
      %cond3A_279 = arith.constant 0 : i32
      %cond3A_280 = arith.cmpi ne, %convert_element_type3A_278, %cond3A_279 : i32
      scf.if %cond3A_280 {
        %add3A_473 = arith.constant 2 : i32
        %add3A_474 = arith.addi %add3A_250, %add3A_473 : i32
        %dma_wait3A_475 = arith.constant 3 : i32
        %dma_wait3A_476 = arith.constant 0 : i32
        %dma_wait3A_477 = arith.constant 0 : i32
        %dma_wait3A_478 = tpu.memref_slice %arg6[%dma_wait3A_475, %dma_wait3A_476, %dma_wait3A_477] : memref<8x2x128xi32, #tpu.memory_space<vmem>> -> memref<1x2x128xi32, #tpu.memory_space<vmem>>
        %dma_wait3A_479 = tpu.memref_squeeze %dma_wait3A_478 : memref<1x2x128xi32, #tpu.memory_space<vmem>> -> memref<2x128xi32, #tpu.memory_space<vmem>>
        %dma_wait3A_480 = arith.constant 0 : i32
        %dma_wait3A_481 = arith.constant 0 : i32
        %dma_wait3A_482 = tpu.memref_slice %arg3[%add3A, %add3A_474, %dma_wait3A_480, %dma_wait3A_481] : memref<32x80x2x128xi32, #tpu.memory_space<hbm>> -> memref<1x1x2x128xi32, #tpu.memory_space<hbm>>
        %dma_wait3A_483 = tpu.memref_squeeze %dma_wait3A_482 : memref<1x1x2x128xi32, #tpu.memory_space<hbm>> -> memref<2x128xi32, #tpu.memory_space<hbm>>
        %dma_wait3A_484 = arith.constant 0 : i32
        %dma_wait3A_485 = arith.constant 0 : i32
        %dma_wait3A_486 = tpu.memref_slice %arg6[%dma_wait3A_475, %dma_wait3A_484, %dma_wait3A_485] : memref<8x2x128xi32, #tpu.memory_space<vmem>> -> memref<1x2x128xi32, #tpu.memory_space<vmem>>
        %dma_wait3A_487 = tpu.memref_squeeze %dma_wait3A_486 : memref<1x2x128xi32, #tpu.memory_space<vmem>> -> memref<2x128xi32, #tpu.memory_space<vmem>>
        %dma_wait3A_488 = arith.constant 0 : i32
        %dma_wait3A_489 = arith.constant 0 : i32
        %dma_wait3A_490 = tpu.memref_slice %arg3[%add3A, %add3A_474, %dma_wait3A_488, %dma_wait3A_489] : memref<32x80x2x128xi32, #tpu.memory_space<hbm>> -> memref<1x1x2x128xi32, #tpu.memory_space<hbm>>
        %dma_wait3A_491 = tpu.memref_squeeze %dma_wait3A_490 : memref<1x1x2x128xi32, #tpu.memory_space<hbm>> -> memref<2x128xi32, #tpu.memory_space<hbm>>
        tpu.wait_dma2 semaphore(%arg14 : memref<!tpu.dma_semaphore, #tpu.memory_space<semaphore_mem>>) src(%dma_wait3A_491 : memref<2x128xi32, #tpu.memory_space<hbm>>) dst(%dma_wait3A_487 : memref<2x128xi32, #tpu.memory_space<vmem>>)
        %dma_start3A_492 = arith.constant 3 : i32
        %dma_start3A_493 = arith.constant 0 : i32
        %dma_start3A_494 = arith.constant 1 : i32
        %dma_start3A_495 = arith.constant 0 : i32
        %dma_start3A_496 = arith.constant 0 : i32
        %dma_start3A_497 = tpu.memref_slice %arg7[%dma_start3A_494, %dma_start3A_495, %dma_start3A_496] : memref<2x128x128xf32, #tpu.memory_space<vmem>> -> memref<1x128x128xf32, #tpu.memory_space<vmem>>
        %dma_start3A_498 = tpu.memref_squeeze %dma_start3A_497 : memref<1x128x128xf32, #tpu.memory_space<vmem>> -> memref<128x128xf32, #tpu.memory_space<vmem>>
        %dma_start3A_499 = arith.constant 0 : i32
        %dma_start3A_500 = tpu.memref_slice %arg6[%dma_start3A_492, %dma_start3A_493, %dma_start3A_499] : memref<8x2x128xi32, #tpu.memory_space<vmem>> -> memref<1x1x128xi32, #tpu.memory_space<vmem>>
        %dma_start3A_501 = tpu.memref_squeeze %dma_start3A_500 : memref<1x1x128xi32, #tpu.memory_space<vmem>> -> memref<128xi32, #tpu.memory_space<vmem>>
        %dma_start3A_502 = arith.constant 0 : i32
        %dma_start3A_503 = arith.constant 0 : i32
        %dma_start3A_504 = tpu.memref_slice %arg2[%dma_start3A_502, %dma_start3A_503] : memref<10000x128xf32, #tpu.memory_space<hbm>> -> memref<10000x128xf32, #tpu.memory_space<hbm>>
        tpu.enqueue_indirect_dma source(%dma_start3A_504 : memref<10000x128xf32, #tpu.memory_space<hbm>>) target(%dma_start3A_498 : memref<128x128xf32, #tpu.memory_space<vmem>>) offsets(%dma_start3A_501 : memref<128xi32, #tpu.memory_space<vmem>>) semaphore(%arg10 : memref<!tpu.dma_semaphore, #tpu.memory_space<semaphore_mem>>)
      } else {
      }
      %add3A_281 = arith.constant 2 : i32
      %add3A_282 = arith.addi %add3A_220, %add3A_281 : i32
      %dma_wait3A_283 = arith.constant 2 : i32
      %dma_wait3A_284 = arith.constant 0 : i32
      %dma_wait3A_285 = arith.constant 0 : i32
      %dma_wait3A_286 = arith.constant 0 : i32
      %dma_wait3A_287 = arith.constant 0 : i32
      %dma_wait3A_288 = tpu.memref_slice %arg7[%dma_wait3A_285, %dma_wait3A_286, %dma_wait3A_287] : memref<2x128x128xf32, #tpu.memory_space<vmem>> -> memref<1x128x128xf32, #tpu.memory_space<vmem>>
      %dma_wait3A_289 = tpu.memref_squeeze %dma_wait3A_288 : memref<1x128x128xf32, #tpu.memory_space<vmem>> -> memref<128x128xf32, #tpu.memory_space<vmem>>
      %dma_wait3A_290 = arith.constant 0 : i32
      %dma_wait3A_291 = tpu.memref_slice %arg6[%dma_wait3A_283, %dma_wait3A_284, %dma_wait3A_290] : memref<8x2x128xi32, #tpu.memory_space<vmem>> -> memref<1x1x128xi32, #tpu.memory_space<vmem>>
      %dma_wait3A_292 = tpu.memref_squeeze %dma_wait3A_291 : memref<1x1x128xi32, #tpu.memory_space<vmem>> -> memref<128xi32, #tpu.memory_space<vmem>>
      %dma_wait3A_293 = arith.constant 0 : i32
      %dma_wait3A_294 = arith.constant 0 : i32
      %dma_wait3A_295 = tpu.memref_slice %arg2[%dma_wait3A_293, %dma_wait3A_294] : memref<10000x128xf32, #tpu.memory_space<hbm>> -> memref<10000x128xf32, #tpu.memory_space<hbm>>
      tpu.wait_indirect_dma semaphore(%arg9 : memref<!tpu.dma_semaphore, #tpu.memory_space<semaphore_mem>>) src(%dma_wait3A_295 : memref<10000x128xf32, #tpu.memory_space<hbm>>) dst(%dma_wait3A_289 : memref<128x128xf32, #tpu.memory_space<vmem>>)
      %run_scoped3A_296 = arith.constant 0 : i32
      %run_scoped3A_297 = arith.constant 2 : i32
      %run_scoped3A_298 = arith.constant 1 : i32
      "tpu.region"() ({
        %run_scoped3A_473 = tpu.sem_alloc : memref<!tpu.dma_semaphore, #tpu.memory_space<semaphore_mem>>
        %dma_start3A_474 = arith.constant 0 : i32
        %dma_start3A_475 = arith.constant 0 : i32
        %dma_start3A_476 = tpu.memref_slice %arg7[%run_scoped3A_296, %dma_start3A_474, %dma_start3A_475] : memref<2x128x128xf32, #tpu.memory_space<vmem>> -> memref<1x128x128xf32, #tpu.memory_space<vmem>>
        %dma_start3A_477 = tpu.memref_squeeze %dma_start3A_476 : memref<1x128x128xf32, #tpu.memory_space<vmem>> -> memref<128x128xf32, #tpu.memory_space<vmem>>
        %dma_start3A_478 = arith.constant 0 : i32
        %dma_start3A_479 = tpu.memref_slice %arg6[%run_scoped3A_297, %run_scoped3A_298, %dma_start3A_478] : memref<8x2x128xi32, #tpu.memory_space<vmem>> -> memref<1x1x128xi32, #tpu.memory_space<vmem>>
        %dma_start3A_480 = tpu.memref_squeeze %dma_start3A_479 : memref<1x1x128xi32, #tpu.memory_space<vmem>> -> memref<128xi32, #tpu.memory_space<vmem>>
        %dma_start3A_481 = arith.constant 0 : i32
        %dma_start3A_482 = arith.constant 0 : i32
        %dma_start3A_483 = tpu.memref_slice %arg8[%dma_start3A_481, %dma_start3A_482] : memref<10112x128xf32, #tpu.memory_space<vmem_shared>> -> memref<10112x128xf32, #tpu.memory_space<vmem_shared>>
        tpu.enqueue_indirect_dma source(%dma_start3A_477 : memref<128x128xf32, #tpu.memory_space<vmem>>) target(%dma_start3A_483 : memref<10112x128xf32, #tpu.memory_space<vmem_shared>>) offsets(%dma_start3A_480 : memref<128xi32, #tpu.memory_space<vmem>>) semaphore(%run_scoped3A_473 : memref<!tpu.dma_semaphore, #tpu.memory_space<semaphore_mem>>) {add = true}
        %dma_wait3A_484 = arith.constant 0 : i32
        %dma_wait3A_485 = arith.constant 0 : i32
        %dma_wait3A_486 = tpu.memref_slice %arg7[%run_scoped3A_296, %dma_wait3A_484, %dma_wait3A_485] : memref<2x128x128xf32, #tpu.memory_space<vmem>> -> memref<1x128x128xf32, #tpu.memory_space<vmem>>
        %dma_wait3A_487 = tpu.memref_squeeze %dma_wait3A_486 : memref<1x128x128xf32, #tpu.memory_space<vmem>> -> memref<128x128xf32, #tpu.memory_space<vmem>>
        %dma_wait3A_488 = arith.constant 0 : i32
        %dma_wait3A_489 = tpu.memref_slice %arg6[%run_scoped3A_297, %run_scoped3A_298, %dma_wait3A_488] : memref<8x2x128xi32, #tpu.memory_space<vmem>> -> memref<1x1x128xi32, #tpu.memory_space<vmem>>
        %dma_wait3A_490 = tpu.memref_squeeze %dma_wait3A_489 : memref<1x1x128xi32, #tpu.memory_space<vmem>> -> memref<128xi32, #tpu.memory_space<vmem>>
        %dma_wait3A_491 = arith.constant 0 : i32
        %dma_wait3A_492 = arith.constant 0 : i32
        %dma_wait3A_493 = tpu.memref_slice %arg8[%dma_wait3A_491, %dma_wait3A_492] : memref<10112x128xf32, #tpu.memory_space<vmem_shared>> -> memref<10112x128xf32, #tpu.memory_space<vmem_shared>>
        tpu.wait_indirect_dma semaphore(%run_scoped3A_473 : memref<!tpu.dma_semaphore, #tpu.memory_space<semaphore_mem>>) src(%dma_wait3A_487 : memref<128x128xf32, #tpu.memory_space<vmem>>) dst(%dma_wait3A_493 : memref<10112x128xf32, #tpu.memory_space<vmem_shared>>)
        tpu.yield
      }) : () -> ()
      %add3A_299 = arith.constant 8 : i32
      %add3A_300 = arith.addi %add3A_282, %add3A_299 : i32
      %lt3A_301 = arith.constant 80 : i32
      %lt3A_302 = arith.cmpi slt, %add3A_300, %lt3A_301 : i32
      %convert_element_type3A_303 = arith.extui %lt3A_302 : i1 to i32
      %cond3A_304 = arith.constant 0 : i32
      %cond3A_305 = arith.cmpi ne, %convert_element_type3A_303, %cond3A_304 : i32
      scf.if %cond3A_305 {
        %add3A_473 = arith.constant 8 : i32
        %add3A_474 = arith.addi %add3A_282, %add3A_473 : i32
        %dma_start3A_475 = arith.constant 2 : i32
        %dma_start3A_476 = arith.constant 0 : i32
        %dma_start3A_477 = arith.constant 0 : i32
        %dma_start3A_478 = tpu.memref_slice %arg6[%dma_start3A_475, %dma_start3A_476, %dma_start3A_477] : memref<8x2x128xi32, #tpu.memory_space<vmem>> -> memref<1x2x128xi32, #tpu.memory_space<vmem>>
        %dma_start3A_479 = tpu.memref_squeeze %dma_start3A_478 : memref<1x2x128xi32, #tpu.memory_space<vmem>> -> memref<2x128xi32, #tpu.memory_space<vmem>>
        %dma_start3A_480 = arith.constant 0 : i32
        %dma_start3A_481 = arith.constant 0 : i32
        %dma_start3A_482 = tpu.memref_slice %arg3[%add3A, %add3A_474, %dma_start3A_480, %dma_start3A_481] : memref<32x80x2x128xi32, #tpu.memory_space<hbm>> -> memref<1x1x2x128xi32, #tpu.memory_space<hbm>>
        %dma_start3A_483 = tpu.memref_squeeze %dma_start3A_482 : memref<1x1x2x128xi32, #tpu.memory_space<hbm>> -> memref<2x128xi32, #tpu.memory_space<hbm>>
        %dma_start3A_484 = arith.constant 0 : i32
        %dma_start3A_485 = arith.constant 0 : i32
        %dma_start3A_486 = tpu.memref_slice %arg6[%dma_start3A_475, %dma_start3A_484, %dma_start3A_485] : memref<8x2x128xi32, #tpu.memory_space<vmem>> -> memref<1x2x128xi32, #tpu.memory_space<vmem>>
        %dma_start3A_487 = tpu.memref_squeeze %dma_start3A_486 : memref<1x2x128xi32, #tpu.memory_space<vmem>> -> memref<2x128xi32, #tpu.memory_space<vmem>>
        %dma_start3A_488 = arith.constant 0 : i32
        %dma_start3A_489 = arith.constant 0 : i32
        %dma_start3A_490 = tpu.memref_slice %arg3[%add3A, %add3A_474, %dma_start3A_488, %dma_start3A_489] : memref<32x80x2x128xi32, #tpu.memory_space<hbm>> -> memref<1x1x2x128xi32, #tpu.memory_space<hbm>>
        %dma_start3A_491 = tpu.memref_squeeze %dma_start3A_490 : memref<1x1x2x128xi32, #tpu.memory_space<hbm>> -> memref<2x128xi32, #tpu.memory_space<hbm>>
        tpu.enqueue_dma source(%dma_start3A_491 : memref<2x128xi32, #tpu.memory_space<hbm>>) target(%dma_start3A_487 : memref<2x128xi32, #tpu.memory_space<vmem>>) target_semaphore(%arg13 : memref<!tpu.dma_semaphore, #tpu.memory_space<semaphore_mem>>)
      } else {
      }
      %add3A_306 = arith.constant 2 : i32
      %add3A_307 = arith.addi %add3A_282, %add3A_306 : i32
      %lt3A_308 = arith.constant 80 : i32
      %lt3A_309 = arith.cmpi slt, %add3A_307, %lt3A_308 : i32
      %convert_element_type3A_310 = arith.extui %lt3A_309 : i1 to i32
      %cond3A_311 = arith.constant 0 : i32
      %cond3A_312 = arith.cmpi ne, %convert_element_type3A_310, %cond3A_311 : i32
      scf.if %cond3A_312 {
        %add3A_473 = arith.constant 2 : i32
        %add3A_474 = arith.addi %add3A_282, %add3A_473 : i32
        %dma_wait3A_475 = arith.constant 4 : i32
        %dma_wait3A_476 = arith.constant 0 : i32
        %dma_wait3A_477 = arith.constant 0 : i32
        %dma_wait3A_478 = tpu.memref_slice %arg6[%dma_wait3A_475, %dma_wait3A_476, %dma_wait3A_477] : memref<8x2x128xi32, #tpu.memory_space<vmem>> -> memref<1x2x128xi32, #tpu.memory_space<vmem>>
        %dma_wait3A_479 = tpu.memref_squeeze %dma_wait3A_478 : memref<1x2x128xi32, #tpu.memory_space<vmem>> -> memref<2x128xi32, #tpu.memory_space<vmem>>
        %dma_wait3A_480 = arith.constant 0 : i32
        %dma_wait3A_481 = arith.constant 0 : i32
        %dma_wait3A_482 = tpu.memref_slice %arg3[%add3A, %add3A_474, %dma_wait3A_480, %dma_wait3A_481] : memref<32x80x2x128xi32, #tpu.memory_space<hbm>> -> memref<1x1x2x128xi32, #tpu.memory_space<hbm>>
        %dma_wait3A_483 = tpu.memref_squeeze %dma_wait3A_482 : memref<1x1x2x128xi32, #tpu.memory_space<hbm>> -> memref<2x128xi32, #tpu.memory_space<hbm>>
        %dma_wait3A_484 = arith.constant 0 : i32
        %dma_wait3A_485 = arith.constant 0 : i32
        %dma_wait3A_486 = tpu.memref_slice %arg6[%dma_wait3A_475, %dma_wait3A_484, %dma_wait3A_485] : memref<8x2x128xi32, #tpu.memory_space<vmem>> -> memref<1x2x128xi32, #tpu.memory_space<vmem>>
        %dma_wait3A_487 = tpu.memref_squeeze %dma_wait3A_486 : memref<1x2x128xi32, #tpu.memory_space<vmem>> -> memref<2x128xi32, #tpu.memory_space<vmem>>
        %dma_wait3A_488 = arith.constant 0 : i32
        %dma_wait3A_489 = arith.constant 0 : i32
        %dma_wait3A_490 = tpu.memref_slice %arg3[%add3A, %add3A_474, %dma_wait3A_488, %dma_wait3A_489] : memref<32x80x2x128xi32, #tpu.memory_space<hbm>> -> memref<1x1x2x128xi32, #tpu.memory_space<hbm>>
        %dma_wait3A_491 = tpu.memref_squeeze %dma_wait3A_490 : memref<1x1x2x128xi32, #tpu.memory_space<hbm>> -> memref<2x128xi32, #tpu.memory_space<hbm>>
        tpu.wait_dma2 semaphore(%arg15 : memref<!tpu.dma_semaphore, #tpu.memory_space<semaphore_mem>>) src(%dma_wait3A_491 : memref<2x128xi32, #tpu.memory_space<hbm>>) dst(%dma_wait3A_487 : memref<2x128xi32, #tpu.memory_space<vmem>>)
        %dma_start3A_492 = arith.constant 4 : i32
        %dma_start3A_493 = arith.constant 0 : i32
        %dma_start3A_494 = arith.constant 0 : i32
        %dma_start3A_495 = arith.constant 0 : i32
        %dma_start3A_496 = arith.constant 0 : i32
        %dma_start3A_497 = tpu.memref_slice %arg7[%dma_start3A_494, %dma_start3A_495, %dma_start3A_496] : memref<2x128x128xf32, #tpu.memory_space<vmem>> -> memref<1x128x128xf32, #tpu.memory_space<vmem>>
        %dma_start3A_498 = tpu.memref_squeeze %dma_start3A_497 : memref<1x128x128xf32, #tpu.memory_space<vmem>> -> memref<128x128xf32, #tpu.memory_space<vmem>>
        %dma_start3A_499 = arith.constant 0 : i32
        %dma_start3A_500 = tpu.memref_slice %arg6[%dma_start3A_492, %dma_start3A_493, %dma_start3A_499] : memref<8x2x128xi32, #tpu.memory_space<vmem>> -> memref<1x1x128xi32, #tpu.memory_space<vmem>>
        %dma_start3A_501 = tpu.memref_squeeze %dma_start3A_500 : memref<1x1x128xi32, #tpu.memory_space<vmem>> -> memref<128xi32, #tpu.memory_space<vmem>>
        %dma_start3A_502 = arith.constant 0 : i32
        %dma_start3A_503 = arith.constant 0 : i32
        %dma_start3A_504 = tpu.memref_slice %arg2[%dma_start3A_502, %dma_start3A_503] : memref<10000x128xf32, #tpu.memory_space<hbm>> -> memref<10000x128xf32, #tpu.memory_space<hbm>>
        tpu.enqueue_indirect_dma source(%dma_start3A_504 : memref<10000x128xf32, #tpu.memory_space<hbm>>) target(%dma_start3A_498 : memref<128x128xf32, #tpu.memory_space<vmem>>) offsets(%dma_start3A_501 : memref<128xi32, #tpu.memory_space<vmem>>) semaphore(%arg9 : memref<!tpu.dma_semaphore, #tpu.memory_space<semaphore_mem>>)
      } else {
      }
      %add3A_313 = arith.constant 3 : i32
      %add3A_314 = arith.addi %add3A_220, %add3A_313 : i32
      %dma_wait3A_315 = arith.constant 3 : i32
      %dma_wait3A_316 = arith.constant 0 : i32
      %dma_wait3A_317 = arith.constant 1 : i32
      %dma_wait3A_318 = arith.constant 0 : i32
      %dma_wait3A_319 = arith.constant 0 : i32
      %dma_wait3A_320 = tpu.memref_slice %arg7[%dma_wait3A_317, %dma_wait3A_318, %dma_wait3A_319] : memref<2x128x128xf32, #tpu.memory_space<vmem>> -> memref<1x128x128xf32, #tpu.memory_space<vmem>>
      %dma_wait3A_321 = tpu.memref_squeeze %dma_wait3A_320 : memref<1x128x128xf32, #tpu.memory_space<vmem>> -> memref<128x128xf32, #tpu.memory_space<vmem>>
      %dma_wait3A_322 = arith.constant 0 : i32
      %dma_wait3A_323 = tpu.memref_slice %arg6[%dma_wait3A_315, %dma_wait3A_316, %dma_wait3A_322] : memref<8x2x128xi32, #tpu.memory_space<vmem>> -> memref<1x1x128xi32, #tpu.memory_space<vmem>>
      %dma_wait3A_324 = tpu.memref_squeeze %dma_wait3A_323 : memref<1x1x128xi32, #tpu.memory_space<vmem>> -> memref<128xi32, #tpu.memory_space<vmem>>
      %dma_wait3A_325 = arith.constant 0 : i32
      %dma_wait3A_326 = arith.constant 0 : i32
      %dma_wait3A_327 = tpu.memref_slice %arg2[%dma_wait3A_325, %dma_wait3A_326] : memref<10000x128xf32, #tpu.memory_space<hbm>> -> memref<10000x128xf32, #tpu.memory_space<hbm>>
      tpu.wait_indirect_dma semaphore(%arg10 : memref<!tpu.dma_semaphore, #tpu.memory_space<semaphore_mem>>) src(%dma_wait3A_327 : memref<10000x128xf32, #tpu.memory_space<hbm>>) dst(%dma_wait3A_321 : memref<128x128xf32, #tpu.memory_space<vmem>>)
      %run_scoped3A_328 = arith.constant 1 : i32
      %run_scoped3A_329 = arith.constant 3 : i32
      %run_scoped3A_330 = arith.constant 1 : i32
      "tpu.region"() ({
        %run_scoped3A_473 = tpu.sem_alloc : memref<!tpu.dma_semaphore, #tpu.memory_space<semaphore_mem>>
        %dma_start3A_474 = arith.constant 0 : i32
        %dma_start3A_475 = arith.constant 0 : i32
        %dma_start3A_476 = tpu.memref_slice %arg7[%run_scoped3A_328, %dma_start3A_474, %dma_start3A_475] : memref<2x128x128xf32, #tpu.memory_space<vmem>> -> memref<1x128x128xf32, #tpu.memory_space<vmem>>
        %dma_start3A_477 = tpu.memref_squeeze %dma_start3A_476 : memref<1x128x128xf32, #tpu.memory_space<vmem>> -> memref<128x128xf32, #tpu.memory_space<vmem>>
        %dma_start3A_478 = arith.constant 0 : i32
        %dma_start3A_479 = tpu.memref_slice %arg6[%run_scoped3A_329, %run_scoped3A_330, %dma_start3A_478] : memref<8x2x128xi32, #tpu.memory_space<vmem>> -> memref<1x1x128xi32, #tpu.memory_space<vmem>>
        %dma_start3A_480 = tpu.memref_squeeze %dma_start3A_479 : memref<1x1x128xi32, #tpu.memory_space<vmem>> -> memref<128xi32, #tpu.memory_space<vmem>>
        %dma_start3A_481 = arith.constant 0 : i32
        %dma_start3A_482 = arith.constant 0 : i32
        %dma_start3A_483 = tpu.memref_slice %arg8[%dma_start3A_481, %dma_start3A_482] : memref<10112x128xf32, #tpu.memory_space<vmem_shared>> -> memref<10112x128xf32, #tpu.memory_space<vmem_shared>>
        tpu.enqueue_indirect_dma source(%dma_start3A_477 : memref<128x128xf32, #tpu.memory_space<vmem>>) target(%dma_start3A_483 : memref<10112x128xf32, #tpu.memory_space<vmem_shared>>) offsets(%dma_start3A_480 : memref<128xi32, #tpu.memory_space<vmem>>) semaphore(%run_scoped3A_473 : memref<!tpu.dma_semaphore, #tpu.memory_space<semaphore_mem>>) {add = true}
        %dma_wait3A_484 = arith.constant 0 : i32
        %dma_wait3A_485 = arith.constant 0 : i32
        %dma_wait3A_486 = tpu.memref_slice %arg7[%run_scoped3A_328, %dma_wait3A_484, %dma_wait3A_485] : memref<2x128x128xf32, #tpu.memory_space<vmem>> -> memref<1x128x128xf32, #tpu.memory_space<vmem>>
        %dma_wait3A_487 = tpu.memref_squeeze %dma_wait3A_486 : memref<1x128x128xf32, #tpu.memory_space<vmem>> -> memref<128x128xf32, #tpu.memory_space<vmem>>
        %dma_wait3A_488 = arith.constant 0 : i32
        %dma_wait3A_489 = tpu.memref_slice %arg6[%run_scoped3A_329, %run_scoped3A_330, %dma_wait3A_488] : memref<8x2x128xi32, #tpu.memory_space<vmem>> -> memref<1x1x128xi32, #tpu.memory_space<vmem>>
        %dma_wait3A_490 = tpu.memref_squeeze %dma_wait3A_489 : memref<1x1x128xi32, #tpu.memory_space<vmem>> -> memref<128xi32, #tpu.memory_space<vmem>>
        %dma_wait3A_491 = arith.constant 0 : i32
        %dma_wait3A_492 = arith.constant 0 : i32
        %dma_wait3A_493 = tpu.memref_slice %arg8[%dma_wait3A_491, %dma_wait3A_492] : memref<10112x128xf32, #tpu.memory_space<vmem_shared>> -> memref<10112x128xf32, #tpu.memory_space<vmem_shared>>
        tpu.wait_indirect_dma semaphore(%run_scoped3A_473 : memref<!tpu.dma_semaphore, #tpu.memory_space<semaphore_mem>>) src(%dma_wait3A_487 : memref<128x128xf32, #tpu.memory_space<vmem>>) dst(%dma_wait3A_493 : memref<10112x128xf32, #tpu.memory_space<vmem_shared>>)
        tpu.yield
      }) : () -> ()
      %add3A_331 = arith.constant 8 : i32
      %add3A_332 = arith.addi %add3A_314, %add3A_331 : i32
      %lt3A_333 = arith.constant 80 : i32
      %lt3A_334 = arith.cmpi slt, %add3A_332, %lt3A_333 : i32
      %convert_element_type3A_335 = arith.extui %lt3A_334 : i1 to i32
      %cond3A_336 = arith.constant 0 : i32
      %cond3A_337 = arith.cmpi ne, %convert_element_type3A_335, %cond3A_336 : i32
      scf.if %cond3A_337 {
        %add3A_473 = arith.constant 8 : i32
        %add3A_474 = arith.addi %add3A_314, %add3A_473 : i32
        %dma_start3A_475 = arith.constant 3 : i32
        %dma_start3A_476 = arith.constant 0 : i32
        %dma_start3A_477 = arith.constant 0 : i32
        %dma_start3A_478 = tpu.memref_slice %arg6[%dma_start3A_475, %dma_start3A_476, %dma_start3A_477] : memref<8x2x128xi32, #tpu.memory_space<vmem>> -> memref<1x2x128xi32, #tpu.memory_space<vmem>>
        %dma_start3A_479 = tpu.memref_squeeze %dma_start3A_478 : memref<1x2x128xi32, #tpu.memory_space<vmem>> -> memref<2x128xi32, #tpu.memory_space<vmem>>
        %dma_start3A_480 = arith.constant 0 : i32
        %dma_start3A_481 = arith.constant 0 : i32
        %dma_start3A_482 = tpu.memref_slice %arg3[%add3A, %add3A_474, %dma_start3A_480, %dma_start3A_481] : memref<32x80x2x128xi32, #tpu.memory_space<hbm>> -> memref<1x1x2x128xi32, #tpu.memory_space<hbm>>
        %dma_start3A_483 = tpu.memref_squeeze %dma_start3A_482 : memref<1x1x2x128xi32, #tpu.memory_space<hbm>> -> memref<2x128xi32, #tpu.memory_space<hbm>>
        %dma_start3A_484 = arith.constant 0 : i32
        %dma_start3A_485 = arith.constant 0 : i32
        %dma_start3A_486 = tpu.memref_slice %arg6[%dma_start3A_475, %dma_start3A_484, %dma_start3A_485] : memref<8x2x128xi32, #tpu.memory_space<vmem>> -> memref<1x2x128xi32, #tpu.memory_space<vmem>>
        %dma_start3A_487 = tpu.memref_squeeze %dma_start3A_486 : memref<1x2x128xi32, #tpu.memory_space<vmem>> -> memref<2x128xi32, #tpu.memory_space<vmem>>
        %dma_start3A_488 = arith.constant 0 : i32
        %dma_start3A_489 = arith.constant 0 : i32
        %dma_start3A_490 = tpu.memref_slice %arg3[%add3A, %add3A_474, %dma_start3A_488, %dma_start3A_489] : memref<32x80x2x128xi32, #tpu.memory_space<hbm>> -> memref<1x1x2x128xi32, #tpu.memory_space<hbm>>
        %dma_start3A_491 = tpu.memref_squeeze %dma_start3A_490 : memref<1x1x2x128xi32, #tpu.memory_space<hbm>> -> memref<2x128xi32, #tpu.memory_space<hbm>>
        tpu.enqueue_dma source(%dma_start3A_491 : memref<2x128xi32, #tpu.memory_space<hbm>>) target(%dma_start3A_487 : memref<2x128xi32, #tpu.memory_space<vmem>>) target_semaphore(%arg14 : memref<!tpu.dma_semaphore, #tpu.memory_space<semaphore_mem>>)
      } else {
      }
      %add3A_338 = arith.constant 2 : i32
      %add3A_339 = arith.addi %add3A_314, %add3A_338 : i32
      %lt3A_340 = arith.constant 80 : i32
      %lt3A_341 = arith.cmpi slt, %add3A_339, %lt3A_340 : i32
      %convert_element_type3A_342 = arith.extui %lt3A_341 : i1 to i32
      %cond3A_343 = arith.constant 0 : i32
      %cond3A_344 = arith.cmpi ne, %convert_element_type3A_342, %cond3A_343 : i32
      scf.if %cond3A_344 {
        %add3A_473 = arith.constant 2 : i32
        %add3A_474 = arith.addi %add3A_314, %add3A_473 : i32
        %dma_wait3A_475 = arith.constant 5 : i32
        %dma_wait3A_476 = arith.constant 0 : i32
        %dma_wait3A_477 = arith.constant 0 : i32
        %dma_wait3A_478 = tpu.memref_slice %arg6[%dma_wait3A_475, %dma_wait3A_476, %dma_wait3A_477] : memref<8x2x128xi32, #tpu.memory_space<vmem>> -> memref<1x2x128xi32, #tpu.memory_space<vmem>>
        %dma_wait3A_479 = tpu.memref_squeeze %dma_wait3A_478 : memref<1x2x128xi32, #tpu.memory_space<vmem>> -> memref<2x128xi32, #tpu.memory_space<vmem>>
        %dma_wait3A_480 = arith.constant 0 : i32
        %dma_wait3A_481 = arith.constant 0 : i32
        %dma_wait3A_482 = tpu.memref_slice %arg3[%add3A, %add3A_474, %dma_wait3A_480, %dma_wait3A_481] : memref<32x80x2x128xi32, #tpu.memory_space<hbm>> -> memref<1x1x2x128xi32, #tpu.memory_space<hbm>>
        %dma_wait3A_483 = tpu.memref_squeeze %dma_wait3A_482 : memref<1x1x2x128xi32, #tpu.memory_space<hbm>> -> memref<2x128xi32, #tpu.memory_space<hbm>>
        %dma_wait3A_484 = arith.constant 0 : i32
        %dma_wait3A_485 = arith.constant 0 : i32
        %dma_wait3A_486 = tpu.memref_slice %arg6[%dma_wait3A_475, %dma_wait3A_484, %dma_wait3A_485] : memref<8x2x128xi32, #tpu.memory_space<vmem>> -> memref<1x2x128xi32, #tpu.memory_space<vmem>>
        %dma_wait3A_487 = tpu.memref_squeeze %dma_wait3A_486 : memref<1x2x128xi32, #tpu.memory_space<vmem>> -> memref<2x128xi32, #tpu.memory_space<vmem>>
        %dma_wait3A_488 = arith.constant 0 : i32
        %dma_wait3A_489 = arith.constant 0 : i32
        %dma_wait3A_490 = tpu.memref_slice %arg3[%add3A, %add3A_474, %dma_wait3A_488, %dma_wait3A_489] : memref<32x80x2x128xi32, #tpu.memory_space<hbm>> -> memref<1x1x2x128xi32, #tpu.memory_space<hbm>>
        %dma_wait3A_491 = tpu.memref_squeeze %dma_wait3A_490 : memref<1x1x2x128xi32, #tpu.memory_space<hbm>> -> memref<2x128xi32, #tpu.memory_space<hbm>>
        tpu.wait_dma2 semaphore(%arg16 : memref<!tpu.dma_semaphore, #tpu.memory_space<semaphore_mem>>) src(%dma_wait3A_491 : memref<2x128xi32, #tpu.memory_space<hbm>>) dst(%dma_wait3A_487 : memref<2x128xi32, #tpu.memory_space<vmem>>)
        %dma_start3A_492 = arith.constant 5 : i32
        %dma_start3A_493 = arith.constant 0 : i32
        %dma_start3A_494 = arith.constant 1 : i32
        %dma_start3A_495 = arith.constant 0 : i32
        %dma_start3A_496 = arith.constant 0 : i32
        %dma_start3A_497 = tpu.memref_slice %arg7[%dma_start3A_494, %dma_start3A_495, %dma_start3A_496] : memref<2x128x128xf32, #tpu.memory_space<vmem>> -> memref<1x128x128xf32, #tpu.memory_space<vmem>>
        %dma_start3A_498 = tpu.memref_squeeze %dma_start3A_497 : memref<1x128x128xf32, #tpu.memory_space<vmem>> -> memref<128x128xf32, #tpu.memory_space<vmem>>
        %dma_start3A_499 = arith.constant 0 : i32
        %dma_start3A_500 = tpu.memref_slice %arg6[%dma_start3A_492, %dma_start3A_493, %dma_start3A_499] : memref<8x2x128xi32, #tpu.memory_space<vmem>> -> memref<1x1x128xi32, #tpu.memory_space<vmem>>
        %dma_start3A_501 = tpu.memref_squeeze %dma_start3A_500 : memref<1x1x128xi32, #tpu.memory_space<vmem>> -> memref<128xi32, #tpu.memory_space<vmem>>
        %dma_start3A_502 = arith.constant 0 : i32
        %dma_start3A_503 = arith.constant 0 : i32
        %dma_start3A_504 = tpu.memref_slice %arg2[%dma_start3A_502, %dma_start3A_503] : memref<10000x128xf32, #tpu.memory_space<hbm>> -> memref<10000x128xf32, #tpu.memory_space<hbm>>
        tpu.enqueue_indirect_dma source(%dma_start3A_504 : memref<10000x128xf32, #tpu.memory_space<hbm>>) target(%dma_start3A_498 : memref<128x128xf32, #tpu.memory_space<vmem>>) offsets(%dma_start3A_501 : memref<128xi32, #tpu.memory_space<vmem>>) semaphore(%arg10 : memref<!tpu.dma_semaphore, #tpu.memory_space<semaphore_mem>>)
      } else {
      }
      %add3A_345 = arith.constant 4 : i32
      %add3A_346 = arith.addi %add3A_220, %add3A_345 : i32
      %dma_wait3A_347 = arith.constant 4 : i32
      %dma_wait3A_348 = arith.constant 0 : i32
      %dma_wait3A_349 = arith.constant 0 : i32
      %dma_wait3A_350 = arith.constant 0 : i32
      %dma_wait3A_351 = arith.constant 0 : i32
      %dma_wait3A_352 = tpu.memref_slice %arg7[%dma_wait3A_349, %dma_wait3A_350, %dma_wait3A_351] : memref<2x128x128xf32, #tpu.memory_space<vmem>> -> memref<1x128x128xf32, #tpu.memory_space<vmem>>
      %dma_wait3A_353 = tpu.memref_squeeze %dma_wait3A_352 : memref<1x128x128xf32, #tpu.memory_space<vmem>> -> memref<128x128xf32, #tpu.memory_space<vmem>>
      %dma_wait3A_354 = arith.constant 0 : i32
      %dma_wait3A_355 = tpu.memref_slice %arg6[%dma_wait3A_347, %dma_wait3A_348, %dma_wait3A_354] : memref<8x2x128xi32, #tpu.memory_space<vmem>> -> memref<1x1x128xi32, #tpu.memory_space<vmem>>
      %dma_wait3A_356 = tpu.memref_squeeze %dma_wait3A_355 : memref<1x1x128xi32, #tpu.memory_space<vmem>> -> memref<128xi32, #tpu.memory_space<vmem>>
      %dma_wait3A_357 = arith.constant 0 : i32
      %dma_wait3A_358 = arith.constant 0 : i32
      %dma_wait3A_359 = tpu.memref_slice %arg2[%dma_wait3A_357, %dma_wait3A_358] : memref<10000x128xf32, #tpu.memory_space<hbm>> -> memref<10000x128xf32, #tpu.memory_space<hbm>>
      tpu.wait_indirect_dma semaphore(%arg9 : memref<!tpu.dma_semaphore, #tpu.memory_space<semaphore_mem>>) src(%dma_wait3A_359 : memref<10000x128xf32, #tpu.memory_space<hbm>>) dst(%dma_wait3A_353 : memref<128x128xf32, #tpu.memory_space<vmem>>)
      %run_scoped3A_360 = arith.constant 0 : i32
      %run_scoped3A_361 = arith.constant 4 : i32
      %run_scoped3A_362 = arith.constant 1 : i32
      "tpu.region"() ({
        %run_scoped3A_473 = tpu.sem_alloc : memref<!tpu.dma_semaphore, #tpu.memory_space<semaphore_mem>>
        %dma_start3A_474 = arith.constant 0 : i32
        %dma_start3A_475 = arith.constant 0 : i32
        %dma_start3A_476 = tpu.memref_slice %arg7[%run_scoped3A_360, %dma_start3A_474, %dma_start3A_475] : memref<2x128x128xf32, #tpu.memory_space<vmem>> -> memref<1x128x128xf32, #tpu.memory_space<vmem>>
        %dma_start3A_477 = tpu.memref_squeeze %dma_start3A_476 : memref<1x128x128xf32, #tpu.memory_space<vmem>> -> memref<128x128xf32, #tpu.memory_space<vmem>>
        %dma_start3A_478 = arith.constant 0 : i32
        %dma_start3A_479 = tpu.memref_slice %arg6[%run_scoped3A_361, %run_scoped3A_362, %dma_start3A_478] : memref<8x2x128xi32, #tpu.memory_space<vmem>> -> memref<1x1x128xi32, #tpu.memory_space<vmem>>
        %dma_start3A_480 = tpu.memref_squeeze %dma_start3A_479 : memref<1x1x128xi32, #tpu.memory_space<vmem>> -> memref<128xi32, #tpu.memory_space<vmem>>
        %dma_start3A_481 = arith.constant 0 : i32
        %dma_start3A_482 = arith.constant 0 : i32
        %dma_start3A_483 = tpu.memref_slice %arg8[%dma_start3A_481, %dma_start3A_482] : memref<10112x128xf32, #tpu.memory_space<vmem_shared>> -> memref<10112x128xf32, #tpu.memory_space<vmem_shared>>
        tpu.enqueue_indirect_dma source(%dma_start3A_477 : memref<128x128xf32, #tpu.memory_space<vmem>>) target(%dma_start3A_483 : memref<10112x128xf32, #tpu.memory_space<vmem_shared>>) offsets(%dma_start3A_480 : memref<128xi32, #tpu.memory_space<vmem>>) semaphore(%run_scoped3A_473 : memref<!tpu.dma_semaphore, #tpu.memory_space<semaphore_mem>>) {add = true}
        %dma_wait3A_484 = arith.constant 0 : i32
        %dma_wait3A_485 = arith.constant 0 : i32
        %dma_wait3A_486 = tpu.memref_slice %arg7[%run_scoped3A_360, %dma_wait3A_484, %dma_wait3A_485] : memref<2x128x128xf32, #tpu.memory_space<vmem>> -> memref<1x128x128xf32, #tpu.memory_space<vmem>>
        %dma_wait3A_487 = tpu.memref_squeeze %dma_wait3A_486 : memref<1x128x128xf32, #tpu.memory_space<vmem>> -> memref<128x128xf32, #tpu.memory_space<vmem>>
        %dma_wait3A_488 = arith.constant 0 : i32
        %dma_wait3A_489 = tpu.memref_slice %arg6[%run_scoped3A_361, %run_scoped3A_362, %dma_wait3A_488] : memref<8x2x128xi32, #tpu.memory_space<vmem>> -> memref<1x1x128xi32, #tpu.memory_space<vmem>>
        %dma_wait3A_490 = tpu.memref_squeeze %dma_wait3A_489 : memref<1x1x128xi32, #tpu.memory_space<vmem>> -> memref<128xi32, #tpu.memory_space<vmem>>
        %dma_wait3A_491 = arith.constant 0 : i32
        %dma_wait3A_492 = arith.constant 0 : i32
        %dma_wait3A_493 = tpu.memref_slice %arg8[%dma_wait3A_491, %dma_wait3A_492] : memref<10112x128xf32, #tpu.memory_space<vmem_shared>> -> memref<10112x128xf32, #tpu.memory_space<vmem_shared>>
        tpu.wait_indirect_dma semaphore(%run_scoped3A_473 : memref<!tpu.dma_semaphore, #tpu.memory_space<semaphore_mem>>) src(%dma_wait3A_487 : memref<128x128xf32, #tpu.memory_space<vmem>>) dst(%dma_wait3A_493 : memref<10112x128xf32, #tpu.memory_space<vmem_shared>>)
        tpu.yield
      }) : () -> ()
      %add3A_363 = arith.constant 8 : i32
      %add3A_364 = arith.addi %add3A_346, %add3A_363 : i32
      %lt3A_365 = arith.constant 80 : i32
      %lt3A_366 = arith.cmpi slt, %add3A_364, %lt3A_365 : i32
      %convert_element_type3A_367 = arith.extui %lt3A_366 : i1 to i32
      %cond3A_368 = arith.constant 0 : i32
      %cond3A_369 = arith.cmpi ne, %convert_element_type3A_367, %cond3A_368 : i32
      scf.if %cond3A_369 {
        %add3A_473 = arith.constant 8 : i32
        %add3A_474 = arith.addi %add3A_346, %add3A_473 : i32
        %dma_start3A_475 = arith.constant 4 : i32
        %dma_start3A_476 = arith.constant 0 : i32
        %dma_start3A_477 = arith.constant 0 : i32
        %dma_start3A_478 = tpu.memref_slice %arg6[%dma_start3A_475, %dma_start3A_476, %dma_start3A_477] : memref<8x2x128xi32, #tpu.memory_space<vmem>> -> memref<1x2x128xi32, #tpu.memory_space<vmem>>
        %dma_start3A_479 = tpu.memref_squeeze %dma_start3A_478 : memref<1x2x128xi32, #tpu.memory_space<vmem>> -> memref<2x128xi32, #tpu.memory_space<vmem>>
        %dma_start3A_480 = arith.constant 0 : i32
        %dma_start3A_481 = arith.constant 0 : i32
        %dma_start3A_482 = tpu.memref_slice %arg3[%add3A, %add3A_474, %dma_start3A_480, %dma_start3A_481] : memref<32x80x2x128xi32, #tpu.memory_space<hbm>> -> memref<1x1x2x128xi32, #tpu.memory_space<hbm>>
        %dma_start3A_483 = tpu.memref_squeeze %dma_start3A_482 : memref<1x1x2x128xi32, #tpu.memory_space<hbm>> -> memref<2x128xi32, #tpu.memory_space<hbm>>
        %dma_start3A_484 = arith.constant 0 : i32
        %dma_start3A_485 = arith.constant 0 : i32
        %dma_start3A_486 = tpu.memref_slice %arg6[%dma_start3A_475, %dma_start3A_484, %dma_start3A_485] : memref<8x2x128xi32, #tpu.memory_space<vmem>> -> memref<1x2x128xi32, #tpu.memory_space<vmem>>
        %dma_start3A_487 = tpu.memref_squeeze %dma_start3A_486 : memref<1x2x128xi32, #tpu.memory_space<vmem>> -> memref<2x128xi32, #tpu.memory_space<vmem>>
        %dma_start3A_488 = arith.constant 0 : i32
        %dma_start3A_489 = arith.constant 0 : i32
        %dma_start3A_490 = tpu.memref_slice %arg3[%add3A, %add3A_474, %dma_start3A_488, %dma_start3A_489] : memref<32x80x2x128xi32, #tpu.memory_space<hbm>> -> memref<1x1x2x128xi32, #tpu.memory_space<hbm>>
        %dma_start3A_491 = tpu.memref_squeeze %dma_start3A_490 : memref<1x1x2x128xi32, #tpu.memory_space<hbm>> -> memref<2x128xi32, #tpu.memory_space<hbm>>
        tpu.enqueue_dma source(%dma_start3A_491 : memref<2x128xi32, #tpu.memory_space<hbm>>) target(%dma_start3A_487 : memref<2x128xi32, #tpu.memory_space<vmem>>) target_semaphore(%arg15 : memref<!tpu.dma_semaphore, #tpu.memory_space<semaphore_mem>>)
      } else {
      }
      %add3A_370 = arith.constant 2 : i32
      %add3A_371 = arith.addi %add3A_346, %add3A_370 : i32
      %lt3A_372 = arith.constant 80 : i32
      %lt3A_373 = arith.cmpi slt, %add3A_371, %lt3A_372 : i32
      %convert_element_type3A_374 = arith.extui %lt3A_373 : i1 to i32
      %cond3A_375 = arith.constant 0 : i32
      %cond3A_376 = arith.cmpi ne, %convert_element_type3A_374, %cond3A_375 : i32
      scf.if %cond3A_376 {
        %add3A_473 = arith.constant 2 : i32
        %add3A_474 = arith.addi %add3A_346, %add3A_473 : i32
        %dma_wait3A_475 = arith.constant 6 : i32
        %dma_wait3A_476 = arith.constant 0 : i32
        %dma_wait3A_477 = arith.constant 0 : i32
        %dma_wait3A_478 = tpu.memref_slice %arg6[%dma_wait3A_475, %dma_wait3A_476, %dma_wait3A_477] : memref<8x2x128xi32, #tpu.memory_space<vmem>> -> memref<1x2x128xi32, #tpu.memory_space<vmem>>
        %dma_wait3A_479 = tpu.memref_squeeze %dma_wait3A_478 : memref<1x2x128xi32, #tpu.memory_space<vmem>> -> memref<2x128xi32, #tpu.memory_space<vmem>>
        %dma_wait3A_480 = arith.constant 0 : i32
        %dma_wait3A_481 = arith.constant 0 : i32
        %dma_wait3A_482 = tpu.memref_slice %arg3[%add3A, %add3A_474, %dma_wait3A_480, %dma_wait3A_481] : memref<32x80x2x128xi32, #tpu.memory_space<hbm>> -> memref<1x1x2x128xi32, #tpu.memory_space<hbm>>
        %dma_wait3A_483 = tpu.memref_squeeze %dma_wait3A_482 : memref<1x1x2x128xi32, #tpu.memory_space<hbm>> -> memref<2x128xi32, #tpu.memory_space<hbm>>
        %dma_wait3A_484 = arith.constant 0 : i32
        %dma_wait3A_485 = arith.constant 0 : i32
        %dma_wait3A_486 = tpu.memref_slice %arg6[%dma_wait3A_475, %dma_wait3A_484, %dma_wait3A_485] : memref<8x2x128xi32, #tpu.memory_space<vmem>> -> memref<1x2x128xi32, #tpu.memory_space<vmem>>
        %dma_wait3A_487 = tpu.memref_squeeze %dma_wait3A_486 : memref<1x2x128xi32, #tpu.memory_space<vmem>> -> memref<2x128xi32, #tpu.memory_space<vmem>>
        %dma_wait3A_488 = arith.constant 0 : i32
        %dma_wait3A_489 = arith.constant 0 : i32
        %dma_wait3A_490 = tpu.memref_slice %arg3[%add3A, %add3A_474, %dma_wait3A_488, %dma_wait3A_489] : memref<32x80x2x128xi32, #tpu.memory_space<hbm>> -> memref<1x1x2x128xi32, #tpu.memory_space<hbm>>
        %dma_wait3A_491 = tpu.memref_squeeze %dma_wait3A_490 : memref<1x1x2x128xi32, #tpu.memory_space<hbm>> -> memref<2x128xi32, #tpu.memory_space<hbm>>
        tpu.wait_dma2 semaphore(%arg17 : memref<!tpu.dma_semaphore, #tpu.memory_space<semaphore_mem>>) src(%dma_wait3A_491 : memref<2x128xi32, #tpu.memory_space<hbm>>) dst(%dma_wait3A_487 : memref<2x128xi32, #tpu.memory_space<vmem>>)
        %dma_start3A_492 = arith.constant 6 : i32
        %dma_start3A_493 = arith.constant 0 : i32
        %dma_start3A_494 = arith.constant 0 : i32
        %dma_start3A_495 = arith.constant 0 : i32
        %dma_start3A_496 = arith.constant 0 : i32
        %dma_start3A_497 = tpu.memref_slice %arg7[%dma_start3A_494, %dma_start3A_495, %dma_start3A_496] : memref<2x128x128xf32, #tpu.memory_space<vmem>> -> memref<1x128x128xf32, #tpu.memory_space<vmem>>
        %dma_start3A_498 = tpu.memref_squeeze %dma_start3A_497 : memref<1x128x128xf32, #tpu.memory_space<vmem>> -> memref<128x128xf32, #tpu.memory_space<vmem>>
        %dma_start3A_499 = arith.constant 0 : i32
        %dma_start3A_500 = tpu.memref_slice %arg6[%dma_start3A_492, %dma_start3A_493, %dma_start3A_499] : memref<8x2x128xi32, #tpu.memory_space<vmem>> -> memref<1x1x128xi32, #tpu.memory_space<vmem>>
        %dma_start3A_501 = tpu.memref_squeeze %dma_start3A_500 : memref<1x1x128xi32, #tpu.memory_space<vmem>> -> memref<128xi32, #tpu.memory_space<vmem>>
        %dma_start3A_502 = arith.constant 0 : i32
        %dma_start3A_503 = arith.constant 0 : i32
        %dma_start3A_504 = tpu.memref_slice %arg2[%dma_start3A_502, %dma_start3A_503] : memref<10000x128xf32, #tpu.memory_space<hbm>> -> memref<10000x128xf32, #tpu.memory_space<hbm>>
        tpu.enqueue_indirect_dma source(%dma_start3A_504 : memref<10000x128xf32, #tpu.memory_space<hbm>>) target(%dma_start3A_498 : memref<128x128xf32, #tpu.memory_space<vmem>>) offsets(%dma_start3A_501 : memref<128xi32, #tpu.memory_space<vmem>>) semaphore(%arg9 : memref<!tpu.dma_semaphore, #tpu.memory_space<semaphore_mem>>)
      } else {
      }
      %add3A_377 = arith.constant 5 : i32
      %add3A_378 = arith.addi %add3A_220, %add3A_377 : i32
      %dma_wait3A_379 = arith.constant 5 : i32
      %dma_wait3A_380 = arith.constant 0 : i32
      %dma_wait3A_381 = arith.constant 1 : i32
      %dma_wait3A_382 = arith.constant 0 : i32
      %dma_wait3A_383 = arith.constant 0 : i32
      %dma_wait3A_384 = tpu.memref_slice %arg7[%dma_wait3A_381, %dma_wait3A_382, %dma_wait3A_383] : memref<2x128x128xf32, #tpu.memory_space<vmem>> -> memref<1x128x128xf32, #tpu.memory_space<vmem>>
      %dma_wait3A_385 = tpu.memref_squeeze %dma_wait3A_384 : memref<1x128x128xf32, #tpu.memory_space<vmem>> -> memref<128x128xf32, #tpu.memory_space<vmem>>
      %dma_wait3A_386 = arith.constant 0 : i32
      %dma_wait3A_387 = tpu.memref_slice %arg6[%dma_wait3A_379, %dma_wait3A_380, %dma_wait3A_386] : memref<8x2x128xi32, #tpu.memory_space<vmem>> -> memref<1x1x128xi32, #tpu.memory_space<vmem>>
      %dma_wait3A_388 = tpu.memref_squeeze %dma_wait3A_387 : memref<1x1x128xi32, #tpu.memory_space<vmem>> -> memref<128xi32, #tpu.memory_space<vmem>>
      %dma_wait3A_389 = arith.constant 0 : i32
      %dma_wait3A_390 = arith.constant 0 : i32
      %dma_wait3A_391 = tpu.memref_slice %arg2[%dma_wait3A_389, %dma_wait3A_390] : memref<10000x128xf32, #tpu.memory_space<hbm>> -> memref<10000x128xf32, #tpu.memory_space<hbm>>
      tpu.wait_indirect_dma semaphore(%arg10 : memref<!tpu.dma_semaphore, #tpu.memory_space<semaphore_mem>>) src(%dma_wait3A_391 : memref<10000x128xf32, #tpu.memory_space<hbm>>) dst(%dma_wait3A_385 : memref<128x128xf32, #tpu.memory_space<vmem>>)
      %run_scoped3A_392 = arith.constant 1 : i32
      %run_scoped3A_393 = arith.constant 5 : i32
      %run_scoped3A_394 = arith.constant 1 : i32
      "tpu.region"() ({
        %run_scoped3A_473 = tpu.sem_alloc : memref<!tpu.dma_semaphore, #tpu.memory_space<semaphore_mem>>
        %dma_start3A_474 = arith.constant 0 : i32
        %dma_start3A_475 = arith.constant 0 : i32
        %dma_start3A_476 = tpu.memref_slice %arg7[%run_scoped3A_392, %dma_start3A_474, %dma_start3A_475] : memref<2x128x128xf32, #tpu.memory_space<vmem>> -> memref<1x128x128xf32, #tpu.memory_space<vmem>>
        %dma_start3A_477 = tpu.memref_squeeze %dma_start3A_476 : memref<1x128x128xf32, #tpu.memory_space<vmem>> -> memref<128x128xf32, #tpu.memory_space<vmem>>
        %dma_start3A_478 = arith.constant 0 : i32
        %dma_start3A_479 = tpu.memref_slice %arg6[%run_scoped3A_393, %run_scoped3A_394, %dma_start3A_478] : memref<8x2x128xi32, #tpu.memory_space<vmem>> -> memref<1x1x128xi32, #tpu.memory_space<vmem>>
        %dma_start3A_480 = tpu.memref_squeeze %dma_start3A_479 : memref<1x1x128xi32, #tpu.memory_space<vmem>> -> memref<128xi32, #tpu.memory_space<vmem>>
        %dma_start3A_481 = arith.constant 0 : i32
        %dma_start3A_482 = arith.constant 0 : i32
        %dma_start3A_483 = tpu.memref_slice %arg8[%dma_start3A_481, %dma_start3A_482] : memref<10112x128xf32, #tpu.memory_space<vmem_shared>> -> memref<10112x128xf32, #tpu.memory_space<vmem_shared>>
        tpu.enqueue_indirect_dma source(%dma_start3A_477 : memref<128x128xf32, #tpu.memory_space<vmem>>) target(%dma_start3A_483 : memref<10112x128xf32, #tpu.memory_space<vmem_shared>>) offsets(%dma_start3A_480 : memref<128xi32, #tpu.memory_space<vmem>>) semaphore(%run_scoped3A_473 : memref<!tpu.dma_semaphore, #tpu.memory_space<semaphore_mem>>) {add = true}
        %dma_wait3A_484 = arith.constant 0 : i32
        %dma_wait3A_485 = arith.constant 0 : i32
        %dma_wait3A_486 = tpu.memref_slice %arg7[%run_scoped3A_392, %dma_wait3A_484, %dma_wait3A_485] : memref<2x128x128xf32, #tpu.memory_space<vmem>> -> memref<1x128x128xf32, #tpu.memory_space<vmem>>
        %dma_wait3A_487 = tpu.memref_squeeze %dma_wait3A_486 : memref<1x128x128xf32, #tpu.memory_space<vmem>> -> memref<128x128xf32, #tpu.memory_space<vmem>>
        %dma_wait3A_488 = arith.constant 0 : i32
        %dma_wait3A_489 = tpu.memref_slice %arg6[%run_scoped3A_393, %run_scoped3A_394, %dma_wait3A_488] : memref<8x2x128xi32, #tpu.memory_space<vmem>> -> memref<1x1x128xi32, #tpu.memory_space<vmem>>
        %dma_wait3A_490 = tpu.memref_squeeze %dma_wait3A_489 : memref<1x1x128xi32, #tpu.memory_space<vmem>> -> memref<128xi32, #tpu.memory_space<vmem>>
        %dma_wait3A_491 = arith.constant 0 : i32
        %dma_wait3A_492 = arith.constant 0 : i32
        %dma_wait3A_493 = tpu.memref_slice %arg8[%dma_wait3A_491, %dma_wait3A_492] : memref<10112x128xf32, #tpu.memory_space<vmem_shared>> -> memref<10112x128xf32, #tpu.memory_space<vmem_shared>>
        tpu.wait_indirect_dma semaphore(%run_scoped3A_473 : memref<!tpu.dma_semaphore, #tpu.memory_space<semaphore_mem>>) src(%dma_wait3A_487 : memref<128x128xf32, #tpu.memory_space<vmem>>) dst(%dma_wait3A_493 : memref<10112x128xf32, #tpu.memory_space<vmem_shared>>)
        tpu.yield
      }) : () -> ()
      %add3A_395 = arith.constant 8 : i32
      %add3A_396 = arith.addi %add3A_378, %add3A_395 : i32
      %lt3A_397 = arith.constant 80 : i32
      %lt3A_398 = arith.cmpi slt, %add3A_396, %lt3A_397 : i32
      %convert_element_type3A_399 = arith.extui %lt3A_398 : i1 to i32
      %cond3A_400 = arith.constant 0 : i32
      %cond3A_401 = arith.cmpi ne, %convert_element_type3A_399, %cond3A_400 : i32
      scf.if %cond3A_401 {
        %add3A_473 = arith.constant 8 : i32
        %add3A_474 = arith.addi %add3A_378, %add3A_473 : i32
        %dma_start3A_475 = arith.constant 5 : i32
        %dma_start3A_476 = arith.constant 0 : i32
        %dma_start3A_477 = arith.constant 0 : i32
        %dma_start3A_478 = tpu.memref_slice %arg6[%dma_start3A_475, %dma_start3A_476, %dma_start3A_477] : memref<8x2x128xi32, #tpu.memory_space<vmem>> -> memref<1x2x128xi32, #tpu.memory_space<vmem>>
        %dma_start3A_479 = tpu.memref_squeeze %dma_start3A_478 : memref<1x2x128xi32, #tpu.memory_space<vmem>> -> memref<2x128xi32, #tpu.memory_space<vmem>>
        %dma_start3A_480 = arith.constant 0 : i32
        %dma_start3A_481 = arith.constant 0 : i32
        %dma_start3A_482 = tpu.memref_slice %arg3[%add3A, %add3A_474, %dma_start3A_480, %dma_start3A_481] : memref<32x80x2x128xi32, #tpu.memory_space<hbm>> -> memref<1x1x2x128xi32, #tpu.memory_space<hbm>>
        %dma_start3A_483 = tpu.memref_squeeze %dma_start3A_482 : memref<1x1x2x128xi32, #tpu.memory_space<hbm>> -> memref<2x128xi32, #tpu.memory_space<hbm>>
        %dma_start3A_484 = arith.constant 0 : i32
        %dma_start3A_485 = arith.constant 0 : i32
        %dma_start3A_486 = tpu.memref_slice %arg6[%dma_start3A_475, %dma_start3A_484, %dma_start3A_485] : memref<8x2x128xi32, #tpu.memory_space<vmem>> -> memref<1x2x128xi32, #tpu.memory_space<vmem>>
        %dma_start3A_487 = tpu.memref_squeeze %dma_start3A_486 : memref<1x2x128xi32, #tpu.memory_space<vmem>> -> memref<2x128xi32, #tpu.memory_space<vmem>>
        %dma_start3A_488 = arith.constant 0 : i32
        %dma_start3A_489 = arith.constant 0 : i32
        %dma_start3A_490 = tpu.memref_slice %arg3[%add3A, %add3A_474, %dma_start3A_488, %dma_start3A_489] : memref<32x80x2x128xi32, #tpu.memory_space<hbm>> -> memref<1x1x2x128xi32, #tpu.memory_space<hbm>>
        %dma_start3A_491 = tpu.memref_squeeze %dma_start3A_490 : memref<1x1x2x128xi32, #tpu.memory_space<hbm>> -> memref<2x128xi32, #tpu.memory_space<hbm>>
        tpu.enqueue_dma source(%dma_start3A_491 : memref<2x128xi32, #tpu.memory_space<hbm>>) target(%dma_start3A_487 : memref<2x128xi32, #tpu.memory_space<vmem>>) target_semaphore(%arg16 : memref<!tpu.dma_semaphore, #tpu.memory_space<semaphore_mem>>)
      } else {
      }
      %add3A_402 = arith.constant 2 : i32
      %add3A_403 = arith.addi %add3A_378, %add3A_402 : i32
      %lt3A_404 = arith.constant 80 : i32
      %lt3A_405 = arith.cmpi slt, %add3A_403, %lt3A_404 : i32
      %convert_element_type3A_406 = arith.extui %lt3A_405 : i1 to i32
      %cond3A_407 = arith.constant 0 : i32
      %cond3A_408 = arith.cmpi ne, %convert_element_type3A_406, %cond3A_407 : i32
      scf.if %cond3A_408 {
        %add3A_473 = arith.constant 2 : i32
        %add3A_474 = arith.addi %add3A_378, %add3A_473 : i32
        %dma_wait3A_475 = arith.constant 7 : i32
        %dma_wait3A_476 = arith.constant 0 : i32
        %dma_wait3A_477 = arith.constant 0 : i32
        %dma_wait3A_478 = tpu.memref_slice %arg6[%dma_wait3A_475, %dma_wait3A_476, %dma_wait3A_477] : memref<8x2x128xi32, #tpu.memory_space<vmem>> -> memref<1x2x128xi32, #tpu.memory_space<vmem>>
        %dma_wait3A_479 = tpu.memref_squeeze %dma_wait3A_478 : memref<1x2x128xi32, #tpu.memory_space<vmem>> -> memref<2x128xi32, #tpu.memory_space<vmem>>
        %dma_wait3A_480 = arith.constant 0 : i32
        %dma_wait3A_481 = arith.constant 0 : i32
        %dma_wait3A_482 = tpu.memref_slice %arg3[%add3A, %add3A_474, %dma_wait3A_480, %dma_wait3A_481] : memref<32x80x2x128xi32, #tpu.memory_space<hbm>> -> memref<1x1x2x128xi32, #tpu.memory_space<hbm>>
        %dma_wait3A_483 = tpu.memref_squeeze %dma_wait3A_482 : memref<1x1x2x128xi32, #tpu.memory_space<hbm>> -> memref<2x128xi32, #tpu.memory_space<hbm>>
        %dma_wait3A_484 = arith.constant 0 : i32
        %dma_wait3A_485 = arith.constant 0 : i32
        %dma_wait3A_486 = tpu.memref_slice %arg6[%dma_wait3A_475, %dma_wait3A_484, %dma_wait3A_485] : memref<8x2x128xi32, #tpu.memory_space<vmem>> -> memref<1x2x128xi32, #tpu.memory_space<vmem>>
        %dma_wait3A_487 = tpu.memref_squeeze %dma_wait3A_486 : memref<1x2x128xi32, #tpu.memory_space<vmem>> -> memref<2x128xi32, #tpu.memory_space<vmem>>
        %dma_wait3A_488 = arith.constant 0 : i32
        %dma_wait3A_489 = arith.constant 0 : i32
        %dma_wait3A_490 = tpu.memref_slice %arg3[%add3A, %add3A_474, %dma_wait3A_488, %dma_wait3A_489] : memref<32x80x2x128xi32, #tpu.memory_space<hbm>> -> memref<1x1x2x128xi32, #tpu.memory_space<hbm>>
        %dma_wait3A_491 = tpu.memref_squeeze %dma_wait3A_490 : memref<1x1x2x128xi32, #tpu.memory_space<hbm>> -> memref<2x128xi32, #tpu.memory_space<hbm>>
        tpu.wait_dma2 semaphore(%arg18 : memref<!tpu.dma_semaphore, #tpu.memory_space<semaphore_mem>>) src(%dma_wait3A_491 : memref<2x128xi32, #tpu.memory_space<hbm>>) dst(%dma_wait3A_487 : memref<2x128xi32, #tpu.memory_space<vmem>>)
        %dma_start3A_492 = arith.constant 7 : i32
        %dma_start3A_493 = arith.constant 0 : i32
        %dma_start3A_494 = arith.constant 1 : i32
        %dma_start3A_495 = arith.constant 0 : i32
        %dma_start3A_496 = arith.constant 0 : i32
        %dma_start3A_497 = tpu.memref_slice %arg7[%dma_start3A_494, %dma_start3A_495, %dma_start3A_496] : memref<2x128x128xf32, #tpu.memory_space<vmem>> -> memref<1x128x128xf32, #tpu.memory_space<vmem>>
        %dma_start3A_498 = tpu.memref_squeeze %dma_start3A_497 : memref<1x128x128xf32, #tpu.memory_space<vmem>> -> memref<128x128xf32, #tpu.memory_space<vmem>>
        %dma_start3A_499 = arith.constant 0 : i32
        %dma_start3A_500 = tpu.memref_slice %arg6[%dma_start3A_492, %dma_start3A_493, %dma_start3A_499] : memref<8x2x128xi32, #tpu.memory_space<vmem>> -> memref<1x1x128xi32, #tpu.memory_space<vmem>>
        %dma_start3A_501 = tpu.memref_squeeze %dma_start3A_500 : memref<1x1x128xi32, #tpu.memory_space<vmem>> -> memref<128xi32, #tpu.memory_space<vmem>>
        %dma_start3A_502 = arith.constant 0 : i32
        %dma_start3A_503 = arith.constant 0 : i32
        %dma_start3A_504 = tpu.memref_slice %arg2[%dma_start3A_502, %dma_start3A_503] : memref<10000x128xf32, #tpu.memory_space<hbm>> -> memref<10000x128xf32, #tpu.memory_space<hbm>>
        tpu.enqueue_indirect_dma source(%dma_start3A_504 : memref<10000x128xf32, #tpu.memory_space<hbm>>) target(%dma_start3A_498 : memref<128x128xf32, #tpu.memory_space<vmem>>) offsets(%dma_start3A_501 : memref<128xi32, #tpu.memory_space<vmem>>) semaphore(%arg10 : memref<!tpu.dma_semaphore, #tpu.memory_space<semaphore_mem>>)
      } else {
      }
      %add3A_409 = arith.constant 6 : i32
      %add3A_410 = arith.addi %add3A_220, %add3A_409 : i32
      %dma_wait3A_411 = arith.constant 6 : i32
      %dma_wait3A_412 = arith.constant 0 : i32
      %dma_wait3A_413 = arith.constant 0 : i32
      %dma_wait3A_414 = arith.constant 0 : i32
      %dma_wait3A_415 = arith.constant 0 : i32
      %dma_wait3A_416 = tpu.memref_slice %arg7[%dma_wait3A_413, %dma_wait3A_414, %dma_wait3A_415] : memref<2x128x128xf32, #tpu.memory_space<vmem>> -> memref<1x128x128xf32, #tpu.memory_space<vmem>>
      %dma_wait3A_417 = tpu.memref_squeeze %dma_wait3A_416 : memref<1x128x128xf32, #tpu.memory_space<vmem>> -> memref<128x128xf32, #tpu.memory_space<vmem>>
      %dma_wait3A_418 = arith.constant 0 : i32
      %dma_wait3A_419 = tpu.memref_slice %arg6[%dma_wait3A_411, %dma_wait3A_412, %dma_wait3A_418] : memref<8x2x128xi32, #tpu.memory_space<vmem>> -> memref<1x1x128xi32, #tpu.memory_space<vmem>>
      %dma_wait3A_420 = tpu.memref_squeeze %dma_wait3A_419 : memref<1x1x128xi32, #tpu.memory_space<vmem>> -> memref<128xi32, #tpu.memory_space<vmem>>
      %dma_wait3A_421 = arith.constant 0 : i32
      %dma_wait3A_422 = arith.constant 0 : i32
      %dma_wait3A_423 = tpu.memref_slice %arg2[%dma_wait3A_421, %dma_wait3A_422] : memref<10000x128xf32, #tpu.memory_space<hbm>> -> memref<10000x128xf32, #tpu.memory_space<hbm>>
      tpu.wait_indirect_dma semaphore(%arg9 : memref<!tpu.dma_semaphore, #tpu.memory_space<semaphore_mem>>) src(%dma_wait3A_423 : memref<10000x128xf32, #tpu.memory_space<hbm>>) dst(%dma_wait3A_417 : memref<128x128xf32, #tpu.memory_space<vmem>>)
      %run_scoped3A_424 = arith.constant 0 : i32
      %run_scoped3A_425 = arith.constant 6 : i32
      %run_scoped3A_426 = arith.constant 1 : i32
      "tpu.region"() ({
        %run_scoped3A_473 = tpu.sem_alloc : memref<!tpu.dma_semaphore, #tpu.memory_space<semaphore_mem>>
        %dma_start3A_474 = arith.constant 0 : i32
        %dma_start3A_475 = arith.constant 0 : i32
        %dma_start3A_476 = tpu.memref_slice %arg7[%run_scoped3A_424, %dma_start3A_474, %dma_start3A_475] : memref<2x128x128xf32, #tpu.memory_space<vmem>> -> memref<1x128x128xf32, #tpu.memory_space<vmem>>
        %dma_start3A_477 = tpu.memref_squeeze %dma_start3A_476 : memref<1x128x128xf32, #tpu.memory_space<vmem>> -> memref<128x128xf32, #tpu.memory_space<vmem>>
        %dma_start3A_478 = arith.constant 0 : i32
        %dma_start3A_479 = tpu.memref_slice %arg6[%run_scoped3A_425, %run_scoped3A_426, %dma_start3A_478] : memref<8x2x128xi32, #tpu.memory_space<vmem>> -> memref<1x1x128xi32, #tpu.memory_space<vmem>>
        %dma_start3A_480 = tpu.memref_squeeze %dma_start3A_479 : memref<1x1x128xi32, #tpu.memory_space<vmem>> -> memref<128xi32, #tpu.memory_space<vmem>>
        %dma_start3A_481 = arith.constant 0 : i32
        %dma_start3A_482 = arith.constant 0 : i32
        %dma_start3A_483 = tpu.memref_slice %arg8[%dma_start3A_481, %dma_start3A_482] : memref<10112x128xf32, #tpu.memory_space<vmem_shared>> -> memref<10112x128xf32, #tpu.memory_space<vmem_shared>>
        tpu.enqueue_indirect_dma source(%dma_start3A_477 : memref<128x128xf32, #tpu.memory_space<vmem>>) target(%dma_start3A_483 : memref<10112x128xf32, #tpu.memory_space<vmem_shared>>) offsets(%dma_start3A_480 : memref<128xi32, #tpu.memory_space<vmem>>) semaphore(%run_scoped3A_473 : memref<!tpu.dma_semaphore, #tpu.memory_space<semaphore_mem>>) {add = true}
        %dma_wait3A_484 = arith.constant 0 : i32
        %dma_wait3A_485 = arith.constant 0 : i32
        %dma_wait3A_486 = tpu.memref_slice %arg7[%run_scoped3A_424, %dma_wait3A_484, %dma_wait3A_485] : memref<2x128x128xf32, #tpu.memory_space<vmem>> -> memref<1x128x128xf32, #tpu.memory_space<vmem>>
        %dma_wait3A_487 = tpu.memref_squeeze %dma_wait3A_486 : memref<1x128x128xf32, #tpu.memory_space<vmem>> -> memref<128x128xf32, #tpu.memory_space<vmem>>
        %dma_wait3A_488 = arith.constant 0 : i32
        %dma_wait3A_489 = tpu.memref_slice %arg6[%run_scoped3A_425, %run_scoped3A_426, %dma_wait3A_488] : memref<8x2x128xi32, #tpu.memory_space<vmem>> -> memref<1x1x128xi32, #tpu.memory_space<vmem>>
        %dma_wait3A_490 = tpu.memref_squeeze %dma_wait3A_489 : memref<1x1x128xi32, #tpu.memory_space<vmem>> -> memref<128xi32, #tpu.memory_space<vmem>>
        %dma_wait3A_491 = arith.constant 0 : i32
        %dma_wait3A_492 = arith.constant 0 : i32
        %dma_wait3A_493 = tpu.memref_slice %arg8[%dma_wait3A_491, %dma_wait3A_492] : memref<10112x128xf32, #tpu.memory_space<vmem_shared>> -> memref<10112x128xf32, #tpu.memory_space<vmem_shared>>
        tpu.wait_indirect_dma semaphore(%run_scoped3A_473 : memref<!tpu.dma_semaphore, #tpu.memory_space<semaphore_mem>>) src(%dma_wait3A_487 : memref<128x128xf32, #tpu.memory_space<vmem>>) dst(%dma_wait3A_493 : memref<10112x128xf32, #tpu.memory_space<vmem_shared>>)
        tpu.yield
      }) : () -> ()
      %add3A_427 = arith.constant 8 : i32
      %add3A_428 = arith.addi %add3A_410, %add3A_427 : i32
      %lt3A_429 = arith.constant 80 : i32
      %lt3A_430 = arith.cmpi slt, %add3A_428, %lt3A_429 : i32
      %convert_element_type3A_431 = arith.extui %lt3A_430 : i1 to i32
      %cond3A_432 = arith.constant 0 : i32
      %cond3A_433 = arith.cmpi ne, %convert_element_type3A_431, %cond3A_432 : i32
      scf.if %cond3A_433 {
        %add3A_473 = arith.constant 8 : i32
        %add3A_474 = arith.addi %add3A_410, %add3A_473 : i32
        %dma_start3A_475 = arith.constant 6 : i32
        %dma_start3A_476 = arith.constant 0 : i32
        %dma_start3A_477 = arith.constant 0 : i32
        %dma_start3A_478 = tpu.memref_slice %arg6[%dma_start3A_475, %dma_start3A_476, %dma_start3A_477] : memref<8x2x128xi32, #tpu.memory_space<vmem>> -> memref<1x2x128xi32, #tpu.memory_space<vmem>>
        %dma_start3A_479 = tpu.memref_squeeze %dma_start3A_478 : memref<1x2x128xi32, #tpu.memory_space<vmem>> -> memref<2x128xi32, #tpu.memory_space<vmem>>
        %dma_start3A_480 = arith.constant 0 : i32
        %dma_start3A_481 = arith.constant 0 : i32
        %dma_start3A_482 = tpu.memref_slice %arg3[%add3A, %add3A_474, %dma_start3A_480, %dma_start3A_481] : memref<32x80x2x128xi32, #tpu.memory_space<hbm>> -> memref<1x1x2x128xi32, #tpu.memory_space<hbm>>
        %dma_start3A_483 = tpu.memref_squeeze %dma_start3A_482 : memref<1x1x2x128xi32, #tpu.memory_space<hbm>> -> memref<2x128xi32, #tpu.memory_space<hbm>>
        %dma_start3A_484 = arith.constant 0 : i32
        %dma_start3A_485 = arith.constant 0 : i32
        %dma_start3A_486 = tpu.memref_slice %arg6[%dma_start3A_475, %dma_start3A_484, %dma_start3A_485] : memref<8x2x128xi32, #tpu.memory_space<vmem>> -> memref<1x2x128xi32, #tpu.memory_space<vmem>>
        %dma_start3A_487 = tpu.memref_squeeze %dma_start3A_486 : memref<1x2x128xi32, #tpu.memory_space<vmem>> -> memref<2x128xi32, #tpu.memory_space<vmem>>
        %dma_start3A_488 = arith.constant 0 : i32
        %dma_start3A_489 = arith.constant 0 : i32
        %dma_start3A_490 = tpu.memref_slice %arg3[%add3A, %add3A_474, %dma_start3A_488, %dma_start3A_489] : memref<32x80x2x128xi32, #tpu.memory_space<hbm>> -> memref<1x1x2x128xi32, #tpu.memory_space<hbm>>
        %dma_start3A_491 = tpu.memref_squeeze %dma_start3A_490 : memref<1x1x2x128xi32, #tpu.memory_space<hbm>> -> memref<2x128xi32, #tpu.memory_space<hbm>>
        tpu.enqueue_dma source(%dma_start3A_491 : memref<2x128xi32, #tpu.memory_space<hbm>>) target(%dma_start3A_487 : memref<2x128xi32, #tpu.memory_space<vmem>>) target_semaphore(%arg17 : memref<!tpu.dma_semaphore, #tpu.memory_space<semaphore_mem>>)
      } else {
      }
      %add3A_434 = arith.constant 2 : i32
      %add3A_435 = arith.addi %add3A_410, %add3A_434 : i32
      %lt3A_436 = arith.constant 80 : i32
      %lt3A_437 = arith.cmpi slt, %add3A_435, %lt3A_436 : i32
      %convert_element_type3A_438 = arith.extui %lt3A_437 : i1 to i32
      %cond3A_439 = arith.constant 0 : i32
      %cond3A_440 = arith.cmpi ne, %convert_element_type3A_438, %cond3A_439 : i32
      scf.if %cond3A_440 {
        %add3A_473 = arith.constant 2 : i32
        %add3A_474 = arith.addi %add3A_410, %add3A_473 : i32
        %dma_wait3A_475 = arith.constant 0 : i32
        %dma_wait3A_476 = arith.constant 0 : i32
        %dma_wait3A_477 = arith.constant 0 : i32
        %dma_wait3A_478 = tpu.memref_slice %arg6[%dma_wait3A_475, %dma_wait3A_476, %dma_wait3A_477] : memref<8x2x128xi32, #tpu.memory_space<vmem>> -> memref<1x2x128xi32, #tpu.memory_space<vmem>>
        %dma_wait3A_479 = tpu.memref_squeeze %dma_wait3A_478 : memref<1x2x128xi32, #tpu.memory_space<vmem>> -> memref<2x128xi32, #tpu.memory_space<vmem>>
        %dma_wait3A_480 = arith.constant 0 : i32
        %dma_wait3A_481 = arith.constant 0 : i32
        %dma_wait3A_482 = tpu.memref_slice %arg3[%add3A, %add3A_474, %dma_wait3A_480, %dma_wait3A_481] : memref<32x80x2x128xi32, #tpu.memory_space<hbm>> -> memref<1x1x2x128xi32, #tpu.memory_space<hbm>>
        %dma_wait3A_483 = tpu.memref_squeeze %dma_wait3A_482 : memref<1x1x2x128xi32, #tpu.memory_space<hbm>> -> memref<2x128xi32, #tpu.memory_space<hbm>>
        %dma_wait3A_484 = arith.constant 0 : i32
        %dma_wait3A_485 = arith.constant 0 : i32
        %dma_wait3A_486 = tpu.memref_slice %arg6[%dma_wait3A_475, %dma_wait3A_484, %dma_wait3A_485] : memref<8x2x128xi32, #tpu.memory_space<vmem>> -> memref<1x2x128xi32, #tpu.memory_space<vmem>>
        %dma_wait3A_487 = tpu.memref_squeeze %dma_wait3A_486 : memref<1x2x128xi32, #tpu.memory_space<vmem>> -> memref<2x128xi32, #tpu.memory_space<vmem>>
        %dma_wait3A_488 = arith.constant 0 : i32
        %dma_wait3A_489 = arith.constant 0 : i32
        %dma_wait3A_490 = tpu.memref_slice %arg3[%add3A, %add3A_474, %dma_wait3A_488, %dma_wait3A_489] : memref<32x80x2x128xi32, #tpu.memory_space<hbm>> -> memref<1x1x2x128xi32, #tpu.memory_space<hbm>>
        %dma_wait3A_491 = tpu.memref_squeeze %dma_wait3A_490 : memref<1x1x2x128xi32, #tpu.memory_space<hbm>> -> memref<2x128xi32, #tpu.memory_space<hbm>>
        tpu.wait_dma2 semaphore(%arg11 : memref<!tpu.dma_semaphore, #tpu.memory_space<semaphore_mem>>) src(%dma_wait3A_491 : memref<2x128xi32, #tpu.memory_space<hbm>>) dst(%dma_wait3A_487 : memref<2x128xi32, #tpu.memory_space<vmem>>)
        %dma_start3A_492 = arith.constant 0 : i32
        %dma_start3A_493 = arith.constant 0 : i32
        %dma_start3A_494 = arith.constant 0 : i32
        %dma_start3A_495 = arith.constant 0 : i32
        %dma_start3A_496 = arith.constant 0 : i32
        %dma_start3A_497 = tpu.memref_slice %arg7[%dma_start3A_494, %dma_start3A_495, %dma_start3A_496] : memref<2x128x128xf32, #tpu.memory_space<vmem>> -> memref<1x128x128xf32, #tpu.memory_space<vmem>>
        %dma_start3A_498 = tpu.memref_squeeze %dma_start3A_497 : memref<1x128x128xf32, #tpu.memory_space<vmem>> -> memref<128x128xf32, #tpu.memory_space<vmem>>
        %dma_start3A_499 = arith.constant 0 : i32
        %dma_start3A_500 = tpu.memref_slice %arg6[%dma_start3A_492, %dma_start3A_493, %dma_start3A_499] : memref<8x2x128xi32, #tpu.memory_space<vmem>> -> memref<1x1x128xi32, #tpu.memory_space<vmem>>
        %dma_start3A_501 = tpu.memref_squeeze %dma_start3A_500 : memref<1x1x128xi32, #tpu.memory_space<vmem>> -> memref<128xi32, #tpu.memory_space<vmem>>
        %dma_start3A_502 = arith.constant 0 : i32
        %dma_start3A_503 = arith.constant 0 : i32
        %dma_start3A_504 = tpu.memref_slice %arg2[%dma_start3A_502, %dma_start3A_503] : memref<10000x128xf32, #tpu.memory_space<hbm>> -> memref<10000x128xf32, #tpu.memory_space<hbm>>
        tpu.enqueue_indirect_dma source(%dma_start3A_504 : memref<10000x128xf32, #tpu.memory_space<hbm>>) target(%dma_start3A_498 : memref<128x128xf32, #tpu.memory_space<vmem>>) offsets(%dma_start3A_501 : memref<128xi32, #tpu.memory_space<vmem>>) semaphore(%arg9 : memref<!tpu.dma_semaphore, #tpu.memory_space<semaphore_mem>>)
      } else {
      }
      %add3A_441 = arith.constant 7 : i32
      %add3A_442 = arith.addi %add3A_220, %add3A_441 : i32
      %dma_wait3A_443 = arith.constant 7 : i32
      %dma_wait3A_444 = arith.constant 0 : i32
      %dma_wait3A_445 = arith.constant 1 : i32
      %dma_wait3A_446 = arith.constant 0 : i32
      %dma_wait3A_447 = arith.constant 0 : i32
      %dma_wait3A_448 = tpu.memref_slice %arg7[%dma_wait3A_445, %dma_wait3A_446, %dma_wait3A_447] : memref<2x128x128xf32, #tpu.memory_space<vmem>> -> memref<1x128x128xf32, #tpu.memory_space<vmem>>
      %dma_wait3A_449 = tpu.memref_squeeze %dma_wait3A_448 : memref<1x128x128xf32, #tpu.memory_space<vmem>> -> memref<128x128xf32, #tpu.memory_space<vmem>>
      %dma_wait3A_450 = arith.constant 0 : i32
      %dma_wait3A_451 = tpu.memref_slice %arg6[%dma_wait3A_443, %dma_wait3A_444, %dma_wait3A_450] : memref<8x2x128xi32, #tpu.memory_space<vmem>> -> memref<1x1x128xi32, #tpu.memory_space<vmem>>
      %dma_wait3A_452 = tpu.memref_squeeze %dma_wait3A_451 : memref<1x1x128xi32, #tpu.memory_space<vmem>> -> memref<128xi32, #tpu.memory_space<vmem>>
      %dma_wait3A_453 = arith.constant 0 : i32
      %dma_wait3A_454 = arith.constant 0 : i32
      %dma_wait3A_455 = tpu.memref_slice %arg2[%dma_wait3A_453, %dma_wait3A_454] : memref<10000x128xf32, #tpu.memory_space<hbm>> -> memref<10000x128xf32, #tpu.memory_space<hbm>>
      tpu.wait_indirect_dma semaphore(%arg10 : memref<!tpu.dma_semaphore, #tpu.memory_space<semaphore_mem>>) src(%dma_wait3A_455 : memref<10000x128xf32, #tpu.memory_space<hbm>>) dst(%dma_wait3A_449 : memref<128x128xf32, #tpu.memory_space<vmem>>)
      %run_scoped3A_456 = arith.constant 1 : i32
      %run_scoped3A_457 = arith.constant 7 : i32
      %run_scoped3A_458 = arith.constant 1 : i32
      "tpu.region"() ({
        %run_scoped3A_473 = tpu.sem_alloc : memref<!tpu.dma_semaphore, #tpu.memory_space<semaphore_mem>>
        %dma_start3A_474 = arith.constant 0 : i32
        %dma_start3A_475 = arith.constant 0 : i32
        %dma_start3A_476 = tpu.memref_slice %arg7[%run_scoped3A_456, %dma_start3A_474, %dma_start3A_475] : memref<2x128x128xf32, #tpu.memory_space<vmem>> -> memref<1x128x128xf32, #tpu.memory_space<vmem>>
        %dma_start3A_477 = tpu.memref_squeeze %dma_start3A_476 : memref<1x128x128xf32, #tpu.memory_space<vmem>> -> memref<128x128xf32, #tpu.memory_space<vmem>>
        %dma_start3A_478 = arith.constant 0 : i32
        %dma_start3A_479 = tpu.memref_slice %arg6[%run_scoped3A_457, %run_scoped3A_458, %dma_start3A_478] : memref<8x2x128xi32, #tpu.memory_space<vmem>> -> memref<1x1x128xi32, #tpu.memory_space<vmem>>
        %dma_start3A_480 = tpu.memref_squeeze %dma_start3A_479 : memref<1x1x128xi32, #tpu.memory_space<vmem>> -> memref<128xi32, #tpu.memory_space<vmem>>
        %dma_start3A_481 = arith.constant 0 : i32
        %dma_start3A_482 = arith.constant 0 : i32
        %dma_start3A_483 = tpu.memref_slice %arg8[%dma_start3A_481, %dma_start3A_482] : memref<10112x128xf32, #tpu.memory_space<vmem_shared>> -> memref<10112x128xf32, #tpu.memory_space<vmem_shared>>
        tpu.enqueue_indirect_dma source(%dma_start3A_477 : memref<128x128xf32, #tpu.memory_space<vmem>>) target(%dma_start3A_483 : memref<10112x128xf32, #tpu.memory_space<vmem_shared>>) offsets(%dma_start3A_480 : memref<128xi32, #tpu.memory_space<vmem>>) semaphore(%run_scoped3A_473 : memref<!tpu.dma_semaphore, #tpu.memory_space<semaphore_mem>>) {add = true}
        %dma_wait3A_484 = arith.constant 0 : i32
        %dma_wait3A_485 = arith.constant 0 : i32
        %dma_wait3A_486 = tpu.memref_slice %arg7[%run_scoped3A_456, %dma_wait3A_484, %dma_wait3A_485] : memref<2x128x128xf32, #tpu.memory_space<vmem>> -> memref<1x128x128xf32, #tpu.memory_space<vmem>>
        %dma_wait3A_487 = tpu.memref_squeeze %dma_wait3A_486 : memref<1x128x128xf32, #tpu.memory_space<vmem>> -> memref<128x128xf32, #tpu.memory_space<vmem>>
        %dma_wait3A_488 = arith.constant 0 : i32
        %dma_wait3A_489 = tpu.memref_slice %arg6[%run_scoped3A_457, %run_scoped3A_458, %dma_wait3A_488] : memref<8x2x128xi32, #tpu.memory_space<vmem>> -> memref<1x1x128xi32, #tpu.memory_space<vmem>>
        %dma_wait3A_490 = tpu.memref_squeeze %dma_wait3A_489 : memref<1x1x128xi32, #tpu.memory_space<vmem>> -> memref<128xi32, #tpu.memory_space<vmem>>
        %dma_wait3A_491 = arith.constant 0 : i32
        %dma_wait3A_492 = arith.constant 0 : i32
        %dma_wait3A_493 = tpu.memref_slice %arg8[%dma_wait3A_491, %dma_wait3A_492] : memref<10112x128xf32, #tpu.memory_space<vmem_shared>> -> memref<10112x128xf32, #tpu.memory_space<vmem_shared>>
        tpu.wait_indirect_dma semaphore(%run_scoped3A_473 : memref<!tpu.dma_semaphore, #tpu.memory_space<semaphore_mem>>) src(%dma_wait3A_487 : memref<128x128xf32, #tpu.memory_space<vmem>>) dst(%dma_wait3A_493 : memref<10112x128xf32, #tpu.memory_space<vmem_shared>>)
        tpu.yield
      }) : () -> ()
      %add3A_459 = arith.constant 8 : i32
      %add3A_460 = arith.addi %add3A_442, %add3A_459 : i32
      %lt3A_461 = arith.constant 80 : i32
      %lt3A_462 = arith.cmpi slt, %add3A_460, %lt3A_461 : i32
      %convert_element_type3A_463 = arith.extui %lt3A_462 : i1 to i32
      %cond3A_464 = arith.constant 0 : i32
      %cond3A_465 = arith.cmpi ne, %convert_element_type3A_463, %cond3A_464 : i32
      scf.if %cond3A_465 {
        %add3A_473 = arith.constant 8 : i32
        %add3A_474 = arith.addi %add3A_442, %add3A_473 : i32
        %dma_start3A_475 = arith.constant 7 : i32
        %dma_start3A_476 = arith.constant 0 : i32
        %dma_start3A_477 = arith.constant 0 : i32
        %dma_start3A_478 = tpu.memref_slice %arg6[%dma_start3A_475, %dma_start3A_476, %dma_start3A_477] : memref<8x2x128xi32, #tpu.memory_space<vmem>> -> memref<1x2x128xi32, #tpu.memory_space<vmem>>
        %dma_start3A_479 = tpu.memref_squeeze %dma_start3A_478 : memref<1x2x128xi32, #tpu.memory_space<vmem>> -> memref<2x128xi32, #tpu.memory_space<vmem>>
        %dma_start3A_480 = arith.constant 0 : i32
        %dma_start3A_481 = arith.constant 0 : i32
        %dma_start3A_482 = tpu.memref_slice %arg3[%add3A, %add3A_474, %dma_start3A_480, %dma_start3A_481] : memref<32x80x2x128xi32, #tpu.memory_space<hbm>> -> memref<1x1x2x128xi32, #tpu.memory_space<hbm>>
        %dma_start3A_483 = tpu.memref_squeeze %dma_start3A_482 : memref<1x1x2x128xi32, #tpu.memory_space<hbm>> -> memref<2x128xi32, #tpu.memory_space<hbm>>
        %dma_start3A_484 = arith.constant 0 : i32
        %dma_start3A_485 = arith.constant 0 : i32
        %dma_start3A_486 = tpu.memref_slice %arg6[%dma_start3A_475, %dma_start3A_484, %dma_start3A_485] : memref<8x2x128xi32, #tpu.memory_space<vmem>> -> memref<1x2x128xi32, #tpu.memory_space<vmem>>
        %dma_start3A_487 = tpu.memref_squeeze %dma_start3A_486 : memref<1x2x128xi32, #tpu.memory_space<vmem>> -> memref<2x128xi32, #tpu.memory_space<vmem>>
        %dma_start3A_488 = arith.constant 0 : i32
        %dma_start3A_489 = arith.constant 0 : i32
        %dma_start3A_490 = tpu.memref_slice %arg3[%add3A, %add3A_474, %dma_start3A_488, %dma_start3A_489] : memref<32x80x2x128xi32, #tpu.memory_space<hbm>> -> memref<1x1x2x128xi32, #tpu.memory_space<hbm>>
        %dma_start3A_491 = tpu.memref_squeeze %dma_start3A_490 : memref<1x1x2x128xi32, #tpu.memory_space<hbm>> -> memref<2x128xi32, #tpu.memory_space<hbm>>
        tpu.enqueue_dma source(%dma_start3A_491 : memref<2x128xi32, #tpu.memory_space<hbm>>) target(%dma_start3A_487 : memref<2x128xi32, #tpu.memory_space<vmem>>) target_semaphore(%arg18 : memref<!tpu.dma_semaphore, #tpu.memory_space<semaphore_mem>>)
      } else {
      }
      %add3A_466 = arith.constant 2 : i32
      %add3A_467 = arith.addi %add3A_442, %add3A_466 : i32
      %lt3A_468 = arith.constant 80 : i32
      %lt3A_469 = arith.cmpi slt, %add3A_467, %lt3A_468 : i32
      %convert_element_type3A_470 = arith.extui %lt3A_469 : i1 to i32
      %cond3A_471 = arith.constant 0 : i32
      %cond3A_472 = arith.cmpi ne, %convert_element_type3A_470, %cond3A_471 : i32
      scf.if %cond3A_472 {
        %add3A_473 = arith.constant 2 : i32
        %add3A_474 = arith.addi %add3A_442, %add3A_473 : i32
        %dma_wait3A_475 = arith.constant 1 : i32
        %dma_wait3A_476 = arith.constant 0 : i32
        %dma_wait3A_477 = arith.constant 0 : i32
        %dma_wait3A_478 = tpu.memref_slice %arg6[%dma_wait3A_475, %dma_wait3A_476, %dma_wait3A_477] : memref<8x2x128xi32, #tpu.memory_space<vmem>> -> memref<1x2x128xi32, #tpu.memory_space<vmem>>
        %dma_wait3A_479 = tpu.memref_squeeze %dma_wait3A_478 : memref<1x2x128xi32, #tpu.memory_space<vmem>> -> memref<2x128xi32, #tpu.memory_space<vmem>>
        %dma_wait3A_480 = arith.constant 0 : i32
        %dma_wait3A_481 = arith.constant 0 : i32
        %dma_wait3A_482 = tpu.memref_slice %arg3[%add3A, %add3A_474, %dma_wait3A_480, %dma_wait3A_481] : memref<32x80x2x128xi32, #tpu.memory_space<hbm>> -> memref<1x1x2x128xi32, #tpu.memory_space<hbm>>
        %dma_wait3A_483 = tpu.memref_squeeze %dma_wait3A_482 : memref<1x1x2x128xi32, #tpu.memory_space<hbm>> -> memref<2x128xi32, #tpu.memory_space<hbm>>
        %dma_wait3A_484 = arith.constant 0 : i32
        %dma_wait3A_485 = arith.constant 0 : i32
        %dma_wait3A_486 = tpu.memref_slice %arg6[%dma_wait3A_475, %dma_wait3A_484, %dma_wait3A_485] : memref<8x2x128xi32, #tpu.memory_space<vmem>> -> memref<1x2x128xi32, #tpu.memory_space<vmem>>
        %dma_wait3A_487 = tpu.memref_squeeze %dma_wait3A_486 : memref<1x2x128xi32, #tpu.memory_space<vmem>> -> memref<2x128xi32, #tpu.memory_space<vmem>>
        %dma_wait3A_488 = arith.constant 0 : i32
        %dma_wait3A_489 = arith.constant 0 : i32
        %dma_wait3A_490 = tpu.memref_slice %arg3[%add3A, %add3A_474, %dma_wait3A_488, %dma_wait3A_489] : memref<32x80x2x128xi32, #tpu.memory_space<hbm>> -> memref<1x1x2x128xi32, #tpu.memory_space<hbm>>
        %dma_wait3A_491 = tpu.memref_squeeze %dma_wait3A_490 : memref<1x1x2x128xi32, #tpu.memory_space<hbm>> -> memref<2x128xi32, #tpu.memory_space<hbm>>
        tpu.wait_dma2 semaphore(%arg12 : memref<!tpu.dma_semaphore, #tpu.memory_space<semaphore_mem>>) src(%dma_wait3A_491 : memref<2x128xi32, #tpu.memory_space<hbm>>) dst(%dma_wait3A_487 : memref<2x128xi32, #tpu.memory_space<vmem>>)
        %dma_start3A_492 = arith.constant 1 : i32
        %dma_start3A_493 = arith.constant 0 : i32
        %dma_start3A_494 = arith.constant 1 : i32
        %dma_start3A_495 = arith.constant 0 : i32
        %dma_start3A_496 = arith.constant 0 : i32
        %dma_start3A_497 = tpu.memref_slice %arg7[%dma_start3A_494, %dma_start3A_495, %dma_start3A_496] : memref<2x128x128xf32, #tpu.memory_space<vmem>> -> memref<1x128x128xf32, #tpu.memory_space<vmem>>
        %dma_start3A_498 = tpu.memref_squeeze %dma_start3A_497 : memref<1x128x128xf32, #tpu.memory_space<vmem>> -> memref<128x128xf32, #tpu.memory_space<vmem>>
        %dma_start3A_499 = arith.constant 0 : i32
        %dma_start3A_500 = tpu.memref_slice %arg6[%dma_start3A_492, %dma_start3A_493, %dma_start3A_499] : memref<8x2x128xi32, #tpu.memory_space<vmem>> -> memref<1x1x128xi32, #tpu.memory_space<vmem>>
        %dma_start3A_501 = tpu.memref_squeeze %dma_start3A_500 : memref<1x1x128xi32, #tpu.memory_space<vmem>> -> memref<128xi32, #tpu.memory_space<vmem>>
        %dma_start3A_502 = arith.constant 0 : i32
        %dma_start3A_503 = arith.constant 0 : i32
        %dma_start3A_504 = tpu.memref_slice %arg2[%dma_start3A_502, %dma_start3A_503] : memref<10000x128xf32, #tpu.memory_space<hbm>> -> memref<10000x128xf32, #tpu.memory_space<hbm>>
        tpu.enqueue_indirect_dma source(%dma_start3A_504 : memref<10000x128xf32, #tpu.memory_space<hbm>>) target(%dma_start3A_498 : memref<128x128xf32, #tpu.memory_space<vmem>>) offsets(%dma_start3A_501 : memref<128xi32, #tpu.memory_space<vmem>>) semaphore(%arg10 : memref<!tpu.dma_semaphore, #tpu.memory_space<semaphore_mem>>)
      } else {
      }
    }
    %scan3A_210 = arith.constant 10 : i32
    %barrier3A_211 = arith.constant 0 : index
    tpu.barrier barrier_id(%barrier3A_211)
    %mul3A_212 = arith.constant 632 : i32
    %mul3A_213 = arith.muli %arg1, %mul3A_212 : i32
    %mul3A_214 = arith.constant 632 : i32
    %mul3A_215 = arith.muli %arg1, %mul3A_214 : i32
    "tpu.region"() ({
      %run_scoped3A = tpu.sem_alloc : memref<!tpu.dma_semaphore, #tpu.memory_space<semaphore_mem>>
      %dma_start3A_216 = arith.constant 0 : i32
      %dma_start3A_217 = tpu.memref_slice %arg5[%arg0, %mul3A_215, %dma_start3A_216] : memref<2x10112x128xf32, #tpu.memory_space<hbm>> -> memref<1x632x128xf32, #tpu.memory_space<hbm>>
      %dma_start3A_218 = tpu.memref_squeeze %dma_start3A_217 : memref<1x632x128xf32, #tpu.memory_space<hbm>> -> memref<632x128xf32, #tpu.memory_space<hbm>>
      %dma_start3A_219 = arith.constant 0 : i32
      %dma_start3A_220 = tpu.memref_slice %arg8[%mul3A_213, %dma_start3A_219] : memref<10112x128xf32, #tpu.memory_space<vmem_shared>> -> memref<632x128xf32, #tpu.memory_space<vmem_shared>>
      tpu.enqueue_dma source(%dma_start3A_220 : memref<632x128xf32, #tpu.memory_space<vmem_shared>>) target(%dma_start3A_218 : memref<632x128xf32, #tpu.memory_space<hbm>>) target_semaphore(%run_scoped3A : memref<!tpu.dma_semaphore, #tpu.memory_space<semaphore_mem>>)
      %dma_wait3A_221 = arith.constant 0 : i32
      %dma_wait3A_222 = tpu.memref_slice %arg5[%arg0, %mul3A_215, %dma_wait3A_221] : memref<2x10112x128xf32, #tpu.memory_space<hbm>> -> memref<1x632x128xf32, #tpu.memory_space<hbm>>
      %dma_wait3A_223 = tpu.memref_squeeze %dma_wait3A_222 : memref<1x632x128xf32, #tpu.memory_space<hbm>> -> memref<632x128xf32, #tpu.memory_space<hbm>>
      %dma_wait3A_224 = arith.constant 0 : i32
      %dma_wait3A_225 = tpu.memref_slice %arg8[%mul3A_213, %dma_wait3A_224] : memref<10112x128xf32, #tpu.memory_space<vmem_shared>> -> memref<632x128xf32, #tpu.memory_space<vmem_shared>>
      tpu.wait_dma2 semaphore(%run_scoped3A : memref<!tpu.dma_semaphore, #tpu.memory_space<semaphore_mem>>) src(%dma_wait3A_225 : memref<632x128xf32, #tpu.memory_space<vmem_shared>>) dst(%dma_wait3A_223 : memref<632x128xf32, #tpu.memory_space<hbm>>)
      tpu.yield
    }) : () -> ()
    return
  }
}

module attributes {stable_mosaic.version = 14 : i64} {
  func.func @body(%arg0: i32, %arg1: memref<2000x128xf32, #tpu.memory_space<vmem>>, %arg2: memref<2x2000x128xf32, #tpu.memory_space<vmem>>, %arg3: memref<128x128xf32, #tpu.memory_space<vmem>>, %arg4: memref<1x128xf32, #tpu.memory_space<vmem>>, %arg5: memref<128x128xf32, #tpu.memory_space<vmem>>, %arg6: memref<1x128xf32, #tpu.memory_space<vmem>>, %arg7: memref<2000x128xf32, #tpu.memory_space<vmem>>) attributes {dimension_semantics = [#tpu.dimension_semantics<arbitrary>], iteration_bounds = array<i64: 5>, scalar_prefetch = 0 : i64, scratch_operands = 0 : i64, tpu.core_type = #tpu.core_type<tc>, window_params = [{transform_indices = @transform_0, window_bounds = array<i64: 2000, 128>}, {transform_indices = @transform_1, window_bounds = array<i64: 2, 2000, 128>}, {pipeline_mode = #tpu.pipeline_mode<synchronous>, transform_indices = @transform_2, window_bounds = array<i64: 128, 128>}, {pipeline_mode = #tpu.pipeline_mode<synchronous>, transform_indices = @transform_3, window_bounds = array<i64: 1, 128>}, {pipeline_mode = #tpu.pipeline_mode<synchronous>, transform_indices = @transform_4, window_bounds = array<i64: 128, 128>}, {pipeline_mode = #tpu.pipeline_mode<synchronous>, transform_indices = @transform_5, window_bounds = array<i64: 1, 128>}, {transform_indices = @transform_6, window_bounds = array<i64: 2000, 128>}]} {
    %get3A = arith.constant 0 : index
    %get3A_0 = arith.constant 0 : index
    %get3A_1 = vector.load %arg1[%get3A, %get3A_0] : memref<2000x128xf32, #tpu.memory_space<vmem>>, vector<2000x128xf32>
    %get3A_2 = arith.constant 0 : index
    %get3A_3 = arith.constant 0 : index
    %get3A_4 = arith.constant 0 : index
    %get3A_5 = vector.load %arg2[%get3A_2, %get3A_3, %get3A_4] : memref<2x2000x128xf32, #tpu.memory_space<vmem>>, vector<1x2000x128xf32>
    %get3A_6 = vector.shape_cast %get3A_5 : vector<1x2000x128xf32> to vector<2000x128xf32>
    %add3A = arith.addf %get3A_1, %get3A_6 : vector<2000x128xf32>
    %get3A_7 = arith.constant 1 : index
    %get3A_8 = arith.constant 0 : index
    %get3A_9 = arith.constant 0 : index
    %get3A_10 = vector.load %arg2[%get3A_7, %get3A_8, %get3A_9] : memref<2x2000x128xf32, #tpu.memory_space<vmem>>, vector<1x2000x128xf32>
    %get3A_11 = vector.shape_cast %get3A_10 : vector<1x2000x128xf32> to vector<2000x128xf32>
    %add3A_12 = arith.addf %add3A, %get3A_11 : vector<2000x128xf32>
    %get3A_13 = arith.constant 0 : index
    %get3A_14 = arith.constant 0 : index
    %get3A_15 = vector.load %arg3[%get3A_13, %get3A_14] : memref<128x128xf32, #tpu.memory_space<vmem>>, vector<128x128xf32>
    %dot_general3A = arith.constant dense<0.000000e+00> : vector<2000x128xf32>
    %dot_general3A_16 = tpu.matmul %add3A_12, %get3A_15, %dot_general3A {dimension_numbers = #tpu.dot_dimension_numbers<[1], [0], [0], [1], [0, 0, 1, 1], [], []>, transpose_lhs_hint = false} : vector<2000x128xf32>, vector<128x128xf32>, vector<2000x128xf32> -> vector<2000x128xf32>
    %get3A_17 = arith.constant 0 : index
    %get3A_18 = arith.constant 0 : index
    %get3A_19 = vector.load %arg4[%get3A_17, %get3A_18] : memref<1x128xf32, #tpu.memory_space<vmem>>, vector<1x128xf32>
    %add3A_20 = vector.broadcast %get3A_19 : vector<1x128xf32> to vector<2000x128xf32>
    %add3A_21 = arith.addf %dot_general3A_16, %add3A_20 : vector<2000x128xf32>
    %max3A = arith.constant 0.000000e+00 : f32
    %max3A_22 = vector.broadcast %max3A : f32 to vector<2000x128xf32>
    %max3A_23 = arith.maximumf %add3A_21, %max3A_22 : vector<2000x128xf32>
    %get3A_24 = arith.constant 0 : index
    %get3A_25 = arith.constant 0 : index
    %get3A_26 = vector.load %arg5[%get3A_24, %get3A_25] : memref<128x128xf32, #tpu.memory_space<vmem>>, vector<128x128xf32>
    %dot_general3A_27 = arith.constant dense<0.000000e+00> : vector<2000x128xf32>
    %dot_general3A_28 = tpu.matmul %max3A_23, %get3A_26, %dot_general3A_27 {dimension_numbers = #tpu.dot_dimension_numbers<[1], [0], [0], [1], [0, 0, 1, 1], [], []>, transpose_lhs_hint = false} : vector<2000x128xf32>, vector<128x128xf32>, vector<2000x128xf32> -> vector<2000x128xf32>
    %get3A_29 = arith.constant 0 : index
    %get3A_30 = arith.constant 0 : index
    %get3A_31 = vector.load %arg6[%get3A_29, %get3A_30] : memref<1x128xf32, #tpu.memory_space<vmem>>, vector<1x128xf32>
    %add3A_32 = vector.broadcast %get3A_31 : vector<1x128xf32> to vector<2000x128xf32>
    %add3A_33 = arith.addf %dot_general3A_28, %add3A_32 : vector<2000x128xf32>
    %swap3A = arith.constant 0 : index
    %swap3A_34 = arith.constant 0 : index
    %swap3A_35 = vector.load %arg7[%swap3A, %swap3A_34] : memref<2000x128xf32, #tpu.memory_space<vmem>>, vector<2000x128xf32>
    tpu.vector_store %arg7[%swap3A, %swap3A_34], %add3A_33 {strides = array<i32>} : memref<2000x128xf32, #tpu.memory_space<vmem>>, vector<2000x128xf32>,
    return
  }
  func.func @transform_0(%arg0: i32) -> (i32, i32) {
    %c0_i32 = arith.constant 0 : i32
    %c0_i32_0 = arith.constant 0 : i32
    return %arg0, %c0_i32 : i32, i32
  }
  func.func @transform_1(%arg0: i32) -> (i32, i32, i32) {
    %c0_i32 = arith.constant 0 : i32
    %c0_i32_0 = arith.constant 0 : i32
    %c0_i32_1 = arith.constant 0 : i32
    return %c0_i32, %arg0, %c0_i32_0 : i32, i32, i32
  }
  func.func @transform_2(%arg0: i32) -> (i32, i32) {
    %c0_i32 = arith.constant 0 : i32
    %c0_i32_0 = arith.constant 0 : i32
    %c0_i32_1 = arith.constant 0 : i32
    return %c0_i32, %c0_i32_0 : i32, i32
  }
  func.func @transform_3(%arg0: i32) -> (i32, i32) {
    %c0_i32 = arith.constant 0 : i32
    %c0_i32_0 = arith.constant 0 : i32
    %c0_i32_1 = arith.constant 0 : i32
    return %c0_i32, %c0_i32_0 : i32, i32
  }
  func.func @transform_4(%arg0: i32) -> (i32, i32) {
    %c0_i32 = arith.constant 0 : i32
    %c0_i32_0 = arith.constant 0 : i32
    %c0_i32_1 = arith.constant 0 : i32
    return %c0_i32, %c0_i32_0 : i32, i32
  }
  func.func @transform_5(%arg0: i32) -> (i32, i32) {
    %c0_i32 = arith.constant 0 : i32
    %c0_i32_0 = arith.constant 0 : i32
    %c0_i32_1 = arith.constant 0 : i32
    return %c0_i32, %c0_i32_0 : i32, i32
  }
  func.func @transform_6(%arg0: i32) -> (i32, i32) {
    %c0_i32 = arith.constant 0 : i32
    %c0_i32_0 = arith.constant 0 : i32
    return %arg0, %c0_i32 : i32, i32
  }
}

module attributes {stable_mosaic.version = 14 : i64} {
  func.func @body(%arg0: i32, %arg1: memref<2000x128xf32, #tpu.memory_space<vmem>>, %arg2: memref<2000x128xf32, #tpu.memory_space<vmem>>, %arg3: memref<2000x128xf32, #tpu.memory_space<vmem>>, %arg4: memref<2000x128xf32, #tpu.memory_space<vmem>>, %arg5: memref<512x40xf32, #tpu.memory_space<vmem>>, %arg6: memref<1x40xf32, #tpu.memory_space<vmem>>, %arg7: memref<2000x40xf32, #tpu.memory_space<vmem>>, %arg8: memref<2000x512xf32, #tpu.memory_space<vmem>>) attributes {dimension_semantics = [#tpu.dimension_semantics<arbitrary>], iteration_bounds = array<i64: 5>, scalar_prefetch = 0 : i64, scratch_operands = 0 : i64, tpu.core_type = #tpu.core_type<tc>, window_params = [{transform_indices = @transform_0, window_bounds = array<i64: 2000, 128>}, {transform_indices = @transform_1, window_bounds = array<i64: 2000, 128>}, {transform_indices = @transform_2, window_bounds = array<i64: 2000, 128>}, {transform_indices = @transform_3, window_bounds = array<i64: 2000, 128>}, {pipeline_mode = #tpu.pipeline_mode<synchronous>, transform_indices = @transform_4, window_bounds = array<i64: 512, 40>}, {pipeline_mode = #tpu.pipeline_mode<synchronous>, transform_indices = @transform_5, window_bounds = array<i64: 1, 40>}, {transform_indices = @transform_6, window_bounds = array<i64: 2000, 40>}, {transform_indices = @transform_7, window_bounds = array<i64: 2000, 512>}]} {
    %get3A = arith.constant 0 : index
    %get3A_0 = arith.constant 0 : index
    %get3A_1 = vector.load %arg1[%get3A, %get3A_0] : memref<2000x128xf32, #tpu.memory_space<vmem>>, vector<2000x128xf32>
    %get3A_2 = arith.constant 0 : index
    %get3A_3 = arith.constant 0 : index
    %get3A_4 = vector.load %arg2[%get3A_2, %get3A_3] : memref<2000x128xf32, #tpu.memory_space<vmem>>, vector<2000x128xf32>
    %get3A_5 = arith.constant 0 : index
    %get3A_6 = arith.constant 0 : index
    %get3A_7 = vector.load %arg3[%get3A_5, %get3A_6] : memref<2000x128xf32, #tpu.memory_space<vmem>>, vector<2000x128xf32>
    %get3A_8 = arith.constant 0 : index
    %get3A_9 = arith.constant 0 : index
    %get3A_10 = vector.load %arg4[%get3A_8, %get3A_9] : memref<2000x128xf32, #tpu.memory_space<vmem>>, vector<2000x128xf32>
    %concatenate3A = tpu.concatenate %get3A_1, %get3A_4, %get3A_7, %get3A_10 in 1 : vector<2000x128xf32>, vector<2000x128xf32>, vector<2000x128xf32>, vector<2000x128xf32> -> vector<2000x512xf32>
    %swap3A = arith.constant 0 : index
    %swap3A_11 = arith.constant 0 : index
    %swap3A_12 = vector.load %arg8[%swap3A, %swap3A_11] : memref<2000x512xf32, #tpu.memory_space<vmem>>, vector<2000x512xf32>
    tpu.vector_store %arg8[%swap3A, %swap3A_11], %concatenate3A {strides = array<i32>} : memref<2000x512xf32, #tpu.memory_space<vmem>>, vector<2000x512xf32>,
    %get3A_13 = arith.constant 0 : index
    %get3A_14 = arith.constant 0 : index
    %get3A_15 = vector.load %arg5[%get3A_13, %get3A_14] : memref<512x40xf32, #tpu.memory_space<vmem>>, vector<512x40xf32>
    %dot_general3A = arith.constant dense<0.000000e+00> : vector<2000x40xf32>
    %dot_general3A_16 = tpu.matmul %concatenate3A, %get3A_15, %dot_general3A {dimension_numbers = #tpu.dot_dimension_numbers<[1], [0], [0], [1], [0, 0, 1, 1], [], []>, transpose_lhs_hint = false} : vector<2000x512xf32>, vector<512x40xf32>, vector<2000x40xf32> -> vector<2000x40xf32>
    %get3A_17 = arith.constant 0 : index
    %get3A_18 = arith.constant 0 : index
    %get3A_19 = vector.load %arg6[%get3A_17, %get3A_18] : memref<1x40xf32, #tpu.memory_space<vmem>>, vector<1x40xf32>
    %add3A = vector.broadcast %get3A_19 : vector<1x40xf32> to vector<2000x40xf32>
    %add3A_20 = arith.addf %dot_general3A_16, %add3A : vector<2000x40xf32>
    %swap3A_21 = arith.constant 0 : index
    %swap3A_22 = arith.constant 0 : index
    %swap3A_23 = vector.load %arg7[%swap3A_21, %swap3A_22] : memref<2000x40xf32, #tpu.memory_space<vmem>>, vector<2000x40xf32>
    tpu.vector_store %arg7[%swap3A_21, %swap3A_22], %add3A_20 {strides = array<i32>} : memref<2000x40xf32, #tpu.memory_space<vmem>>, vector<2000x40xf32>,
    return
  }
  func.func @transform_0(%arg0: i32) -> (i32, i32) {
    %c0_i32 = arith.constant 0 : i32
    %c0_i32_0 = arith.constant 0 : i32
    return %arg0, %c0_i32 : i32, i32
  }
  func.func @transform_1(%arg0: i32) -> (i32, i32) {
    %c0_i32 = arith.constant 0 : i32
    %c0_i32_0 = arith.constant 0 : i32
    return %arg0, %c0_i32 : i32, i32
  }
  func.func @transform_2(%arg0: i32) -> (i32, i32) {
    %c0_i32 = arith.constant 0 : i32
    %c0_i32_0 = arith.constant 0 : i32
    return %arg0, %c0_i32 : i32, i32
  }
  func.func @transform_3(%arg0: i32) -> (i32, i32) {
    %c0_i32 = arith.constant 0 : i32
    %c0_i32_0 = arith.constant 0 : i32
    return %arg0, %c0_i32 : i32, i32
  }
  func.func @transform_4(%arg0: i32) -> (i32, i32) {
    %c0_i32 = arith.constant 0 : i32
    %c0_i32_0 = arith.constant 0 : i32
    %c0_i32_1 = arith.constant 0 : i32
    return %c0_i32, %c0_i32_0 : i32, i32
  }
  func.func @transform_5(%arg0: i32) -> (i32, i32) {
    %c0_i32 = arith.constant 0 : i32
    %c0_i32_0 = arith.constant 0 : i32
    %c0_i32_1 = arith.constant 0 : i32
    return %c0_i32, %c0_i32_0 : i32, i32
  }
  func.func @transform_6(%arg0: i32) -> (i32, i32) {
    %c0_i32 = arith.constant 0 : i32
    %c0_i32_0 = arith.constant 0 : i32
    return %arg0, %c0_i32 : i32, i32
  }
  func.func @transform_7(%arg0: i32) -> (i32, i32) {
    %c0_i32 = arith.constant 0 : i32
    %c0_i32_0 = arith.constant 0 : i32
    return %arg0, %c0_i32 : i32, i32
  }
}

</mosaic_0001>

<sc_bundles>
// kernel: kernel.12.cloned.1.call-start
scs
__scs_entry_jumppad:
0x0: {  	(pc) =	sbr.rel $0x88, $3  }
0x1: {  	(tag) =	ssettag $0x0;
	lr =	simm.s32 $0x1  }
0x2: {  	[smem:$0x3F91] =	sst lr;
	_ =	strace $0xD0000000  }
0x3: {  	_ = 	snop  }
0x4: {  	_ = 	snop  }
0x5: {  	_ = 	snop  }
0x6: {  	_ = 	snop  }
0x7: {  	_ = 	snop  }
__scs_overlays_trampoline_lowered:
0x8: {  	[smem:$0x3FA0] =	sst s0  }
0x9: {  	[smem:$0x3FA1] =	sst s1  }
0xa: {  	[smem:$0x3FA2] =	sst s2  }
0xb: {  	[smem:$0x3FA3] =	sst s3  }
0xc: {  	[smem:$0x3FA4] =	sst s4  }
0xd: {  	[smem:$0x3FA5] =	sst s5  }
0xe: {  	[smem:$0x3FA6] =	sst s6  }
0xf: {  	[smem:$0x3FA7] =	sst s7  }
0x10: {  	[smem:$0x3FA8] =	sst s8  }
0x11: {  	[smem:$0x3FA9] =	sst s9;
	s0 =	simm.s32 @!p0 $0x0  }
0x12: {  	s1 =	sld [smem:$0x3F8F];
	s0 =	simm.s32 @p0 $0x1  }
0x13: {  	[smem:$0x3FAA] =	sst s0;
	s0 =	simm.s32 @!p1 $0x0  }
0x14: {  	s2 =	sld [smem:$0x3F8E];
	s0 =	simm.s32 @p1 $0x1  }
0x15: {  	[smem:$0x3FAB] =	sst s0;
	s0 =	simm.s32 @!p2 $0x0  }
0x16: {  	s3 =	sld [smem:$0x3FDB];
	s0 =	simm.s32 @p2 $0x1  }
0x17: {  	s4 =	simm.s32 $0x1BF5;
	[smem:$0x3FAD] =	sst s0  }
0x18: {  	s0 =	sld [smem:$0x3F90];
	_ =	swait.ge [sflag:s4], $0x0  }
0x19: {  	s7 =	sld [smem:$0x3F91]  }
0x1a: {  	s8 =	sadd.s32 $0xFFFFE003, lr  }
0x1b: {  	s9 =	sadd.s32 $0xFFFFFEF7, lr;
	s5 =	simm.s32 $0xFFFFFFFF;
	p2 =	slt.u32 s8, $0xFFFFF086  }
0x1c: {  	p1 =	slt.u32 s9, $0xF7A;
	s5 =	simm.s32 @!p2 $0x0  }
0x1d: {  	s5 =	simm.s32 @p1 $0x1;
	p0 =	seq.s32 s7, s2  }
0x1e: {  	s7 =	smul.u32 @!p0 $0xF7A, s2;
	p2 =	seq.s32 @!p0 s5, $0x0  }
0x1f: {  	s9 =	smul.u32 $0xF7A, s1;
	s8 =	simm.s32 @!p0 $0x1BF5;
	p2 =	por !p2, p0  }
0x20: {  	[sflag:s8] =	ssyncset.s32 @!p0 $0xFFFFF086;
	s6 =	sadd.s32 @!p0 s3, s7;
	s7 =	simm.s32 @!p0 $0x108  }
0x21: {  	s3 =	sadd.s32 s3, s9;
	s6 =	sadd.s32 @!p0 $0x88, s6;
	s7 =	simm.s32 @p2 $0x1082  }
0x22: {  	[simem:s7], [sflag:s8] =	dma.local @!p0 [hbm:s6], $0xF7A  }
0x23: {  	s9 =	sor.u32 $0xD0000000, s2;
	s6 =	simm.s32 $0x108;
	_ =	swait.ge @!p0 [sflag:s8], $0x0  }
0x24: {  	s3 =	sadd.s32 $0x88, s3;
	s6 =	simm.s32 @!p1 $0x1082;
	[sflag:s4] =	ssyncset.s32 $0xFFFFF086  }
0x25: {  	[simem:s6], [sflag:s4] =	dma.local [hbm:s3], $0xF7A  }
0x26: {  	[smem:$0x3F91] =	sst s1;
	(tag) =	ssettag s2;
	_ =	strace s9  }
0x27: {  	s1 =	sld [smem:$0x3FA1]  }
0x28: {  	s2 =	sld [smem:$0x3FA2]  }
0x29: {  	s4 =	sld [smem:$0x3FA4]  }
0x2a: {  	p0 =	seq.s32 s5, $0x0;
	s5 =	sld [smem:$0x3FA5]  }
0x2b: {  	s6 =	sld [smem:$0x3FA6]  }
0x2c: {  	s7 =	sld [smem:$0x3FA7]  }
0x2d: {  	s3 =	simm.s32 $0x108;
	s8 =	sld [smem:$0x3FA8]  }
0x2e: {  	s3 =	simm.s32 @!p0 $0x1082;
	s9 =	sld [smem:$0x3FA9]  }
0x2f: {  	lr =	sadd.s32 s0, s3;
	s0 =	sld [smem:$0x3FA0]  }
0x30: {  	s3 =	sld [smem:$0x3FA3]  }
0x31: {  	[smem:$0x3FAC] =	sst s10  }
0x32: {  	s10 =	sld [smem:$0x3FAA];
	_ =	sdelay $0x3  }
0x33: {  	p0 =	seq.s32 s10, $0x1;
	s10 =	sld [smem:$0x3FAC];
	_ =	sdelay $0x3  }
0x34: {  	[smem:$0x3FAC] =	sst s10  }
0x35: {  	s10 =	sld [smem:$0x3FAB];
	_ =	sdelay $0x3  }
0x36: {  	p1 =	seq.s32 s10, $0x1;
	s10 =	sld [smem:$0x3FAC];
	_ =	sdelay $0x3  }
0x37: {  	[smem:$0x3FAC] =	sst s10  }
0x38: {  	s10 =	sld [smem:$0x3FAD]  }
0x39: {  	_ = 	snop;
	(pc) =	sbr.ind lr, $3  }
0x3a: {  	_ = 	snop  }
0x3b: {  	_ = 	snop  }
0x3c: {  	p2 =	seq.s32 s10, $0x1;
	s10 =	sld [smem:$0x3FAC]  }
0x3d: {  	_ =	shalt  }
0x3e: {  	_ =	shalt  }
0x3f: {  	_ =	shalt  }
0x40: {  	_ =	shalt  }
0x41: {  	_ =	shalt  }
0x42: {  	_ =	shalt  }
0x43: {  	_ =	shalt  }
0x44: {  	_ =	shalt  }
0x45: {  	_ =	shalt  }
0x46: {  	_ =	shalt  }
0x47: {  	_ =	shalt  }
0x48: {  	_ =	shalt  }
0x49: {  	_ =	shalt  }
0x4a: {  	_ =	shalt  }
0x4b: {  	_ =	shalt  }
0x4c: {  	_ =	shalt  }
0x4d: {  	_ =	shalt  }
0x4e: {  	_ =	shalt  }
0x4f: {  	_ =	shalt  }
0x50: {  	_ =	shalt  }
0x51: {  	_ =	shalt  }
0x52: {  	_ =	shalt  }
0x53: {  	_ =	shalt  }
0x54: {  	_ =	shalt  }
0x55: {  	_ =	shalt  }
0x56: {  	_ =	shalt  }
0x57: {  	_ =	shalt  }
0x58: {  	_ =	shalt  }
0x59: {  	_ =	shalt  }
0x5a: {  	_ =	shalt  }
0x5b: {  	_ =	shalt  }
0x5c: {  	_ =	shalt  }
0x5d: {  	_ =	shalt  }
0x5e: {  	_ =	shalt  }
0x5f: {  	_ =	shalt  }
0x60: {  	_ =	shalt  }
0x61: {  	_ =	shalt  }
0x62: {  	_ =	shalt  }
0x63: {  	_ =	shalt  }
0x64: {  	_ =	shalt  }
0x65: {  	_ =	shalt  }
0x66: {  	_ =	shalt  }
0x67: {  	_ =	shalt  }
0x68: {  	_ =	shalt  }
0x69: {  	_ =	shalt  }
0x6a: {  	_ =	shalt  }
0x6b: {  	_ =	shalt  }
0x6c: {  	_ =	shalt  }
0x6d: {  	_ =	shalt  }
0x6e: {  	_ =	shalt  }
0x6f: {  	_ =	shalt  }
0x70: {  	_ =	shalt  }
0x71: {  	_ =	shalt  }
0x72: {  	_ =	shalt  }
0x73: {  	_ =	shalt  }
0x74: {  	_ =	shalt  }
0x75: {  	_ =	shalt  }
0x76: {  	_ =	shalt  }
0x77: {  	_ =	shalt  }
0x78: {  	_ =	shalt  }
0x79: {  	_ =	shalt  }
0x7a: {  	_ =	shalt  }
0x7b: {  	_ =	shalt  }
0x7c: {  	_ =	shalt  }
0x7d: {  	_ =	shalt  }
0x7e: {  	_ =	shalt  }
0x7f: {  	_ =	shalt  }
0x80: {  	_ =	shalt  }
0x81: {  	_ =	shalt  }
0x82: {  	_ =	shalt  }
0x83: {  	_ =	shalt  }
0x84: {  	_ =	shalt  }
0x85: {  	_ =	shalt  }
0x86: {  	_ =	shalt  }
0x87: {  	_ =	shalt  }
.Lfunc_end0:
.L_simem_size_0:
called_computation.1_lowered:
.L_overlay_start_0:
0x88: {  	s2 =	sld [smem:$0x3FD9]  }
0x89: {  	s3 =	sld [smem:$0x3FFE];
	_ =	sdelay $0x1  }
0x8a: {  	s1 =	srdreg.scid  }
0x8b: {  	s0 =	sand.u32 $0x1, s1  }
0x8c: {  	s14 =	sshll.u32 s0, $0xA;
	s2 =	sadd.s32 s3, s2  }
0x8d: {  	s2 =	sadd.s32 s2, s14  }
0x8e: {  	[smem:$0x3FB8] =	sst s2  }
0x8f: {  	_ = 	snop  }
0x90: {  	s2 =	sld [smem:$0x3FD0];
	_ =	sdelay $0x2  }
0x91: {  	s15 =	simm.s32 $0xA;
	s4 =	simm.s32 $0x10  }
0x92: {  	[smem:s4], [sflag:s15] =	dma.local [hbm:s2], $0x1  }
0x93: {  	_ =	swait.eq [sflag:s15], $0x1  }
0x94: {  	[sflag:s15] =	ssyncset.done $0x0  }
0x95: {  	s16 =	sld [smem:$0x10];
	[sflag:s15] =	ssyncadd.s32 $0xFFFFFFFF  }
0x96: {  	s17 =	sld [smem:$0x11];
	(tm) =	ssettm $0x1  }
0x97: {  	s18 =	sld [smem:$0x3FFB];
	_ =	sdelay $0x3  }
0x98: {  	_ =	strace s18  }
0x99: {  	s4 =	sld [smem:$0x3FFC];
	_ =	sdelay $0x3  }
0x9a: {  	_ =	strace s4  }
0x9b: {  	s4 =	sld [smem:$0x3FFD];
	_ =	sdelay $0x3  }
0x9c: {  	_ =	strace s4  }
0x9d: {  	_ =	strace $0x8FFFFFFF  }
0x9e: {  	s19 =	sld [smem:$0x3FDB];
	_ =	sdelay $0x1  }
0x9f: {  	s5 =	simm.s32 $_scs_section_size  }
0xa0: {  	s6 =	simm.s32 $_size__tile_overlayer_lowered;
	s7 =	simm.s32 $_tile_overlayer_lowered  }
0xa1: {  	s22 =	simm.s32 $0x1BFF;
	s21 =	sshll.u32 s7, $0x1;
	s4 =	sadd.s32 s5, s19  }
0xa2: {  	s8 =	simm.s32 $0x0;
	s20 =	sshll.u32 s6, $0x1;
	s6 =	sadd.s32 s21, s4  }
0xa3: {  	[timem:s8], [sflag:s22] =	dma.local [hbm:s6], s20  }
0xa4: {  	_ =	swait.ge [sflag:s22], s20  }
0xa5: {  	s5 =	ssub.s32 $0x0, s20;
	[sflag:s22] =	ssyncset.done $0x0  }
0xa6: {  	[sflag:s22] =	ssyncadd.s32 s5;
	_ =	sdelay $0x1  }
0xa7: {  	s23 =	simm.s32 $0x1B8B  }
0xa8: {  	_ =	swait.ge [sflag:s23], $0x1  }
0xa9: {  	[sflag:s23] =	ssyncset.done $0x0  }
0xaa: {  	s25 =	simm.s32 $0x1B8E;
	s24 =	sld [smem:$0x3FFE];
	[sflag:s23] =	ssyncadd.s32 $0xFFFFFFFF  }
0xab: {  	s26 =	simm.s32 $execute0_lowered;
	[smem:$0x3FD2] =	sst s25  }
0xac: {  	s6 =	sshll.u32 s26, $0x1;
	_ =	strace $0x80000049;
	[dreg:$0x1] =	wrdreg $0xFFFFFFFF  }
0xad: {  	s28 =	simm.s32 $_size_execute0_lowered;
	s4 =	sadd.s32 s4, s6;
	[dreg:$0x0] =	wrdreg $0x0  }
0xae: {  	s6 =	sshll.u32 s28, $0x1;
	[dreg:$0x2] =	wrdreg s4  }
0xaf: {  	[dreg:$0x3] =	wrdreg s6  }
0xb0: {  	[dreg:$0x4] =	wrdreg $0xC0  }
0xb1: {  	_ =	task [dreg:s8], $0x5FFFF  }
0xb2: {  	[dreg:$0x1] =	wrdreg $0xFFFFFFFF  }
0xb3: {  	[dreg:$0x0] =	wrdreg $0x60  }
0xb4: {  	[dreg:$0x2] =	wrdreg s24  }
0xb5: {  	[dreg:$0x3] =	wrdreg s16  }
0xb6: {  	[dreg:$0x4] =	wrdreg s17  }
0xb7: {  	[dreg:$0x5] =	wrdreg $0x88000  }
0xb8: {  	[dreg:$0x6] =	wrdreg $0x9  }
0xb9: {  	_ =	task.clear_ibuf [dreg:s8], $0x7FFFF;
	_ =	strace $0x90000049  }
0xba: {  	s29 =	simm.s32 $0x9;
	_ =	strace $0x8000004B  }
0xbb: {  	_ =	swait.ge [sflag:s29], $0x1  }
0xbc: {  	[sflag:s29] =	ssyncadd.s32 $0xFFFFFFFF  }
0xbd: {  	_ =	strace $0x9000004B  }
0xbe: {  	_ =	sfence  }
0xbf: {  	s30 =	sld [smem:$0x0];
	_ =	sdelay $0x2  }
0xc0: {  	s31 =	sshll.u32 s1, $0xD;
	s1 =	sshrl.u32 s1, $0x2  }
0xc1: {  	s3 =	sand.u32 $0x4000, s31;
	s1 =	sadd.s32 s1, s30  }
0xc2: {  	s0 =	sor.u32 s3, s0;
	s1 =	sshll.u32 s1, $0x11  }
0xc3: {  	s0 =	sor.u32 s1, s0  }
0xc4: {  	s0 =	sadd.s32 $0x8F2B, s0  }
0xc5: {  	[sflag:s0] =	ssyncadd.remote.s32 $0x1  }
0xc6: {  	_ =	sfence.sel $0xFFFF  }
0xc7: {  	[dreg:$0x0] =	wrdreg $0xFFFFFFFF;
	(pc) =	sbr.abs _section_cstart, $3  }
0xc8: {  	[dreg:$0x1] =	wrdreg $0xFFFFFFFF  }
0xc9: {  	_ =	task.clear_ibuf [dreg:s8], $0x2FFFF;
	_ =	strace $0x9FFFFFFF  }
0xca: {  	(tm) =	ssettm $0x7FFFFFFF  }
0xcb: {  	_ =	shalt  }
tec
execute0_lowered:
.L_overlay_start_1:
0x0: {  	(tag) =	ssettag $0x1  }
0x1: {  	s0 =	rddreg [dreg:$0x0]  }
0x2: {  	s1 =	rddreg [dreg:$0x2]  }
0x3: {  	s2 =	rddreg [dreg:$0x3];
	s4 =	simm.s32 $0x0  }
0x4: {  	s3 =	srdreg.scid;
	s11 =	stileid.u32;
	s29 =	simm.s32 $0x8  }
0x5: {  	s31 =	simm.s32 $0x9;
	[smem:$0x7FF] =	sst s4;
	s7 =	smul.u32 $0x4F000, s11  }
0x6: {  	s3 =	sand.u32 $0x1, s3;
	s5 =	sadd.s32 $0x17E00, s0;
	s10 =	smul.u32 $0x13C00, s11  }
0x7: {  	s0 =	sadd.s32 $0x3E00, s0;
	s22 =	sshll.u32 s11, $0x6;
	s24 =	smul.u32 $0x5000, s11  }
0x8: {  	_ =	strace $0x8000004A;
	s6 =	sshll.u32 s3, $0x4;
	s21 =	smul.u32 $0x13C000, s3  }
0x9: {  	s8 =	ssub.s32 $0x2, s3;
	s28 =	sor.u32 $0x1C0B, s22;
	s3 =	smul.u32 $0x50000, s3  }
0xa: {  	s6 =	sor.u32 s11, s6;
	s9 =	sshrl.u32 s8, $0x1;
	s7 =	sshrl.u32 s7, $0x2  }
0xb: {  	[dreg:$0x6] =	wrdreg s28;
	s6 =	smul.u32 $0x5000, s6;
	s8 =	ssub.s32 s8, s9  }
0xc: {  	s7 =	sadd.s32 s7, s2;
	s3 =	sadd.s32 s24, s3;
	s9 =	simm.s32 $0x80  }
0xd: {  	[dreg:$0x5] =	wrdreg s7;
	s7 =	sadd.s32 s10, s21;
	s14 =	sor.u32 $0xF00, s3  }
0xe: {  	s15 =	sor.u32 $0xE00, s3;
	s18 =	sor.u32 $0xD00, s3;
	s19 =	sor.u32 $0xC00, s3  }
0xf: {  	s20 =	sor.u32 $0xB00, s3;
	s24 =	sor.u32 $0x900, s3;
	s10 =	simm.s32 $0x800  }
0x10: {  	s6 =	sshrl.u32 s6, $0x3;
	s13 =	sshrl.u32 s7, $0x3;
	s16 =	sshrl.u32 s14, $0x3  }
0x11: {  	s17 =	sshrl.u32 s15, $0x3;
	s21 =	sshrl.u32 s19, $0x3;
	s22 =	sshrl.u32 s20, $0x3  }
0x12: {  	s14 =	simm.s32 $0x5;
	s15 =	simm.s32 $0x2;
	s1 =	sadd.s32 s1, s13  }
0x13: {  	s7 =	simm.s32 $0x7;
	s12 =	sadd.s32 s0, s6;
	[dreg:$0xe] =	wrdreg s1  }
0x14: {  	s16 =	sadd.s32 s16, s0;
	s6 =	sadd.s32 $0x20, s12;
	[dreg:$0x7] =	wrdreg s12  }
0x15: {  	s17 =	sadd.s32 s17, s0;
	s23 =	sadd.s32 $0x40, s12;
	[dreg:$0x8] =	wrdreg s6  }
0x16: {  	s19 =	sadd.s32 s21, s0;
	s25 =	sadd.s32 $0x60, s12;
	[dreg:$0x9] =	wrdreg s23  }
0x17: {  	s20 =	sadd.s32 s22, s0;
	s26 =	sadd.s32 $0x80, s12;
	[dreg:$0xa] =	wrdreg s25  }
0x18: {  	s13 =	simm.s32 $0x1;
	s30 =	sadd.s32 $0xA0, s12;
	[dreg:$0xb] =	wrdreg s26  }
0x19: {  	s11 =	sadd.s32 $0xC0, s12;
	s1 =	sshrl.u32 s18, $0x3;
	[dreg:$0xc] =	wrdreg s30  }
0x1a: {  	[dreg:$0xd] =	wrdreg s11;
	s18 =	sadd.s32 s1, s0;
	s23 =	sor.u32 $0xA00, s3  }
0x1b: {  	s3 =	sor.u32 $0x800, s3;
	s25 =	sshrl.u32 s24, $0x3;
	s26 =	sadd.s32 $0xE0, s12  }
0x1c: {  	s30 =	smax.u32 s8, $0x1;
	s6 =	simm.s32 $0x3;
	s11 =	simm.s32 $0x4  }
.Ltmp0:
0x1d: {  	s12 =	simm.s32 $0x4800;
	s24 =	simm.s32 $0xA;
	(pc) =	sbr.rel .LBB2_1-.Ltmp0, $4  }
0x1e: {  	s8 =	simm.s32 $0x0;
	s1 =	sshrl.u32 s23, $0x3;
	[dreg:$0xf] =	wrdreg s26  }
0x1f: {  	s3 =	sshrl.u32 s3, $0x3;
	s22 =	sadd.s32 s25, s0;
	[dreg:$0x10] =	wrdreg s30  }
0x20: {  	s26 =	simm.s32 $0xB;
	s25 =	simm.s32 $0x6;
	s21 =	sadd.s32 s1, s0  }
0x21: {  	s23 =	sadd.s32 s3, s0;
	s3 =	simm.s32 $0x600;
	s1 =	simm.s32 $0x700  }
.LBB2_4:
0x22: {  	_ =	swait.ge [sflag:s15], $0x4000  }
0x23: {  	[sflag:s15] =	ssyncset.done $0x0  }
0x24: {  	s0 =	simm.s32 $0x780;
	[sflag:s15] =	ssyncadd.s32 $0xFFFFC000  }
0x25: {  	[spmem:s2] =	stream.indirect.scatter.add.f32 [tilespmem:s12], [sflag:$0xB], $0x80, s0, s9, $0xb8;
	[tilespmem:$0x1C400] =	vst v63  }
0x26: {  	_ =	swait.ge [sflag:s26], $0x4000  }
0x27: {  	[sflag:s26] =	ssyncset.done $0x0  }
0x28: {  	[sflag:s26] =	ssyncadd.s32 $0xFFFFC000  }
0x29: {  	[bflag:$0x0] =	sbarrier.arrive $0xFFFF  }
0x2a: {  	s28 =	rddreg [dreg:$0x6]  }
0x2b: {  	s30 =	rddreg [dreg:$0xe]  }
0x2c: {  	s8 =	rddreg [dreg:$0x12]  }
0x2d: {  	[hbm:s30], [sflag:s28] =	dma.local [spmem:s8], $0x2780  }
0x2e: {  	_ =	swait.ge [sflag:s26], $0x2780  }
0x2f: {  	s0 =	rddreg [dreg:$0x11]  }
0x30: {  	s30 =	rddreg [dreg:$0x10];
	s8 =	sadd.s32 $0x1, s0  }
0x31: {  	p0 =	sne.s32 s8, s30  }
.Ltmp1:
0x32: {  	_ = 	snop;
	(pc) =	sbr.rel @!p0 .LBB2_5-.Ltmp1, $3  }
0x33: {  	_ =	sdelay $0x1  }
0x34: {  	[sflag:s26] =	ssyncset.done $0x0  }
0x35: {  	[sflag:s26] =	ssyncadd.s32 $0xFFFFD880  }
.LBB2_1:
0x36: {  	[dreg:$0x11] =	wrdreg s8  }
0x37: {  	s0 =	rddreg [dreg:$0x5]  }
0x38: {  	s8 =	sshrl.u32 s0, $0x3;
	s0 =	rddreg [dreg:$0x1]  }
0x39: {  	[dreg:$0x12] =	wrdreg s8  }
0x3a: {  	[spmem:s8], [sflag:s28] =	dma.local [hbm:s0], $0x2780  }
0x3b: {  	_ =	swait.ge [sflag:s26], $0x2780  }
0x3c: {  	[sflag:s26] =	ssyncset.done $0x0  }
0x3d: {  	[sflag:s26] =	ssyncadd.s32 $0xFFFFD880  }
0x3e: {  	[bflag:$0x0] =	sbarrier.arrive $0xFFFF  }
0x3f: {  	s8 =	rddreg [dreg:$0x7]  }
0x40: {  	[tilespmem:s4], [sflag:$0x3] =	stream.linear.gather [hbm4b:s8+s4], $0x100, $0x38;
	[tilespmem:$0x1C400] =	vst v63  }
0x41: {  	s28 =	rddreg [dreg:$0x8];
	s8 =	simm.s32 $0x100  }
0x42: {  	[tilespmem:s8], [sflag:$0x4] =	stream.linear.gather [hbm4b:s28+s4], $0x100, $0x38;
	[tilespmem:$0x1C400] =	vst v63  }
0x43: {  	s0 =	rddreg [dreg:$0x9];
	s28 =	simm.s32 $0x200  }
0x44: {  	[tilespmem:s28], [sflag:$0x5] =	stream.linear.gather [hbm4b:s0+s4], $0x100, $0x38;
	[tilespmem:$0x1C400] =	vst v63  }
0x45: {  	s0 =	rddreg [dreg:$0xa];
	s28 =	simm.s32 $0x300  }
0x46: {  	[tilespmem:s28], [sflag:$0x6] =	stream.linear.gather [hbm4b:s0+s4], $0x100, $0x38;
	[tilespmem:$0x1C400] =	vst v63  }
0x47: {  	s0 =	rddreg [dreg:$0xb];
	s28 =	simm.s32 $0x400  }
0x48: {  	[tilespmem:s28], [sflag:$0x7] =	stream.linear.gather [hbm4b:s0+s4], $0x100, $0x38;
	[tilespmem:$0x1C400] =	vst v63  }
0x49: {  	s0 =	rddreg [dreg:$0xc];
	s28 =	simm.s32 $0x500  }
0x4a: {  	[tilespmem:s28], [sflag:$0x8] =	stream.linear.gather [hbm4b:s0+s4], $0x100, $0x38;
	[tilespmem:$0x1C400] =	vst v63  }
0x4b: {  	s28 =	rddreg [dreg:$0xd]  }
0x4c: {  	[tilespmem:s3], [sflag:$0x9] =	stream.linear.gather [hbm4b:s28+s4], $0x100, $0x38;
	[tilespmem:$0x1C400] =	vst v63  }
0x4d: {  	s28 =	rddreg [dreg:$0xf]  }
0x4e: {  	[tilespmem:s1], [sflag:$0xA] =	stream.linear.gather [hbm4b:s28+s4], $0x100, $0x38;
	[tilespmem:$0x1C400] =	vst v63  }
0x4f: {  	_ =	swait.ge [sflag:s6], $0x100  }
0x50: {  	[sflag:s6] =	ssyncset.done $0x0  }
0x51: {  	[sflag:s6] =	ssyncadd.s32 $0xFFFFFF00  }
0x52: {  	[tilespmem:s10], [sflag:$0x1] =	stream.indirect.gather [hbm4b:s5+s9], $0x80, s4, s9, $0xb8;
	[tilespmem:$0x1C400] =	vst v63  }
0x53: {  	_ =	swait.ge [sflag:s11], $0x100  }
0x54: {  	[sflag:s11] =	ssyncset.done $0x0  }
0x55: {  	s30 =	simm.s32 $0x0;
	[sflag:s11] =	ssyncadd.s32 $0xFFFFFF00  }
0x56: {  	[tilespmem:s12], [sflag:$0x2] =	stream.indirect.gather [hbm4b:s5+s9], $0x80, s8, s9, $0xb8;
	[tilespmem:$0x1C400] =	vst v63  }
.LBB2_2:
0x57: {  	_ =	swait.ge [sflag:s13], $0x4000  }
0x58: {  	[sflag:s13] =	ssyncset.done $0x0  }
0x59: {  	[sflag:s13] =	ssyncadd.s32 $0xFFFFC000  }
0x5a: {  	[spmem:s2] =	stream.indirect.scatter.add.f32 [tilespmem:s10], [sflag:$0xB], $0x80, s9, s9, $0xb8;
	[tilespmem:$0x1C400] =	vst v63  }
0x5b: {  	_ =	swait.ge [sflag:s26], $0x4000  }
0x5c: {  	p0 =	seq.s32 s30, $0x900;
	[sflag:s26] =	ssyncset.done $0x0  }
0x5d: {  	s8 =	sadd.s32 @!p0 s30, s23;
	s0 =	simm.s32 @!p0 $0x0;
	[sflag:s26] =	ssyncadd.s32 $0xFFFFC000  }
0x5e: {  	[tilespmem:s0], [sflag:$0x3] =	stream.linear.gather @!p0 [hbm4b:s8+s0], $0x100, $0x38;
	[tilespmem:$0x1C400] =	vst v63  }
0x5f: {  	_ =	swait.ge [sflag:s14], $0x100  }
0x60: {  	[sflag:s14] =	ssyncset.done $0x0  }
0x61: {  	s28 =	simm.s32 $0x200;
	[sflag:s14] =	ssyncadd.s32 $0xFFFFFF00  }
0x62: {  	[tilespmem:s10], [sflag:$0x1] =	stream.indirect.gather [hbm4b:s5+s9], $0x80, s28, s9, $0xb8;
	[tilespmem:$0x1C400] =	vst v63  }
0x63: {  	_ =	swait.ge [sflag:s15], $0x4000  }
0x64: {  	[sflag:s15] =	ssyncset.done $0x0  }
0x65: {  	s28 =	simm.s32 $0x180;
	[sflag:s15] =	ssyncadd.s32 $0xFFFFC000  }
0x66: {  	[spmem:s2] =	stream.indirect.scatter.add.f32 [tilespmem:s12], [sflag:$0xB], $0x80, s28, s9, $0xb8;
	[tilespmem:$0x1C400] =	vst v63  }
0x67: {  	_ =	swait.ge [sflag:s26], $0x4000  }
0x68: {  	[sflag:s26] =	ssyncset.done $0x0  }
0x69: {  	s8 =	sadd.s32 @!p0 s30, s22;
	s28 =	simm.s32 @!p0 $0x100;
	[sflag:s26] =	ssyncadd.s32 $0xFFFFC000  }
0x6a: {  	[tilespmem:s28], [sflag:$0x4] =	stream.linear.gather @!p0 [hbm4b:s8+s0], $0x100, $0x38;
	[tilespmem:$0x1C400] =	vst v63  }
0x6b: {  	_ =	swait.ge [sflag:s25], $0x100  }
0x6c: {  	[sflag:s25] =	ssyncset.done $0x0  }
0x6d: {  	s28 =	simm.s32 $0x300;
	[sflag:s25] =	ssyncadd.s32 $0xFFFFFF00  }
0x6e: {  	[tilespmem:s12], [sflag:$0x2] =	stream.indirect.gather [hbm4b:s5+s9], $0x80, s28, s9, $0xb8;
	[tilespmem:$0x1C400] =	vst v63  }
0x6f: {  	_ =	swait.ge [sflag:s13], $0x4000  }
0x70: {  	[sflag:s13] =	ssyncset.done $0x0  }
0x71: {  	s28 =	simm.s32 $0x280;
	[sflag:s13] =	ssyncadd.s32 $0xFFFFC000  }
0x72: {  	[spmem:s2] =	stream.indirect.scatter.add.f32 [tilespmem:s10], [sflag:$0xB], $0x80, s28, s9, $0xb8;
	[tilespmem:$0x1C400] =	vst v63  }
0x73: {  	_ =	swait.ge [sflag:s26], $0x4000  }
0x74: {  	[sflag:s26] =	ssyncset.done $0x0  }
0x75: {  	s8 =	sadd.s32 @!p0 s30, s21;
	s28 =	simm.s32 @!p0 $0x200;
	[sflag:s26] =	ssyncadd.s32 $0xFFFFC000  }
0x76: {  	[tilespmem:s28], [sflag:$0x5] =	stream.linear.gather @!p0 [hbm4b:s8+s0], $0x100, $0x38;
	[tilespmem:$0x1C400] =	vst v63  }
0x77: {  	_ =	swait.ge [sflag:s7], $0x100  }
0x78: {  	[sflag:s7] =	ssyncset.done $0x0  }
0x79: {  	s28 =	simm.s32 $0x400;
	[sflag:s7] =	ssyncadd.s32 $0xFFFFFF00  }
0x7a: {  	[tilespmem:s10], [sflag:$0x1] =	stream.indirect.gather [hbm4b:s5+s9], $0x80, s28, s9, $0xb8;
	[tilespmem:$0x1C400] =	vst v63  }
0x7b: {  	_ =	swait.ge [sflag:s15], $0x4000  }
0x7c: {  	[sflag:s15] =	ssyncset.done $0x0  }
0x7d: {  	s28 =	simm.s32 $0x380;
	[sflag:s15] =	ssyncadd.s32 $0xFFFFC000  }
0x7e: {  	[spmem:s2] =	stream.indirect.scatter.add.f32 [tilespmem:s12], [sflag:$0xB], $0x80, s28, s9, $0xb8;
	[tilespmem:$0x1C400] =	vst v63  }
0x7f: {  	_ =	swait.ge [sflag:s26], $0x4000  }
0x80: {  	[sflag:s26] =	ssyncset.done $0x0  }
0x81: {  	s8 =	sadd.s32 @!p0 s30, s20;
	s28 =	simm.s32 @!p0 $0x300;
	[sflag:s26] =	ssyncadd.s32 $0xFFFFC000  }
0x82: {  	[tilespmem:s28], [sflag:$0x6] =	stream.linear.gather @!p0 [hbm4b:s8+s0], $0x100, $0x38;
	[tilespmem:$0x1C400] =	vst v63  }
0x83: {  	_ =	swait.ge [sflag:s29], $0x100  }
0x84: {  	[sflag:s29] =	ssyncset.done $0x0  }
0x85: {  	s28 =	simm.s32 $0x500;
	[sflag:s29] =	ssyncadd.s32 $0xFFFFFF00  }
0x86: {  	[tilespmem:s12], [sflag:$0x2] =	stream.indirect.gather [hbm4b:s5+s9], $0x80, s28, s9, $0xb8;
	[tilespmem:$0x1C400] =	vst v63  }
0x87: {  	_ =	swait.ge [sflag:s13], $0x4000  }
0x88: {  	[sflag:s13] =	ssyncset.done $0x0  }
0x89: {  	s28 =	simm.s32 $0x480;
	[sflag:s13] =	ssyncadd.s32 $0xFFFFC000  }
0x8a: {  	[spmem:s2] =	stream.indirect.scatter.add.f32 [tilespmem:s10], [sflag:$0xB], $0x80, s28, s9, $0xb8;
	[tilespmem:$0x1C400] =	vst v63  }
0x8b: {  	_ =	swait.ge [sflag:s26], $0x4000  }
0x8c: {  	[sflag:s26] =	ssyncset.done $0x0  }
0x8d: {  	s8 =	sadd.s32 @!p0 s30, s19;
	s28 =	simm.s32 @!p0 $0x400;
	[sflag:s26] =	ssyncadd.s32 $0xFFFFC000  }
0x8e: {  	[tilespmem:s28], [sflag:$0x7] =	stream.linear.gather @!p0 [hbm4b:s8+s0], $0x100, $0x38;
	[tilespmem:$0x1C400] =	vst v63  }
0x8f: {  	_ =	swait.ge [sflag:s31], $0x100  }
0x90: {  	[sflag:s31] =	ssyncset.done $0x0  }
0x91: {  	[sflag:s31] =	ssyncadd.s32 $0xFFFFFF00  }
0x92: {  	[tilespmem:s10], [sflag:$0x1] =	stream.indirect.gather [hbm4b:s5+s9], $0x80, s3, s9, $0xb8;
	[tilespmem:$0x1C400] =	vst v63  }
0x93: {  	_ =	swait.ge [sflag:s15], $0x4000  }
0x94: {  	[sflag:s15] =	ssyncset.done $0x0  }
0x95: {  	s28 =	simm.s32 $0x580;
	[sflag:s15] =	ssyncadd.s32 $0xFFFFC000  }
0x96: {  	[spmem:s2] =	stream.indirect.scatter.add.f32 [tilespmem:s12], [sflag:$0xB], $0x80, s28, s9, $0xb8;
	[tilespmem:$0x1C400] =	vst v63  }
0x97: {  	_ =	swait.ge [sflag:s26], $0x4000  }
0x98: {  	[sflag:s26] =	ssyncset.done $0x0  }
0x99: {  	s8 =	sadd.s32 @!p0 s30, s18;
	s28 =	simm.s32 @!p0 $0x500;
	[sflag:s26] =	ssyncadd.s32 $0xFFFFC000  }
0x9a: {  	[tilespmem:s28], [sflag:$0x8] =	stream.linear.gather @!p0 [hbm4b:s8+s0], $0x100, $0x38;
	[tilespmem:$0x1C400] =	vst v63  }
0x9b: {  	_ =	swait.ge [sflag:s24], $0x100  }
0x9c: {  	[sflag:s24] =	ssyncset.done $0x0  }
0x9d: {  	[sflag:s24] =	ssyncadd.s32 $0xFFFFFF00  }
0x9e: {  	[tilespmem:s12], [sflag:$0x2] =	stream.indirect.gather [hbm4b:s5+s9], $0x80, s1, s9, $0xb8;
	[tilespmem:$0x1C400] =	vst v63  }
0x9f: {  	_ =	swait.ge [sflag:s13], $0x4000  }
0xa0: {  	[sflag:s13] =	ssyncset.done $0x0  }
.Ltmp2:
0xa1: {  	s28 =	simm.s32 $0x680;
	[sflag:s13] =	ssyncadd.s32 $0xFFFFC000;
	(pc) =	sbr.rel @p0 .LBB2_4-.Ltmp2, $4  }
0xa2: {  	[spmem:s2] =	stream.indirect.scatter.add.f32 [tilespmem:s10], [sflag:$0xB], $0x80, s28, s9, $0xb8;
	[tilespmem:$0x1C400] =	vst v63  }
0xa3: {  	_ =	swait.ge [sflag:s26], $0x4000  }
0xa4: {  	[sflag:s26] =	ssyncset.done $0x0  }
0xa5: {  	[sflag:s26] =	ssyncadd.s32 $0xFFFFC000  }
0xa6: {  	s0 =	sadd.s32 s30, s17  }
0xa7: {  	[tilespmem:s3], [sflag:$0x9] =	stream.linear.gather [hbm4b:s0+s4], $0x100, $0x38;
	[tilespmem:$0x1C400] =	vst v63  }
0xa8: {  	_ =	swait.ge [sflag:s6], $0x100  }
0xa9: {  	[sflag:s6] =	ssyncset.done $0x0  }
0xaa: {  	[sflag:s6] =	ssyncadd.s32 $0xFFFFFF00  }
0xab: {  	[tilespmem:s10], [sflag:$0x1] =	stream.indirect.gather [hbm4b:s5+s9], $0x80, s4, s9, $0xb8;
	[tilespmem:$0x1C400] =	vst v63  }
0xac: {  	_ =	swait.ge [sflag:s15], $0x4000  }
0xad: {  	[sflag:s15] =	ssyncset.done $0x0  }
0xae: {  	s28 =	simm.s32 $0x780;
	[sflag:s15] =	ssyncadd.s32 $0xFFFFC000  }
0xaf: {  	[spmem:s2] =	stream.indirect.scatter.add.f32 [tilespmem:s12], [sflag:$0xB], $0x80, s28, s9, $0xb8;
	[tilespmem:$0x1C400] =	vst v63  }
0xb0: {  	_ =	swait.ge [sflag:s26], $0x4000  }
0xb1: {  	[sflag:s26] =	ssyncset.done $0x0  }
0xb2: {  	s8 =	sadd.s32 s30, s16;
	[sflag:s26] =	ssyncadd.s32 $0xFFFFC000  }
0xb3: {  	[tilespmem:s1], [sflag:$0xA] =	stream.linear.gather [hbm4b:s8+s4], $0x100, $0x38;
	[tilespmem:$0x1C400] =	vst v63  }
.Ltmp3:
0xb4: {  	_ = 	snop;
	(pc) =	sbr.rel .LBB2_2-.Ltmp3, $4  }
0xb5: {  	_ =	swait.ge [sflag:s11], $0x100  }
0xb6: {  	[sflag:s11] =	ssyncset.done $0x0  }
0xb7: {  	s30 =	sadd.s32 $0x100, s30;
	s28 =	simm.s32 $0x100;
	[sflag:s11] =	ssyncadd.s32 $0xFFFFFF00  }
0xb8: {  	[tilespmem:s12], [sflag:$0x2] =	stream.indirect.gather [hbm4b:s5+s9], $0x80, s28, s9, $0xb8;
	[tilespmem:$0x1C400] =	vst v63  }
.LBB2_5:
0xb9: {  	_ =	sfence.sel $0x180000  }
0xba: {  	[bflag:$0x0] =	sbarrier.arrive $0xFFFF  }
0xbb: {  	_ =	strace $0x9000004A  }
0xbc: {  	s0 =	stileid.u32;
	[bflag:$0x2] =	sbarrier.arrive $0xFFFF  }
0xbd: {  	p0 =	sne.s32 s0, $0x0;
	s0 =	rddreg [dreg:$0x4]  }
0xbe: {  	s0 =	sadd.s32 @!p0 $0x100000, s0  }
0xbf: {  	[sflag:s0] =	ssyncadd.tile.s32 @!p0 $0x1;
	_ =	shalt  }
.Lfunc_end2:
_tile_overlayer_lowered:
.L_overlay_start_2:
0xc0: {  	(tag) =	ssettag $0x2  }
0xc1: {  	s0 =	rddreg [dreg:$0x0];
	s2 =	stileid.u32  }
0xc2: {  	s1 =	rddreg [dreg:$0x1];
	p0 =	sne.s32 s2, $0x0  }
0xc3: {  	s3 =	rddreg [dreg:$0x2];
	[bflag:$0x3] =	sbarrier.arrive $0xFFFF;
	s2 =	simm.s32 @!p0 $0x1C0B  }
0xc4: {  	[timem:s3], [sflag:s2] =	dma.local @!p0 [hbm:s0], s1  }
0xc5: {  	s0 =	simm.s32 @!p0 $0xB  }
0xc6: {  	_ =	swait.ge @!p0 [sflag:s0], s1  }
0xc7: {  	s1 =	ssub.s32 @!p0 $0x0, s1;
	[sflag:s0] =	ssyncset.done @!p0 $0x0  }
0xc8: {  	[sflag:s0] =	ssyncadd.s32 @!p0 s1  }
0xc9: {  	[bflag:$0x3] =	sbarrier.arrive $0xFFFF  }
0xca: {  	_ =	shalt  }

// kernel: kernel.15.cloned.1.call-start
scs
__scs_entry_jumppad:
0x0: {  	(pc) =	sbr.rel $0x88, $3  }
0x1: {  	(tag) =	ssettag $0x0;
	lr =	simm.s32 $0x1  }
0x2: {  	[smem:$0x3F91] =	sst lr;
	_ =	strace $0xD0000000  }
0x3: {  	_ = 	snop  }
0x4: {  	_ = 	snop  }
0x5: {  	_ = 	snop  }
0x6: {  	_ = 	snop  }
0x7: {  	_ = 	snop  }
__scs_overlays_trampoline_lowered:
0x8: {  	[smem:$0x3FA0] =	sst s0  }
0x9: {  	[smem:$0x3FA1] =	sst s1  }
0xa: {  	[smem:$0x3FA2] =	sst s2  }
0xb: {  	[smem:$0x3FA3] =	sst s3  }
0xc: {  	[smem:$0x3FA4] =	sst s4  }
0xd: {  	[smem:$0x3FA5] =	sst s5  }
0xe: {  	[smem:$0x3FA6] =	sst s6  }
0xf: {  	[smem:$0x3FA7] =	sst s7  }
0x10: {  	[smem:$0x3FA8] =	sst s8  }
0x11: {  	[smem:$0x3FA9] =	sst s9;
	s0 =	simm.s32 @!p0 $0x0  }
0x12: {  	s1 =	sld [smem:$0x3F8F];
	s0 =	simm.s32 @p0 $0x1  }
0x13: {  	[smem:$0x3FAA] =	sst s0;
	s0 =	simm.s32 @!p1 $0x0  }
0x14: {  	s2 =	sld [smem:$0x3F8E];
	s0 =	simm.s32 @p1 $0x1  }
0x15: {  	[smem:$0x3FAB] =	sst s0;
	s0 =	simm.s32 @!p2 $0x0  }
0x16: {  	s3 =	sld [smem:$0x3FDB];
	s0 =	simm.s32 @p2 $0x1  }
0x17: {  	s4 =	simm.s32 $0x1BF5;
	[smem:$0x3FAD] =	sst s0  }
0x18: {  	s0 =	sld [smem:$0x3F90];
	_ =	swait.ge [sflag:s4], $0x0  }
0x19: {  	s7 =	sld [smem:$0x3F91]  }
0x1a: {  	s8 =	sadd.s32 $0xFFFFE003, lr  }
0x1b: {  	s9 =	sadd.s32 $0xFFFFFEF7, lr;
	s5 =	simm.s32 $0xFFFFFFFF;
	p2 =	slt.u32 s8, $0xFFFFF086  }
0x1c: {  	p1 =	slt.u32 s9, $0xF7A;
	s5 =	simm.s32 @!p2 $0x0  }
0x1d: {  	s5 =	simm.s32 @p1 $0x1;
	p0 =	seq.s32 s7, s2  }
0x1e: {  	s7 =	smul.u32 @!p0 $0xF7A, s2;
	p2 =	seq.s32 @!p0 s5, $0x0  }
0x1f: {  	s9 =	smul.u32 $0xF7A, s1;
	s8 =	simm.s32 @!p0 $0x1BF5;
	p2 =	por !p2, p0  }
0x20: {  	[sflag:s8] =	ssyncset.s32 @!p0 $0xFFFFF086;
	s6 =	sadd.s32 @!p0 s3, s7;
	s7 =	simm.s32 @!p0 $0x108  }
0x21: {  	s3 =	sadd.s32 s3, s9;
	s6 =	sadd.s32 @!p0 $0x88, s6;
	s7 =	simm.s32 @p2 $0x1082  }
0x22: {  	[simem:s7], [sflag:s8] =	dma.local @!p0 [hbm:s6], $0xF7A  }
0x23: {  	s9 =	sor.u32 $0xD0000000, s2;
	s6 =	simm.s32 $0x108;
	_ =	swait.ge @!p0 [sflag:s8], $0x0  }
0x24: {  	s3 =	sadd.s32 $0x88, s3;
	s6 =	simm.s32 @!p1 $0x1082;
	[sflag:s4] =	ssyncset.s32 $0xFFFFF086  }
0x25: {  	[simem:s6], [sflag:s4] =	dma.local [hbm:s3], $0xF7A  }
0x26: {  	[smem:$0x3F91] =	sst s1;
	(tag) =	ssettag s2;
	_ =	strace s9  }
0x27: {  	s1 =	sld [smem:$0x3FA1]  }
0x28: {  	s2 =	sld [smem:$0x3FA2]  }
0x29: {  	s4 =	sld [smem:$0x3FA4]  }
0x2a: {  	p0 =	seq.s32 s5, $0x0;
	s5 =	sld [smem:$0x3FA5]  }
0x2b: {  	s6 =	sld [smem:$0x3FA6]  }
0x2c: {  	s7 =	sld [smem:$0x3FA7]  }
0x2d: {  	s3 =	simm.s32 $0x108;
	s8 =	sld [smem:$0x3FA8]  }
0x2e: {  	s3 =	simm.s32 @!p0 $0x1082;
	s9 =	sld [smem:$0x3FA9]  }
0x2f: {  	lr =	sadd.s32 s0, s3;
	s0 =	sld [smem:$0x3FA0]  }
0x30: {  	s3 =	sld [smem:$0x3FA3]  }
0x31: {  	[smem:$0x3FAC] =	sst s10  }
0x32: {  	s10 =	sld [smem:$0x3FAA];
	_ =	sdelay $0x3  }
0x33: {  	p0 =	seq.s32 s10, $0x1;
	s10 =	sld [smem:$0x3FAC];
	_ =	sdelay $0x3  }
0x34: {  	[smem:$0x3FAC] =	sst s10  }
0x35: {  	s10 =	sld [smem:$0x3FAB];
	_ =	sdelay $0x3  }
0x36: {  	p1 =	seq.s32 s10, $0x1;
	s10 =	sld [smem:$0x3FAC];
	_ =	sdelay $0x3  }
0x37: {  	[smem:$0x3FAC] =	sst s10  }
0x38: {  	s10 =	sld [smem:$0x3FAD]  }
0x39: {  	_ = 	snop;
	(pc) =	sbr.ind lr, $3  }
0x3a: {  	_ = 	snop  }
0x3b: {  	_ = 	snop  }
0x3c: {  	p2 =	seq.s32 s10, $0x1;
	s10 =	sld [smem:$0x3FAC]  }
0x3d: {  	_ =	shalt  }
0x3e: {  	_ =	shalt  }
0x3f: {  	_ =	shalt  }
0x40: {  	_ =	shalt  }
0x41: {  	_ =	shalt  }
0x42: {  	_ =	shalt  }
0x43: {  	_ =	shalt  }
0x44: {  	_ =	shalt  }
0x45: {  	_ =	shalt  }
0x46: {  	_ =	shalt  }
0x47: {  	_ =	shalt  }
0x48: {  	_ =	shalt  }
0x49: {  	_ =	shalt  }
0x4a: {  	_ =	shalt  }
0x4b: {  	_ =	shalt  }
0x4c: {  	_ =	shalt  }
0x4d: {  	_ =	shalt  }
0x4e: {  	_ =	shalt  }
0x4f: {  	_ =	shalt  }
0x50: {  	_ =	shalt  }
0x51: {  	_ =	shalt  }
0x52: {  	_ =	shalt  }
0x53: {  	_ =	shalt  }
0x54: {  	_ =	shalt  }
0x55: {  	_ =	shalt  }
0x56: {  	_ =	shalt  }
0x57: {  	_ =	shalt  }
0x58: {  	_ =	shalt  }
0x59: {  	_ =	shalt  }
0x5a: {  	_ =	shalt  }
0x5b: {  	_ =	shalt  }
0x5c: {  	_ =	shalt  }
0x5d: {  	_ =	shalt  }
0x5e: {  	_ =	shalt  }
0x5f: {  	_ =	shalt  }
0x60: {  	_ =	shalt  }
0x61: {  	_ =	shalt  }
0x62: {  	_ =	shalt  }
0x63: {  	_ =	shalt  }
0x64: {  	_ =	shalt  }
0x65: {  	_ =	shalt  }
0x66: {  	_ =	shalt  }
0x67: {  	_ =	shalt  }
0x68: {  	_ =	shalt  }
0x69: {  	_ =	shalt  }
0x6a: {  	_ =	shalt  }
0x6b: {  	_ =	shalt  }
0x6c: {  	_ =	shalt  }
0x6d: {  	_ =	shalt  }
0x6e: {  	_ =	shalt  }
0x6f: {  	_ =	shalt  }
0x70: {  	_ =	shalt  }
0x71: {  	_ =	shalt  }
0x72: {  	_ =	shalt  }
0x73: {  	_ =	shalt  }
0x74: {  	_ =	shalt  }
0x75: {  	_ =	shalt  }
0x76: {  	_ =	shalt  }
0x77: {  	_ =	shalt  }
0x78: {  	_ =	shalt  }
0x79: {  	_ =	shalt  }
0x7a: {  	_ =	shalt  }
0x7b: {  	_ =	shalt  }
0x7c: {  	_ =	shalt  }
0x7d: {  	_ =	shalt  }
0x7e: {  	_ =	shalt  }
0x7f: {  	_ =	shalt  }
0x80: {  	_ =	shalt  }
0x81: {  	_ =	shalt  }
0x82: {  	_ =	shalt  }
0x83: {  	_ =	shalt  }
0x84: {  	_ =	shalt  }
0x85: {  	_ =	shalt  }
0x86: {  	_ =	shalt  }
0x87: {  	_ =	shalt  }
.Lfunc_end0:
.L_simem_size_0:
called_computation.2_lowered:
.L_overlay_start_0:
0x88: {  	s2 =	sld [smem:$0x3FD9]  }
0x89: {  	s3 =	sld [smem:$0x3FFE];
	_ =	sdelay $0x1  }
0x8a: {  	s1 =	srdreg.scid  }
0x8b: {  	s0 =	sand.u32 $0x1, s1  }
0x8c: {  	s14 =	sshll.u32 s0, $0xA;
	s2 =	sadd.s32 s3, s2  }
0x8d: {  	s2 =	sadd.s32 s2, s14  }
0x8e: {  	[smem:$0x3FB8] =	sst s2  }
0x8f: {  	_ = 	snop  }
0x90: {  	s2 =	sld [smem:$0x3FD0];
	_ =	sdelay $0x2  }
0x91: {  	s15 =	simm.s32 $0xA;
	s4 =	simm.s32 $0x10  }
0x92: {  	[smem:s4], [sflag:s15] =	dma.local [hbm:s2], $0x1  }
0x93: {  	_ =	swait.eq [sflag:s15], $0x1  }
0x94: {  	[sflag:s15] =	ssyncset.done $0x0  }
0x95: {  	s16 =	sld [smem:$0x10];
	[sflag:s15] =	ssyncadd.s32 $0xFFFFFFFF  }
0x96: {  	s17 =	sld [smem:$0x11];
	(tm) =	ssettm $0x1  }
0x97: {  	s18 =	sld [smem:$0x3FFB];
	_ =	sdelay $0x3  }
0x98: {  	_ =	strace s18  }
0x99: {  	s4 =	sld [smem:$0x3FFC];
	_ =	sdelay $0x3  }
0x9a: {  	_ =	strace s4  }
0x9b: {  	s4 =	sld [smem:$0x3FFD];
	_ =	sdelay $0x3  }
0x9c: {  	_ =	strace s4  }
0x9d: {  	_ =	strace $0x8FFFFFFF  }
0x9e: {  	s19 =	sld [smem:$0x3FDB];
	_ =	sdelay $0x1  }
0x9f: {  	s5 =	simm.s32 $_scs_section_size  }
0xa0: {  	s6 =	simm.s32 $_size__tile_overlayer_lowered;
	s7 =	simm.s32 $_tile_overlayer_lowered  }
0xa1: {  	s22 =	simm.s32 $0x1BFF;
	s21 =	sshll.u32 s7, $0x1;
	s4 =	sadd.s32 s5, s19  }
0xa2: {  	s8 =	simm.s32 $0x0;
	s20 =	sshll.u32 s6, $0x1;
	s6 =	sadd.s32 s21, s4  }
0xa3: {  	[timem:s8], [sflag:s22] =	dma.local [hbm:s6], s20  }
0xa4: {  	_ =	swait.ge [sflag:s22], s20  }
0xa5: {  	s5 =	ssub.s32 $0x0, s20;
	[sflag:s22] =	ssyncset.done $0x0  }
0xa6: {  	[sflag:s22] =	ssyncadd.s32 s5;
	_ =	sdelay $0x1  }
0xa7: {  	s23 =	simm.s32 $0x1B8B  }
0xa8: {  	_ =	swait.ge [sflag:s23], $0x1  }
0xa9: {  	[sflag:s23] =	ssyncset.done $0x0  }
0xaa: {  	s25 =	simm.s32 $0x1B8E;
	s24 =	sld [smem:$0x3FFE];
	[sflag:s23] =	ssyncadd.s32 $0xFFFFFFFF  }
0xab: {  	s26 =	simm.s32 $execute0_lowered;
	[smem:$0x3FD2] =	sst s25  }
0xac: {  	s6 =	sshll.u32 s26, $0x1;
	_ =	strace $0x8000004C;
	[dreg:$0x1] =	wrdreg $0xFFFFFFFF  }
0xad: {  	s28 =	simm.s32 $_size_execute0_lowered;
	s4 =	sadd.s32 s4, s6;
	[dreg:$0x0] =	wrdreg $0x0  }
0xae: {  	s6 =	sshll.u32 s28, $0x1;
	[dreg:$0x2] =	wrdreg s4  }
0xaf: {  	[dreg:$0x3] =	wrdreg s6  }
0xb0: {  	[dreg:$0x4] =	wrdreg $0xC0  }
0xb1: {  	_ =	task [dreg:s8], $0x5FFFF  }
0xb2: {  	[dreg:$0x1] =	wrdreg $0xFFFFFFFF  }
0xb3: {  	[dreg:$0x0] =	wrdreg $0x60  }
0xb4: {  	[dreg:$0x2] =	wrdreg s24  }
0xb5: {  	[dreg:$0x3] =	wrdreg s16  }
0xb6: {  	[dreg:$0x4] =	wrdreg s17  }
0xb7: {  	[dreg:$0x5] =	wrdreg $0x88000  }
0xb8: {  	[dreg:$0x6] =	wrdreg $0x9  }
0xb9: {  	_ =	task.clear_ibuf [dreg:s8], $0x7FFFF;
	_ =	strace $0x9000004C  }
0xba: {  	s29 =	simm.s32 $0x9;
	_ =	strace $0x8000004E  }
0xbb: {  	_ =	swait.ge [sflag:s29], $0x1  }
0xbc: {  	[sflag:s29] =	ssyncadd.s32 $0xFFFFFFFF  }
0xbd: {  	_ =	strace $0x9000004E  }
0xbe: {  	_ =	sfence  }
0xbf: {  	s30 =	sld [smem:$0x0];
	_ =	sdelay $0x2  }
0xc0: {  	s31 =	sshll.u32 s1, $0xD;
	s1 =	sshrl.u32 s1, $0x2  }
0xc1: {  	s3 =	sand.u32 $0x4000, s31;
	s1 =	sadd.s32 s1, s30  }
0xc2: {  	s0 =	sor.u32 s3, s0;
	s1 =	sshll.u32 s1, $0x11  }
0xc3: {  	s0 =	sor.u32 s1, s0  }
0xc4: {  	s0 =	sadd.s32 $0x8F2B, s0  }
0xc5: {  	[sflag:s0] =	ssyncadd.remote.s32 $0x1  }
0xc6: {  	_ =	sfence.sel $0xFFFF  }
0xc7: {  	[dreg:$0x0] =	wrdreg $0xFFFFFFFF;
	(pc) =	sbr.abs _section_cstart, $3  }
0xc8: {  	[dreg:$0x1] =	wrdreg $0xFFFFFFFF  }
0xc9: {  	_ =	task.clear_ibuf [dreg:s8], $0x2FFFF;
	_ =	strace $0x9FFFFFFF  }
0xca: {  	(tm) =	ssettm $0x7FFFFFFF  }
0xcb: {  	_ =	shalt  }
tec
execute0_lowered:
.L_overlay_start_1:
0x0: {  	(tag) =	ssettag $0x1  }
0x1: {  	s0 =	rddreg [dreg:$0x0]  }
0x2: {  	s1 =	rddreg [dreg:$0x2]  }
0x3: {  	s2 =	rddreg [dreg:$0x3];
	s4 =	simm.s32 $0x0  }
0x4: {  	s3 =	srdreg.scid;
	s11 =	stileid.u32;
	s29 =	simm.s32 $0x8  }
0x5: {  	s31 =	simm.s32 $0x9;
	[smem:$0x7FF] =	sst s4;
	s7 =	smul.u32 $0x4F000, s11  }
0x6: {  	s3 =	sand.u32 $0x1, s3;
	s5 =	sadd.s32 $0x17E00, s0;
	s10 =	smul.u32 $0x13C00, s11  }
0x7: {  	s0 =	sadd.s32 $0x3E00, s0;
	s22 =	sshll.u32 s11, $0x6;
	s24 =	smul.u32 $0x5000, s11  }
0x8: {  	_ =	strace $0x8000004D;
	s6 =	sshll.u32 s3, $0x4;
	s21 =	smul.u32 $0x13C000, s3  }
0x9: {  	s8 =	ssub.s32 $0x2, s3;
	s28 =	sor.u32 $0x1C0B, s22;
	s3 =	smul.u32 $0x50000, s3  }
0xa: {  	s6 =	sor.u32 s11, s6;
	s9 =	sshrl.u32 s8, $0x1;
	s7 =	sshrl.u32 s7, $0x2  }
0xb: {  	[dreg:$0x6] =	wrdreg s28;
	s6 =	smul.u32 $0x5000, s6;
	s8 =	ssub.s32 s8, s9  }
0xc: {  	s7 =	sadd.s32 s7, s2;
	s3 =	sadd.s32 s24, s3;
	s9 =	simm.s32 $0x80  }
0xd: {  	[dreg:$0x5] =	wrdreg s7;
	s7 =	sadd.s32 s10, s21;
	s14 =	sor.u32 $0xF00, s3  }
0xe: {  	s15 =	sor.u32 $0xE00, s3;
	s18 =	sor.u32 $0xD00, s3;
	s19 =	sor.u32 $0xC00, s3  }
0xf: {  	s20 =	sor.u32 $0xB00, s3;
	s24 =	sor.u32 $0x900, s3;
	s10 =	simm.s32 $0x800  }
0x10: {  	s6 =	sshrl.u32 s6, $0x3;
	s13 =	sshrl.u32 s7, $0x3;
	s16 =	sshrl.u32 s14, $0x3  }
0x11: {  	s17 =	sshrl.u32 s15, $0x3;
	s21 =	sshrl.u32 s19, $0x3;
	s22 =	sshrl.u32 s20, $0x3  }
0x12: {  	s14 =	simm.s32 $0x5;
	s15 =	simm.s32 $0x2;
	s1 =	sadd.s32 s1, s13  }
0x13: {  	s7 =	simm.s32 $0x7;
	s12 =	sadd.s32 s0, s6;
	[dreg:$0xe] =	wrdreg s1  }
0x14: {  	s16 =	sadd.s32 s16, s0;
	s6 =	sadd.s32 $0x20, s12;
	[dreg:$0x7] =	wrdreg s12  }
0x15: {  	s17 =	sadd.s32 s17, s0;
	s23 =	sadd.s32 $0x40, s12;
	[dreg:$0x8] =	wrdreg s6  }
0x16: {  	s19 =	sadd.s32 s21, s0;
	s25 =	sadd.s32 $0x60, s12;
	[dreg:$0x9] =	wrdreg s23  }
0x17: {  	s20 =	sadd.s32 s22, s0;
	s26 =	sadd.s32 $0x80, s12;
	[dreg:$0xa] =	wrdreg s25  }
0x18: {  	s13 =	simm.s32 $0x1;
	s30 =	sadd.s32 $0xA0, s12;
	[dreg:$0xb] =	wrdreg s26  }
0x19: {  	s11 =	sadd.s32 $0xC0, s12;
	s1 =	sshrl.u32 s18, $0x3;
	[dreg:$0xc] =	wrdreg s30  }
0x1a: {  	[dreg:$0xd] =	wrdreg s11;
	s18 =	sadd.s32 s1, s0;
	s23 =	sor.u32 $0xA00, s3  }
0x1b: {  	s3 =	sor.u32 $0x800, s3;
	s25 =	sshrl.u32 s24, $0x3;
	s26 =	sadd.s32 $0xE0, s12  }
0x1c: {  	s30 =	smax.u32 s8, $0x1;
	s6 =	simm.s32 $0x3;
	s11 =	simm.s32 $0x4  }
.Ltmp0:
0x1d: {  	s12 =	simm.s32 $0x4800;
	s24 =	simm.s32 $0xA;
	(pc) =	sbr.rel .LBB2_1-.Ltmp0, $4  }
0x1e: {  	s8 =	simm.s32 $0x0;
	s1 =	sshrl.u32 s23, $0x3;
	[dreg:$0xf] =	wrdreg s26  }
0x1f: {  	s3 =	sshrl.u32 s3, $0x3;
	s22 =	sadd.s32 s25, s0;
	[dreg:$0x10] =	wrdreg s30  }
0x20: {  	s26 =	simm.s32 $0xB;
	s25 =	simm.s32 $0x6;
	s21 =	sadd.s32 s1, s0  }
0x21: {  	s23 =	sadd.s32 s3, s0;
	s3 =	simm.s32 $0x600;
	s1 =	simm.s32 $0x700  }
.LBB2_4:
0x22: {  	_ =	swait.ge [sflag:s15], $0x4000  }
0x23: {  	[sflag:s15] =	ssyncset.done $0x0  }
0x24: {  	s0 =	simm.s32 $0x780;
	[sflag:s15] =	ssyncadd.s32 $0xFFFFC000  }
0x25: {  	[spmem:s2] =	stream.indirect.scatter.add.f32 [tilespmem:s12], [sflag:$0xB], $0x80, s0, s9, $0xb8;
	[tilespmem:$0x1C400] =	vst v63  }
0x26: {  	_ =	swait.ge [sflag:s26], $0x4000  }
0x27: {  	[sflag:s26] =	ssyncset.done $0x0  }
0x28: {  	[sflag:s26] =	ssyncadd.s32 $0xFFFFC000  }
0x29: {  	[bflag:$0x0] =	sbarrier.arrive $0xFFFF  }
0x2a: {  	s28 =	rddreg [dreg:$0x6]  }
0x2b: {  	s30 =	rddreg [dreg:$0xe]  }
0x2c: {  	s8 =	rddreg [dreg:$0x12]  }
0x2d: {  	[hbm:s30], [sflag:s28] =	dma.local [spmem:s8], $0x2780  }
0x2e: {  	_ =	swait.ge [sflag:s26], $0x2780  }
0x2f: {  	s0 =	rddreg [dreg:$0x11]  }
0x30: {  	s30 =	rddreg [dreg:$0x10];
	s8 =	sadd.s32 $0x1, s0  }
0x31: {  	p0 =	sne.s32 s8, s30  }
.Ltmp1:
0x32: {  	_ = 	snop;
	(pc) =	sbr.rel @!p0 .LBB2_5-.Ltmp1, $3  }
0x33: {  	_ =	sdelay $0x1  }
0x34: {  	[sflag:s26] =	ssyncset.done $0x0  }
0x35: {  	[sflag:s26] =	ssyncadd.s32 $0xFFFFD880  }
.LBB2_1:
0x36: {  	[dreg:$0x11] =	wrdreg s8  }
0x37: {  	s0 =	rddreg [dreg:$0x5]  }
0x38: {  	s8 =	sshrl.u32 s0, $0x3;
	s0 =	rddreg [dreg:$0x1]  }
0x39: {  	[dreg:$0x12] =	wrdreg s8  }
0x3a: {  	[spmem:s8], [sflag:s28] =	dma.local [hbm:s0], $0x2780  }
0x3b: {  	_ =	swait.ge [sflag:s26], $0x2780  }
0x3c: {  	[sflag:s26] =	ssyncset.done $0x0  }
0x3d: {  	[sflag:s26] =	ssyncadd.s32 $0xFFFFD880  }
0x3e: {  	[bflag:$0x0] =	sbarrier.arrive $0xFFFF  }
0x3f: {  	s8 =	rddreg [dreg:$0x7]  }
0x40: {  	[tilespmem:s4], [sflag:$0x3] =	stream.linear.gather [hbm4b:s8+s4], $0x100, $0x38;
	[tilespmem:$0x1C400] =	vst v63  }
0x41: {  	s28 =	rddreg [dreg:$0x8];
	s8 =	simm.s32 $0x100  }
0x42: {  	[tilespmem:s8], [sflag:$0x4] =	stream.linear.gather [hbm4b:s28+s4], $0x100, $0x38;
	[tilespmem:$0x1C400] =	vst v63  }
0x43: {  	s0 =	rddreg [dreg:$0x9];
	s28 =	simm.s32 $0x200  }
0x44: {  	[tilespmem:s28], [sflag:$0x5] =	stream.linear.gather [hbm4b:s0+s4], $0x100, $0x38;
	[tilespmem:$0x1C400] =	vst v63  }
0x45: {  	s0 =	rddreg [dreg:$0xa];
	s28 =	simm.s32 $0x300  }
0x46: {  	[tilespmem:s28], [sflag:$0x6] =	stream.linear.gather [hbm4b:s0+s4], $0x100, $0x38;
	[tilespmem:$0x1C400] =	vst v63  }
0x47: {  	s0 =	rddreg [dreg:$0xb];
	s28 =	simm.s32 $0x400  }
0x48: {  	[tilespmem:s28], [sflag:$0x7] =	stream.linear.gather [hbm4b:s0+s4], $0x100, $0x38;
	[tilespmem:$0x1C400] =	vst v63  }
0x49: {  	s0 =	rddreg [dreg:$0xc];
	s28 =	simm.s32 $0x500  }
0x4a: {  	[tilespmem:s28], [sflag:$0x8] =	stream.linear.gather [hbm4b:s0+s4], $0x100, $0x38;
	[tilespmem:$0x1C400] =	vst v63  }
0x4b: {  	s28 =	rddreg [dreg:$0xd]  }
0x4c: {  	[tilespmem:s3], [sflag:$0x9] =	stream.linear.gather [hbm4b:s28+s4], $0x100, $0x38;
	[tilespmem:$0x1C400] =	vst v63  }
0x4d: {  	s28 =	rddreg [dreg:$0xf]  }
0x4e: {  	[tilespmem:s1], [sflag:$0xA] =	stream.linear.gather [hbm4b:s28+s4], $0x100, $0x38;
	[tilespmem:$0x1C400] =	vst v63  }
0x4f: {  	_ =	swait.ge [sflag:s6], $0x100  }
0x50: {  	[sflag:s6] =	ssyncset.done $0x0  }
0x51: {  	[sflag:s6] =	ssyncadd.s32 $0xFFFFFF00  }
0x52: {  	[tilespmem:s10], [sflag:$0x1] =	stream.indirect.gather [hbm4b:s5+s9], $0x80, s4, s9, $0xb8;
	[tilespmem:$0x1C400] =	vst v63  }
0x53: {  	_ =	swait.ge [sflag:s11], $0x100  }
0x54: {  	[sflag:s11] =	ssyncset.done $0x0  }
0x55: {  	s30 =	simm.s32 $0x0;
	[sflag:s11] =	ssyncadd.s32 $0xFFFFFF00  }
0x56: {  	[tilespmem:s12], [sflag:$0x2] =	stream.indirect.gather [hbm4b:s5+s9], $0x80, s8, s9, $0xb8;
	[tilespmem:$0x1C400] =	vst v63  }
.LBB2_2:
0x57: {  	_ =	swait.ge [sflag:s13], $0x4000  }
0x58: {  	[sflag:s13] =	ssyncset.done $0x0  }
0x59: {  	[sflag:s13] =	ssyncadd.s32 $0xFFFFC000  }
0x5a: {  	[spmem:s2] =	stream.indirect.scatter.add.f32 [tilespmem:s10], [sflag:$0xB], $0x80, s9, s9, $0xb8;
	[tilespmem:$0x1C400] =	vst v63  }
0x5b: {  	_ =	swait.ge [sflag:s26], $0x4000  }
0x5c: {  	p0 =	seq.s32 s30, $0x900;
	[sflag:s26] =	ssyncset.done $0x0  }
0x5d: {  	s8 =	sadd.s32 @!p0 s30, s23;
	s0 =	simm.s32 @!p0 $0x0;
	[sflag:s26] =	ssyncadd.s32 $0xFFFFC000  }
0x5e: {  	[tilespmem:s0], [sflag:$0x3] =	stream.linear.gather @!p0 [hbm4b:s8+s0], $0x100, $0x38;
	[tilespmem:$0x1C400] =	vst v63  }
0x5f: {  	_ =	swait.ge [sflag:s14], $0x100  }
0x60: {  	[sflag:s14] =	ssyncset.done $0x0  }
0x61: {  	s28 =	simm.s32 $0x200;
	[sflag:s14] =	ssyncadd.s32 $0xFFFFFF00  }
0x62: {  	[tilespmem:s10], [sflag:$0x1] =	stream.indirect.gather [hbm4b:s5+s9], $0x80, s28, s9, $0xb8;
	[tilespmem:$0x1C400] =	vst v63  }
0x63: {  	_ =	swait.ge [sflag:s15], $0x4000  }
0x64: {  	[sflag:s15] =	ssyncset.done $0x0  }
0x65: {  	s28 =	simm.s32 $0x180;
	[sflag:s15] =	ssyncadd.s32 $0xFFFFC000  }
0x66: {  	[spmem:s2] =	stream.indirect.scatter.add.f32 [tilespmem:s12], [sflag:$0xB], $0x80, s28, s9, $0xb8;
	[tilespmem:$0x1C400] =	vst v63  }
0x67: {  	_ =	swait.ge [sflag:s26], $0x4000  }
0x68: {  	[sflag:s26] =	ssyncset.done $0x0  }
0x69: {  	s8 =	sadd.s32 @!p0 s30, s22;
	s28 =	simm.s32 @!p0 $0x100;
	[sflag:s26] =	ssyncadd.s32 $0xFFFFC000  }
0x6a: {  	[tilespmem:s28], [sflag:$0x4] =	stream.linear.gather @!p0 [hbm4b:s8+s0], $0x100, $0x38;
	[tilespmem:$0x1C400] =	vst v63  }
0x6b: {  	_ =	swait.ge [sflag:s25], $0x100  }
0x6c: {  	[sflag:s25] =	ssyncset.done $0x0  }
0x6d: {  	s28 =	simm.s32 $0x300;
	[sflag:s25] =	ssyncadd.s32 $0xFFFFFF00  }
0x6e: {  	[tilespmem:s12], [sflag:$0x2] =	stream.indirect.gather [hbm4b:s5+s9], $0x80, s28, s9, $0xb8;
	[tilespmem:$0x1C400] =	vst v63  }
0x6f: {  	_ =	swait.ge [sflag:s13], $0x4000  }
0x70: {  	[sflag:s13] =	ssyncset.done $0x0  }
0x71: {  	s28 =	simm.s32 $0x280;
	[sflag:s13] =	ssyncadd.s32 $0xFFFFC000  }
0x72: {  	[spmem:s2] =	stream.indirect.scatter.add.f32 [tilespmem:s10], [sflag:$0xB], $0x80, s28, s9, $0xb8;
	[tilespmem:$0x1C400] =	vst v63  }
0x73: {  	_ =	swait.ge [sflag:s26], $0x4000  }
0x74: {  	[sflag:s26] =	ssyncset.done $0x0  }
0x75: {  	s8 =	sadd.s32 @!p0 s30, s21;
	s28 =	simm.s32 @!p0 $0x200;
	[sflag:s26] =	ssyncadd.s32 $0xFFFFC000  }
0x76: {  	[tilespmem:s28], [sflag:$0x5] =	stream.linear.gather @!p0 [hbm4b:s8+s0], $0x100, $0x38;
	[tilespmem:$0x1C400] =	vst v63  }
0x77: {  	_ =	swait.ge [sflag:s7], $0x100  }
0x78: {  	[sflag:s7] =	ssyncset.done $0x0  }
0x79: {  	s28 =	simm.s32 $0x400;
	[sflag:s7] =	ssyncadd.s32 $0xFFFFFF00  }
0x7a: {  	[tilespmem:s10], [sflag:$0x1] =	stream.indirect.gather [hbm4b:s5+s9], $0x80, s28, s9, $0xb8;
	[tilespmem:$0x1C400] =	vst v63  }
0x7b: {  	_ =	swait.ge [sflag:s15], $0x4000  }
0x7c: {  	[sflag:s15] =	ssyncset.done $0x0  }
0x7d: {  	s28 =	simm.s32 $0x380;
	[sflag:s15] =	ssyncadd.s32 $0xFFFFC000  }
0x7e: {  	[spmem:s2] =	stream.indirect.scatter.add.f32 [tilespmem:s12], [sflag:$0xB], $0x80, s28, s9, $0xb8;
	[tilespmem:$0x1C400] =	vst v63  }
0x7f: {  	_ =	swait.ge [sflag:s26], $0x4000  }
0x80: {  	[sflag:s26] =	ssyncset.done $0x0  }
0x81: {  	s8 =	sadd.s32 @!p0 s30, s20;
	s28 =	simm.s32 @!p0 $0x300;
	[sflag:s26] =	ssyncadd.s32 $0xFFFFC000  }
0x82: {  	[tilespmem:s28], [sflag:$0x6] =	stream.linear.gather @!p0 [hbm4b:s8+s0], $0x100, $0x38;
	[tilespmem:$0x1C400] =	vst v63  }
0x83: {  	_ =	swait.ge [sflag:s29], $0x100  }
0x84: {  	[sflag:s29] =	ssyncset.done $0x0  }
0x85: {  	s28 =	simm.s32 $0x500;
	[sflag:s29] =	ssyncadd.s32 $0xFFFFFF00  }
0x86: {  	[tilespmem:s12], [sflag:$0x2] =	stream.indirect.gather [hbm4b:s5+s9], $0x80, s28, s9, $0xb8;
	[tilespmem:$0x1C400] =	vst v63  }
0x87: {  	_ =	swait.ge [sflag:s13], $0x4000  }
0x88: {  	[sflag:s13] =	ssyncset.done $0x0  }
0x89: {  	s28 =	simm.s32 $0x480;
	[sflag:s13] =	ssyncadd.s32 $0xFFFFC000  }
0x8a: {  	[spmem:s2] =	stream.indirect.scatter.add.f32 [tilespmem:s10], [sflag:$0xB], $0x80, s28, s9, $0xb8;
	[tilespmem:$0x1C400] =	vst v63  }
0x8b: {  	_ =	swait.ge [sflag:s26], $0x4000  }
0x8c: {  	[sflag:s26] =	ssyncset.done $0x0  }
0x8d: {  	s8 =	sadd.s32 @!p0 s30, s19;
	s28 =	simm.s32 @!p0 $0x400;
	[sflag:s26] =	ssyncadd.s32 $0xFFFFC000  }
0x8e: {  	[tilespmem:s28], [sflag:$0x7] =	stream.linear.gather @!p0 [hbm4b:s8+s0], $0x100, $0x38;
	[tilespmem:$0x1C400] =	vst v63  }
0x8f: {  	_ =	swait.ge [sflag:s31], $0x100  }
0x90: {  	[sflag:s31] =	ssyncset.done $0x0  }
0x91: {  	[sflag:s31] =	ssyncadd.s32 $0xFFFFFF00  }
0x92: {  	[tilespmem:s10], [sflag:$0x1] =	stream.indirect.gather [hbm4b:s5+s9], $0x80, s3, s9, $0xb8;
	[tilespmem:$0x1C400] =	vst v63  }
0x93: {  	_ =	swait.ge [sflag:s15], $0x4000  }
0x94: {  	[sflag:s15] =	ssyncset.done $0x0  }
0x95: {  	s28 =	simm.s32 $0x580;
	[sflag:s15] =	ssyncadd.s32 $0xFFFFC000  }
0x96: {  	[spmem:s2] =	stream.indirect.scatter.add.f32 [tilespmem:s12], [sflag:$0xB], $0x80, s28, s9, $0xb8;
	[tilespmem:$0x1C400] =	vst v63  }
0x97: {  	_ =	swait.ge [sflag:s26], $0x4000  }
0x98: {  	[sflag:s26] =	ssyncset.done $0x0  }
0x99: {  	s8 =	sadd.s32 @!p0 s30, s18;
	s28 =	simm.s32 @!p0 $0x500;
	[sflag:s26] =	ssyncadd.s32 $0xFFFFC000  }
0x9a: {  	[tilespmem:s28], [sflag:$0x8] =	stream.linear.gather @!p0 [hbm4b:s8+s0], $0x100, $0x38;
	[tilespmem:$0x1C400] =	vst v63  }
0x9b: {  	_ =	swait.ge [sflag:s24], $0x100  }
0x9c: {  	[sflag:s24] =	ssyncset.done $0x0  }
0x9d: {  	[sflag:s24] =	ssyncadd.s32 $0xFFFFFF00  }
0x9e: {  	[tilespmem:s12], [sflag:$0x2] =	stream.indirect.gather [hbm4b:s5+s9], $0x80, s1, s9, $0xb8;
	[tilespmem:$0x1C400] =	vst v63  }
0x9f: {  	_ =	swait.ge [sflag:s13], $0x4000  }
0xa0: {  	[sflag:s13] =	ssyncset.done $0x0  }
.Ltmp2:
0xa1: {  	s28 =	simm.s32 $0x680;
	[sflag:s13] =	ssyncadd.s32 $0xFFFFC000;
	(pc) =	sbr.rel @p0 .LBB2_4-.Ltmp2, $4  }
0xa2: {  	[spmem:s2] =	stream.indirect.scatter.add.f32 [tilespmem:s10], [sflag:$0xB], $0x80, s28, s9, $0xb8;
	[tilespmem:$0x1C400] =	vst v63  }
0xa3: {  	_ =	swait.ge [sflag:s26], $0x4000  }
0xa4: {  	[sflag:s26] =	ssyncset.done $0x0  }
0xa5: {  	[sflag:s26] =	ssyncadd.s32 $0xFFFFC000  }
0xa6: {  	s0 =	sadd.s32 s30, s17  }
0xa7: {  	[tilespmem:s3], [sflag:$0x9] =	stream.linear.gather [hbm4b:s0+s4], $0x100, $0x38;
	[tilespmem:$0x1C400] =	vst v63  }
0xa8: {  	_ =	swait.ge [sflag:s6], $0x100  }
0xa9: {  	[sflag:s6] =	ssyncset.done $0x0  }
0xaa: {  	[sflag:s6] =	ssyncadd.s32 $0xFFFFFF00  }
0xab: {  	[tilespmem:s10], [sflag:$0x1] =	stream.indirect.gather [hbm4b:s5+s9], $0x80, s4, s9, $0xb8;
	[tilespmem:$0x1C400] =	vst v63  }
0xac: {  	_ =	swait.ge [sflag:s15], $0x4000  }
0xad: {  	[sflag:s15] =	ssyncset.done $0x0  }
0xae: {  	s28 =	simm.s32 $0x780;
	[sflag:s15] =	ssyncadd.s32 $0xFFFFC000  }
0xaf: {  	[spmem:s2] =	stream.indirect.scatter.add.f32 [tilespmem:s12], [sflag:$0xB], $0x80, s28, s9, $0xb8;
	[tilespmem:$0x1C400] =	vst v63  }
0xb0: {  	_ =	swait.ge [sflag:s26], $0x4000  }
0xb1: {  	[sflag:s26] =	ssyncset.done $0x0  }
0xb2: {  	s8 =	sadd.s32 s30, s16;
	[sflag:s26] =	ssyncadd.s32 $0xFFFFC000  }
0xb3: {  	[tilespmem:s1], [sflag:$0xA] =	stream.linear.gather [hbm4b:s8+s4], $0x100, $0x38;
	[tilespmem:$0x1C400] =	vst v63  }
.Ltmp3:
0xb4: {  	_ = 	snop;
	(pc) =	sbr.rel .LBB2_2-.Ltmp3, $4  }
0xb5: {  	_ =	swait.ge [sflag:s11], $0x100  }
0xb6: {  	[sflag:s11] =	ssyncset.done $0x0  }
0xb7: {  	s30 =	sadd.s32 $0x100, s30;
	s28 =	simm.s32 $0x100;
	[sflag:s11] =	ssyncadd.s32 $0xFFFFFF00  }
0xb8: {  	[tilespmem:s12], [sflag:$0x2] =	stream.indirect.gather [hbm4b:s5+s9], $0x80, s28, s9, $0xb8;
	[tilespmem:$0x1C400] =	vst v63  }
.LBB2_5:
0xb9: {  	_ =	sfence.sel $0x180000  }
0xba: {  	[bflag:$0x0] =	sbarrier.arrive $0xFFFF  }
0xbb: {  	_ =	strace $0x9000004D  }
0xbc: {  	s0 =	stileid.u32;
	[bflag:$0x2] =	sbarrier.arrive $0xFFFF  }
0xbd: {  	p0 =	sne.s32 s0, $0x0;
	s0 =	rddreg [dreg:$0x4]  }
0xbe: {  	s0 =	sadd.s32 @!p0 $0x100000, s0  }
0xbf: {  	[sflag:s0] =	ssyncadd.tile.s32 @!p0 $0x1;
	_ =	shalt  }
.Lfunc_end2:
_tile_overlayer_lowered:
.L_overlay_start_2:
0xc0: {  	(tag) =	ssettag $0x2  }
0xc1: {  	s0 =	rddreg [dreg:$0x0];
	s2 =	stileid.u32  }
0xc2: {  	s1 =	rddreg [dreg:$0x1];
	p0 =	sne.s32 s2, $0x0  }
0xc3: {  	s3 =	rddreg [dreg:$0x2];
	[bflag:$0x3] =	sbarrier.arrive $0xFFFF;
	s2 =	simm.s32 @!p0 $0x1C0B  }
0xc4: {  	[timem:s3], [sflag:s2] =	dma.local @!p0 [hbm:s0], s1  }
0xc5: {  	s0 =	simm.s32 @!p0 $0xB  }
0xc6: {  	_ =	swait.ge @!p0 [sflag:s0], s1  }
0xc7: {  	s1 =	ssub.s32 @!p0 $0x0, s1;
	[sflag:s0] =	ssyncset.done @!p0 $0x0  }
0xc8: {  	[sflag:s0] =	ssyncadd.s32 @!p0 s1  }
0xc9: {  	[bflag:$0x3] =	sbarrier.arrive $0xFFFF  }
0xca: {  	_ =	shalt  }

// kernel: kernel.9.cloned.1.call-start
scs
__scs_entry_jumppad:
0x0: {  	(pc) =	sbr.rel $0x88, $3  }
0x1: {  	(tag) =	ssettag $0x0;
	lr =	simm.s32 $0x1  }
0x2: {  	[smem:$0x3F91] =	sst lr;
	_ =	strace $0xD0000000  }
0x3: {  	_ = 	snop  }
0x4: {  	_ = 	snop  }
0x5: {  	_ = 	snop  }
0x6: {  	_ = 	snop  }
0x7: {  	_ = 	snop  }
__scs_overlays_trampoline_lowered:
0x8: {  	[smem:$0x3FA0] =	sst s0  }
0x9: {  	[smem:$0x3FA1] =	sst s1  }
0xa: {  	[smem:$0x3FA2] =	sst s2  }
0xb: {  	[smem:$0x3FA3] =	sst s3  }
0xc: {  	[smem:$0x3FA4] =	sst s4  }
0xd: {  	[smem:$0x3FA5] =	sst s5  }
0xe: {  	[smem:$0x3FA6] =	sst s6  }
0xf: {  	[smem:$0x3FA7] =	sst s7  }
0x10: {  	[smem:$0x3FA8] =	sst s8  }
0x11: {  	[smem:$0x3FA9] =	sst s9;
	s0 =	simm.s32 @!p0 $0x0  }
0x12: {  	s1 =	sld [smem:$0x3F8F];
	s0 =	simm.s32 @p0 $0x1  }
0x13: {  	[smem:$0x3FAA] =	sst s0;
	s0 =	simm.s32 @!p1 $0x0  }
0x14: {  	s2 =	sld [smem:$0x3F8E];
	s0 =	simm.s32 @p1 $0x1  }
0x15: {  	[smem:$0x3FAB] =	sst s0;
	s0 =	simm.s32 @!p2 $0x0  }
0x16: {  	s3 =	sld [smem:$0x3FDB];
	s0 =	simm.s32 @p2 $0x1  }
0x17: {  	s4 =	simm.s32 $0x1BF5;
	[smem:$0x3FAD] =	sst s0  }
0x18: {  	s0 =	sld [smem:$0x3F90];
	_ =	swait.ge [sflag:s4], $0x0  }
0x19: {  	s7 =	sld [smem:$0x3F91]  }
0x1a: {  	s8 =	sadd.s32 $0xFFFFE003, lr  }
0x1b: {  	s9 =	sadd.s32 $0xFFFFFEF7, lr;
	s5 =	simm.s32 $0xFFFFFFFF;
	p2 =	slt.u32 s8, $0xFFFFF086  }
0x1c: {  	p1 =	slt.u32 s9, $0xF7A;
	s5 =	simm.s32 @!p2 $0x0  }
0x1d: {  	s5 =	simm.s32 @p1 $0x1;
	p0 =	seq.s32 s7, s2  }
0x1e: {  	s7 =	smul.u32 @!p0 $0xF7A, s2;
	p2 =	seq.s32 @!p0 s5, $0x0  }
0x1f: {  	s9 =	smul.u32 $0xF7A, s1;
	s8 =	simm.s32 @!p0 $0x1BF5;
	p2 =	por !p2, p0  }
0x20: {  	[sflag:s8] =	ssyncset.s32 @!p0 $0xFFFFF086;
	s6 =	sadd.s32 @!p0 s3, s7;
	s7 =	simm.s32 @!p0 $0x108  }
0x21: {  	s3 =	sadd.s32 s3, s9;
	s6 =	sadd.s32 @!p0 $0x88, s6;
	s7 =	simm.s32 @p2 $0x1082  }
0x22: {  	[simem:s7], [sflag:s8] =	dma.local @!p0 [hbm:s6], $0xF7A  }
0x23: {  	s9 =	sor.u32 $0xD0000000, s2;
	s6 =	simm.s32 $0x108;
	_ =	swait.ge @!p0 [sflag:s8], $0x0  }
0x24: {  	s3 =	sadd.s32 $0x88, s3;
	s6 =	simm.s32 @!p1 $0x1082;
	[sflag:s4] =	ssyncset.s32 $0xFFFFF086  }
0x25: {  	[simem:s6], [sflag:s4] =	dma.local [hbm:s3], $0xF7A  }
0x26: {  	[smem:$0x3F91] =	sst s1;
	(tag) =	ssettag s2;
	_ =	strace s9  }
0x27: {  	s1 =	sld [smem:$0x3FA1]  }
0x28: {  	s2 =	sld [smem:$0x3FA2]  }
0x29: {  	s4 =	sld [smem:$0x3FA4]  }
0x2a: {  	p0 =	seq.s32 s5, $0x0;
	s5 =	sld [smem:$0x3FA5]  }
0x2b: {  	s6 =	sld [smem:$0x3FA6]  }
0x2c: {  	s7 =	sld [smem:$0x3FA7]  }
0x2d: {  	s3 =	simm.s32 $0x108;
	s8 =	sld [smem:$0x3FA8]  }
0x2e: {  	s3 =	simm.s32 @!p0 $0x1082;
	s9 =	sld [smem:$0x3FA9]  }
0x2f: {  	lr =	sadd.s32 s0, s3;
	s0 =	sld [smem:$0x3FA0]  }
0x30: {  	s3 =	sld [smem:$0x3FA3]  }
0x31: {  	[smem:$0x3FAC] =	sst s10  }
0x32: {  	s10 =	sld [smem:$0x3FAA];
	_ =	sdelay $0x3  }
0x33: {  	p0 =	seq.s32 s10, $0x1;
	s10 =	sld [smem:$0x3FAC];
	_ =	sdelay $0x3  }
0x34: {  	[smem:$0x3FAC] =	sst s10  }
0x35: {  	s10 =	sld [smem:$0x3FAB];
	_ =	sdelay $0x3  }
0x36: {  	p1 =	seq.s32 s10, $0x1;
	s10 =	sld [smem:$0x3FAC];
	_ =	sdelay $0x3  }
0x37: {  	[smem:$0x3FAC] =	sst s10  }
0x38: {  	s10 =	sld [smem:$0x3FAD]  }
0x39: {  	_ = 	snop;
	(pc) =	sbr.ind lr, $3  }
0x3a: {  	_ = 	snop  }
0x3b: {  	_ = 	snop  }
0x3c: {  	p2 =	seq.s32 s10, $0x1;
	s10 =	sld [smem:$0x3FAC]  }
0x3d: {  	_ =	shalt  }
0x3e: {  	_ =	shalt  }
0x3f: {  	_ =	shalt  }
0x40: {  	_ =	shalt  }
0x41: {  	_ =	shalt  }
0x42: {  	_ =	shalt  }
0x43: {  	_ =	shalt  }
0x44: {  	_ =	shalt  }
0x45: {  	_ =	shalt  }
0x46: {  	_ =	shalt  }
0x47: {  	_ =	shalt  }
0x48: {  	_ =	shalt  }
0x49: {  	_ =	shalt  }
0x4a: {  	_ =	shalt  }
0x4b: {  	_ =	shalt  }
0x4c: {  	_ =	shalt  }
0x4d: {  	_ =	shalt  }
0x4e: {  	_ =	shalt  }
0x4f: {  	_ =	shalt  }
0x50: {  	_ =	shalt  }
0x51: {  	_ =	shalt  }
0x52: {  	_ =	shalt  }
0x53: {  	_ =	shalt  }
0x54: {  	_ =	shalt  }
0x55: {  	_ =	shalt  }
0x56: {  	_ =	shalt  }
0x57: {  	_ =	shalt  }
0x58: {  	_ =	shalt  }
0x59: {  	_ =	shalt  }
0x5a: {  	_ =	shalt  }
0x5b: {  	_ =	shalt  }
0x5c: {  	_ =	shalt  }
0x5d: {  	_ =	shalt  }
0x5e: {  	_ =	shalt  }
0x5f: {  	_ =	shalt  }
0x60: {  	_ =	shalt  }
0x61: {  	_ =	shalt  }
0x62: {  	_ =	shalt  }
0x63: {  	_ =	shalt  }
0x64: {  	_ =	shalt  }
0x65: {  	_ =	shalt  }
0x66: {  	_ =	shalt  }
0x67: {  	_ =	shalt  }
0x68: {  	_ =	shalt  }
0x69: {  	_ =	shalt  }
0x6a: {  	_ =	shalt  }
0x6b: {  	_ =	shalt  }
0x6c: {  	_ =	shalt  }
0x6d: {  	_ =	shalt  }
0x6e: {  	_ =	shalt  }
0x6f: {  	_ =	shalt  }
0x70: {  	_ =	shalt  }
0x71: {  	_ =	shalt  }
0x72: {  	_ =	shalt  }
0x73: {  	_ =	shalt  }
0x74: {  	_ =	shalt  }
0x75: {  	_ =	shalt  }
0x76: {  	_ =	shalt  }
0x77: {  	_ =	shalt  }
0x78: {  	_ =	shalt  }
0x79: {  	_ =	shalt  }
0x7a: {  	_ =	shalt  }
0x7b: {  	_ =	shalt  }
0x7c: {  	_ =	shalt  }
0x7d: {  	_ =	shalt  }
0x7e: {  	_ =	shalt  }
0x7f: {  	_ =	shalt  }
0x80: {  	_ =	shalt  }
0x81: {  	_ =	shalt  }
0x82: {  	_ =	shalt  }
0x83: {  	_ =	shalt  }
0x84: {  	_ =	shalt  }
0x85: {  	_ =	shalt  }
0x86: {  	_ =	shalt  }
0x87: {  	_ =	shalt  }
.Lfunc_end0:
.L_simem_size_0:
called_computation_lowered:
.L_overlay_start_0:
0x88: {  	s2 =	sld [smem:$0x3FD9]  }
0x89: {  	s3 =	sld [smem:$0x3FFE];
	_ =	sdelay $0x1  }
0x8a: {  	s1 =	srdreg.scid  }
0x8b: {  	s0 =	sand.u32 $0x1, s1  }
0x8c: {  	s14 =	sshll.u32 s0, $0xA;
	s2 =	sadd.s32 s3, s2  }
0x8d: {  	s2 =	sadd.s32 s2, s14  }
0x8e: {  	[smem:$0x3FB8] =	sst s2  }
0x8f: {  	_ = 	snop  }
0x90: {  	s2 =	sld [smem:$0x3FD0];
	_ =	sdelay $0x2  }
0x91: {  	s4 =	simm.s32 $0xA;
	s5 =	simm.s32 $0x10;
	s15 =	sld [smem:$0x3FC9]  }
0x92: {  	[smem:s5], [sflag:s4] =	dma.local [hbm:s2], $0x1  }
0x93: {  	_ =	swait.eq [sflag:s4], $0x1  }
0x94: {  	[sflag:s4] =	ssyncset.done $0x0  }
0x95: {  	s16 =	sld [smem:$0x10];
	[sflag:s4] =	ssyncadd.s32 $0xFFFFFFFF  }
0x96: {  	s17 =	sld [smem:$0x11];
	(tm) =	ssettm $0x1  }
0x97: {  	s18 =	sld [smem:$0x3FFB];
	_ =	sdelay $0x3  }
0x98: {  	_ =	strace s18  }
0x99: {  	s5 =	sld [smem:$0x3FFC];
	_ =	sdelay $0x3  }
0x9a: {  	_ =	strace s5  }
0x9b: {  	s5 =	sld [smem:$0x3FFD];
	_ =	sdelay $0x3  }
0x9c: {  	_ =	strace s5  }
0x9d: {  	_ =	strace $0x8FFFFFFF  }
0x9e: {  	s19 =	sld [smem:$0x3FDB];
	_ =	sdelay $0x1  }
0x9f: {  	s6 =	simm.s32 $_scs_section_size  }
0xa0: {  	s7 =	simm.s32 $_size__tile_overlayer_lowered;
	s8 =	simm.s32 $_tile_overlayer_lowered  }
0xa1: {  	s22 =	simm.s32 $0x1BFF;
	s21 =	sshll.u32 s8, $0x1;
	s5 =	sadd.s32 s6, s19  }
0xa2: {  	s9 =	simm.s32 $0x0;
	s20 =	sshll.u32 s7, $0x1;
	s7 =	sadd.s32 s21, s5  }
0xa3: {  	[timem:s9], [sflag:s22] =	dma.local [hbm:s7], s20  }
0xa4: {  	_ =	swait.ge [sflag:s22], s20  }
0xa5: {  	s6 =	ssub.s32 $0x0, s20;
	[sflag:s22] =	ssyncset.done $0x0  }
0xa6: {  	[sflag:s22] =	ssyncadd.s32 s6;
	_ =	sdelay $0x1  }
0xa7: {  	s23 =	simm.s32 $0x1B8B  }
0xa8: {  	_ =	swait.ge [sflag:s23], $0x1  }
0xa9: {  	[sflag:s23] =	ssyncset.done $0x0  }
0xaa: {  	s25 =	simm.s32 $0x1B8E;
	s24 =	sld [smem:$0x3FFE];
	[sflag:s23] =	ssyncadd.s32 $0xFFFFFFFF  }
0xab: {  	s26 =	simm.s32 $execute0_lowered;
	[smem:$0x3FD2] =	sst s25  }
0xac: {  	s7 =	sshll.u32 s26, $0x1;
	_ =	strace $0x80000046;
	[dreg:$0x1] =	wrdreg $0xFFFFFFFF  }
0xad: {  	s28 =	simm.s32 $_size_execute0_lowered;
	s5 =	sadd.s32 s5, s7;
	[dreg:$0x0] =	wrdreg $0x0  }
0xae: {  	s7 =	sshll.u32 s28, $0x1;
	[dreg:$0x2] =	wrdreg s5  }
0xaf: {  	[dreg:$0x3] =	wrdreg s7  }
0xb0: {  	[dreg:$0x4] =	wrdreg $0xC0  }
0xb1: {  	_ =	task [dreg:s9], $0x5FFFF  }
0xb2: {  	[dreg:$0x1] =	wrdreg $0xFFFFFFFF  }
0xb3: {  	[dreg:$0x0] =	wrdreg $0x60  }
0xb4: {  	[dreg:$0x2] =	wrdreg s15  }
0xb5: {  	[dreg:$0x3] =	wrdreg s24  }
0xb6: {  	[dreg:$0x4] =	wrdreg s16  }
0xb7: {  	[dreg:$0x5] =	wrdreg s17  }
0xb8: {  	[dreg:$0x6] =	wrdreg $0x88000  }
0xb9: {  	[dreg:$0x7] =	wrdreg $0x9  }
0xba: {  	_ =	task.clear_ibuf [dreg:s9], $0x8FFFF;
	_ =	strace $0x90000046  }
0xbb: {  	s29 =	simm.s32 $0x9;
	_ =	strace $0x80000048  }
0xbc: {  	_ =	swait.ge [sflag:s29], $0x1  }
0xbd: {  	[sflag:s29] =	ssyncadd.s32 $0xFFFFFFFF  }
0xbe: {  	_ =	strace $0x90000048  }
0xbf: {  	_ =	sfence  }
0xc0: {  	s30 =	sld [smem:$0x0];
	_ =	sdelay $0x2  }
0xc1: {  	s31 =	sshll.u32 s1, $0xD;
	s1 =	sshrl.u32 s1, $0x2  }
0xc2: {  	s3 =	sand.u32 $0x4000, s31;
	s1 =	sadd.s32 s1, s30  }
0xc3: {  	s0 =	sor.u32 s3, s0;
	s1 =	sshll.u32 s1, $0x11  }
0xc4: {  	s0 =	sor.u32 s1, s0  }
0xc5: {  	s0 =	sadd.s32 $0x8F2B, s0  }
0xc6: {  	[sflag:s0] =	ssyncadd.remote.s32 $0x1  }
0xc7: {  	_ =	sfence.sel $0xFFFF  }
0xc8: {  	[dreg:$0x0] =	wrdreg $0xFFFFFFFF;
	(pc) =	sbr.abs _section_cstart, $3  }
0xc9: {  	[dreg:$0x1] =	wrdreg $0xFFFFFFFF  }
0xca: {  	_ =	task.clear_ibuf [dreg:s9], $0x2FFFF;
	_ =	strace $0x9FFFFFFF  }
0xcb: {  	(tm) =	ssettm $0x7FFFFFFF  }
tec
execute0_lowered:
.L_overlay_start_1:
0x0: {  	(tag) =	ssettag $0x1  }
0x1: {  	s1 =	rddreg [dreg:$0x0]  }
0x2: {  	s0 =	rddreg [dreg:$0x1]  }
0x3: {  	s2 =	rddreg [dreg:$0x3]  }
0x4: {  	s3 =	rddreg [dreg:$0x4];
	s4 =	srdreg.scid  }
0x5: {  	s5 =	simm.s32 $0x0;
	s11 =	stileid.u32;
	s29 =	simm.s32 $0x8  }
0x6: {  	s31 =	simm.s32 $0x9;
	s30 =	simm.s32 $0x0;
	s8 =	smul.u32 $0x4F000, s11  }
0x7: {  	s4 =	sand.u32 $0x1, s4;
	[smem:$0x7FF] =	sst s5;
	s21 =	smul.u32 $0x5000, s11  }
0x8: {  	s0 =	sadd.s32 $0x3E00, s0;
	s10 =	sshll.u32 s11, $0x6;
	s24 =	smul.u32 $0x13C00, s11  }
0x9: {  	s6 =	sshll.u32 s4, $0x4;
	s7 =	ssub.s32 $0x2, s4;
	s20 =	smul.u32 $0x13C000, s4  }
0xa: {  	_ =	strace $0x80000047;
	s4 =	smul.u32 $0x50000, s4;
	s28 =	sor.u32 $0x1C0B, s10  }
0xb: {  	s10 =	simm.s32 $0x800;
	s6 =	sor.u32 s11, s6;
	s9 =	sshrl.u32 s7, $0x1  }
0xc: {  	s8 =	sshrl.u32 s8, $0x2;
	s11 =	simm.s32 $0x4;
	[dreg:$0x7] =	wrdreg s28  }
0xd: {  	s6 =	smul.u32 $0x5000, s6;
	s7 =	ssub.s32 s7, s9;
	s4 =	sadd.s32 s21, s4  }
0xe: {  	s8 =	sadd.s32 s8, s3;
	s14 =	sadd.s32 s24, s20;
	s15 =	sor.u32 $0xF00, s4  }
0xf: {  	s16 =	sor.u32 $0xE00, s4;
	s18 =	sor.u32 $0xD00, s4;
	s6 =	sshrl.u32 s6, $0x3  }
0x10: {  	s19 =	sor.u32 $0xC00, s4;
	s20 =	sor.u32 $0xB00, s4;
	s12 =	sadd.s32 s0, s6  }
0x11: {  	s9 =	sshrl.u32 s15, $0x3;
	s6 =	sadd.s32 $0x20, s12;
	[dreg:$0x6] =	wrdreg s12  }
0x12: {  	s17 =	sshrl.u32 s16, $0x3;
	s22 =	sadd.s32 $0x40, s12;
	[dreg:$0x8] =	wrdreg s6  }
0x13: {  	s21 =	sshrl.u32 s20, $0x3;
	s23 =	sadd.s32 $0x60, s12;
	[dreg:$0x9] =	wrdreg s22  }
0x14: {  	s15 =	sadd.s32 s9, s0;
	s25 =	sadd.s32 $0x80, s12;
	[dreg:$0xa] =	wrdreg s23  }
0x15: {  	s16 =	sadd.s32 s17, s0;
	s26 =	sadd.s32 $0xA0, s12;
	[dreg:$0xb] =	wrdreg s25  }
0x16: {  	s9 =	simm.s32 $0x80;
	s13 =	sadd.s32 $0xC0, s12;
	[dreg:$0xc] =	wrdreg s26  }
0x17: {  	[dreg:$0xd] =	wrdreg s13;
	s6 =	sshrl.u32 s14, $0x3;
	s22 =	sor.u32 $0xA00, s4  }
0x18: {  	s23 =	sor.u32 $0x900, s4;
	s4 =	sor.u32 $0x800, s4;
	s25 =	sadd.s32 $0xE0, s12  }
0x19: {  	s26 =	smax.u32 s7, $0x1;
	s7 =	sshrl.u32 s8, $0x3;
	s8 =	simm.s32 $0x3  }
0x1a: {  	s12 =	simm.s32 $0x4800;
	s13 =	simm.s32 $0x1;
	s14 =	simm.s32 $0x5  }
0x1b: {  	s2 =	sadd.s32 s2, s6;
	s6 =	sshrl.u32 s19, $0x3;
	[dreg:$0xf] =	wrdreg s25  }
0x1c: {  	s19 =	sadd.s32 s21, s0;
	s24 =	sshrl.u32 s4, $0x3;
	[dreg:$0x10] =	wrdreg s26  }
0x1d: {  	s26 =	simm.s32 $0xB;
	s4 =	simm.s32 $0x600;
	[dreg:$0x11] =	wrdreg s7  }
.Ltmp0:
0x1e: {  	s25 =	simm.s32 $0x7;
	[dreg:$0xe] =	wrdreg s2;
	(pc) =	sbr.rel .LBB2_1-.Ltmp0, $4  }
0x1f: {  	s2 =	sshrl.u32 s18, $0x3;
	s18 =	sadd.s32 s6, s0;
	s6 =	sshrl.u32 s23, $0x3  }
0x20: {  	s23 =	simm.s32 $0x2;
	s17 =	sadd.s32 s2, s0;
	s2 =	sshrl.u32 s22, $0x3  }
0x21: {  	s21 =	sadd.s32 s6, s0;
	s22 =	sadd.s32 s24, s0;
	s6 =	simm.s32 $0x6  }
0x22: {  	s24 =	simm.s32 $0xA;
	s20 =	sadd.s32 s2, s0;
	s2 =	simm.s32 $0x700  }
.LBB2_4:
0x23: {  	_ =	swait.ge [sflag:s23], $0x4000  }
0x24: {  	[sflag:s23] =	ssyncset.done $0x0  }
0x25: {  	s0 =	simm.s32 $0x780;
	[sflag:s23] =	ssyncadd.s32 $0xFFFFC000  }
0x26: {  	[spmem:s3] =	stream.indirect.scatter.add.f32 [tilespmem:s12], [sflag:$0xB], $0x80, s0, s9, $0xb8;
	[tilespmem:$0x1C400] =	vst v63  }
0x27: {  	_ =	swait.ge [sflag:s26], $0x4000  }
0x28: {  	[sflag:s26] =	ssyncset.done $0x0  }
0x29: {  	[sflag:s26] =	ssyncadd.s32 $0xFFFFC000  }
0x2a: {  	[bflag:$0x0] =	sbarrier.arrive $0xFFFF  }
0x2b: {  	s28 =	rddreg [dreg:$0x7]  }
0x2c: {  	s0 =	rddreg [dreg:$0xe]  }
0x2d: {  	s7 =	rddreg [dreg:$0x11]  }
0x2e: {  	[hbm:s0], [sflag:s28] =	dma.local [spmem:s7], $0x2780  }
0x2f: {  	_ =	swait.ge [sflag:s26], $0x2780  }
0x30: {  	s30 =	rddreg [dreg:$0x12]  }
0x31: {  	s0 =	rddreg [dreg:$0x10];
	s30 =	sadd.s32 $0x1, s30  }
0x32: {  	p0 =	sne.s32 s30, s0  }
.Ltmp1:
0x33: {  	_ = 	snop;
	(pc) =	sbr.rel @!p0 .LBB2_5-.Ltmp1, $3  }
0x34: {  	_ =	sdelay $0x1  }
0x35: {  	[sflag:s26] =	ssyncset.done $0x0  }
0x36: {  	[sflag:s26] =	ssyncadd.s32 $0xFFFFD880  }
.LBB2_1:
0x37: {  	[dreg:$0x12] =	wrdreg s30  }
0x38: {  	s0 =	rddreg [dreg:$0x2]  }
0x39: {  	[spmem:s7], [sflag:s28] =	dma.local [hbm:s0], $0x2780  }
0x3a: {  	_ =	swait.ge [sflag:s26], $0x2780  }
0x3b: {  	[sflag:s26] =	ssyncset.done $0x0  }
0x3c: {  	[sflag:s26] =	ssyncadd.s32 $0xFFFFD880  }
0x3d: {  	[bflag:$0x0] =	sbarrier.arrive $0xFFFF  }
0x3e: {  	s7 =	rddreg [dreg:$0x6]  }
0x3f: {  	[tilespmem:s5], [sflag:$0x3] =	stream.linear.gather [hbm4b:s7+s5], $0x100, $0x38;
	[tilespmem:$0x1C400] =	vst v63  }
0x40: {  	s28 =	rddreg [dreg:$0x8];
	s7 =	simm.s32 $0x100  }
0x41: {  	[tilespmem:s7], [sflag:$0x4] =	stream.linear.gather [hbm4b:s28+s5], $0x100, $0x38;
	[tilespmem:$0x1C400] =	vst v63  }
0x42: {  	s0 =	rddreg [dreg:$0x9];
	s28 =	simm.s32 $0x200  }
0x43: {  	[tilespmem:s28], [sflag:$0x5] =	stream.linear.gather [hbm4b:s0+s5], $0x100, $0x38;
	[tilespmem:$0x1C400] =	vst v63  }
0x44: {  	s0 =	rddreg [dreg:$0xa];
	s28 =	simm.s32 $0x300  }
0x45: {  	[tilespmem:s28], [sflag:$0x6] =	stream.linear.gather [hbm4b:s0+s5], $0x100, $0x38;
	[tilespmem:$0x1C400] =	vst v63  }
0x46: {  	s0 =	rddreg [dreg:$0xb];
	s28 =	simm.s32 $0x400  }
0x47: {  	[tilespmem:s28], [sflag:$0x7] =	stream.linear.gather [hbm4b:s0+s5], $0x100, $0x38;
	[tilespmem:$0x1C400] =	vst v63  }
0x48: {  	s0 =	rddreg [dreg:$0xc];
	s28 =	simm.s32 $0x500  }
0x49: {  	[tilespmem:s28], [sflag:$0x8] =	stream.linear.gather [hbm4b:s0+s5], $0x100, $0x38;
	[tilespmem:$0x1C400] =	vst v63  }
0x4a: {  	s28 =	rddreg [dreg:$0xd]  }
0x4b: {  	[tilespmem:s4], [sflag:$0x9] =	stream.linear.gather [hbm4b:s28+s5], $0x100, $0x38;
	[tilespmem:$0x1C400] =	vst v63  }
0x4c: {  	s28 =	rddreg [dreg:$0xf]  }
0x4d: {  	[tilespmem:s2], [sflag:$0xA] =	stream.linear.gather [hbm4b:s28+s5], $0x100, $0x38;
	[tilespmem:$0x1C400] =	vst v63  }
0x4e: {  	_ =	swait.ge [sflag:s8], $0x100  }
0x4f: {  	[sflag:s8] =	ssyncset.done $0x0  }
0x50: {  	[sflag:s8] =	ssyncadd.s32 $0xFFFFFF00  }
0x51: {  	[tilespmem:s10], [sflag:$0x1] =	stream.indirect.gather [hbm4b:s1+s9], $0x80, s5, s9, $0xb8;
	[tilespmem:$0x1C400] =	vst v63  }
0x52: {  	_ =	swait.ge [sflag:s11], $0x100  }
0x53: {  	[sflag:s11] =	ssyncset.done $0x0  }
0x54: {  	s30 =	simm.s32 $0x0;
	[sflag:s11] =	ssyncadd.s32 $0xFFFFFF00  }
0x55: {  	[tilespmem:s12], [sflag:$0x2] =	stream.indirect.gather [hbm4b:s1+s9], $0x80, s7, s9, $0xb8;
	[tilespmem:$0x1C400] =	vst v63  }
.LBB2_2:
0x56: {  	_ =	swait.ge [sflag:s13], $0x4000  }
0x57: {  	[sflag:s13] =	ssyncset.done $0x0  }
0x58: {  	[sflag:s13] =	ssyncadd.s32 $0xFFFFC000  }
0x59: {  	[spmem:s3] =	stream.indirect.scatter.add.f32 [tilespmem:s10], [sflag:$0xB], $0x80, s9, s9, $0xb8;
	[tilespmem:$0x1C400] =	vst v63  }
0x5a: {  	_ =	swait.ge [sflag:s26], $0x4000  }
0x5b: {  	p0 =	seq.s32 s30, $0x900;
	[sflag:s26] =	ssyncset.done $0x0  }
0x5c: {  	s7 =	sadd.s32 @!p0 s30, s22;
	s0 =	simm.s32 @!p0 $0x0;
	[sflag:s26] =	ssyncadd.s32 $0xFFFFC000  }
0x5d: {  	[tilespmem:s0], [sflag:$0x3] =	stream.linear.gather @!p0 [hbm4b:s7+s0], $0x100, $0x38;
	[tilespmem:$0x1C400] =	vst v63  }
0x5e: {  	_ =	swait.ge [sflag:s14], $0x100  }
0x5f: {  	[sflag:s14] =	ssyncset.done $0x0  }
0x60: {  	s28 =	simm.s32 $0x200;
	[sflag:s14] =	ssyncadd.s32 $0xFFFFFF00  }
0x61: {  	[tilespmem:s10], [sflag:$0x1] =	stream.indirect.gather [hbm4b:s1+s9], $0x80, s28, s9, $0xb8;
	[tilespmem:$0x1C400] =	vst v63  }
0x62: {  	_ =	swait.ge [sflag:s23], $0x4000  }
0x63: {  	[sflag:s23] =	ssyncset.done $0x0  }
0x64: {  	s28 =	simm.s32 $0x180;
	[sflag:s23] =	ssyncadd.s32 $0xFFFFC000  }
0x65: {  	[spmem:s3] =	stream.indirect.scatter.add.f32 [tilespmem:s12], [sflag:$0xB], $0x80, s28, s9, $0xb8;
	[tilespmem:$0x1C400] =	vst v63  }
0x66: {  	_ =	swait.ge [sflag:s26], $0x4000  }
0x67: {  	[sflag:s26] =	ssyncset.done $0x0  }
0x68: {  	s7 =	sadd.s32 @!p0 s30, s21;
	s28 =	simm.s32 @!p0 $0x100;
	[sflag:s26] =	ssyncadd.s32 $0xFFFFC000  }
0x69: {  	[tilespmem:s28], [sflag:$0x4] =	stream.linear.gather @!p0 [hbm4b:s7+s0], $0x100, $0x38;
	[tilespmem:$0x1C400] =	vst v63  }
0x6a: {  	_ =	swait.ge [sflag:s6], $0x100  }
0x6b: {  	[sflag:s6] =	ssyncset.done $0x0  }
0x6c: {  	s28 =	simm.s32 $0x300;
	[sflag:s6] =	ssyncadd.s32 $0xFFFFFF00  }
0x6d: {  	[tilespmem:s12], [sflag:$0x2] =	stream.indirect.gather [hbm4b:s1+s9], $0x80, s28, s9, $0xb8;
	[tilespmem:$0x1C400] =	vst v63  }
0x6e: {  	_ =	swait.ge [sflag:s13], $0x4000  }
0x6f: {  	[sflag:s13] =	ssyncset.done $0x0  }
0x70: {  	s28 =	simm.s32 $0x280;
	[sflag:s13] =	ssyncadd.s32 $0xFFFFC000  }
0x71: {  	[spmem:s3] =	stream.indirect.scatter.add.f32 [tilespmem:s10], [sflag:$0xB], $0x80, s28, s9, $0xb8;
	[tilespmem:$0x1C400] =	vst v63  }
0x72: {  	_ =	swait.ge [sflag:s26], $0x4000  }
0x73: {  	[sflag:s26] =	ssyncset.done $0x0  }
0x74: {  	s7 =	sadd.s32 @!p0 s30, s20;
	s28 =	simm.s32 @!p0 $0x200;
	[sflag:s26] =	ssyncadd.s32 $0xFFFFC000  }
0x75: {  	[tilespmem:s28], [sflag:$0x5] =	stream.linear.gather @!p0 [hbm4b:s7+s0], $0x100, $0x38;
	[tilespmem:$0x1C400] =	vst v63  }
0x76: {  	_ =	swait.ge [sflag:s25], $0x100  }
0x77: {  	[sflag:s25] =	ssyncset.done $0x0  }
0x78: {  	s28 =	simm.s32 $0x400;
	[sflag:s25] =	ssyncadd.s32 $0xFFFFFF00  }
0x79: {  	[tilespmem:s10], [sflag:$0x1] =	stream.indirect.gather [hbm4b:s1+s9], $0x80, s28, s9, $0xb8;
	[tilespmem:$0x1C400] =	vst v63  }
0x7a: {  	_ =	swait.ge [sflag:s23], $0x4000  }
0x7b: {  	[sflag:s23] =	ssyncset.done $0x0  }
0x7c: {  	s28 =	simm.s32 $0x380;
	[sflag:s23] =	ssyncadd.s32 $0xFFFFC000  }
0x7d: {  	[spmem:s3] =	stream.indirect.scatter.add.f32 [tilespmem:s12], [sflag:$0xB], $0x80, s28, s9, $0xb8;
	[tilespmem:$0x1C400] =	vst v63  }
0x7e: {  	_ =	swait.ge [sflag:s26], $0x4000  }
0x7f: {  	[sflag:s26] =	ssyncset.done $0x0  }
0x80: {  	s7 =	sadd.s32 @!p0 s30, s19;
	s28 =	simm.s32 @!p0 $0x300;
	[sflag:s26] =	ssyncadd.s32 $0xFFFFC000  }
0x81: {  	[tilespmem:s28], [sflag:$0x6] =	stream.linear.gather @!p0 [hbm4b:s7+s0], $0x100, $0x38;
	[tilespmem:$0x1C400] =	vst v63  }
0x82: {  	_ =	swait.ge [sflag:s29], $0x100  }
0x83: {  	[sflag:s29] =	ssyncset.done $0x0  }
0x84: {  	s28 =	simm.s32 $0x500;
	[sflag:s29] =	ssyncadd.s32 $0xFFFFFF00  }
0x85: {  	[tilespmem:s12], [sflag:$0x2] =	stream.indirect.gather [hbm4b:s1+s9], $0x80, s28, s9, $0xb8;
	[tilespmem:$0x1C400] =	vst v63  }
0x86: {  	_ =	swait.ge [sflag:s13], $0x4000  }
0x87: {  	[sflag:s13] =	ssyncset.done $0x0  }
0x88: {  	s28 =	simm.s32 $0x480;
	[sflag:s13] =	ssyncadd.s32 $0xFFFFC000  }
0x89: {  	[spmem:s3] =	stream.indirect.scatter.add.f32 [tilespmem:s10], [sflag:$0xB], $0x80, s28, s9, $0xb8;
	[tilespmem:$0x1C400] =	vst v63  }
0x8a: {  	_ =	swait.ge [sflag:s26], $0x4000  }
0x8b: {  	[sflag:s26] =	ssyncset.done $0x0  }
0x8c: {  	s7 =	sadd.s32 @!p0 s30, s18;
	s28 =	simm.s32 @!p0 $0x400;
	[sflag:s26] =	ssyncadd.s32 $0xFFFFC000  }
0x8d: {  	[tilespmem:s28], [sflag:$0x7] =	stream.linear.gather @!p0 [hbm4b:s7+s0], $0x100, $0x38;
	[tilespmem:$0x1C400] =	vst v63  }
0x8e: {  	_ =	swait.ge [sflag:s31], $0x100  }
0x8f: {  	[sflag:s31] =	ssyncset.done $0x0  }
0x90: {  	[sflag:s31] =	ssyncadd.s32 $0xFFFFFF00  }
0x91: {  	[tilespmem:s10], [sflag:$0x1] =	stream.indirect.gather [hbm4b:s1+s9], $0x80, s4, s9, $0xb8;
	[tilespmem:$0x1C400] =	vst v63  }
0x92: {  	_ =	swait.ge [sflag:s23], $0x4000  }
0x93: {  	[sflag:s23] =	ssyncset.done $0x0  }
0x94: {  	s28 =	simm.s32 $0x580;
	[sflag:s23] =	ssyncadd.s32 $0xFFFFC000  }
0x95: {  	[spmem:s3] =	stream.indirect.scatter.add.f32 [tilespmem:s12], [sflag:$0xB], $0x80, s28, s9, $0xb8;
	[tilespmem:$0x1C400] =	vst v63  }
0x96: {  	_ =	swait.ge [sflag:s26], $0x4000  }
0x97: {  	[sflag:s26] =	ssyncset.done $0x0  }
0x98: {  	s7 =	sadd.s32 @!p0 s30, s17;
	s28 =	simm.s32 @!p0 $0x500;
	[sflag:s26] =	ssyncadd.s32 $0xFFFFC000  }
0x99: {  	[tilespmem:s28], [sflag:$0x8] =	stream.linear.gather @!p0 [hbm4b:s7+s0], $0x100, $0x38;
	[tilespmem:$0x1C400] =	vst v63  }
0x9a: {  	_ =	swait.ge [sflag:s24], $0x100  }
0x9b: {  	[sflag:s24] =	ssyncset.done $0x0  }
0x9c: {  	[sflag:s24] =	ssyncadd.s32 $0xFFFFFF00  }
0x9d: {  	[tilespmem:s12], [sflag:$0x2] =	stream.indirect.gather [hbm4b:s1+s9], $0x80, s2, s9, $0xb8;
	[tilespmem:$0x1C400] =	vst v63  }
0x9e: {  	_ =	swait.ge [sflag:s13], $0x4000  }
0x9f: {  	[sflag:s13] =	ssyncset.done $0x0  }
.Ltmp2:
0xa0: {  	s28 =	simm.s32 $0x680;
	[sflag:s13] =	ssyncadd.s32 $0xFFFFC000;
	(pc) =	sbr.rel @p0 .LBB2_4-.Ltmp2, $4  }
0xa1: {  	[spmem:s3] =	stream.indirect.scatter.add.f32 [tilespmem:s10], [sflag:$0xB], $0x80, s28, s9, $0xb8;
	[tilespmem:$0x1C400] =	vst v63  }
0xa2: {  	_ =	swait.ge [sflag:s26], $0x4000  }
0xa3: {  	[sflag:s26] =	ssyncset.done $0x0  }
0xa4: {  	[sflag:s26] =	ssyncadd.s32 $0xFFFFC000  }
0xa5: {  	s0 =	sadd.s32 s30, s16  }
0xa6: {  	[tilespmem:s4], [sflag:$0x9] =	stream.linear.gather [hbm4b:s0+s5], $0x100, $0x38;
	[tilespmem:$0x1C400] =	vst v63  }
0xa7: {  	_ =	swait.ge [sflag:s8], $0x100  }
0xa8: {  	[sflag:s8] =	ssyncset.done $0x0  }
0xa9: {  	[sflag:s8] =	ssyncadd.s32 $0xFFFFFF00  }
0xaa: {  	[tilespmem:s10], [sflag:$0x1] =	stream.indirect.gather [hbm4b:s1+s9], $0x80, s5, s9, $0xb8;
	[tilespmem:$0x1C400] =	vst v63  }
0xab: {  	_ =	swait.ge [sflag:s23], $0x4000  }
0xac: {  	[sflag:s23] =	ssyncset.done $0x0  }
0xad: {  	s28 =	simm.s32 $0x780;
	[sflag:s23] =	ssyncadd.s32 $0xFFFFC000  }
0xae: {  	[spmem:s3] =	stream.indirect.scatter.add.f32 [tilespmem:s12], [sflag:$0xB], $0x80, s28, s9, $0xb8;
	[tilespmem:$0x1C400] =	vst v63  }
0xaf: {  	_ =	swait.ge [sflag:s26], $0x4000  }
0xb0: {  	[sflag:s26] =	ssyncset.done $0x0  }
0xb1: {  	s7 =	sadd.s32 s30, s15;
	[sflag:s26] =	ssyncadd.s32 $0xFFFFC000  }
0xb2: {  	[tilespmem:s2], [sflag:$0xA] =	stream.linear.gather [hbm4b:s7+s5], $0x100, $0x38;
	[tilespmem:$0x1C400] =	vst v63  }
.Ltmp3:
0xb3: {  	_ = 	snop;
	(pc) =	sbr.rel .LBB2_2-.Ltmp3, $4  }
0xb4: {  	_ =	swait.ge [sflag:s11], $0x100  }
0xb5: {  	[sflag:s11] =	ssyncset.done $0x0  }
0xb6: {  	s30 =	sadd.s32 $0x100, s30;
	s28 =	simm.s32 $0x100;
	[sflag:s11] =	ssyncadd.s32 $0xFFFFFF00  }
0xb7: {  	[tilespmem:s12], [sflag:$0x2] =	stream.indirect.gather [hbm4b:s1+s9], $0x80, s28, s9, $0xb8;
	[tilespmem:$0x1C400] =	vst v63  }
.LBB2_5:
0xb8: {  	_ =	sfence.sel $0x180000  }
0xb9: {  	[bflag:$0x0] =	sbarrier.arrive $0xFFFF  }
0xba: {  	_ =	strace $0x90000047  }
0xbb: {  	s0 =	stileid.u32;
	[bflag:$0x2] =	sbarrier.arrive $0xFFFF  }
0xbc: {  	p0 =	sne.s32 s0, $0x0;
	s0 =	rddreg [dreg:$0x5]  }
0xbd: {  	s0 =	sadd.s32 @!p0 $0x100000, s0  }
0xbe: {  	[sflag:s0] =	ssyncadd.tile.s32 @!p0 $0x1;
	_ =	shalt  }
.Lfunc_end2:
_tile_overlayer_lowered:
.L_overlay_start_2:
0xbf: {  	(tag) =	ssettag $0x2  }
0xc0: {  	s0 =	rddreg [dreg:$0x0];
	s2 =	stileid.u32  }
0xc1: {  	s1 =	rddreg [dreg:$0x1];
	p0 =	sne.s32 s2, $0x0  }
0xc2: {  	s3 =	rddreg [dreg:$0x2];
	[bflag:$0x3] =	sbarrier.arrive $0xFFFF;
	s2 =	simm.s32 @!p0 $0x1C0B  }
0xc3: {  	[timem:s3], [sflag:s2] =	dma.local @!p0 [hbm:s0], s1  }
0xc4: {  	s0 =	simm.s32 @!p0 $0xB  }
0xc5: {  	_ =	swait.ge @!p0 [sflag:s0], s1  }
0xc6: {  	s1 =	ssub.s32 @!p0 $0x0, s1;
	[sflag:s0] =	ssyncset.done @!p0 $0x0  }
0xc7: {  	[sflag:s0] =	ssyncadd.s32 @!p0 s1  }
0xc8: {  	[bflag:$0x3] =	sbarrier.arrive $0xFFFF  }
0xc9: {  	_ =	shalt  }

</sc_bundles>
